<compile_context>
chip_gen: v7x
topology: tpu7x:2x2x1
jax: 0.10.2.dev20260603
libtpu: 0.0.44.dev20260713+nightly
codegen_flags: <defaults>
</compile_context>

<pallas_src>
import functools

import jax
import jax.numpy as jnp
from jax import lax
from jax.experimental import pallas as pl
from jax.experimental.pallas import tpu as pltpu
from jax.experimental.pallas import tpu_sc as plsc



def _tc_body(l_ref, x_ref, c_ref, fm_ref, a_out, ats_out, gl_out, fl_out,
             m_acc, fl_acc):
    i = pl.program_id(0)
    nblk = pl.num_programs(0)
    a = 1.0 / (1.0 + jnp.exp(-l_ref[...]))
    ats = a * c_ref[...]
    a_out[...] = a
    ats_out[...] = ats
    m = lax.dot_general(a, ats, (((0,), (0,)), ((), ())),
                        preferred_element_type=jnp.float32)
    recon = jnp.dot(ats, fm_ref[...], preferred_element_type=jnp.float32)
    d = x_ref[...] - recon
    fl = jnp.sum(d * d)

    @pl.when(i == 0)
    def _():
        m_acc[...] = m
        fl_acc[0, 0] = fl

    @pl.when(i > 0)
    def _():
        m_acc[...] += m
        fl_acc[0, 0] += fl

    @pl.when(i == nblk - 1)
    def _():
        mm = m_acc[...]
        gl_out[0, 0] = jnp.sum(mm * mm.T)
        fl_out[0, 0] = fl_acc[0, 0]


def _tc_call(logits, x, c2, feat_mat, blk):
    n, k = logits.shape
    c = x.shape[1]
    grid = (n // blk,)
    return pl.pallas_call(
        _tc_body,
        grid=grid,
        in_specs=[
            pl.BlockSpec((blk, k), lambda i: (i, 0)),
            pl.BlockSpec((blk, c), lambda i: (i, 0)),
            pl.BlockSpec((1, k), lambda i: (0, 0)),
            pl.BlockSpec((k, c), lambda i: (0, 0)),
        ],
        out_specs=[
            pl.BlockSpec((blk, k), lambda i: (i, 0)),
            pl.BlockSpec((blk, k), lambda i: (i, 0)),
            pl.BlockSpec((1, 1), lambda i: (0, 0), memory_space=pltpu.SMEM),
            pl.BlockSpec((1, 1), lambda i: (0, 0), memory_space=pltpu.SMEM),
        ],
        out_shape=[
            jax.ShapeDtypeStruct((n, k), jnp.float32),
            jax.ShapeDtypeStruct((n, k), jnp.float32),
            jax.ShapeDtypeStruct((1, 1), jnp.float32),
            jax.ShapeDtypeStruct((1, 1), jnp.float32),
        ],
        scratch_shapes=[
            pltpu.VMEM((k, k), jnp.float32),
            pltpu.SMEM((1, 1), jnp.float32),
        ],
    )(logits, x, c2, feat_mat)



_GC = 2000
_NW = 32
_NB = 3
_L = 16
_UNR = 25


def _sc_edge_kernel(n, k, e):
    mesh = plsc.VectorSubcoreMesh(core_axis_name="c", subcore_axis_name="s")
    nchk = e // _GC
    groups = _GC // _L

    @functools.partial(
        pl.kernel,
        out_type=jax.ShapeDtypeStruct((_NW, 2 * _L), jnp.float32),
        mesh=mesh,
        compiler_params=pltpu.CompilerParams(
            use_tc_tiling_on_sc=False, needs_layout_passes=False),
        scratch_types=[
            pltpu.VMEM((_NB, _GC), jnp.int32),
            pltpu.VMEM((_NB, _GC), jnp.int32),
            pltpu.VMEM((2 * n,), jnp.float32),
            pltpu.VMEM((2 * n,), jnp.float32),
            pltpu.VMEM((2 * _L,), jnp.float32),
        ] + [pltpu.SemaphoreType.DMA] * _NB,
    )
    def edge_sum(src_hbm, dst_hbm, ats_hbm, a_hbm, out_hbm,
                 sb, db, tats, ta, accv, *sems):
        tid = lax.axis_index("s") * 2 + lax.axis_index("c")

        pltpu.sync_copy(ats_hbm.at[tid], tats)
        pltpu.sync_copy(a_hbm.at[tid], ta)

        accv[pl.ds(0, _L)] = jnp.zeros((_L,), jnp.float32)
        accv[pl.ds(_L, _L)] = jnp.zeros((_L,), jnp.float32)

        def start(t, b):
            base = t * _GC
            pltpu.make_async_copy(
                src_hbm.at[pl.ds(base, _GC)], sb.at[b], sems[b]).start()
            pltpu.make_async_copy(
                dst_hbm.at[pl.ds(base, _GC)], db.at[b], sems[b]).start()

        def wait(t, b):
            base = t * _GC
            pltpu.make_async_copy(
                src_hbm.at[pl.ds(base, _GC)], sb.at[b], sems[b]).wait()
            pltpu.make_async_copy(
                dst_hbm.at[pl.ds(base, _GC)], db.at[b], sems[b]).wait()

        for t0 in range(_NB - 1):
            start(t0, t0)

        nv = jnp.full((_L,), n, jnp.int32)

        def chunk_body(t, _):
            b = lax.rem(t, _NB)
            for bb in range(_NB):
                @pl.when(b == bb)
                def _():
                    wait(t, bb)

                    @pl.when(t + _NB - 1 < nchk)
                    def _():
                        start(t + _NB - 1, (bb + _NB - 1) % _NB)

                    def grp(i, carry):
                        a0, a1 = carry
                        for r in range(_UNR):
                            off = (i * _UNR + r) * _L
                            dv = db[bb, pl.ds(off, _L)]
                            sv = sb[bb, pl.ds(off, _L)]
                            x0 = plsc.load_gather(tats, [dv])
                            y0 = plsc.load_gather(ta, [sv])
                            a0 = a0 + x0 * y0
                            x1 = plsc.load_gather(tats, [dv + nv])
                            y1 = plsc.load_gather(ta, [sv + nv])
                            a1 = a1 + x1 * y1
                        return (a0, a1)

                    z = jnp.zeros((_L,), jnp.float32)
                    acc = lax.fori_loop(0, groups // _UNR, grp, (z, z))
                    accv[pl.ds(0, _L)] = accv[pl.ds(0, _L)] + acc[0]
                    accv[pl.ds(_L, _L)] = accv[pl.ds(_L, _L)] + acc[1]
            return 0

        lax.fori_loop(0, nchk, chunk_body, 0)
        pltpu.sync_copy(accv, out_hbm.at[tid])

    return edge_sum



def kernel(x, edge_index, affiliate_logits, community_scalars, feat_mat):
    n, c = x.shape
    k = affiliate_logits.shape[1]
    e = edge_index.shape[1]

    a_tab, ats_tab, gl, fl = _tc_call(
        affiliate_logits, x, community_scalars.reshape(1, k), feat_mat,
        blk=2000)

    a_cols = a_tab.T.reshape(_NW, 2 * n)
    ats_cols = ats_tab.T.reshape(_NW, 2 * n)

    partials = _sc_edge_kernel(n, k, e)(
        edge_index[0], edge_index[1], ats_cols, a_cols)
    local = 2.0 * jnp.sum(partials)

    loss = (gl[0, 0] - local + jnp.float32(e)) / jnp.float32(n)
    return loss + fl[0, 0] / jnp.float32(c)

# --- scband reference (transcript-rebuilt; emitter-appended) ---
"""Pipeline reference for scband-icgfitter-64604898066506 (READ-ONLY COPY).

The authoritative reference and input builder live on the scoring server;
editing this copy changes nothing except your own understanding.
"""

import jax, jax.numpy as jnp
import numpy as np
import math

N, K, C, E = 10000, 64, 128, 320000
FEATURE_SCALE = 1.0


def setup_inputs(seed: int = 0) -> dict:
    key = jax.random.key(seed)
    k1, k2, k3, k4, k5 = jax.random.split(key, 5)
    x = jax.random.normal(k1, (N, C), dtype=jnp.float32)
    edge_index = jax.random.randint(k2, (2, E), 0, N, dtype=jnp.int32)
    bound = 1.0 / math.sqrt(K)
    affiliate_logits = jax.random.uniform(k3, (N, K), minval=-4.0, maxval=4.0, dtype=jnp.float32)
    community_scalars = jax.random.uniform(k4, (K,), minval=-bound, maxval=bound, dtype=jnp.float32)
    feat_mat = jax.random.uniform(k5, (K, C), minval=-bound, maxval=bound, dtype=jnp.float32)
    return {
        "x": x,
        "edge_index": edge_index,
        "affiliate_logits": affiliate_logits,
        "community_scalars": community_scalars,
        "feat_mat": feat_mat,
    }


def reference(x, edge_index, affiliate_logits, community_scalars, feat_mat):
    num_nodes = x.shape[0]
    num_feat = x.shape[1]
    num_edges = edge_index.shape[1]

    # affiliate_mat property: sigmoid of the raw parameter
    A = jax.nn.sigmoid(affiliate_logits)           # [N, K]
    Ats = A * community_scalars                    # [N, K] affiliate_times_scalar

    # global term: trace(A^T @ (A*c) @ A^T @ (A*c))
    global_term = jnp.trace(A.T @ Ats @ A.T @ Ats)

    # FrobeniusNormMessagePassing with aggr='sum':
    # PyG convention: edge_index[0]=src (j), edge_index[1]=dst (i)
    src = edge_index[0]
    dst = edge_index[1]
    x_j = jnp.take(A, src, axis=0)                 # [E, K] gather
    x_i = jnp.take(A, dst, axis=0)                 # [E, K] gather
    msg = jnp.sum(x_i * community_scalars * x_j, axis=1)   # [E]
    node_based = jax.ops.segment_sum(msg, dst, num_segments=num_nodes)  # scatter-add
    local_term = 2.0 * jnp.sum(node_based)

    loss = (global_term - local_term + num_edges) / num_nodes

    # feature reconstruction term (feature_scale > 0)
    recon = (A * community_scalars) @ feat_mat     # [N, C]
    feature_loss = jnp.sum((x - recon) ** 2) / num_feat
    loss = loss + FEATURE_SCALE * feature_loss
    return loss

if __name__ == "__main__":
    import jax
    _d = setup_inputs()
    print(jax.jit(kernel)(*tuple(_d.values())))

</pallas_src>

<mosaic_0001>
#map = affine_map<(d0, d1) -> (0)>
#map1 = affine_map<(d0, d1) -> (0, 0)>
module attributes {stable_mosaic.version = 14 : i64} {
  func.func @edge_sum(%arg0: i32, %arg1: i32, %arg2: memref<320000xi32, #tpu.memory_space<hbm>>, %arg3: memref<320000xi32, #tpu.memory_space<hbm>>, %arg4: memref<32x20000xf32, #tpu.memory_space<hbm>>, %arg5: memref<32x20000xf32, #tpu.memory_space<hbm>>, %arg6: memref<32x32xf32, #tpu.memory_space<hbm>>, %arg7: memref<3x2000xi32, #tpu.memory_space<vmem>>, %arg8: memref<3x2000xi32, #tpu.memory_space<vmem>>, %arg9: memref<20000xf32, #tpu.memory_space<vmem>>, %arg10: memref<20000xf32, #tpu.memory_space<vmem>>, %arg11: memref<32xf32, #tpu.memory_space<vmem>>, %arg12: memref<!tpu.dma_semaphore, #tpu.memory_space<semaphore_mem>>, %arg13: memref<!tpu.dma_semaphore, #tpu.memory_space<semaphore_mem>>, %arg14: memref<!tpu.dma_semaphore, #tpu.memory_space<semaphore_mem>>) attributes {dimension_semantics = [#tpu.dimension_semantics<core_parallel>, #tpu.dimension_semantics<subcore_parallel>], iteration_bounds = array<i64: 2, 16>, scalar_prefetch = 0 : i64, scratch_operands = 8 : i64, tpu.core_type = #tpu.core_type<sc_vector_subcore>, window_params = [{transform_indices = #map}, {transform_indices = #map}, {transform_indices = #map1}, {transform_indices = #map1}, {transform_indices = #map1}]} {
    %mul3A = arith.constant 2 : i32
    %mul3A_0 = arith.muli %arg1, %mul3A : i32
    %add3A = arith.addi %mul3A_0, %arg0 : i32
    "tpu.region"() ({
      %run_scoped3A = tpu.sem_alloc : memref<!tpu.dma_semaphore, #tpu.memory_space<semaphore_mem>>
      %dma_start3A_58 = arith.constant 0 : i32
      %dma_start3A_59 = tpu.memref_slice %arg4[%add3A, %dma_start3A_58] : memref<32x20000xf32, #tpu.memory_space<hbm>> -> memref<1x20000xf32, #tpu.memory_space<hbm>>
      %dma_start3A_60 = tpu.memref_squeeze %dma_start3A_59 : memref<1x20000xf32, #tpu.memory_space<hbm>> -> memref<20000xf32, #tpu.memory_space<hbm>>
      %dma_start3A_61 = arith.constant 0 : i32
      %dma_start3A_62 = tpu.memref_slice %arg4[%add3A, %dma_start3A_61] : memref<32x20000xf32, #tpu.memory_space<hbm>> -> memref<1x20000xf32, #tpu.memory_space<hbm>>
      %dma_start3A_63 = tpu.memref_squeeze %dma_start3A_62 : memref<1x20000xf32, #tpu.memory_space<hbm>> -> memref<20000xf32, #tpu.memory_space<hbm>>
      tpu.enqueue_dma source(%dma_start3A_63 : memref<20000xf32, #tpu.memory_space<hbm>>) target(%arg9 : memref<20000xf32, #tpu.memory_space<vmem>>) target_semaphore(%run_scoped3A : memref<!tpu.dma_semaphore, #tpu.memory_space<semaphore_mem>>)
      %dma_wait3A = arith.constant 0 : i32
      %dma_wait3A_64 = tpu.memref_slice %arg4[%add3A, %dma_wait3A] : memref<32x20000xf32, #tpu.memory_space<hbm>> -> memref<1x20000xf32, #tpu.memory_space<hbm>>
      %dma_wait3A_65 = tpu.memref_squeeze %dma_wait3A_64 : memref<1x20000xf32, #tpu.memory_space<hbm>> -> memref<20000xf32, #tpu.memory_space<hbm>>
      %dma_wait3A_66 = arith.constant 0 : i32
      %dma_wait3A_67 = tpu.memref_slice %arg4[%add3A, %dma_wait3A_66] : memref<32x20000xf32, #tpu.memory_space<hbm>> -> memref<1x20000xf32, #tpu.memory_space<hbm>>
      %dma_wait3A_68 = tpu.memref_squeeze %dma_wait3A_67 : memref<1x20000xf32, #tpu.memory_space<hbm>> -> memref<20000xf32, #tpu.memory_space<hbm>>
      tpu.wait_dma2 semaphore(%run_scoped3A : memref<!tpu.dma_semaphore, #tpu.memory_space<semaphore_mem>>) src(%dma_wait3A_68 : memref<20000xf32, #tpu.memory_space<hbm>>) dst(%arg9 : memref<20000xf32, #tpu.memory_space<vmem>>)
      tpu.yield
    }) : () -> ()
    "tpu.region"() ({
      %run_scoped3A = tpu.sem_alloc : memref<!tpu.dma_semaphore, #tpu.memory_space<semaphore_mem>>
      %dma_start3A_58 = arith.constant 0 : i32
      %dma_start3A_59 = tpu.memref_slice %arg5[%add3A, %dma_start3A_58] : memref<32x20000xf32, #tpu.memory_space<hbm>> -> memref<1x20000xf32, #tpu.memory_space<hbm>>
      %dma_start3A_60 = tpu.memref_squeeze %dma_start3A_59 : memref<1x20000xf32, #tpu.memory_space<hbm>> -> memref<20000xf32, #tpu.memory_space<hbm>>
      %dma_start3A_61 = arith.constant 0 : i32
      %dma_start3A_62 = tpu.memref_slice %arg5[%add3A, %dma_start3A_61] : memref<32x20000xf32, #tpu.memory_space<hbm>> -> memref<1x20000xf32, #tpu.memory_space<hbm>>
      %dma_start3A_63 = tpu.memref_squeeze %dma_start3A_62 : memref<1x20000xf32, #tpu.memory_space<hbm>> -> memref<20000xf32, #tpu.memory_space<hbm>>
      tpu.enqueue_dma source(%dma_start3A_63 : memref<20000xf32, #tpu.memory_space<hbm>>) target(%arg10 : memref<20000xf32, #tpu.memory_space<vmem>>) target_semaphore(%run_scoped3A : memref<!tpu.dma_semaphore, #tpu.memory_space<semaphore_mem>>)
      %dma_wait3A = arith.constant 0 : i32
      %dma_wait3A_64 = tpu.memref_slice %arg5[%add3A, %dma_wait3A] : memref<32x20000xf32, #tpu.memory_space<hbm>> -> memref<1x20000xf32, #tpu.memory_space<hbm>>
      %dma_wait3A_65 = tpu.memref_squeeze %dma_wait3A_64 : memref<1x20000xf32, #tpu.memory_space<hbm>> -> memref<20000xf32, #tpu.memory_space<hbm>>
      %dma_wait3A_66 = arith.constant 0 : i32
      %dma_wait3A_67 = tpu.memref_slice %arg5[%add3A, %dma_wait3A_66] : memref<32x20000xf32, #tpu.memory_space<hbm>> -> memref<1x20000xf32, #tpu.memory_space<hbm>>
      %dma_wait3A_68 = tpu.memref_squeeze %dma_wait3A_67 : memref<1x20000xf32, #tpu.memory_space<hbm>> -> memref<20000xf32, #tpu.memory_space<hbm>>
      tpu.wait_dma2 semaphore(%run_scoped3A : memref<!tpu.dma_semaphore, #tpu.memory_space<semaphore_mem>>) src(%dma_wait3A_68 : memref<20000xf32, #tpu.memory_space<hbm>>) dst(%arg10 : memref<20000xf32, #tpu.memory_space<vmem>>)
      tpu.yield
    }) : () -> ()
    %broadcast_in_dim3A = arith.constant 0.000000e+00 : f32
    %broadcast_in_dim3A_1 = vector.broadcast %broadcast_in_dim3A : f32 to vector<16xf32>
    %swap3A = arith.constant 0 : index
    %swap3A_2 = tpu.vector_load %arg11[%swap3A] {strides = array<i32>} : memref<32xf32, #tpu.memory_space<vmem>>, vector<16xf32>,
    tpu.vector_store %arg11[%swap3A], %broadcast_in_dim3A_1 {strides = array<i32>} : memref<32xf32, #tpu.memory_space<vmem>>, vector<16xf32>,
    %broadcast_in_dim3A_3 = arith.constant 0.000000e+00 : f32
    %broadcast_in_dim3A_4 = vector.broadcast %broadcast_in_dim3A_3 : f32 to vector<16xf32>
    %swap3A_5 = arith.constant 16 : index
    %swap3A_6 = tpu.vector_load %arg11[%swap3A_5] {strides = array<i32>} : memref<32xf32, #tpu.memory_space<vmem>>, vector<16xf32>,
    tpu.vector_store %arg11[%swap3A_5], %broadcast_in_dim3A_4 {strides = array<i32>} : memref<32xf32, #tpu.memory_space<vmem>>, vector<16xf32>,
    %dma_start3A = arith.constant 0 : i32
    %dma_start3A_7 = arith.constant 0 : i32
    %dma_start3A_8 = tpu.memref_slice %arg7[%dma_start3A, %dma_start3A_7] : memref<3x2000xi32, #tpu.memory_space<vmem>> -> memref<1x2000xi32, #tpu.memory_space<vmem>>
    %dma_start3A_9 = tpu.memref_squeeze %dma_start3A_8 : memref<1x2000xi32, #tpu.memory_space<vmem>> -> memref<2000xi32, #tpu.memory_space<vmem>>
    %dma_start3A_10 = arith.constant 0 : i32
    %dma_start3A_11 = tpu.memref_slice %arg2[%dma_start3A_10] : memref<320000xi32, #tpu.memory_space<hbm>> -> memref<2000xi32, #tpu.memory_space<hbm>>
    %dma_start3A_12 = arith.constant 0 : i32
    %dma_start3A_13 = tpu.memref_slice %arg7[%dma_start3A, %dma_start3A_12] : memref<3x2000xi32, #tpu.memory_space<vmem>> -> memref<1x2000xi32, #tpu.memory_space<vmem>>
    %dma_start3A_14 = tpu.memref_squeeze %dma_start3A_13 : memref<1x2000xi32, #tpu.memory_space<vmem>> -> memref<2000xi32, #tpu.memory_space<vmem>>
    %dma_start3A_15 = arith.constant 0 : i32
    %dma_start3A_16 = tpu.memref_slice %arg2[%dma_start3A_15] : memref<320000xi32, #tpu.memory_space<hbm>> -> memref<2000xi32, #tpu.memory_space<hbm>>
    tpu.enqueue_dma source(%dma_start3A_16 : memref<2000xi32, #tpu.memory_space<hbm>>) target(%dma_start3A_14 : memref<2000xi32, #tpu.memory_space<vmem>>) target_semaphore(%arg12 : memref<!tpu.dma_semaphore, #tpu.memory_space<semaphore_mem>>)
    %dma_start3A_17 = arith.constant 0 : i32
    %dma_start3A_18 = arith.constant 0 : i32
    %dma_start3A_19 = tpu.memref_slice %arg8[%dma_start3A_17, %dma_start3A_18] : memref<3x2000xi32, #tpu.memory_space<vmem>> -> memref<1x2000xi32, #tpu.memory_space<vmem>>
    %dma_start3A_20 = tpu.memref_squeeze %dma_start3A_19 : memref<1x2000xi32, #tpu.memory_space<vmem>> -> memref<2000xi32, #tpu.memory_space<vmem>>
    %dma_start3A_21 = arith.constant 0 : i32
    %dma_start3A_22 = tpu.memref_slice %arg3[%dma_start3A_21] : memref<320000xi32, #tpu.memory_space<hbm>> -> memref<2000xi32, #tpu.memory_space<hbm>>
    %dma_start3A_23 = arith.constant 0 : i32
    %dma_start3A_24 = tpu.memref_slice %arg8[%dma_start3A_17, %dma_start3A_23] : memref<3x2000xi32, #tpu.memory_space<vmem>> -> memref<1x2000xi32, #tpu.memory_space<vmem>>
    %dma_start3A_25 = tpu.memref_squeeze %dma_start3A_24 : memref<1x2000xi32, #tpu.memory_space<vmem>> -> memref<2000xi32, #tpu.memory_space<vmem>>
    %dma_start3A_26 = arith.constant 0 : i32
    %dma_start3A_27 = tpu.memref_slice %arg3[%dma_start3A_26] : memref<320000xi32, #tpu.memory_space<hbm>> -> memref<2000xi32, #tpu.memory_space<hbm>>
    tpu.enqueue_dma source(%dma_start3A_27 : memref<2000xi32, #tpu.memory_space<hbm>>) target(%dma_start3A_25 : memref<2000xi32, #tpu.memory_space<vmem>>) target_semaphore(%arg12 : memref<!tpu.dma_semaphore, #tpu.memory_space<semaphore_mem>>)
    %dma_start3A_28 = arith.constant 1 : i32
    %dma_start3A_29 = arith.constant 0 : i32
    %dma_start3A_30 = tpu.memref_slice %arg7[%dma_start3A_28, %dma_start3A_29] : memref<3x2000xi32, #tpu.memory_space<vmem>> -> memref<1x2000xi32, #tpu.memory_space<vmem>>
    %dma_start3A_31 = tpu.memref_squeeze %dma_start3A_30 : memref<1x2000xi32, #tpu.memory_space<vmem>> -> memref<2000xi32, #tpu.memory_space<vmem>>
    %dma_start3A_32 = arith.constant 2000 : i32
    %dma_start3A_33 = tpu.memref_slice %arg2[%dma_start3A_32] : memref<320000xi32, #tpu.memory_space<hbm>> -> memref<2000xi32, #tpu.memory_space<hbm>>
    %dma_start3A_34 = arith.constant 0 : i32
    %dma_start3A_35 = tpu.memref_slice %arg7[%dma_start3A_28, %dma_start3A_34] : memref<3x2000xi32, #tpu.memory_space<vmem>> -> memref<1x2000xi32, #tpu.memory_space<vmem>>
    %dma_start3A_36 = tpu.memref_squeeze %dma_start3A_35 : memref<1x2000xi32, #tpu.memory_space<vmem>> -> memref<2000xi32, #tpu.memory_space<vmem>>
    %dma_start3A_37 = arith.constant 2000 : i32
    %dma_start3A_38 = tpu.memref_slice %arg2[%dma_start3A_37] : memref<320000xi32, #tpu.memory_space<hbm>> -> memref<2000xi32, #tpu.memory_space<hbm>>
    tpu.enqueue_dma source(%dma_start3A_38 : memref<2000xi32, #tpu.memory_space<hbm>>) target(%dma_start3A_36 : memref<2000xi32, #tpu.memory_space<vmem>>) target_semaphore(%arg13 : memref<!tpu.dma_semaphore, #tpu.memory_space<semaphore_mem>>)
    %dma_start3A_39 = arith.constant 1 : i32
    %dma_start3A_40 = arith.constant 0 : i32
    %dma_start3A_41 = tpu.memref_slice %arg8[%dma_start3A_39, %dma_start3A_40] : memref<3x2000xi32, #tpu.memory_space<vmem>> -> memref<1x2000xi32, #tpu.memory_space<vmem>>
    %dma_start3A_42 = tpu.memref_squeeze %dma_start3A_41 : memref<1x2000xi32, #tpu.memory_space<vmem>> -> memref<2000xi32, #tpu.memory_space<vmem>>
    %dma_start3A_43 = arith.constant 2000 : i32
    %dma_start3A_44 = tpu.memref_slice %arg3[%dma_start3A_43] : memref<320000xi32, #tpu.memory_space<hbm>> -> memref<2000xi32, #tpu.memory_space<hbm>>
    %dma_start3A_45 = arith.constant 0 : i32
    %dma_start3A_46 = tpu.memref_slice %arg8[%dma_start3A_39, %dma_start3A_45] : memref<3x2000xi32, #tpu.memory_space<vmem>> -> memref<1x2000xi32, #tpu.memory_space<vmem>>
    %dma_start3A_47 = tpu.memref_squeeze %dma_start3A_46 : memref<1x2000xi32, #tpu.memory_space<vmem>> -> memref<2000xi32, #tpu.memory_space<vmem>>
    %dma_start3A_48 = arith.constant 2000 : i32
    %dma_start3A_49 = tpu.memref_slice %arg3[%dma_start3A_48] : memref<320000xi32, #tpu.memory_space<hbm>> -> memref<2000xi32, #tpu.memory_space<hbm>>
    tpu.enqueue_dma source(%dma_start3A_49 : memref<2000xi32, #tpu.memory_space<hbm>>) target(%dma_start3A_47 : memref<2000xi32, #tpu.memory_space<vmem>>) target_semaphore(%arg13 : memref<!tpu.dma_semaphore, #tpu.memory_space<semaphore_mem>>)
    %broadcast_in_dim3A_50 = arith.constant 10000 : i32
    %broadcast_in_dim3A_51 = vector.broadcast %broadcast_in_dim3A_50 : i32 to vector<16xi32>
    %scan3A = arith.constant 0 : i32
    %scan3A_52 = arith.constant 0 : i32
    %scan3A_53 = arith.constant 160 : i32
    %scan3A_54 = arith.addi %scan3A_52, %scan3A_53 : i32
    %scan3A_55 = arith.constant 1 : i32
    %scan3A_56 = scf.for %scan3A_58 = %scan3A_52 to %scan3A_54 step %scan3A_55 iter_args(%scan3A_59 = %scan3A) -> (i32)  : i32 {
      %rem3A = arith.constant 3 : i32
      %rem3A_60 = arith.remsi %scan3A_58, %rem3A : i32
      %eq3A = arith.constant 0 : i32
      %eq3A_61 = arith.cmpi eq, %rem3A_60, %eq3A : i32
      %convert_element_type3A = arith.extui %eq3A_61 : i1 to i32
      %cond3A = arith.constant 0 : i32
      %cond3A_62 = arith.cmpi ne, %convert_element_type3A, %cond3A : i32
      scf.if %cond3A_62 {
        %mul3A_74 = arith.constant 2000 : i32
        %mul3A_75 = arith.muli %scan3A_58, %mul3A_74 : i32
        %dma_wait3A = arith.constant 0 : i32
        %dma_wait3A_76 = arith.constant 0 : i32
        %dma_wait3A_77 = tpu.memref_slice %arg7[%dma_wait3A, %dma_wait3A_76] : memref<3x2000xi32, #tpu.memory_space<vmem>> -> memref<1x2000xi32, #tpu.memory_space<vmem>>
        %dma_wait3A_78 = tpu.memref_squeeze %dma_wait3A_77 : memref<1x2000xi32, #tpu.memory_space<vmem>> -> memref<2000xi32, #tpu.memory_space<vmem>>
        %dma_wait3A_79 = tpu.memref_slice %arg2[%mul3A_75] : memref<320000xi32, #tpu.memory_space<hbm>> -> memref<2000xi32, #tpu.memory_space<hbm>>
        %dma_wait3A_80 = arith.constant 0 : i32
        %dma_wait3A_81 = tpu.memref_slice %arg7[%dma_wait3A, %dma_wait3A_80] : memref<3x2000xi32, #tpu.memory_space<vmem>> -> memref<1x2000xi32, #tpu.memory_space<vmem>>
        %dma_wait3A_82 = tpu.memref_squeeze %dma_wait3A_81 : memref<1x2000xi32, #tpu.memory_space<vmem>> -> memref<2000xi32, #tpu.memory_space<vmem>>
        %dma_wait3A_83 = tpu.memref_slice %arg2[%mul3A_75] : memref<320000xi32, #tpu.memory_space<hbm>> -> memref<2000xi32, #tpu.memory_space<hbm>>
        tpu.wait_dma2 semaphore(%arg12 : memref<!tpu.dma_semaphore, #tpu.memory_space<semaphore_mem>>) src(%dma_wait3A_83 : memref<2000xi32, #tpu.memory_space<hbm>>) dst(%dma_wait3A_82 : memref<2000xi32, #tpu.memory_space<vmem>>)
        %dma_wait3A_84 = arith.constant 0 : i32
        %dma_wait3A_85 = arith.constant 0 : i32
        %dma_wait3A_86 = tpu.memref_slice %arg8[%dma_wait3A_84, %dma_wait3A_85] : memref<3x2000xi32, #tpu.memory_space<vmem>> -> memref<1x2000xi32, #tpu.memory_space<vmem>>
        %dma_wait3A_87 = tpu.memref_squeeze %dma_wait3A_86 : memref<1x2000xi32, #tpu.memory_space<vmem>> -> memref<2000xi32, #tpu.memory_space<vmem>>
        %dma_wait3A_88 = tpu.memref_slice %arg3[%mul3A_75] : memref<320000xi32, #tpu.memory_space<hbm>> -> memref<2000xi32, #tpu.memory_space<hbm>>
        %dma_wait3A_89 = arith.constant 0 : i32
        %dma_wait3A_90 = tpu.memref_slice %arg8[%dma_wait3A_84, %dma_wait3A_89] : memref<3x2000xi32, #tpu.memory_space<vmem>> -> memref<1x2000xi32, #tpu.memory_space<vmem>>
        %dma_wait3A_91 = tpu.memref_squeeze %dma_wait3A_90 : memref<1x2000xi32, #tpu.memory_space<vmem>> -> memref<2000xi32, #tpu.memory_space<vmem>>
        %dma_wait3A_92 = tpu.memref_slice %arg3[%mul3A_75] : memref<320000xi32, #tpu.memory_space<hbm>> -> memref<2000xi32, #tpu.memory_space<hbm>>
        tpu.wait_dma2 semaphore(%arg12 : memref<!tpu.dma_semaphore, #tpu.memory_space<semaphore_mem>>) src(%dma_wait3A_92 : memref<2000xi32, #tpu.memory_space<hbm>>) dst(%dma_wait3A_91 : memref<2000xi32, #tpu.memory_space<vmem>>)
        %add3A_93 = arith.constant 3 : i32
        %add3A_94 = arith.addi %scan3A_58, %add3A_93 : i32
        %sub3A = arith.constant 1 : i32
        %sub3A_95 = arith.subi %add3A_94, %sub3A : i32
        %lt3A = arith.constant 160 : i32
        %lt3A_96 = arith.cmpi slt, %sub3A_95, %lt3A : i32
        %convert_element_type3A_97 = arith.extui %lt3A_96 : i1 to i32
        %cond3A_98 = arith.constant 0 : i32
        %cond3A_99 = arith.cmpi ne, %convert_element_type3A_97, %cond3A_98 : i32
        scf.if %cond3A_99 {
          %add3A_117 = arith.constant 3 : i32
          %add3A_118 = arith.addi %scan3A_58, %add3A_117 : i32
          %sub3A_119 = arith.constant 1 : i32
          %sub3A_120 = arith.subi %add3A_118, %sub3A_119 : i32
          %mul3A_121 = arith.constant 2000 : i32
          %mul3A_122 = arith.muli %sub3A_120, %mul3A_121 : i32
          %dma_start3A_123 = arith.constant 2 : i32
          %dma_start3A_124 = arith.constant 0 : i32
          %dma_start3A_125 = tpu.memref_slice %arg7[%dma_start3A_123, %dma_start3A_124] : memref<3x2000xi32, #tpu.memory_space<vmem>> -> memref<1x2000xi32, #tpu.memory_space<vmem>>
          %dma_start3A_126 = tpu.memref_squeeze %dma_start3A_125 : memref<1x2000xi32, #tpu.memory_space<vmem>> -> memref<2000xi32, #tpu.memory_space<vmem>>
          %dma_start3A_127 = tpu.memref_slice %arg2[%mul3A_122] : memref<320000xi32, #tpu.memory_space<hbm>> -> memref<2000xi32, #tpu.memory_space<hbm>>
          %dma_start3A_128 = arith.constant 0 : i32
          %dma_start3A_129 = tpu.memref_slice %arg7[%dma_start3A_123, %dma_start3A_128] : memref<3x2000xi32, #tpu.memory_space<vmem>> -> memref<1x2000xi32, #tpu.memory_space<vmem>>
          %dma_start3A_130 = tpu.memref_squeeze %dma_start3A_129 : memref<1x2000xi32, #tpu.memory_space<vmem>> -> memref<2000xi32, #tpu.memory_space<vmem>>
          %dma_start3A_131 = tpu.memref_slice %arg2[%mul3A_122] : memref<320000xi32, #tpu.memory_space<hbm>> -> memref<2000xi32, #tpu.memory_space<hbm>>
          tpu.enqueue_dma source(%dma_start3A_131 : memref<2000xi32, #tpu.memory_space<hbm>>) target(%dma_start3A_130 : memref<2000xi32, #tpu.memory_space<vmem>>) target_semaphore(%arg14 : memref<!tpu.dma_semaphore, #tpu.memory_space<semaphore_mem>>)
          %dma_start3A_132 = arith.constant 2 : i32
          %dma_start3A_133 = arith.constant 0 : i32
          %dma_start3A_134 = tpu.memref_slice %arg8[%dma_start3A_132, %dma_start3A_133] : memref<3x2000xi32, #tpu.memory_space<vmem>> -> memref<1x2000xi32, #tpu.memory_space<vmem>>
          %dma_start3A_135 = tpu.memref_squeeze %dma_start3A_134 : memref<1x2000xi32, #tpu.memory_space<vmem>> -> memref<2000xi32, #tpu.memory_space<vmem>>
          %dma_start3A_136 = tpu.memref_slice %arg3[%mul3A_122] : memref<320000xi32, #tpu.memory_space<hbm>> -> memref<2000xi32, #tpu.memory_space<hbm>>
          %dma_start3A_137 = arith.constant 0 : i32
          %dma_start3A_138 = tpu.memref_slice %arg8[%dma_start3A_132, %dma_start3A_137] : memref<3x2000xi32, #tpu.memory_space<vmem>> -> memref<1x2000xi32, #tpu.memory_space<vmem>>
          %dma_start3A_139 = tpu.memref_squeeze %dma_start3A_138 : memref<1x2000xi32, #tpu.memory_space<vmem>> -> memref<2000xi32, #tpu.memory_space<vmem>>
          %dma_start3A_140 = tpu.memref_slice %arg3[%mul3A_122] : memref<320000xi32, #tpu.memory_space<hbm>> -> memref<2000xi32, #tpu.memory_space<hbm>>
          tpu.enqueue_dma source(%dma_start3A_140 : memref<2000xi32, #tpu.memory_space<hbm>>) target(%dma_start3A_139 : memref<2000xi32, #tpu.memory_space<vmem>>) target_semaphore(%arg14 : memref<!tpu.dma_semaphore, #tpu.memory_space<semaphore_mem>>)
        } else {
        }
        %broadcast_in_dim3A_100 = arith.constant 0.000000e+00 : f32
        %broadcast_in_dim3A_101 = vector.broadcast %broadcast_in_dim3A_100 : f32 to vector<16xf32>
        %scan3A_102 = arith.constant 0 : i32
        %scan3A_103 = arith.constant 5 : i32
        %scan3A_104 = arith.addi %scan3A_102, %scan3A_103 : i32
        %scan3A_105 = arith.constant 1 : i32
        %scan3A_106:2 = scf.for %scan3A_117 = %scan3A_102 to %scan3A_104 step %scan3A_105 iter_args(%scan3A_118 = %broadcast_in_dim3A_101, %scan3A_119 = %broadcast_in_dim3A_101) -> (vector<16xf32>, vector<16xf32>)  : i32 {
          %mul3A_120 = arith.constant 25 : i32
          %mul3A_121 = arith.muli %scan3A_117, %mul3A_120 : i32
          %add3A_122 = arith.constant 0 : i32
          %add3A_123 = arith.addi %mul3A_121, %add3A_122 : i32
          %mul3A_124 = arith.constant 16 : i32
          %mul3A_125 = arith.muli %add3A_123, %mul3A_124 : i32
          %get3A_126 = arith.constant 0 : i32
          %get3A_127 = arith.index_cast %get3A_126 : i32 to index
          %get3A_128 = arith.index_cast %mul3A_125 : i32 to index
          %get3A_129 = tpu.vector_load %arg8[%get3A_127, %get3A_128] {strides = array<i32>} : memref<3x2000xi32, #tpu.memory_space<vmem>>, vector<16xi32>,
          %get3A_130 = arith.constant 0 : i32
          %get3A_131 = arith.index_cast %get3A_130 : i32 to index
          %get3A_132 = arith.index_cast %mul3A_125 : i32 to index
          %get3A_133 = tpu.vector_load %arg7[%get3A_131, %get3A_132] {strides = array<i32>} : memref<3x2000xi32, #tpu.memory_space<vmem>>, vector<16xi32>,
          %gather3A = tpu.vector_load_idx %arg9[%get3A_129] : memref<20000xf32, #tpu.memory_space<vmem>>[vector<16xi32>], vector<16xf32>,
          %gather3A_134 = tpu.vector_load_idx %arg10[%get3A_133] : memref<20000xf32, #tpu.memory_space<vmem>>[vector<16xi32>], vector<16xf32>,
          %mul3A_135 = arith.mulf %gather3A, %gather3A_134 : vector<16xf32>
          %add3A_136 = arith.addf %scan3A_118, %mul3A_135 : vector<16xf32>
          %add3A_137 = arith.addi %get3A_129, %broadcast_in_dim3A_51 : vector<16xi32>
          %gather3A_138 = tpu.vector_load_idx %arg9[%add3A_137] : memref<20000xf32, #tpu.memory_space<vmem>>[vector<16xi32>], vector<16xf32>,
          %add3A_139 = arith.addi %get3A_133, %broadcast_in_dim3A_51 : vector<16xi32>
          %gather3A_140 = tpu.vector_load_idx %arg10[%add3A_139] : memref<20000xf32, #tpu.memory_space<vmem>>[vector<16xi32>], vector<16xf32>,
          %mul3A_141 = arith.mulf %gather3A_138, %gather3A_140 : vector<16xf32>
          %add3A_142 = arith.addf %scan3A_119, %mul3A_141 : vector<16xf32>
          %mul3A_143 = arith.constant 25 : i32
          %mul3A_144 = arith.muli %scan3A_117, %mul3A_143 : i32
          %add3A_145 = arith.constant 1 : i32
          %add3A_146 = arith.addi %mul3A_144, %add3A_145 : i32
          %mul3A_147 = arith.constant 16 : i32
          %mul3A_148 = arith.muli %add3A_146, %mul3A_147 : i32
          %get3A_149 = arith.constant 0 : i32
          %get3A_150 = arith.index_cast %get3A_149 : i32 to index
          %get3A_151 = arith.index_cast %mul3A_148 : i32 to index
          %get3A_152 = tpu.vector_load %arg8[%get3A_150, %get3A_151] {strides = array<i32>} : memref<3x2000xi32, #tpu.memory_space<vmem>>, vector<16xi32>,
          %get3A_153 = arith.constant 0 : i32
          %get3A_154 = arith.index_cast %get3A_153 : i32 to index
          %get3A_155 = arith.index_cast %mul3A_148 : i32 to index
          %get3A_156 = tpu.vector_load %arg7[%get3A_154, %get3A_155] {strides = array<i32>} : memref<3x2000xi32, #tpu.memory_space<vmem>>, vector<16xi32>,
          %gather3A_157 = tpu.vector_load_idx %arg9[%get3A_152] : memref<20000xf32, #tpu.memory_space<vmem>>[vector<16xi32>], vector<16xf32>,
          %gather3A_158 = tpu.vector_load_idx %arg10[%get3A_156] : memref<20000xf32, #tpu.memory_space<vmem>>[vector<16xi32>], vector<16xf32>,
          %mul3A_159 = arith.mulf %gather3A_157, %gather3A_158 : vector<16xf32>
          %add3A_160 = arith.addf %add3A_136, %mul3A_159 : vector<16xf32>
          %add3A_161 = arith.addi %get3A_152, %broadcast_in_dim3A_51 : vector<16xi32>
          %gather3A_162 = tpu.vector_load_idx %arg9[%add3A_161] : memref<20000xf32, #tpu.memory_space<vmem>>[vector<16xi32>], vector<16xf32>,
          %add3A_163 = arith.addi %get3A_156, %broadcast_in_dim3A_51 : vector<16xi32>
          %gather3A_164 = tpu.vector_load_idx %arg10[%add3A_163] : memref<20000xf32, #tpu.memory_space<vmem>>[vector<16xi32>], vector<16xf32>,
          %mul3A_165 = arith.mulf %gather3A_162, %gather3A_164 : vector<16xf32>
          %add3A_166 = arith.addf %add3A_142, %mul3A_165 : vector<16xf32>
          %mul3A_167 = arith.constant 25 : i32
          %mul3A_168 = arith.muli %scan3A_117, %mul3A_167 : i32
          %add3A_169 = arith.constant 2 : i32
          %add3A_170 = arith.addi %mul3A_168, %add3A_169 : i32
          %mul3A_171 = arith.constant 16 : i32
          %mul3A_172 = arith.muli %add3A_170, %mul3A_171 : i32
          %get3A_173 = arith.constant 0 : i32
          %get3A_174 = arith.index_cast %get3A_173 : i32 to index
          %get3A_175 = arith.index_cast %mul3A_172 : i32 to index
          %get3A_176 = tpu.vector_load %arg8[%get3A_174, %get3A_175] {strides = array<i32>} : memref<3x2000xi32, #tpu.memory_space<vmem>>, vector<16xi32>,
          %get3A_177 = arith.constant 0 : i32
          %get3A_178 = arith.index_cast %get3A_177 : i32 to index
          %get3A_179 = arith.index_cast %mul3A_172 : i32 to index
          %get3A_180 = tpu.vector_load %arg7[%get3A_178, %get3A_179] {strides = array<i32>} : memref<3x2000xi32, #tpu.memory_space<vmem>>, vector<16xi32>,
          %gather3A_181 = tpu.vector_load_idx %arg9[%get3A_176] : memref<20000xf32, #tpu.memory_space<vmem>>[vector<16xi32>], vector<16xf32>,
          %gather3A_182 = tpu.vector_load_idx %arg10[%get3A_180] : memref<20000xf32, #tpu.memory_space<vmem>>[vector<16xi32>], vector<16xf32>,
          %mul3A_183 = arith.mulf %gather3A_181, %gather3A_182 : vector<16xf32>
          %add3A_184 = arith.addf %add3A_160, %mul3A_183 : vector<16xf32>
          %add3A_185 = arith.addi %get3A_176, %broadcast_in_dim3A_51 : vector<16xi32>
          %gather3A_186 = tpu.vector_load_idx %arg9[%add3A_185] : memref<20000xf32, #tpu.memory_space<vmem>>[vector<16xi32>], vector<16xf32>,
          %add3A_187 = arith.addi %get3A_180, %broadcast_in_dim3A_51 : vector<16xi32>
          %gather3A_188 = tpu.vector_load_idx %arg10[%add3A_187] : memref<20000xf32, #tpu.memory_space<vmem>>[vector<16xi32>], vector<16xf32>,
          %mul3A_189 = arith.mulf %gather3A_186, %gather3A_188 : vector<16xf32>
          %add3A_190 = arith.addf %add3A_166, %mul3A_189 : vector<16xf32>
          %mul3A_191 = arith.constant 25 : i32
          %mul3A_192 = arith.muli %scan3A_117, %mul3A_191 : i32
          %add3A_193 = arith.constant 3 : i32
          %add3A_194 = arith.addi %mul3A_192, %add3A_193 : i32
          %mul3A_195 = arith.constant 16 : i32
          %mul3A_196 = arith.muli %add3A_194, %mul3A_195 : i32
          %get3A_197 = arith.constant 0 : i32
          %get3A_198 = arith.index_cast %get3A_197 : i32 to index
          %get3A_199 = arith.index_cast %mul3A_196 : i32 to index
          %get3A_200 = tpu.vector_load %arg8[%get3A_198, %get3A_199] {strides = array<i32>} : memref<3x2000xi32, #tpu.memory_space<vmem>>, vector<16xi32>,
          %get3A_201 = arith.constant 0 : i32
          %get3A_202 = arith.index_cast %get3A_201 : i32 to index
          %get3A_203 = arith.index_cast %mul3A_196 : i32 to index
          %get3A_204 = tpu.vector_load %arg7[%get3A_202, %get3A_203] {strides = array<i32>} : memref<3x2000xi32, #tpu.memory_space<vmem>>, vector<16xi32>,
          %gather3A_205 = tpu.vector_load_idx %arg9[%get3A_200] : memref<20000xf32, #tpu.memory_space<vmem>>[vector<16xi32>], vector<16xf32>,
          %gather3A_206 = tpu.vector_load_idx %arg10[%get3A_204] : memref<20000xf32, #tpu.memory_space<vmem>>[vector<16xi32>], vector<16xf32>,
          %mul3A_207 = arith.mulf %gather3A_205, %gather3A_206 : vector<16xf32>
          %add3A_208 = arith.addf %add3A_184, %mul3A_207 : vector<16xf32>
          %add3A_209 = arith.addi %get3A_200, %broadcast_in_dim3A_51 : vector<16xi32>
          %gather3A_210 = tpu.vector_load_idx %arg9[%add3A_209] : memref<20000xf32, #tpu.memory_space<vmem>>[vector<16xi32>], vector<16xf32>,
          %add3A_211 = arith.addi %get3A_204, %broadcast_in_dim3A_51 : vector<16xi32>
          %gather3A_212 = tpu.vector_load_idx %arg10[%add3A_211] : memref<20000xf32, #tpu.memory_space<vmem>>[vector<16xi32>], vector<16xf32>,
          %mul3A_213 = arith.mulf %gather3A_210, %gather3A_212 : vector<16xf32>
          %add3A_214 = arith.addf %add3A_190, %mul3A_213 : vector<16xf32>
          %mul3A_215 = arith.constant 25 : i32
          %mul3A_216 = arith.muli %scan3A_117, %mul3A_215 : i32
          %add3A_217 = arith.constant 4 : i32
          %add3A_218 = arith.addi %mul3A_216, %add3A_217 : i32
          %mul3A_219 = arith.constant 16 : i32
          %mul3A_220 = arith.muli %add3A_218, %mul3A_219 : i32
          %get3A_221 = arith.constant 0 : i32
          %get3A_222 = arith.index_cast %get3A_221 : i32 to index
          %get3A_223 = arith.index_cast %mul3A_220 : i32 to index
          %get3A_224 = tpu.vector_load %arg8[%get3A_222, %get3A_223] {strides = array<i32>} : memref<3x2000xi32, #tpu.memory_space<vmem>>, vector<16xi32>,
          %get3A_225 = arith.constant 0 : i32
          %get3A_226 = arith.index_cast %get3A_225 : i32 to index
          %get3A_227 = arith.index_cast %mul3A_220 : i32 to index
          %get3A_228 = tpu.vector_load %arg7[%get3A_226, %get3A_227] {strides = array<i32>} : memref<3x2000xi32, #tpu.memory_space<vmem>>, vector<16xi32>,
          %gather3A_229 = tpu.vector_load_idx %arg9[%get3A_224] : memref<20000xf32, #tpu.memory_space<vmem>>[vector<16xi32>], vector<16xf32>,
          %gather3A_230 = tpu.vector_load_idx %arg10[%get3A_228] : memref<20000xf32, #tpu.memory_space<vmem>>[vector<16xi32>], vector<16xf32>,
          %mul3A_231 = arith.mulf %gather3A_229, %gather3A_230 : vector<16xf32>
          %add3A_232 = arith.addf %add3A_208, %mul3A_231 : vector<16xf32>
          %add3A_233 = arith.addi %get3A_224, %broadcast_in_dim3A_51 : vector<16xi32>
          %gather3A_234 = tpu.vector_load_idx %arg9[%add3A_233] : memref<20000xf32, #tpu.memory_space<vmem>>[vector<16xi32>], vector<16xf32>,
          %add3A_235 = arith.addi %get3A_228, %broadcast_in_dim3A_51 : vector<16xi32>
          %gather3A_236 = tpu.vector_load_idx %arg10[%add3A_235] : memref<20000xf32, #tpu.memory_space<vmem>>[vector<16xi32>], vector<16xf32>,
          %mul3A_237 = arith.mulf %gather3A_234, %gather3A_236 : vector<16xf32>
          %add3A_238 = arith.addf %add3A_214, %mul3A_237 : vector<16xf32>
          %mul3A_239 = arith.constant 25 : i32
          %mul3A_240 = arith.muli %scan3A_117, %mul3A_239 : i32
          %add3A_241 = arith.constant 5 : i32
          %add3A_242 = arith.addi %mul3A_240, %add3A_241 : i32
          %mul3A_243 = arith.constant 16 : i32
          %mul3A_244 = arith.muli %add3A_242, %mul3A_243 : i32
          %get3A_245 = arith.constant 0 : i32
          %get3A_246 = arith.index_cast %get3A_245 : i32 to index
          %get3A_247 = arith.index_cast %mul3A_244 : i32 to index
          %get3A_248 = tpu.vector_load %arg8[%get3A_246, %get3A_247] {strides = array<i32>} : memref<3x2000xi32, #tpu.memory_space<vmem>>, vector<16xi32>,
          %get3A_249 = arith.constant 0 : i32
          %get3A_250 = arith.index_cast %get3A_249 : i32 to index
          %get3A_251 = arith.index_cast %mul3A_244 : i32 to index
          %get3A_252 = tpu.vector_load %arg7[%get3A_250, %get3A_251] {strides = array<i32>} : memref<3x2000xi32, #tpu.memory_space<vmem>>, vector<16xi32>,
          %gather3A_253 = tpu.vector_load_idx %arg9[%get3A_248] : memref<20000xf32, #tpu.memory_space<vmem>>[vector<16xi32>], vector<16xf32>,
          %gather3A_254 = tpu.vector_load_idx %arg10[%get3A_252] : memref<20000xf32, #tpu.memory_space<vmem>>[vector<16xi32>], vector<16xf32>,
          %mul3A_255 = arith.mulf %gather3A_253, %gather3A_254 : vector<16xf32>
          %add3A_256 = arith.addf %add3A_232, %mul3A_255 : vector<16xf32>
          %add3A_257 = arith.addi %get3A_248, %broadcast_in_dim3A_51 : vector<16xi32>
          %gather3A_258 = tpu.vector_load_idx %arg9[%add3A_257] : memref<20000xf32, #tpu.memory_space<vmem>>[vector<16xi32>], vector<16xf32>,
          %add3A_259 = arith.addi %get3A_252, %broadcast_in_dim3A_51 : vector<16xi32>
          %gather3A_260 = tpu.vector_load_idx %arg10[%add3A_259] : memref<20000xf32, #tpu.memory_space<vmem>>[vector<16xi32>], vector<16xf32>,
          %mul3A_261 = arith.mulf %gather3A_258, %gather3A_260 : vector<16xf32>
          %add3A_262 = arith.addf %add3A_238, %mul3A_261 : vector<16xf32>
          %mul3A_263 = arith.constant 25 : i32
          %mul3A_264 = arith.muli %scan3A_117, %mul3A_263 : i32
          %add3A_265 = arith.constant 6 : i32
          %add3A_266 = arith.addi %mul3A_264, %add3A_265 : i32
          %mul3A_267 = arith.constant 16 : i32
          %mul3A_268 = arith.muli %add3A_266, %mul3A_267 : i32
          %get3A_269 = arith.constant 0 : i32
          %get3A_270 = arith.index_cast %get3A_269 : i32 to index
          %get3A_271 = arith.index_cast %mul3A_268 : i32 to index
          %get3A_272 = tpu.vector_load %arg8[%get3A_270, %get3A_271] {strides = array<i32>} : memref<3x2000xi32, #tpu.memory_space<vmem>>, vector<16xi32>,
          %get3A_273 = arith.constant 0 : i32
          %get3A_274 = arith.index_cast %get3A_273 : i32 to index
          %get3A_275 = arith.index_cast %mul3A_268 : i32 to index
          %get3A_276 = tpu.vector_load %arg7[%get3A_274, %get3A_275] {strides = array<i32>} : memref<3x2000xi32, #tpu.memory_space<vmem>>, vector<16xi32>,
          %gather3A_277 = tpu.vector_load_idx %arg9[%get3A_272] : memref<20000xf32, #tpu.memory_space<vmem>>[vector<16xi32>], vector<16xf32>,
          %gather3A_278 = tpu.vector_load_idx %arg10[%get3A_276] : memref<20000xf32, #tpu.memory_space<vmem>>[vector<16xi32>], vector<16xf32>,
          %mul3A_279 = arith.mulf %gather3A_277, %gather3A_278 : vector<16xf32>
          %add3A_280 = arith.addf %add3A_256, %mul3A_279 : vector<16xf32>
          %add3A_281 = arith.addi %get3A_272, %broadcast_in_dim3A_51 : vector<16xi32>
          %gather3A_282 = tpu.vector_load_idx %arg9[%add3A_281] : memref<20000xf32, #tpu.memory_space<vmem>>[vector<16xi32>], vector<16xf32>,
          %add3A_283 = arith.addi %get3A_276, %broadcast_in_dim3A_51 : vector<16xi32>
          %gather3A_284 = tpu.vector_load_idx %arg10[%add3A_283] : memref<20000xf32, #tpu.memory_space<vmem>>[vector<16xi32>], vector<16xf32>,
          %mul3A_285 = arith.mulf %gather3A_282, %gather3A_284 : vector<16xf32>
          %add3A_286 = arith.addf %add3A_262, %mul3A_285 : vector<16xf32>
          %mul3A_287 = arith.constant 25 : i32
          %mul3A_288 = arith.muli %scan3A_117, %mul3A_287 : i32
          %add3A_289 = arith.constant 7 : i32
          %add3A_290 = arith.addi %mul3A_288, %add3A_289 : i32
          %mul3A_291 = arith.constant 16 : i32
          %mul3A_292 = arith.muli %add3A_290, %mul3A_291 : i32
          %get3A_293 = arith.constant 0 : i32
          %get3A_294 = arith.index_cast %get3A_293 : i32 to index
          %get3A_295 = arith.index_cast %mul3A_292 : i32 to index
          %get3A_296 = tpu.vector_load %arg8[%get3A_294, %get3A_295] {strides = array<i32>} : memref<3x2000xi32, #tpu.memory_space<vmem>>, vector<16xi32>,
          %get3A_297 = arith.constant 0 : i32
          %get3A_298 = arith.index_cast %get3A_297 : i32 to index
          %get3A_299 = arith.index_cast %mul3A_292 : i32 to index
          %get3A_300 = tpu.vector_load %arg7[%get3A_298, %get3A_299] {strides = array<i32>} : memref<3x2000xi32, #tpu.memory_space<vmem>>, vector<16xi32>,
          %gather3A_301 = tpu.vector_load_idx %arg9[%get3A_296] : memref<20000xf32, #tpu.memory_space<vmem>>[vector<16xi32>], vector<16xf32>,
          %gather3A_302 = tpu.vector_load_idx %arg10[%get3A_300] : memref<20000xf32, #tpu.memory_space<vmem>>[vector<16xi32>], vector<16xf32>,
          %mul3A_303 = arith.mulf %gather3A_301, %gather3A_302 : vector<16xf32>
          %add3A_304 = arith.addf %add3A_280, %mul3A_303 : vector<16xf32>
          %add3A_305 = arith.addi %get3A_296, %broadcast_in_dim3A_51 : vector<16xi32>
          %gather3A_306 = tpu.vector_load_idx %arg9[%add3A_305] : memref<20000xf32, #tpu.memory_space<vmem>>[vector<16xi32>], vector<16xf32>,
          %add3A_307 = arith.addi %get3A_300, %broadcast_in_dim3A_51 : vector<16xi32>
          %gather3A_308 = tpu.vector_load_idx %arg10[%add3A_307] : memref<20000xf32, #tpu.memory_space<vmem>>[vector<16xi32>], vector<16xf32>,
          %mul3A_309 = arith.mulf %gather3A_306, %gather3A_308 : vector<16xf32>
          %add3A_310 = arith.addf %add3A_286, %mul3A_309 : vector<16xf32>
          %mul3A_311 = arith.constant 25 : i32
          %mul3A_312 = arith.muli %scan3A_117, %mul3A_311 : i32
          %add3A_313 = arith.constant 8 : i32
          %add3A_314 = arith.addi %mul3A_312, %add3A_313 : i32
          %mul3A_315 = arith.constant 16 : i32
          %mul3A_316 = arith.muli %add3A_314, %mul3A_315 : i32
          %get3A_317 = arith.constant 0 : i32
          %get3A_318 = arith.index_cast %get3A_317 : i32 to index
          %get3A_319 = arith.index_cast %mul3A_316 : i32 to index
          %get3A_320 = tpu.vector_load %arg8[%get3A_318, %get3A_319] {strides = array<i32>} : memref<3x2000xi32, #tpu.memory_space<vmem>>, vector<16xi32>,
          %get3A_321 = arith.constant 0 : i32
          %get3A_322 = arith.index_cast %get3A_321 : i32 to index
          %get3A_323 = arith.index_cast %mul3A_316 : i32 to index
          %get3A_324 = tpu.vector_load %arg7[%get3A_322, %get3A_323] {strides = array<i32>} : memref<3x2000xi32, #tpu.memory_space<vmem>>, vector<16xi32>,
          %gather3A_325 = tpu.vector_load_idx %arg9[%get3A_320] : memref<20000xf32, #tpu.memory_space<vmem>>[vector<16xi32>], vector<16xf32>,
          %gather3A_326 = tpu.vector_load_idx %arg10[%get3A_324] : memref<20000xf32, #tpu.memory_space<vmem>>[vector<16xi32>], vector<16xf32>,
          %mul3A_327 = arith.mulf %gather3A_325, %gather3A_326 : vector<16xf32>
          %add3A_328 = arith.addf %add3A_304, %mul3A_327 : vector<16xf32>
          %add3A_329 = arith.addi %get3A_320, %broadcast_in_dim3A_51 : vector<16xi32>
          %gather3A_330 = tpu.vector_load_idx %arg9[%add3A_329] : memref<20000xf32, #tpu.memory_space<vmem>>[vector<16xi32>], vector<16xf32>,
          %add3A_331 = arith.addi %get3A_324, %broadcast_in_dim3A_51 : vector<16xi32>
          %gather3A_332 = tpu.vector_load_idx %arg10[%add3A_331] : memref<20000xf32, #tpu.memory_space<vmem>>[vector<16xi32>], vector<16xf32>,
          %mul3A_333 = arith.mulf %gather3A_330, %gather3A_332 : vector<16xf32>
          %add3A_334 = arith.addf %add3A_310, %mul3A_333 : vector<16xf32>
          %mul3A_335 = arith.constant 25 : i32
          %mul3A_336 = arith.muli %scan3A_117, %mul3A_335 : i32
          %add3A_337 = arith.constant 9 : i32
          %add3A_338 = arith.addi %mul3A_336, %add3A_337 : i32
          %mul3A_339 = arith.constant 16 : i32
          %mul3A_340 = arith.muli %add3A_338, %mul3A_339 : i32
          %get3A_341 = arith.constant 0 : i32
          %get3A_342 = arith.index_cast %get3A_341 : i32 to index
          %get3A_343 = arith.index_cast %mul3A_340 : i32 to index
          %get3A_344 = tpu.vector_load %arg8[%get3A_342, %get3A_343] {strides = array<i32>} : memref<3x2000xi32, #tpu.memory_space<vmem>>, vector<16xi32>,
          %get3A_345 = arith.constant 0 : i32
          %get3A_346 = arith.index_cast %get3A_345 : i32 to index
          %get3A_347 = arith.index_cast %mul3A_340 : i32 to index
          %get3A_348 = tpu.vector_load %arg7[%get3A_346, %get3A_347] {strides = array<i32>} : memref<3x2000xi32, #tpu.memory_space<vmem>>, vector<16xi32>,
          %gather3A_349 = tpu.vector_load_idx %arg9[%get3A_344] : memref<20000xf32, #tpu.memory_space<vmem>>[vector<16xi32>], vector<16xf32>,
          %gather3A_350 = tpu.vector_load_idx %arg10[%get3A_348] : memref<20000xf32, #tpu.memory_space<vmem>>[vector<16xi32>], vector<16xf32>,
          %mul3A_351 = arith.mulf %gather3A_349, %gather3A_350 : vector<16xf32>
          %add3A_352 = arith.addf %add3A_328, %mul3A_351 : vector<16xf32>
          %add3A_353 = arith.addi %get3A_344, %broadcast_in_dim3A_51 : vector<16xi32>
          %gather3A_354 = tpu.vector_load_idx %arg9[%add3A_353] : memref<20000xf32, #tpu.memory_space<vmem>>[vector<16xi32>], vector<16xf32>,
          %add3A_355 = arith.addi %get3A_348, %broadcast_in_dim3A_51 : vector<16xi32>
          %gather3A_356 = tpu.vector_load_idx %arg10[%add3A_355] : memref<20000xf32, #tpu.memory_space<vmem>>[vector<16xi32>], vector<16xf32>,
          %mul3A_357 = arith.mulf %gather3A_354, %gather3A_356 : vector<16xf32>
          %add3A_358 = arith.addf %add3A_334, %mul3A_357 : vector<16xf32>
          %mul3A_359 = arith.constant 25 : i32
          %mul3A_360 = arith.muli %scan3A_117, %mul3A_359 : i32
          %add3A_361 = arith.constant 10 : i32
          %add3A_362 = arith.addi %mul3A_360, %add3A_361 : i32
          %mul3A_363 = arith.constant 16 : i32
          %mul3A_364 = arith.muli %add3A_362, %mul3A_363 : i32
          %get3A_365 = arith.constant 0 : i32
          %get3A_366 = arith.index_cast %get3A_365 : i32 to index
          %get3A_367 = arith.index_cast %mul3A_364 : i32 to index
          %get3A_368 = tpu.vector_load %arg8[%get3A_366, %get3A_367] {strides = array<i32>} : memref<3x2000xi32, #tpu.memory_space<vmem>>, vector<16xi32>,
          %get3A_369 = arith.constant 0 : i32
          %get3A_370 = arith.index_cast %get3A_369 : i32 to index
          %get3A_371 = arith.index_cast %mul3A_364 : i32 to index
          %get3A_372 = tpu.vector_load %arg7[%get3A_370, %get3A_371] {strides = array<i32>} : memref<3x2000xi32, #tpu.memory_space<vmem>>, vector<16xi32>,
          %gather3A_373 = tpu.vector_load_idx %arg9[%get3A_368] : memref<20000xf32, #tpu.memory_space<vmem>>[vector<16xi32>], vector<16xf32>,
          %gather3A_374 = tpu.vector_load_idx %arg10[%get3A_372] : memref<20000xf32, #tpu.memory_space<vmem>>[vector<16xi32>], vector<16xf32>,
          %mul3A_375 = arith.mulf %gather3A_373, %gather3A_374 : vector<16xf32>
          %add3A_376 = arith.addf %add3A_352, %mul3A_375 : vector<16xf32>
          %add3A_377 = arith.addi %get3A_368, %broadcast_in_dim3A_51 : vector<16xi32>
          %gather3A_378 = tpu.vector_load_idx %arg9[%add3A_377] : memref<20000xf32, #tpu.memory_space<vmem>>[vector<16xi32>], vector<16xf32>,
          %add3A_379 = arith.addi %get3A_372, %broadcast_in_dim3A_51 : vector<16xi32>
          %gather3A_380 = tpu.vector_load_idx %arg10[%add3A_379] : memref<20000xf32, #tpu.memory_space<vmem>>[vector<16xi32>], vector<16xf32>,
          %mul3A_381 = arith.mulf %gather3A_378, %gather3A_380 : vector<16xf32>
          %add3A_382 = arith.addf %add3A_358, %mul3A_381 : vector<16xf32>
          %mul3A_383 = arith.constant 25 : i32
          %mul3A_384 = arith.muli %scan3A_117, %mul3A_383 : i32
          %add3A_385 = arith.constant 11 : i32
          %add3A_386 = arith.addi %mul3A_384, %add3A_385 : i32
          %mul3A_387 = arith.constant 16 : i32
          %mul3A_388 = arith.muli %add3A_386, %mul3A_387 : i32
          %get3A_389 = arith.constant 0 : i32
          %get3A_390 = arith.index_cast %get3A_389 : i32 to index
          %get3A_391 = arith.index_cast %mul3A_388 : i32 to index
          %get3A_392 = tpu.vector_load %arg8[%get3A_390, %get3A_391] {strides = array<i32>} : memref<3x2000xi32, #tpu.memory_space<vmem>>, vector<16xi32>,
          %get3A_393 = arith.constant 0 : i32
          %get3A_394 = arith.index_cast %get3A_393 : i32 to index
          %get3A_395 = arith.index_cast %mul3A_388 : i32 to index
          %get3A_396 = tpu.vector_load %arg7[%get3A_394, %get3A_395] {strides = array<i32>} : memref<3x2000xi32, #tpu.memory_space<vmem>>, vector<16xi32>,
          %gather3A_397 = tpu.vector_load_idx %arg9[%get3A_392] : memref<20000xf32, #tpu.memory_space<vmem>>[vector<16xi32>], vector<16xf32>,
          %gather3A_398 = tpu.vector_load_idx %arg10[%get3A_396] : memref<20000xf32, #tpu.memory_space<vmem>>[vector<16xi32>], vector<16xf32>,
          %mul3A_399 = arith.mulf %gather3A_397, %gather3A_398 : vector<16xf32>
          %add3A_400 = arith.addf %add3A_376, %mul3A_399 : vector<16xf32>
          %add3A_401 = arith.addi %get3A_392, %broadcast_in_dim3A_51 : vector<16xi32>
          %gather3A_402 = tpu.vector_load_idx %arg9[%add3A_401] : memref<20000xf32, #tpu.memory_space<vmem>>[vector<16xi32>], vector<16xf32>,
          %add3A_403 = arith.addi %get3A_396, %broadcast_in_dim3A_51 : vector<16xi32>
          %gather3A_404 = tpu.vector_load_idx %arg10[%add3A_403] : memref<20000xf32, #tpu.memory_space<vmem>>[vector<16xi32>], vector<16xf32>,
          %mul3A_405 = arith.mulf %gather3A_402, %gather3A_404 : vector<16xf32>
          %add3A_406 = arith.addf %add3A_382, %mul3A_405 : vector<16xf32>
          %mul3A_407 = arith.constant 25 : i32
          %mul3A_408 = arith.muli %scan3A_117, %mul3A_407 : i32
          %add3A_409 = arith.constant 12 : i32
          %add3A_410 = arith.addi %mul3A_408, %add3A_409 : i32
          %mul3A_411 = arith.constant 16 : i32
          %mul3A_412 = arith.muli %add3A_410, %mul3A_411 : i32
          %get3A_413 = arith.constant 0 : i32
          %get3A_414 = arith.index_cast %get3A_413 : i32 to index
          %get3A_415 = arith.index_cast %mul3A_412 : i32 to index
          %get3A_416 = tpu.vector_load %arg8[%get3A_414, %get3A_415] {strides = array<i32>} : memref<3x2000xi32, #tpu.memory_space<vmem>>, vector<16xi32>,
          %get3A_417 = arith.constant 0 : i32
          %get3A_418 = arith.index_cast %get3A_417 : i32 to index
          %get3A_419 = arith.index_cast %mul3A_412 : i32 to index
          %get3A_420 = tpu.vector_load %arg7[%get3A_418, %get3A_419] {strides = array<i32>} : memref<3x2000xi32, #tpu.memory_space<vmem>>, vector<16xi32>,
          %gather3A_421 = tpu.vector_load_idx %arg9[%get3A_416] : memref<20000xf32, #tpu.memory_space<vmem>>[vector<16xi32>], vector<16xf32>,
          %gather3A_422 = tpu.vector_load_idx %arg10[%get3A_420] : memref<20000xf32, #tpu.memory_space<vmem>>[vector<16xi32>], vector<16xf32>,
          %mul3A_423 = arith.mulf %gather3A_421, %gather3A_422 : vector<16xf32>
          %add3A_424 = arith.addf %add3A_400, %mul3A_423 : vector<16xf32>
          %add3A_425 = arith.addi %get3A_416, %broadcast_in_dim3A_51 : vector<16xi32>
          %gather3A_426 = tpu.vector_load_idx %arg9[%add3A_425] : memref<20000xf32, #tpu.memory_space<vmem>>[vector<16xi32>], vector<16xf32>,
          %add3A_427 = arith.addi %get3A_420, %broadcast_in_dim3A_51 : vector<16xi32>
          %gather3A_428 = tpu.vector_load_idx %arg10[%add3A_427] : memref<20000xf32, #tpu.memory_space<vmem>>[vector<16xi32>], vector<16xf32>,
          %mul3A_429 = arith.mulf %gather3A_426, %gather3A_428 : vector<16xf32>
          %add3A_430 = arith.addf %add3A_406, %mul3A_429 : vector<16xf32>
          %mul3A_431 = arith.constant 25 : i32
          %mul3A_432 = arith.muli %scan3A_117, %mul3A_431 : i32
          %add3A_433 = arith.constant 13 : i32
          %add3A_434 = arith.addi %mul3A_432, %add3A_433 : i32
          %mul3A_435 = arith.constant 16 : i32
          %mul3A_436 = arith.muli %add3A_434, %mul3A_435 : i32
          %get3A_437 = arith.constant 0 : i32
          %get3A_438 = arith.index_cast %get3A_437 : i32 to index
          %get3A_439 = arith.index_cast %mul3A_436 : i32 to index
          %get3A_440 = tpu.vector_load %arg8[%get3A_438, %get3A_439] {strides = array<i32>} : memref<3x2000xi32, #tpu.memory_space<vmem>>, vector<16xi32>,
          %get3A_441 = arith.constant 0 : i32
          %get3A_442 = arith.index_cast %get3A_441 : i32 to index
          %get3A_443 = arith.index_cast %mul3A_436 : i32 to index
          %get3A_444 = tpu.vector_load %arg7[%get3A_442, %get3A_443] {strides = array<i32>} : memref<3x2000xi32, #tpu.memory_space<vmem>>, vector<16xi32>,
          %gather3A_445 = tpu.vector_load_idx %arg9[%get3A_440] : memref<20000xf32, #tpu.memory_space<vmem>>[vector<16xi32>], vector<16xf32>,
          %gather3A_446 = tpu.vector_load_idx %arg10[%get3A_444] : memref<20000xf32, #tpu.memory_space<vmem>>[vector<16xi32>], vector<16xf32>,
          %mul3A_447 = arith.mulf %gather3A_445, %gather3A_446 : vector<16xf32>
          %add3A_448 = arith.addf %add3A_424, %mul3A_447 : vector<16xf32>
          %add3A_449 = arith.addi %get3A_440, %broadcast_in_dim3A_51 : vector<16xi32>
          %gather3A_450 = tpu.vector_load_idx %arg9[%add3A_449] : memref<20000xf32, #tpu.memory_space<vmem>>[vector<16xi32>], vector<16xf32>,
          %add3A_451 = arith.addi %get3A_444, %broadcast_in_dim3A_51 : vector<16xi32>
          %gather3A_452 = tpu.vector_load_idx %arg10[%add3A_451] : memref<20000xf32, #tpu.memory_space<vmem>>[vector<16xi32>], vector<16xf32>,
          %mul3A_453 = arith.mulf %gather3A_450, %gather3A_452 : vector<16xf32>
          %add3A_454 = arith.addf %add3A_430, %mul3A_453 : vector<16xf32>
          %mul3A_455 = arith.constant 25 : i32
          %mul3A_456 = arith.muli %scan3A_117, %mul3A_455 : i32
          %add3A_457 = arith.constant 14 : i32
          %add3A_458 = arith.addi %mul3A_456, %add3A_457 : i32
          %mul3A_459 = arith.constant 16 : i32
          %mul3A_460 = arith.muli %add3A_458, %mul3A_459 : i32
          %get3A_461 = arith.constant 0 : i32
          %get3A_462 = arith.index_cast %get3A_461 : i32 to index
          %get3A_463 = arith.index_cast %mul3A_460 : i32 to index
          %get3A_464 = tpu.vector_load %arg8[%get3A_462, %get3A_463] {strides = array<i32>} : memref<3x2000xi32, #tpu.memory_space<vmem>>, vector<16xi32>,
          %get3A_465 = arith.constant 0 : i32
          %get3A_466 = arith.index_cast %get3A_465 : i32 to index
          %get3A_467 = arith.index_cast %mul3A_460 : i32 to index
          %get3A_468 = tpu.vector_load %arg7[%get3A_466, %get3A_467] {strides = array<i32>} : memref<3x2000xi32, #tpu.memory_space<vmem>>, vector<16xi32>,
          %gather3A_469 = tpu.vector_load_idx %arg9[%get3A_464] : memref<20000xf32, #tpu.memory_space<vmem>>[vector<16xi32>], vector<16xf32>,
          %gather3A_470 = tpu.vector_load_idx %arg10[%get3A_468] : memref<20000xf32, #tpu.memory_space<vmem>>[vector<16xi32>], vector<16xf32>,
          %mul3A_471 = arith.mulf %gather3A_469, %gather3A_470 : vector<16xf32>
          %add3A_472 = arith.addf %add3A_448, %mul3A_471 : vector<16xf32>
          %add3A_473 = arith.addi %get3A_464, %broadcast_in_dim3A_51 : vector<16xi32>
          %gather3A_474 = tpu.vector_load_idx %arg9[%add3A_473] : memref<20000xf32, #tpu.memory_space<vmem>>[vector<16xi32>], vector<16xf32>,
          %add3A_475 = arith.addi %get3A_468, %broadcast_in_dim3A_51 : vector<16xi32>
          %gather3A_476 = tpu.vector_load_idx %arg10[%add3A_475] : memref<20000xf32, #tpu.memory_space<vmem>>[vector<16xi32>], vector<16xf32>,
          %mul3A_477 = arith.mulf %gather3A_474, %gather3A_476 : vector<16xf32>
          %add3A_478 = arith.addf %add3A_454, %mul3A_477 : vector<16xf32>
          %mul3A_479 = arith.constant 25 : i32
          %mul3A_480 = arith.muli %scan3A_117, %mul3A_479 : i32
          %add3A_481 = arith.constant 15 : i32
          %add3A_482 = arith.addi %mul3A_480, %add3A_481 : i32
          %mul3A_483 = arith.constant 16 : i32
          %mul3A_484 = arith.muli %add3A_482, %mul3A_483 : i32
          %get3A_485 = arith.constant 0 : i32
          %get3A_486 = arith.index_cast %get3A_485 : i32 to index
          %get3A_487 = arith.index_cast %mul3A_484 : i32 to index
          %get3A_488 = tpu.vector_load %arg8[%get3A_486, %get3A_487] {strides = array<i32>} : memref<3x2000xi32, #tpu.memory_space<vmem>>, vector<16xi32>,
          %get3A_489 = arith.constant 0 : i32
          %get3A_490 = arith.index_cast %get3A_489 : i32 to index
          %get3A_491 = arith.index_cast %mul3A_484 : i32 to index
          %get3A_492 = tpu.vector_load %arg7[%get3A_490, %get3A_491] {strides = array<i32>} : memref<3x2000xi32, #tpu.memory_space<vmem>>, vector<16xi32>,
          %gather3A_493 = tpu.vector_load_idx %arg9[%get3A_488] : memref<20000xf32, #tpu.memory_space<vmem>>[vector<16xi32>], vector<16xf32>,
          %gather3A_494 = tpu.vector_load_idx %arg10[%get3A_492] : memref<20000xf32, #tpu.memory_space<vmem>>[vector<16xi32>], vector<16xf32>,
          %mul3A_495 = arith.mulf %gather3A_493, %gather3A_494 : vector<16xf32>
          %add3A_496 = arith.addf %add3A_472, %mul3A_495 : vector<16xf32>
          %add3A_497 = arith.addi %get3A_488, %broadcast_in_dim3A_51 : vector<16xi32>
          %gather3A_498 = tpu.vector_load_idx %arg9[%add3A_497] : memref<20000xf32, #tpu.memory_space<vmem>>[vector<16xi32>], vector<16xf32>,
          %add3A_499 = arith.addi %get3A_492, %broadcast_in_dim3A_51 : vector<16xi32>
          %gather3A_500 = tpu.vector_load_idx %arg10[%add3A_499] : memref<20000xf32, #tpu.memory_space<vmem>>[vector<16xi32>], vector<16xf32>,
          %mul3A_501 = arith.mulf %gather3A_498, %gather3A_500 : vector<16xf32>
          %add3A_502 = arith.addf %add3A_478, %mul3A_501 : vector<16xf32>
          %mul3A_503 = arith.constant 25 : i32
          %mul3A_504 = arith.muli %scan3A_117, %mul3A_503 : i32
          %add3A_505 = arith.constant 16 : i32
          %add3A_506 = arith.addi %mul3A_504, %add3A_505 : i32
          %mul3A_507 = arith.constant 16 : i32
          %mul3A_508 = arith.muli %add3A_506, %mul3A_507 : i32
          %get3A_509 = arith.constant 0 : i32
          %get3A_510 = arith.index_cast %get3A_509 : i32 to index
          %get3A_511 = arith.index_cast %mul3A_508 : i32 to index
          %get3A_512 = tpu.vector_load %arg8[%get3A_510, %get3A_511] {strides = array<i32>} : memref<3x2000xi32, #tpu.memory_space<vmem>>, vector<16xi32>,
          %get3A_513 = arith.constant 0 : i32
          %get3A_514 = arith.index_cast %get3A_513 : i32 to index
          %get3A_515 = arith.index_cast %mul3A_508 : i32 to index
          %get3A_516 = tpu.vector_load %arg7[%get3A_514, %get3A_515] {strides = array<i32>} : memref<3x2000xi32, #tpu.memory_space<vmem>>, vector<16xi32>,
          %gather3A_517 = tpu.vector_load_idx %arg9[%get3A_512] : memref<20000xf32, #tpu.memory_space<vmem>>[vector<16xi32>], vector<16xf32>,
          %gather3A_518 = tpu.vector_load_idx %arg10[%get3A_516] : memref<20000xf32, #tpu.memory_space<vmem>>[vector<16xi32>], vector<16xf32>,
          %mul3A_519 = arith.mulf %gather3A_517, %gather3A_518 : vector<16xf32>
          %add3A_520 = arith.addf %add3A_496, %mul3A_519 : vector<16xf32>
          %add3A_521 = arith.addi %get3A_512, %broadcast_in_dim3A_51 : vector<16xi32>
          %gather3A_522 = tpu.vector_load_idx %arg9[%add3A_521] : memref<20000xf32, #tpu.memory_space<vmem>>[vector<16xi32>], vector<16xf32>,
          %add3A_523 = arith.addi %get3A_516, %broadcast_in_dim3A_51 : vector<16xi32>
          %gather3A_524 = tpu.vector_load_idx %arg10[%add3A_523] : memref<20000xf32, #tpu.memory_space<vmem>>[vector<16xi32>], vector<16xf32>,
          %mul3A_525 = arith.mulf %gather3A_522, %gather3A_524 : vector<16xf32>
          %add3A_526 = arith.addf %add3A_502, %mul3A_525 : vector<16xf32>
          %mul3A_527 = arith.constant 25 : i32
          %mul3A_528 = arith.muli %scan3A_117, %mul3A_527 : i32
          %add3A_529 = arith.constant 17 : i32
          %add3A_530 = arith.addi %mul3A_528, %add3A_529 : i32
          %mul3A_531 = arith.constant 16 : i32
          %mul3A_532 = arith.muli %add3A_530, %mul3A_531 : i32
          %get3A_533 = arith.constant 0 : i32
          %get3A_534 = arith.index_cast %get3A_533 : i32 to index
          %get3A_535 = arith.index_cast %mul3A_532 : i32 to index
          %get3A_536 = tpu.vector_load %arg8[%get3A_534, %get3A_535] {strides = array<i32>} : memref<3x2000xi32, #tpu.memory_space<vmem>>, vector<16xi32>,
          %get3A_537 = arith.constant 0 : i32
          %get3A_538 = arith.index_cast %get3A_537 : i32 to index
          %get3A_539 = arith.index_cast %mul3A_532 : i32 to index
          %get3A_540 = tpu.vector_load %arg7[%get3A_538, %get3A_539] {strides = array<i32>} : memref<3x2000xi32, #tpu.memory_space<vmem>>, vector<16xi32>,
          %gather3A_541 = tpu.vector_load_idx %arg9[%get3A_536] : memref<20000xf32, #tpu.memory_space<vmem>>[vector<16xi32>], vector<16xf32>,
          %gather3A_542 = tpu.vector_load_idx %arg10[%get3A_540] : memref<20000xf32, #tpu.memory_space<vmem>>[vector<16xi32>], vector<16xf32>,
          %mul3A_543 = arith.mulf %gather3A_541, %gather3A_542 : vector<16xf32>
          %add3A_544 = arith.addf %add3A_520, %mul3A_543 : vector<16xf32>
          %add3A_545 = arith.addi %get3A_536, %broadcast_in_dim3A_51 : vector<16xi32>
          %gather3A_546 = tpu.vector_load_idx %arg9[%add3A_545] : memref<20000xf32, #tpu.memory_space<vmem>>[vector<16xi32>], vector<16xf32>,
          %add3A_547 = arith.addi %get3A_540, %broadcast_in_dim3A_51 : vector<16xi32>
          %gather3A_548 = tpu.vector_load_idx %arg10[%add3A_547] : memref<20000xf32, #tpu.memory_space<vmem>>[vector<16xi32>], vector<16xf32>,
          %mul3A_549 = arith.mulf %gather3A_546, %gather3A_548 : vector<16xf32>
          %add3A_550 = arith.addf %add3A_526, %mul3A_549 : vector<16xf32>
          %mul3A_551 = arith.constant 25 : i32
          %mul3A_552 = arith.muli %scan3A_117, %mul3A_551 : i32
          %add3A_553 = arith.constant 18 : i32
          %add3A_554 = arith.addi %mul3A_552, %add3A_553 : i32
          %mul3A_555 = arith.constant 16 : i32
          %mul3A_556 = arith.muli %add3A_554, %mul3A_555 : i32
          %get3A_557 = arith.constant 0 : i32
          %get3A_558 = arith.index_cast %get3A_557 : i32 to index
          %get3A_559 = arith.index_cast %mul3A_556 : i32 to index
          %get3A_560 = tpu.vector_load %arg8[%get3A_558, %get3A_559] {strides = array<i32>} : memref<3x2000xi32, #tpu.memory_space<vmem>>, vector<16xi32>,
          %get3A_561 = arith.constant 0 : i32
          %get3A_562 = arith.index_cast %get3A_561 : i32 to index
          %get3A_563 = arith.index_cast %mul3A_556 : i32 to index
          %get3A_564 = tpu.vector_load %arg7[%get3A_562, %get3A_563] {strides = array<i32>} : memref<3x2000xi32, #tpu.memory_space<vmem>>, vector<16xi32>,
          %gather3A_565 = tpu.vector_load_idx %arg9[%get3A_560] : memref<20000xf32, #tpu.memory_space<vmem>>[vector<16xi32>], vector<16xf32>,
          %gather3A_566 = tpu.vector_load_idx %arg10[%get3A_564] : memref<20000xf32, #tpu.memory_space<vmem>>[vector<16xi32>], vector<16xf32>,
          %mul3A_567 = arith.mulf %gather3A_565, %gather3A_566 : vector<16xf32>
          %add3A_568 = arith.addf %add3A_544, %mul3A_567 : vector<16xf32>
          %add3A_569 = arith.addi %get3A_560, %broadcast_in_dim3A_51 : vector<16xi32>
          %gather3A_570 = tpu.vector_load_idx %arg9[%add3A_569] : memref<20000xf32, #tpu.memory_space<vmem>>[vector<16xi32>], vector<16xf32>,
          %add3A_571 = arith.addi %get3A_564, %broadcast_in_dim3A_51 : vector<16xi32>
          %gather3A_572 = tpu.vector_load_idx %arg10[%add3A_571] : memref<20000xf32, #tpu.memory_space<vmem>>[vector<16xi32>], vector<16xf32>,
          %mul3A_573 = arith.mulf %gather3A_570, %gather3A_572 : vector<16xf32>
          %add3A_574 = arith.addf %add3A_550, %mul3A_573 : vector<16xf32>
          %mul3A_575 = arith.constant 25 : i32
          %mul3A_576 = arith.muli %scan3A_117, %mul3A_575 : i32
          %add3A_577 = arith.constant 19 : i32
          %add3A_578 = arith.addi %mul3A_576, %add3A_577 : i32
          %mul3A_579 = arith.constant 16 : i32
          %mul3A_580 = arith.muli %add3A_578, %mul3A_579 : i32
          %get3A_581 = arith.constant 0 : i32
          %get3A_582 = arith.index_cast %get3A_581 : i32 to index
          %get3A_583 = arith.index_cast %mul3A_580 : i32 to index
          %get3A_584 = tpu.vector_load %arg8[%get3A_582, %get3A_583] {strides = array<i32>} : memref<3x2000xi32, #tpu.memory_space<vmem>>, vector<16xi32>,
          %get3A_585 = arith.constant 0 : i32
          %get3A_586 = arith.index_cast %get3A_585 : i32 to index
          %get3A_587 = arith.index_cast %mul3A_580 : i32 to index
          %get3A_588 = tpu.vector_load %arg7[%get3A_586, %get3A_587] {strides = array<i32>} : memref<3x2000xi32, #tpu.memory_space<vmem>>, vector<16xi32>,
          %gather3A_589 = tpu.vector_load_idx %arg9[%get3A_584] : memref<20000xf32, #tpu.memory_space<vmem>>[vector<16xi32>], vector<16xf32>,
          %gather3A_590 = tpu.vector_load_idx %arg10[%get3A_588] : memref<20000xf32, #tpu.memory_space<vmem>>[vector<16xi32>], vector<16xf32>,
          %mul3A_591 = arith.mulf %gather3A_589, %gather3A_590 : vector<16xf32>
          %add3A_592 = arith.addf %add3A_568, %mul3A_591 : vector<16xf32>
          %add3A_593 = arith.addi %get3A_584, %broadcast_in_dim3A_51 : vector<16xi32>
          %gather3A_594 = tpu.vector_load_idx %arg9[%add3A_593] : memref<20000xf32, #tpu.memory_space<vmem>>[vector<16xi32>], vector<16xf32>,
          %add3A_595 = arith.addi %get3A_588, %broadcast_in_dim3A_51 : vector<16xi32>
          %gather3A_596 = tpu.vector_load_idx %arg10[%add3A_595] : memref<20000xf32, #tpu.memory_space<vmem>>[vector<16xi32>], vector<16xf32>,
          %mul3A_597 = arith.mulf %gather3A_594, %gather3A_596 : vector<16xf32>
          %add3A_598 = arith.addf %add3A_574, %mul3A_597 : vector<16xf32>
          %mul3A_599 = arith.constant 25 : i32
          %mul3A_600 = arith.muli %scan3A_117, %mul3A_599 : i32
          %add3A_601 = arith.constant 20 : i32
          %add3A_602 = arith.addi %mul3A_600, %add3A_601 : i32
          %mul3A_603 = arith.constant 16 : i32
          %mul3A_604 = arith.muli %add3A_602, %mul3A_603 : i32
          %get3A_605 = arith.constant 0 : i32
          %get3A_606 = arith.index_cast %get3A_605 : i32 to index
          %get3A_607 = arith.index_cast %mul3A_604 : i32 to index
          %get3A_608 = tpu.vector_load %arg8[%get3A_606, %get3A_607] {strides = array<i32>} : memref<3x2000xi32, #tpu.memory_space<vmem>>, vector<16xi32>,
          %get3A_609 = arith.constant 0 : i32
          %get3A_610 = arith.index_cast %get3A_609 : i32 to index
          %get3A_611 = arith.index_cast %mul3A_604 : i32 to index
          %get3A_612 = tpu.vector_load %arg7[%get3A_610, %get3A_611] {strides = array<i32>} : memref<3x2000xi32, #tpu.memory_space<vmem>>, vector<16xi32>,
          %gather3A_613 = tpu.vector_load_idx %arg9[%get3A_608] : memref<20000xf32, #tpu.memory_space<vmem>>[vector<16xi32>], vector<16xf32>,
          %gather3A_614 = tpu.vector_load_idx %arg10[%get3A_612] : memref<20000xf32, #tpu.memory_space<vmem>>[vector<16xi32>], vector<16xf32>,
          %mul3A_615 = arith.mulf %gather3A_613, %gather3A_614 : vector<16xf32>
          %add3A_616 = arith.addf %add3A_592, %mul3A_615 : vector<16xf32>
          %add3A_617 = arith.addi %get3A_608, %broadcast_in_dim3A_51 : vector<16xi32>
          %gather3A_618 = tpu.vector_load_idx %arg9[%add3A_617] : memref<20000xf32, #tpu.memory_space<vmem>>[vector<16xi32>], vector<16xf32>,
          %add3A_619 = arith.addi %get3A_612, %broadcast_in_dim3A_51 : vector<16xi32>
          %gather3A_620 = tpu.vector_load_idx %arg10[%add3A_619] : memref<20000xf32, #tpu.memory_space<vmem>>[vector<16xi32>], vector<16xf32>,
          %mul3A_621 = arith.mulf %gather3A_618, %gather3A_620 : vector<16xf32>
          %add3A_622 = arith.addf %add3A_598, %mul3A_621 : vector<16xf32>
          %mul3A_623 = arith.constant 25 : i32
          %mul3A_624 = arith.muli %scan3A_117, %mul3A_623 : i32
          %add3A_625 = arith.constant 21 : i32
          %add3A_626 = arith.addi %mul3A_624, %add3A_625 : i32
          %mul3A_627 = arith.constant 16 : i32
          %mul3A_628 = arith.muli %add3A_626, %mul3A_627 : i32
          %get3A_629 = arith.constant 0 : i32
          %get3A_630 = arith.index_cast %get3A_629 : i32 to index
          %get3A_631 = arith.index_cast %mul3A_628 : i32 to index
          %get3A_632 = tpu.vector_load %arg8[%get3A_630, %get3A_631] {strides = array<i32>} : memref<3x2000xi32, #tpu.memory_space<vmem>>, vector<16xi32>,
          %get3A_633 = arith.constant 0 : i32
          %get3A_634 = arith.index_cast %get3A_633 : i32 to index
          %get3A_635 = arith.index_cast %mul3A_628 : i32 to index
          %get3A_636 = tpu.vector_load %arg7[%get3A_634, %get3A_635] {strides = array<i32>} : memref<3x2000xi32, #tpu.memory_space<vmem>>, vector<16xi32>,
          %gather3A_637 = tpu.vector_load_idx %arg9[%get3A_632] : memref<20000xf32, #tpu.memory_space<vmem>>[vector<16xi32>], vector<16xf32>,
          %gather3A_638 = tpu.vector_load_idx %arg10[%get3A_636] : memref<20000xf32, #tpu.memory_space<vmem>>[vector<16xi32>], vector<16xf32>,
          %mul3A_639 = arith.mulf %gather3A_637, %gather3A_638 : vector<16xf32>
          %add3A_640 = arith.addf %add3A_616, %mul3A_639 : vector<16xf32>
          %add3A_641 = arith.addi %get3A_632, %broadcast_in_dim3A_51 : vector<16xi32>
          %gather3A_642 = tpu.vector_load_idx %arg9[%add3A_641] : memref<20000xf32, #tpu.memory_space<vmem>>[vector<16xi32>], vector<16xf32>,
          %add3A_643 = arith.addi %get3A_636, %broadcast_in_dim3A_51 : vector<16xi32>
          %gather3A_644 = tpu.vector_load_idx %arg10[%add3A_643] : memref<20000xf32, #tpu.memory_space<vmem>>[vector<16xi32>], vector<16xf32>,
          %mul3A_645 = arith.mulf %gather3A_642, %gather3A_644 : vector<16xf32>
          %add3A_646 = arith.addf %add3A_622, %mul3A_645 : vector<16xf32>
          %mul3A_647 = arith.constant 25 : i32
          %mul3A_648 = arith.muli %scan3A_117, %mul3A_647 : i32
          %add3A_649 = arith.constant 22 : i32
          %add3A_650 = arith.addi %mul3A_648, %add3A_649 : i32
          %mul3A_651 = arith.constant 16 : i32
          %mul3A_652 = arith.muli %add3A_650, %mul3A_651 : i32
          %get3A_653 = arith.constant 0 : i32
          %get3A_654 = arith.index_cast %get3A_653 : i32 to index
          %get3A_655 = arith.index_cast %mul3A_652 : i32 to index
          %get3A_656 = tpu.vector_load %arg8[%get3A_654, %get3A_655] {strides = array<i32>} : memref<3x2000xi32, #tpu.memory_space<vmem>>, vector<16xi32>,
          %get3A_657 = arith.constant 0 : i32
          %get3A_658 = arith.index_cast %get3A_657 : i32 to index
          %get3A_659 = arith.index_cast %mul3A_652 : i32 to index
          %get3A_660 = tpu.vector_load %arg7[%get3A_658, %get3A_659] {strides = array<i32>} : memref<3x2000xi32, #tpu.memory_space<vmem>>, vector<16xi32>,
          %gather3A_661 = tpu.vector_load_idx %arg9[%get3A_656] : memref<20000xf32, #tpu.memory_space<vmem>>[vector<16xi32>], vector<16xf32>,
          %gather3A_662 = tpu.vector_load_idx %arg10[%get3A_660] : memref<20000xf32, #tpu.memory_space<vmem>>[vector<16xi32>], vector<16xf32>,
          %mul3A_663 = arith.mulf %gather3A_661, %gather3A_662 : vector<16xf32>
          %add3A_664 = arith.addf %add3A_640, %mul3A_663 : vector<16xf32>
          %add3A_665 = arith.addi %get3A_656, %broadcast_in_dim3A_51 : vector<16xi32>
          %gather3A_666 = tpu.vector_load_idx %arg9[%add3A_665] : memref<20000xf32, #tpu.memory_space<vmem>>[vector<16xi32>], vector<16xf32>,
          %add3A_667 = arith.addi %get3A_660, %broadcast_in_dim3A_51 : vector<16xi32>
          %gather3A_668 = tpu.vector_load_idx %arg10[%add3A_667] : memref<20000xf32, #tpu.memory_space<vmem>>[vector<16xi32>], vector<16xf32>,
          %mul3A_669 = arith.mulf %gather3A_666, %gather3A_668 : vector<16xf32>
          %add3A_670 = arith.addf %add3A_646, %mul3A_669 : vector<16xf32>
          %mul3A_671 = arith.constant 25 : i32
          %mul3A_672 = arith.muli %scan3A_117, %mul3A_671 : i32
          %add3A_673 = arith.constant 23 : i32
          %add3A_674 = arith.addi %mul3A_672, %add3A_673 : i32
          %mul3A_675 = arith.constant 16 : i32
          %mul3A_676 = arith.muli %add3A_674, %mul3A_675 : i32
          %get3A_677 = arith.constant 0 : i32
          %get3A_678 = arith.index_cast %get3A_677 : i32 to index
          %get3A_679 = arith.index_cast %mul3A_676 : i32 to index
          %get3A_680 = tpu.vector_load %arg8[%get3A_678, %get3A_679] {strides = array<i32>} : memref<3x2000xi32, #tpu.memory_space<vmem>>, vector<16xi32>,
          %get3A_681 = arith.constant 0 : i32
          %get3A_682 = arith.index_cast %get3A_681 : i32 to index
          %get3A_683 = arith.index_cast %mul3A_676 : i32 to index
          %get3A_684 = tpu.vector_load %arg7[%get3A_682, %get3A_683] {strides = array<i32>} : memref<3x2000xi32, #tpu.memory_space<vmem>>, vector<16xi32>,
          %gather3A_685 = tpu.vector_load_idx %arg9[%get3A_680] : memref<20000xf32, #tpu.memory_space<vmem>>[vector<16xi32>], vector<16xf32>,
          %gather3A_686 = tpu.vector_load_idx %arg10[%get3A_684] : memref<20000xf32, #tpu.memory_space<vmem>>[vector<16xi32>], vector<16xf32>,
          %mul3A_687 = arith.mulf %gather3A_685, %gather3A_686 : vector<16xf32>
          %add3A_688 = arith.addf %add3A_664, %mul3A_687 : vector<16xf32>
          %add3A_689 = arith.addi %get3A_680, %broadcast_in_dim3A_51 : vector<16xi32>
          %gather3A_690 = tpu.vector_load_idx %arg9[%add3A_689] : memref<20000xf32, #tpu.memory_space<vmem>>[vector<16xi32>], vector<16xf32>,
          %add3A_691 = arith.addi %get3A_684, %broadcast_in_dim3A_51 : vector<16xi32>
          %gather3A_692 = tpu.vector_load_idx %arg10[%add3A_691] : memref<20000xf32, #tpu.memory_space<vmem>>[vector<16xi32>], vector<16xf32>,
          %mul3A_693 = arith.mulf %gather3A_690, %gather3A_692 : vector<16xf32>
          %add3A_694 = arith.addf %add3A_670, %mul3A_693 : vector<16xf32>
          %mul3A_695 = arith.constant 25 : i32
          %mul3A_696 = arith.muli %scan3A_117, %mul3A_695 : i32
          %add3A_697 = arith.constant 24 : i32
          %add3A_698 = arith.addi %mul3A_696, %add3A_697 : i32
          %mul3A_699 = arith.constant 16 : i32
          %mul3A_700 = arith.muli %add3A_698, %mul3A_699 : i32
          %get3A_701 = arith.constant 0 : i32
          %get3A_702 = arith.index_cast %get3A_701 : i32 to index
          %get3A_703 = arith.index_cast %mul3A_700 : i32 to index
          %get3A_704 = tpu.vector_load %arg8[%get3A_702, %get3A_703] {strides = array<i32>} : memref<3x2000xi32, #tpu.memory_space<vmem>>, vector<16xi32>,
          %get3A_705 = arith.constant 0 : i32
          %get3A_706 = arith.index_cast %get3A_705 : i32 to index
          %get3A_707 = arith.index_cast %mul3A_700 : i32 to index
          %get3A_708 = tpu.vector_load %arg7[%get3A_706, %get3A_707] {strides = array<i32>} : memref<3x2000xi32, #tpu.memory_space<vmem>>, vector<16xi32>,
          %gather3A_709 = tpu.vector_load_idx %arg9[%get3A_704] : memref<20000xf32, #tpu.memory_space<vmem>>[vector<16xi32>], vector<16xf32>,
          %gather3A_710 = tpu.vector_load_idx %arg10[%get3A_708] : memref<20000xf32, #tpu.memory_space<vmem>>[vector<16xi32>], vector<16xf32>,
          %mul3A_711 = arith.mulf %gather3A_709, %gather3A_710 : vector<16xf32>
          %add3A_712 = arith.addf %add3A_688, %mul3A_711 : vector<16xf32>
          %add3A_713 = arith.addi %get3A_704, %broadcast_in_dim3A_51 : vector<16xi32>
          %gather3A_714 = tpu.vector_load_idx %arg9[%add3A_713] : memref<20000xf32, #tpu.memory_space<vmem>>[vector<16xi32>], vector<16xf32>,
          %add3A_715 = arith.addi %get3A_708, %broadcast_in_dim3A_51 : vector<16xi32>
          %gather3A_716 = tpu.vector_load_idx %arg10[%add3A_715] : memref<20000xf32, #tpu.memory_space<vmem>>[vector<16xi32>], vector<16xf32>,
          %mul3A_717 = arith.mulf %gather3A_714, %gather3A_716 : vector<16xf32>
          %add3A_718 = arith.addf %add3A_694, %mul3A_717 : vector<16xf32>
          scf.yield %add3A_712, %add3A_718 : vector<16xf32>, vector<16xf32>
        }
        %scan3A_107 = arith.constant 5 : i32
        %get3A = arith.constant 0 : index
        %get3A_108 = tpu.vector_load %arg11[%get3A] {strides = array<i32>} : memref<32xf32, #tpu.memory_space<vmem>>, vector<16xf32>,
        %add3A_109 = arith.addf %get3A_108, %scan3A_106#0 : vector<16xf32>
        %swap3A_110 = arith.constant 0 : index
        %swap3A_111 = tpu.vector_load %arg11[%swap3A_110] {strides = array<i32>} : memref<32xf32, #tpu.memory_space<vmem>>, vector<16xf32>,
        tpu.vector_store %arg11[%swap3A_110], %add3A_109 {strides = array<i32>} : memref<32xf32, #tpu.memory_space<vmem>>, vector<16xf32>,
        %get3A_112 = arith.constant 16 : index
        %get3A_113 = tpu.vector_load %arg11[%get3A_112] {strides = array<i32>} : memref<32xf32, #tpu.memory_space<vmem>>, vector<16xf32>,
        %add3A_114 = arith.addf %get3A_113, %scan3A_106#1 : vector<16xf32>
        %swap3A_115 = arith.constant 16 : index
        %swap3A_116 = tpu.vector_load %arg11[%swap3A_115] {strides = array<i32>} : memref<32xf32, #tpu.memory_space<vmem>>, vector<16xf32>,
        tpu.vector_store %arg11[%swap3A_115], %add3A_114 {strides = array<i32>} : memref<32xf32, #tpu.memory_space<vmem>>, vector<16xf32>,
      } else {
      }
      %eq3A_63 = arith.constant 1 : i32
      %eq3A_64 = arith.cmpi eq, %rem3A_60, %eq3A_63 : i32
      %convert_element_type3A_65 = arith.extui %eq3A_64 : i1 to i32
      %cond3A_66 = arith.constant 0 : i32
      %cond3A_67 = arith.cmpi ne, %convert_element_type3A_65, %cond3A_66 : i32
      scf.if %cond3A_67 {
        %mul3A_74 = arith.constant 2000 : i32
        %mul3A_75 = arith.muli %scan3A_58, %mul3A_74 : i32
        %dma_wait3A = arith.constant 1 : i32
        %dma_wait3A_76 = arith.constant 0 : i32
        %dma_wait3A_77 = tpu.memref_slice %arg7[%dma_wait3A, %dma_wait3A_76] : memref<3x2000xi32, #tpu.memory_space<vmem>> -> memref<1x2000xi32, #tpu.memory_space<vmem>>
        %dma_wait3A_78 = tpu.memref_squeeze %dma_wait3A_77 : memref<1x2000xi32, #tpu.memory_space<vmem>> -> memref<2000xi32, #tpu.memory_space<vmem>>
        %dma_wait3A_79 = tpu.memref_slice %arg2[%mul3A_75] : memref<320000xi32, #tpu.memory_space<hbm>> -> memref<2000xi32, #tpu.memory_space<hbm>>
        %dma_wait3A_80 = arith.constant 0 : i32
        %dma_wait3A_81 = tpu.memref_slice %arg7[%dma_wait3A, %dma_wait3A_80] : memref<3x2000xi32, #tpu.memory_space<vmem>> -> memref<1x2000xi32, #tpu.memory_space<vmem>>
        %dma_wait3A_82 = tpu.memref_squeeze %dma_wait3A_81 : memref<1x2000xi32, #tpu.memory_space<vmem>> -> memref<2000xi32, #tpu.memory_space<vmem>>
        %dma_wait3A_83 = tpu.memref_slice %arg2[%mul3A_75] : memref<320000xi32, #tpu.memory_space<hbm>> -> memref<2000xi32, #tpu.memory_space<hbm>>
        tpu.wait_dma2 semaphore(%arg13 : memref<!tpu.dma_semaphore, #tpu.memory_space<semaphore_mem>>) src(%dma_wait3A_83 : memref<2000xi32, #tpu.memory_space<hbm>>) dst(%dma_wait3A_82 : memref<2000xi32, #tpu.memory_space<vmem>>)
        %dma_wait3A_84 = arith.constant 1 : i32
        %dma_wait3A_85 = arith.constant 0 : i32
        %dma_wait3A_86 = tpu.memref_slice %arg8[%dma_wait3A_84, %dma_wait3A_85] : memref<3x2000xi32, #tpu.memory_space<vmem>> -> memref<1x2000xi32, #tpu.memory_space<vmem>>
        %dma_wait3A_87 = tpu.memref_squeeze %dma_wait3A_86 : memref<1x2000xi32, #tpu.memory_space<vmem>> -> memref<2000xi32, #tpu.memory_space<vmem>>
        %dma_wait3A_88 = tpu.memref_slice %arg3[%mul3A_75] : memref<320000xi32, #tpu.memory_space<hbm>> -> memref<2000xi32, #tpu.memory_space<hbm>>
        %dma_wait3A_89 = arith.constant 0 : i32
        %dma_wait3A_90 = tpu.memref_slice %arg8[%dma_wait3A_84, %dma_wait3A_89] : memref<3x2000xi32, #tpu.memory_space<vmem>> -> memref<1x2000xi32, #tpu.memory_space<vmem>>
        %dma_wait3A_91 = tpu.memref_squeeze %dma_wait3A_90 : memref<1x2000xi32, #tpu.memory_space<vmem>> -> memref<2000xi32, #tpu.memory_space<vmem>>
        %dma_wait3A_92 = tpu.memref_slice %arg3[%mul3A_75] : memref<320000xi32, #tpu.memory_space<hbm>> -> memref<2000xi32, #tpu.memory_space<hbm>>
        tpu.wait_dma2 semaphore(%arg13 : memref<!tpu.dma_semaphore, #tpu.memory_space<semaphore_mem>>) src(%dma_wait3A_92 : memref<2000xi32, #tpu.memory_space<hbm>>) dst(%dma_wait3A_91 : memref<2000xi32, #tpu.memory_space<vmem>>)
        %add3A_93 = arith.constant 3 : i32
        %add3A_94 = arith.addi %scan3A_58, %add3A_93 : i32
        %sub3A = arith.constant 1 : i32
        %sub3A_95 = arith.subi %add3A_94, %sub3A : i32
        %lt3A = arith.constant 160 : i32
        %lt3A_96 = arith.cmpi slt, %sub3A_95, %lt3A : i32
        %convert_element_type3A_97 = arith.extui %lt3A_96 : i1 to i32
        %cond3A_98 = arith.constant 0 : i32
        %cond3A_99 = arith.cmpi ne, %convert_element_type3A_97, %cond3A_98 : i32
        scf.if %cond3A_99 {
          %add3A_117 = arith.constant 3 : i32
          %add3A_118 = arith.addi %scan3A_58, %add3A_117 : i32
          %sub3A_119 = arith.constant 1 : i32
          %sub3A_120 = arith.subi %add3A_118, %sub3A_119 : i32
          %mul3A_121 = arith.constant 2000 : i32
          %mul3A_122 = arith.muli %sub3A_120, %mul3A_121 : i32
          %dma_start3A_123 = arith.constant 0 : i32
          %dma_start3A_124 = arith.constant 0 : i32
          %dma_start3A_125 = tpu.memref_slice %arg7[%dma_start3A_123, %dma_start3A_124] : memref<3x2000xi32, #tpu.memory_space<vmem>> -> memref<1x2000xi32, #tpu.memory_space<vmem>>
          %dma_start3A_126 = tpu.memref_squeeze %dma_start3A_125 : memref<1x2000xi32, #tpu.memory_space<vmem>> -> memref<2000xi32, #tpu.memory_space<vmem>>
          %dma_start3A_127 = tpu.memref_slice %arg2[%mul3A_122] : memref<320000xi32, #tpu.memory_space<hbm>> -> memref<2000xi32, #tpu.memory_space<hbm>>
          %dma_start3A_128 = arith.constant 0 : i32
          %dma_start3A_129 = tpu.memref_slice %arg7[%dma_start3A_123, %dma_start3A_128] : memref<3x2000xi32, #tpu.memory_space<vmem>> -> memref<1x2000xi32, #tpu.memory_space<vmem>>
          %dma_start3A_130 = tpu.memref_squeeze %dma_start3A_129 : memref<1x2000xi32, #tpu.memory_space<vmem>> -> memref<2000xi32, #tpu.memory_space<vmem>>
          %dma_start3A_131 = tpu.memref_slice %arg2[%mul3A_122] : memref<320000xi32, #tpu.memory_space<hbm>> -> memref<2000xi32, #tpu.memory_space<hbm>>
          tpu.enqueue_dma source(%dma_start3A_131 : memref<2000xi32, #tpu.memory_space<hbm>>) target(%dma_start3A_130 : memref<2000xi32, #tpu.memory_space<vmem>>) target_semaphore(%arg12 : memref<!tpu.dma_semaphore, #tpu.memory_space<semaphore_mem>>)
          %dma_start3A_132 = arith.constant 0 : i32
          %dma_start3A_133 = arith.constant 0 : i32
          %dma_start3A_134 = tpu.memref_slice %arg8[%dma_start3A_132, %dma_start3A_133] : memref<3x2000xi32, #tpu.memory_space<vmem>> -> memref<1x2000xi32, #tpu.memory_space<vmem>>
          %dma_start3A_135 = tpu.memref_squeeze %dma_start3A_134 : memref<1x2000xi32, #tpu.memory_space<vmem>> -> memref<2000xi32, #tpu.memory_space<vmem>>
          %dma_start3A_136 = tpu.memref_slice %arg3[%mul3A_122] : memref<320000xi32, #tpu.memory_space<hbm>> -> memref<2000xi32, #tpu.memory_space<hbm>>
          %dma_start3A_137 = arith.constant 0 : i32
          %dma_start3A_138 = tpu.memref_slice %arg8[%dma_start3A_132, %dma_start3A_137] : memref<3x2000xi32, #tpu.memory_space<vmem>> -> memref<1x2000xi32, #tpu.memory_space<vmem>>
          %dma_start3A_139 = tpu.memref_squeeze %dma_start3A_138 : memref<1x2000xi32, #tpu.memory_space<vmem>> -> memref<2000xi32, #tpu.memory_space<vmem>>
          %dma_start3A_140 = tpu.memref_slice %arg3[%mul3A_122] : memref<320000xi32, #tpu.memory_space<hbm>> -> memref<2000xi32, #tpu.memory_space<hbm>>
          tpu.enqueue_dma source(%dma_start3A_140 : memref<2000xi32, #tpu.memory_space<hbm>>) target(%dma_start3A_139 : memref<2000xi32, #tpu.memory_space<vmem>>) target_semaphore(%arg12 : memref<!tpu.dma_semaphore, #tpu.memory_space<semaphore_mem>>)
        } else {
        }
        %broadcast_in_dim3A_100 = arith.constant 0.000000e+00 : f32
        %broadcast_in_dim3A_101 = vector.broadcast %broadcast_in_dim3A_100 : f32 to vector<16xf32>
        %scan3A_102 = arith.constant 0 : i32
        %scan3A_103 = arith.constant 5 : i32
        %scan3A_104 = arith.addi %scan3A_102, %scan3A_103 : i32
        %scan3A_105 = arith.constant 1 : i32
        %scan3A_106:2 = scf.for %scan3A_117 = %scan3A_102 to %scan3A_104 step %scan3A_105 iter_args(%scan3A_118 = %broadcast_in_dim3A_101, %scan3A_119 = %broadcast_in_dim3A_101) -> (vector<16xf32>, vector<16xf32>)  : i32 {
          %mul3A_120 = arith.constant 25 : i32
          %mul3A_121 = arith.muli %scan3A_117, %mul3A_120 : i32
          %add3A_122 = arith.constant 0 : i32
          %add3A_123 = arith.addi %mul3A_121, %add3A_122 : i32
          %mul3A_124 = arith.constant 16 : i32
          %mul3A_125 = arith.muli %add3A_123, %mul3A_124 : i32
          %get3A_126 = arith.constant 1 : i32
          %get3A_127 = arith.index_cast %get3A_126 : i32 to index
          %get3A_128 = arith.index_cast %mul3A_125 : i32 to index
          %get3A_129 = tpu.vector_load %arg8[%get3A_127, %get3A_128] {strides = array<i32>} : memref<3x2000xi32, #tpu.memory_space<vmem>>, vector<16xi32>,
          %get3A_130 = arith.constant 1 : i32
          %get3A_131 = arith.index_cast %get3A_130 : i32 to index
          %get3A_132 = arith.index_cast %mul3A_125 : i32 to index
          %get3A_133 = tpu.vector_load %arg7[%get3A_131, %get3A_132] {strides = array<i32>} : memref<3x2000xi32, #tpu.memory_space<vmem>>, vector<16xi32>,
          %gather3A = tpu.vector_load_idx %arg9[%get3A_129] : memref<20000xf32, #tpu.memory_space<vmem>>[vector<16xi32>], vector<16xf32>,
          %gather3A_134 = tpu.vector_load_idx %arg10[%get3A_133] : memref<20000xf32, #tpu.memory_space<vmem>>[vector<16xi32>], vector<16xf32>,
          %mul3A_135 = arith.mulf %gather3A, %gather3A_134 : vector<16xf32>
          %add3A_136 = arith.addf %scan3A_118, %mul3A_135 : vector<16xf32>
          %add3A_137 = arith.addi %get3A_129, %broadcast_in_dim3A_51 : vector<16xi32>
          %gather3A_138 = tpu.vector_load_idx %arg9[%add3A_137] : memref<20000xf32, #tpu.memory_space<vmem>>[vector<16xi32>], vector<16xf32>,
          %add3A_139 = arith.addi %get3A_133, %broadcast_in_dim3A_51 : vector<16xi32>
          %gather3A_140 = tpu.vector_load_idx %arg10[%add3A_139] : memref<20000xf32, #tpu.memory_space<vmem>>[vector<16xi32>], vector<16xf32>,
          %mul3A_141 = arith.mulf %gather3A_138, %gather3A_140 : vector<16xf32>
          %add3A_142 = arith.addf %scan3A_119, %mul3A_141 : vector<16xf32>
          %mul3A_143 = arith.constant 25 : i32
          %mul3A_144 = arith.muli %scan3A_117, %mul3A_143 : i32
          %add3A_145 = arith.constant 1 : i32
          %add3A_146 = arith.addi %mul3A_144, %add3A_145 : i32
          %mul3A_147 = arith.constant 16 : i32
          %mul3A_148 = arith.muli %add3A_146, %mul3A_147 : i32
          %get3A_149 = arith.constant 1 : i32
          %get3A_150 = arith.index_cast %get3A_149 : i32 to index
          %get3A_151 = arith.index_cast %mul3A_148 : i32 to index
          %get3A_152 = tpu.vector_load %arg8[%get3A_150, %get3A_151] {strides = array<i32>} : memref<3x2000xi32, #tpu.memory_space<vmem>>, vector<16xi32>,
          %get3A_153 = arith.constant 1 : i32
          %get3A_154 = arith.index_cast %get3A_153 : i32 to index
          %get3A_155 = arith.index_cast %mul3A_148 : i32 to index
          %get3A_156 = tpu.vector_load %arg7[%get3A_154, %get3A_155] {strides = array<i32>} : memref<3x2000xi32, #tpu.memory_space<vmem>>, vector<16xi32>,
          %gather3A_157 = tpu.vector_load_idx %arg9[%get3A_152] : memref<20000xf32, #tpu.memory_space<vmem>>[vector<16xi32>], vector<16xf32>,
          %gather3A_158 = tpu.vector_load_idx %arg10[%get3A_156] : memref<20000xf32, #tpu.memory_space<vmem>>[vector<16xi32>], vector<16xf32>,
          %mul3A_159 = arith.mulf %gather3A_157, %gather3A_158 : vector<16xf32>
          %add3A_160 = arith.addf %add3A_136, %mul3A_159 : vector<16xf32>
          %add3A_161 = arith.addi %get3A_152, %broadcast_in_dim3A_51 : vector<16xi32>
          %gather3A_162 = tpu.vector_load_idx %arg9[%add3A_161] : memref<20000xf32, #tpu.memory_space<vmem>>[vector<16xi32>], vector<16xf32>,
          %add3A_163 = arith.addi %get3A_156, %broadcast_in_dim3A_51 : vector<16xi32>
          %gather3A_164 = tpu.vector_load_idx %arg10[%add3A_163] : memref<20000xf32, #tpu.memory_space<vmem>>[vector<16xi32>], vector<16xf32>,
          %mul3A_165 = arith.mulf %gather3A_162, %gather3A_164 : vector<16xf32>
          %add3A_166 = arith.addf %add3A_142, %mul3A_165 : vector<16xf32>
          %mul3A_167 = arith.constant 25 : i32
          %mul3A_168 = arith.muli %scan3A_117, %mul3A_167 : i32
          %add3A_169 = arith.constant 2 : i32
          %add3A_170 = arith.addi %mul3A_168, %add3A_169 : i32
          %mul3A_171 = arith.constant 16 : i32
          %mul3A_172 = arith.muli %add3A_170, %mul3A_171 : i32
          %get3A_173 = arith.constant 1 : i32
          %get3A_174 = arith.index_cast %get3A_173 : i32 to index
          %get3A_175 = arith.index_cast %mul3A_172 : i32 to index
          %get3A_176 = tpu.vector_load %arg8[%get3A_174, %get3A_175] {strides = array<i32>} : memref<3x2000xi32, #tpu.memory_space<vmem>>, vector<16xi32>,
          %get3A_177 = arith.constant 1 : i32
          %get3A_178 = arith.index_cast %get3A_177 : i32 to index
          %get3A_179 = arith.index_cast %mul3A_172 : i32 to index
          %get3A_180 = tpu.vector_load %arg7[%get3A_178, %get3A_179] {strides = array<i32>} : memref<3x2000xi32, #tpu.memory_space<vmem>>, vector<16xi32>,
          %gather3A_181 = tpu.vector_load_idx %arg9[%get3A_176] : memref<20000xf32, #tpu.memory_space<vmem>>[vector<16xi32>], vector<16xf32>,
          %gather3A_182 = tpu.vector_load_idx %arg10[%get3A_180] : memref<20000xf32, #tpu.memory_space<vmem>>[vector<16xi32>], vector<16xf32>,
          %mul3A_183 = arith.mulf %gather3A_181, %gather3A_182 : vector<16xf32>
          %add3A_184 = arith.addf %add3A_160, %mul3A_183 : vector<16xf32>
          %add3A_185 = arith.addi %get3A_176, %broadcast_in_dim3A_51 : vector<16xi32>
          %gather3A_186 = tpu.vector_load_idx %arg9[%add3A_185] : memref<20000xf32, #tpu.memory_space<vmem>>[vector<16xi32>], vector<16xf32>,
          %add3A_187 = arith.addi %get3A_180, %broadcast_in_dim3A_51 : vector<16xi32>
          %gather3A_188 = tpu.vector_load_idx %arg10[%add3A_187] : memref<20000xf32, #tpu.memory_space<vmem>>[vector<16xi32>], vector<16xf32>,
          %mul3A_189 = arith.mulf %gather3A_186, %gather3A_188 : vector<16xf32>
          %add3A_190 = arith.addf %add3A_166, %mul3A_189 : vector<16xf32>
          %mul3A_191 = arith.constant 25 : i32
          %mul3A_192 = arith.muli %scan3A_117, %mul3A_191 : i32
          %add3A_193 = arith.constant 3 : i32
          %add3A_194 = arith.addi %mul3A_192, %add3A_193 : i32
          %mul3A_195 = arith.constant 16 : i32
          %mul3A_196 = arith.muli %add3A_194, %mul3A_195 : i32
          %get3A_197 = arith.constant 1 : i32
          %get3A_198 = arith.index_cast %get3A_197 : i32 to index
          %get3A_199 = arith.index_cast %mul3A_196 : i32 to index
          %get3A_200 = tpu.vector_load %arg8[%get3A_198, %get3A_199] {strides = array<i32>} : memref<3x2000xi32, #tpu.memory_space<vmem>>, vector<16xi32>,
          %get3A_201 = arith.constant 1 : i32
          %get3A_202 = arith.index_cast %get3A_201 : i32 to index
          %get3A_203 = arith.index_cast %mul3A_196 : i32 to index
          %get3A_204 = tpu.vector_load %arg7[%get3A_202, %get3A_203] {strides = array<i32>} : memref<3x2000xi32, #tpu.memory_space<vmem>>, vector<16xi32>,
          %gather3A_205 = tpu.vector_load_idx %arg9[%get3A_200] : memref<20000xf32, #tpu.memory_space<vmem>>[vector<16xi32>], vector<16xf32>,
          %gather3A_206 = tpu.vector_load_idx %arg10[%get3A_204] : memref<20000xf32, #tpu.memory_space<vmem>>[vector<16xi32>], vector<16xf32>,
          %mul3A_207 = arith.mulf %gather3A_205, %gather3A_206 : vector<16xf32>
          %add3A_208 = arith.addf %add3A_184, %mul3A_207 : vector<16xf32>
          %add3A_209 = arith.addi %get3A_200, %broadcast_in_dim3A_51 : vector<16xi32>
          %gather3A_210 = tpu.vector_load_idx %arg9[%add3A_209] : memref<20000xf32, #tpu.memory_space<vmem>>[vector<16xi32>], vector<16xf32>,
          %add3A_211 = arith.addi %get3A_204, %broadcast_in_dim3A_51 : vector<16xi32>
          %gather3A_212 = tpu.vector_load_idx %arg10[%add3A_211] : memref<20000xf32, #tpu.memory_space<vmem>>[vector<16xi32>], vector<16xf32>,
          %mul3A_213 = arith.mulf %gather3A_210, %gather3A_212 : vector<16xf32>
          %add3A_214 = arith.addf %add3A_190, %mul3A_213 : vector<16xf32>
          %mul3A_215 = arith.constant 25 : i32
          %mul3A_216 = arith.muli %scan3A_117, %mul3A_215 : i32
          %add3A_217 = arith.constant 4 : i32
          %add3A_218 = arith.addi %mul3A_216, %add3A_217 : i32
          %mul3A_219 = arith.constant 16 : i32
          %mul3A_220 = arith.muli %add3A_218, %mul3A_219 : i32
          %get3A_221 = arith.constant 1 : i32
          %get3A_222 = arith.index_cast %get3A_221 : i32 to index
          %get3A_223 = arith.index_cast %mul3A_220 : i32 to index
          %get3A_224 = tpu.vector_load %arg8[%get3A_222, %get3A_223] {strides = array<i32>} : memref<3x2000xi32, #tpu.memory_space<vmem>>, vector<16xi32>,
          %get3A_225 = arith.constant 1 : i32
          %get3A_226 = arith.index_cast %get3A_225 : i32 to index
          %get3A_227 = arith.index_cast %mul3A_220 : i32 to index
          %get3A_228 = tpu.vector_load %arg7[%get3A_226, %get3A_227] {strides = array<i32>} : memref<3x2000xi32, #tpu.memory_space<vmem>>, vector<16xi32>,
          %gather3A_229 = tpu.vector_load_idx %arg9[%get3A_224] : memref<20000xf32, #tpu.memory_space<vmem>>[vector<16xi32>], vector<16xf32>,
          %gather3A_230 = tpu.vector_load_idx %arg10[%get3A_228] : memref<20000xf32, #tpu.memory_space<vmem>>[vector<16xi32>], vector<16xf32>,
          %mul3A_231 = arith.mulf %gather3A_229, %gather3A_230 : vector<16xf32>
          %add3A_232 = arith.addf %add3A_208, %mul3A_231 : vector<16xf32>
          %add3A_233 = arith.addi %get3A_224, %broadcast_in_dim3A_51 : vector<16xi32>
          %gather3A_234 = tpu.vector_load_idx %arg9[%add3A_233] : memref<20000xf32, #tpu.memory_space<vmem>>[vector<16xi32>], vector<16xf32>,
          %add3A_235 = arith.addi %get3A_228, %broadcast_in_dim3A_51 : vector<16xi32>
          %gather3A_236 = tpu.vector_load_idx %arg10[%add3A_235] : memref<20000xf32, #tpu.memory_space<vmem>>[vector<16xi32>], vector<16xf32>,
          %mul3A_237 = arith.mulf %gather3A_234, %gather3A_236 : vector<16xf32>
          %add3A_238 = arith.addf %add3A_214, %mul3A_237 : vector<16xf32>
          %mul3A_239 = arith.constant 25 : i32
          %mul3A_240 = arith.muli %scan3A_117, %mul3A_239 : i32
          %add3A_241 = arith.constant 5 : i32
          %add3A_242 = arith.addi %mul3A_240, %add3A_241 : i32
          %mul3A_243 = arith.constant 16 : i32
          %mul3A_244 = arith.muli %add3A_242, %mul3A_243 : i32
          %get3A_245 = arith.constant 1 : i32
          %get3A_246 = arith.index_cast %get3A_245 : i32 to index
          %get3A_247 = arith.index_cast %mul3A_244 : i32 to index
          %get3A_248 = tpu.vector_load %arg8[%get3A_246, %get3A_247] {strides = array<i32>} : memref<3x2000xi32, #tpu.memory_space<vmem>>, vector<16xi32>,
          %get3A_249 = arith.constant 1 : i32
          %get3A_250 = arith.index_cast %get3A_249 : i32 to index
          %get3A_251 = arith.index_cast %mul3A_244 : i32 to index
          %get3A_252 = tpu.vector_load %arg7[%get3A_250, %get3A_251] {strides = array<i32>} : memref<3x2000xi32, #tpu.memory_space<vmem>>, vector<16xi32>,
          %gather3A_253 = tpu.vector_load_idx %arg9[%get3A_248] : memref<20000xf32, #tpu.memory_space<vmem>>[vector<16xi32>], vector<16xf32>,
          %gather3A_254 = tpu.vector_load_idx %arg10[%get3A_252] : memref<20000xf32, #tpu.memory_space<vmem>>[vector<16xi32>], vector<16xf32>,
          %mul3A_255 = arith.mulf %gather3A_253, %gather3A_254 : vector<16xf32>
          %add3A_256 = arith.addf %add3A_232, %mul3A_255 : vector<16xf32>
          %add3A_257 = arith.addi %get3A_248, %broadcast_in_dim3A_51 : vector<16xi32>
          %gather3A_258 = tpu.vector_load_idx %arg9[%add3A_257] : memref<20000xf32, #tpu.memory_space<vmem>>[vector<16xi32>], vector<16xf32>,
          %add3A_259 = arith.addi %get3A_252, %broadcast_in_dim3A_51 : vector<16xi32>
          %gather3A_260 = tpu.vector_load_idx %arg10[%add3A_259] : memref<20000xf32, #tpu.memory_space<vmem>>[vector<16xi32>], vector<16xf32>,
          %mul3A_261 = arith.mulf %gather3A_258, %gather3A_260 : vector<16xf32>
          %add3A_262 = arith.addf %add3A_238, %mul3A_261 : vector<16xf32>
          %mul3A_263 = arith.constant 25 : i32
          %mul3A_264 = arith.muli %scan3A_117, %mul3A_263 : i32
          %add3A_265 = arith.constant 6 : i32
          %add3A_266 = arith.addi %mul3A_264, %add3A_265 : i32
          %mul3A_267 = arith.constant 16 : i32
          %mul3A_268 = arith.muli %add3A_266, %mul3A_267 : i32
          %get3A_269 = arith.constant 1 : i32
          %get3A_270 = arith.index_cast %get3A_269 : i32 to index
          %get3A_271 = arith.index_cast %mul3A_268 : i32 to index
          %get3A_272 = tpu.vector_load %arg8[%get3A_270, %get3A_271] {strides = array<i32>} : memref<3x2000xi32, #tpu.memory_space<vmem>>, vector<16xi32>,
          %get3A_273 = arith.constant 1 : i32
          %get3A_274 = arith.index_cast %get3A_273 : i32 to index
          %get3A_275 = arith.index_cast %mul3A_268 : i32 to index
          %get3A_276 = tpu.vector_load %arg7[%get3A_274, %get3A_275] {strides = array<i32>} : memref<3x2000xi32, #tpu.memory_space<vmem>>, vector<16xi32>,
          %gather3A_277 = tpu.vector_load_idx %arg9[%get3A_272] : memref<20000xf32, #tpu.memory_space<vmem>>[vector<16xi32>], vector<16xf32>,
          %gather3A_278 = tpu.vector_load_idx %arg10[%get3A_276] : memref<20000xf32, #tpu.memory_space<vmem>>[vector<16xi32>], vector<16xf32>,
          %mul3A_279 = arith.mulf %gather3A_277, %gather3A_278 : vector<16xf32>
          %add3A_280 = arith.addf %add3A_256, %mul3A_279 : vector<16xf32>
          %add3A_281 = arith.addi %get3A_272, %broadcast_in_dim3A_51 : vector<16xi32>
          %gather3A_282 = tpu.vector_load_idx %arg9[%add3A_281] : memref<20000xf32, #tpu.memory_space<vmem>>[vector<16xi32>], vector<16xf32>,
          %add3A_283 = arith.addi %get3A_276, %broadcast_in_dim3A_51 : vector<16xi32>
          %gather3A_284 = tpu.vector_load_idx %arg10[%add3A_283] : memref<20000xf32, #tpu.memory_space<vmem>>[vector<16xi32>], vector<16xf32>,
          %mul3A_285 = arith.mulf %gather3A_282, %gather3A_284 : vector<16xf32>
          %add3A_286 = arith.addf %add3A_262, %mul3A_285 : vector<16xf32>
          %mul3A_287 = arith.constant 25 : i32
          %mul3A_288 = arith.muli %scan3A_117, %mul3A_287 : i32
          %add3A_289 = arith.constant 7 : i32
          %add3A_290 = arith.addi %mul3A_288, %add3A_289 : i32
          %mul3A_291 = arith.constant 16 : i32
          %mul3A_292 = arith.muli %add3A_290, %mul3A_291 : i32
          %get3A_293 = arith.constant 1 : i32
          %get3A_294 = arith.index_cast %get3A_293 : i32 to index
          %get3A_295 = arith.index_cast %mul3A_292 : i32 to index
          %get3A_296 = tpu.vector_load %arg8[%get3A_294, %get3A_295] {strides = array<i32>} : memref<3x2000xi32, #tpu.memory_space<vmem>>, vector<16xi32>,
          %get3A_297 = arith.constant 1 : i32
          %get3A_298 = arith.index_cast %get3A_297 : i32 to index
          %get3A_299 = arith.index_cast %mul3A_292 : i32 to index
          %get3A_300 = tpu.vector_load %arg7[%get3A_298, %get3A_299] {strides = array<i32>} : memref<3x2000xi32, #tpu.memory_space<vmem>>, vector<16xi32>,
          %gather3A_301 = tpu.vector_load_idx %arg9[%get3A_296] : memref<20000xf32, #tpu.memory_space<vmem>>[vector<16xi32>], vector<16xf32>,
          %gather3A_302 = tpu.vector_load_idx %arg10[%get3A_300] : memref<20000xf32, #tpu.memory_space<vmem>>[vector<16xi32>], vector<16xf32>,
          %mul3A_303 = arith.mulf %gather3A_301, %gather3A_302 : vector<16xf32>
          %add3A_304 = arith.addf %add3A_280, %mul3A_303 : vector<16xf32>
          %add3A_305 = arith.addi %get3A_296, %broadcast_in_dim3A_51 : vector<16xi32>
          %gather3A_306 = tpu.vector_load_idx %arg9[%add3A_305] : memref<20000xf32, #tpu.memory_space<vmem>>[vector<16xi32>], vector<16xf32>,
          %add3A_307 = arith.addi %get3A_300, %broadcast_in_dim3A_51 : vector<16xi32>
          %gather3A_308 = tpu.vector_load_idx %arg10[%add3A_307] : memref<20000xf32, #tpu.memory_space<vmem>>[vector<16xi32>], vector<16xf32>,
          %mul3A_309 = arith.mulf %gather3A_306, %gather3A_308 : vector<16xf32>
          %add3A_310 = arith.addf %add3A_286, %mul3A_309 : vector<16xf32>
          %mul3A_311 = arith.constant 25 : i32
          %mul3A_312 = arith.muli %scan3A_117, %mul3A_311 : i32
          %add3A_313 = arith.constant 8 : i32
          %add3A_314 = arith.addi %mul3A_312, %add3A_313 : i32
          %mul3A_315 = arith.constant 16 : i32
          %mul3A_316 = arith.muli %add3A_314, %mul3A_315 : i32
          %get3A_317 = arith.constant 1 : i32
          %get3A_318 = arith.index_cast %get3A_317 : i32 to index
          %get3A_319 = arith.index_cast %mul3A_316 : i32 to index
          %get3A_320 = tpu.vector_load %arg8[%get3A_318, %get3A_319] {strides = array<i32>} : memref<3x2000xi32, #tpu.memory_space<vmem>>, vector<16xi32>,
          %get3A_321 = arith.constant 1 : i32
          %get3A_322 = arith.index_cast %get3A_321 : i32 to index
          %get3A_323 = arith.index_cast %mul3A_316 : i32 to index
          %get3A_324 = tpu.vector_load %arg7[%get3A_322, %get3A_323] {strides = array<i32>} : memref<3x2000xi32, #tpu.memory_space<vmem>>, vector<16xi32>,
          %gather3A_325 = tpu.vector_load_idx %arg9[%get3A_320] : memref<20000xf32, #tpu.memory_space<vmem>>[vector<16xi32>], vector<16xf32>,
          %gather3A_326 = tpu.vector_load_idx %arg10[%get3A_324] : memref<20000xf32, #tpu.memory_space<vmem>>[vector<16xi32>], vector<16xf32>,
          %mul3A_327 = arith.mulf %gather3A_325, %gather3A_326 : vector<16xf32>
          %add3A_328 = arith.addf %add3A_304, %mul3A_327 : vector<16xf32>
          %add3A_329 = arith.addi %get3A_320, %broadcast_in_dim3A_51 : vector<16xi32>
          %gather3A_330 = tpu.vector_load_idx %arg9[%add3A_329] : memref<20000xf32, #tpu.memory_space<vmem>>[vector<16xi32>], vector<16xf32>,
          %add3A_331 = arith.addi %get3A_324, %broadcast_in_dim3A_51 : vector<16xi32>
          %gather3A_332 = tpu.vector_load_idx %arg10[%add3A_331] : memref<20000xf32, #tpu.memory_space<vmem>>[vector<16xi32>], vector<16xf32>,
          %mul3A_333 = arith.mulf %gather3A_330, %gather3A_332 : vector<16xf32>
          %add3A_334 = arith.addf %add3A_310, %mul3A_333 : vector<16xf32>
          %mul3A_335 = arith.constant 25 : i32
          %mul3A_336 = arith.muli %scan3A_117, %mul3A_335 : i32
          %add3A_337 = arith.constant 9 : i32
          %add3A_338 = arith.addi %mul3A_336, %add3A_337 : i32
          %mul3A_339 = arith.constant 16 : i32
          %mul3A_340 = arith.muli %add3A_338, %mul3A_339 : i32
          %get3A_341 = arith.constant 1 : i32
          %get3A_342 = arith.index_cast %get3A_341 : i32 to index
          %get3A_343 = arith.index_cast %mul3A_340 : i32 to index
          %get3A_344 = tpu.vector_load %arg8[%get3A_342, %get3A_343] {strides = array<i32>} : memref<3x2000xi32, #tpu.memory_space<vmem>>, vector<16xi32>,
          %get3A_345 = arith.constant 1 : i32
          %get3A_346 = arith.index_cast %get3A_345 : i32 to index
          %get3A_347 = arith.index_cast %mul3A_340 : i32 to index
          %get3A_348 = tpu.vector_load %arg7[%get3A_346, %get3A_347] {strides = array<i32>} : memref<3x2000xi32, #tpu.memory_space<vmem>>, vector<16xi32>,
          %gather3A_349 = tpu.vector_load_idx %arg9[%get3A_344] : memref<20000xf32, #tpu.memory_space<vmem>>[vector<16xi32>], vector<16xf32>,
          %gather3A_350 = tpu.vector_load_idx %arg10[%get3A_348] : memref<20000xf32, #tpu.memory_space<vmem>>[vector<16xi32>], vector<16xf32>,
          %mul3A_351 = arith.mulf %gather3A_349, %gather3A_350 : vector<16xf32>
          %add3A_352 = arith.addf %add3A_328, %mul3A_351 : vector<16xf32>
          %add3A_353 = arith.addi %get3A_344, %broadcast_in_dim3A_51 : vector<16xi32>
          %gather3A_354 = tpu.vector_load_idx %arg9[%add3A_353] : memref<20000xf32, #tpu.memory_space<vmem>>[vector<16xi32>], vector<16xf32>,
          %add3A_355 = arith.addi %get3A_348, %broadcast_in_dim3A_51 : vector<16xi32>
          %gather3A_356 = tpu.vector_load_idx %arg10[%add3A_355] : memref<20000xf32, #tpu.memory_space<vmem>>[vector<16xi32>], vector<16xf32>,
          %mul3A_357 = arith.mulf %gather3A_354, %gather3A_356 : vector<16xf32>
          %add3A_358 = arith.addf %add3A_334, %mul3A_357 : vector<16xf32>
          %mul3A_359 = arith.constant 25 : i32
          %mul3A_360 = arith.muli %scan3A_117, %mul3A_359 : i32
          %add3A_361 = arith.constant 10 : i32
          %add3A_362 = arith.addi %mul3A_360, %add3A_361 : i32
          %mul3A_363 = arith.constant 16 : i32
          %mul3A_364 = arith.muli %add3A_362, %mul3A_363 : i32
          %get3A_365 = arith.constant 1 : i32
          %get3A_366 = arith.index_cast %get3A_365 : i32 to index
          %get3A_367 = arith.index_cast %mul3A_364 : i32 to index
          %get3A_368 = tpu.vector_load %arg8[%get3A_366, %get3A_367] {strides = array<i32>} : memref<3x2000xi32, #tpu.memory_space<vmem>>, vector<16xi32>,
          %get3A_369 = arith.constant 1 : i32
          %get3A_370 = arith.index_cast %get3A_369 : i32 to index
          %get3A_371 = arith.index_cast %mul3A_364 : i32 to index
          %get3A_372 = tpu.vector_load %arg7[%get3A_370, %get3A_371] {strides = array<i32>} : memref<3x2000xi32, #tpu.memory_space<vmem>>, vector<16xi32>,
          %gather3A_373 = tpu.vector_load_idx %arg9[%get3A_368] : memref<20000xf32, #tpu.memory_space<vmem>>[vector<16xi32>], vector<16xf32>,
          %gather3A_374 = tpu.vector_load_idx %arg10[%get3A_372] : memref<20000xf32, #tpu.memory_space<vmem>>[vector<16xi32>], vector<16xf32>,
          %mul3A_375 = arith.mulf %gather3A_373, %gather3A_374 : vector<16xf32>
          %add3A_376 = arith.addf %add3A_352, %mul3A_375 : vector<16xf32>
          %add3A_377 = arith.addi %get3A_368, %broadcast_in_dim3A_51 : vector<16xi32>
          %gather3A_378 = tpu.vector_load_idx %arg9[%add3A_377] : memref<20000xf32, #tpu.memory_space<vmem>>[vector<16xi32>], vector<16xf32>,
          %add3A_379 = arith.addi %get3A_372, %broadcast_in_dim3A_51 : vector<16xi32>
          %gather3A_380 = tpu.vector_load_idx %arg10[%add3A_379] : memref<20000xf32, #tpu.memory_space<vmem>>[vector<16xi32>], vector<16xf32>,
          %mul3A_381 = arith.mulf %gather3A_378, %gather3A_380 : vector<16xf32>
          %add3A_382 = arith.addf %add3A_358, %mul3A_381 : vector<16xf32>
          %mul3A_383 = arith.constant 25 : i32
          %mul3A_384 = arith.muli %scan3A_117, %mul3A_383 : i32
          %add3A_385 = arith.constant 11 : i32
          %add3A_386 = arith.addi %mul3A_384, %add3A_385 : i32
          %mul3A_387 = arith.constant 16 : i32
          %mul3A_388 = arith.muli %add3A_386, %mul3A_387 : i32
          %get3A_389 = arith.constant 1 : i32
          %get3A_390 = arith.index_cast %get3A_389 : i32 to index
          %get3A_391 = arith.index_cast %mul3A_388 : i32 to index
          %get3A_392 = tpu.vector_load %arg8[%get3A_390, %get3A_391] {strides = array<i32>} : memref<3x2000xi32, #tpu.memory_space<vmem>>, vector<16xi32>,
          %get3A_393 = arith.constant 1 : i32
          %get3A_394 = arith.index_cast %get3A_393 : i32 to index
          %get3A_395 = arith.index_cast %mul3A_388 : i32 to index
          %get3A_396 = tpu.vector_load %arg7[%get3A_394, %get3A_395] {strides = array<i32>} : memref<3x2000xi32, #tpu.memory_space<vmem>>, vector<16xi32>,
          %gather3A_397 = tpu.vector_load_idx %arg9[%get3A_392] : memref<20000xf32, #tpu.memory_space<vmem>>[vector<16xi32>], vector<16xf32>,
          %gather3A_398 = tpu.vector_load_idx %arg10[%get3A_396] : memref<20000xf32, #tpu.memory_space<vmem>>[vector<16xi32>], vector<16xf32>,
          %mul3A_399 = arith.mulf %gather3A_397, %gather3A_398 : vector<16xf32>
          %add3A_400 = arith.addf %add3A_376, %mul3A_399 : vector<16xf32>
          %add3A_401 = arith.addi %get3A_392, %broadcast_in_dim3A_51 : vector<16xi32>
          %gather3A_402 = tpu.vector_load_idx %arg9[%add3A_401] : memref<20000xf32, #tpu.memory_space<vmem>>[vector<16xi32>], vector<16xf32>,
          %add3A_403 = arith.addi %get3A_396, %broadcast_in_dim3A_51 : vector<16xi32>
          %gather3A_404 = tpu.vector_load_idx %arg10[%add3A_403] : memref<20000xf32, #tpu.memory_space<vmem>>[vector<16xi32>], vector<16xf32>,
          %mul3A_405 = arith.mulf %gather3A_402, %gather3A_404 : vector<16xf32>
          %add3A_406 = arith.addf %add3A_382, %mul3A_405 : vector<16xf32>
          %mul3A_407 = arith.constant 25 : i32
          %mul3A_408 = arith.muli %scan3A_117, %mul3A_407 : i32
          %add3A_409 = arith.constant 12 : i32
          %add3A_410 = arith.addi %mul3A_408, %add3A_409 : i32
          %mul3A_411 = arith.constant 16 : i32
          %mul3A_412 = arith.muli %add3A_410, %mul3A_411 : i32
          %get3A_413 = arith.constant 1 : i32
          %get3A_414 = arith.index_cast %get3A_413 : i32 to index
          %get3A_415 = arith.index_cast %mul3A_412 : i32 to index
          %get3A_416 = tpu.vector_load %arg8[%get3A_414, %get3A_415] {strides = array<i32>} : memref<3x2000xi32, #tpu.memory_space<vmem>>, vector<16xi32>,
          %get3A_417 = arith.constant 1 : i32
          %get3A_418 = arith.index_cast %get3A_417 : i32 to index
          %get3A_419 = arith.index_cast %mul3A_412 : i32 to index
          %get3A_420 = tpu.vector_load %arg7[%get3A_418, %get3A_419] {strides = array<i32>} : memref<3x2000xi32, #tpu.memory_space<vmem>>, vector<16xi32>,
          %gather3A_421 = tpu.vector_load_idx %arg9[%get3A_416] : memref<20000xf32, #tpu.memory_space<vmem>>[vector<16xi32>], vector<16xf32>,
          %gather3A_422 = tpu.vector_load_idx %arg10[%get3A_420] : memref<20000xf32, #tpu.memory_space<vmem>>[vector<16xi32>], vector<16xf32>,
          %mul3A_423 = arith.mulf %gather3A_421, %gather3A_422 : vector<16xf32>
          %add3A_424 = arith.addf %add3A_400, %mul3A_423 : vector<16xf32>
          %add3A_425 = arith.addi %get3A_416, %broadcast_in_dim3A_51 : vector<16xi32>
          %gather3A_426 = tpu.vector_load_idx %arg9[%add3A_425] : memref<20000xf32, #tpu.memory_space<vmem>>[vector<16xi32>], vector<16xf32>,
          %add3A_427 = arith.addi %get3A_420, %broadcast_in_dim3A_51 : vector<16xi32>
          %gather3A_428 = tpu.vector_load_idx %arg10[%add3A_427] : memref<20000xf32, #tpu.memory_space<vmem>>[vector<16xi32>], vector<16xf32>,
          %mul3A_429 = arith.mulf %gather3A_426, %gather3A_428 : vector<16xf32>
          %add3A_430 = arith.addf %add3A_406, %mul3A_429 : vector<16xf32>
          %mul3A_431 = arith.constant 25 : i32
          %mul3A_432 = arith.muli %scan3A_117, %mul3A_431 : i32
          %add3A_433 = arith.constant 13 : i32
          %add3A_434 = arith.addi %mul3A_432, %add3A_433 : i32
          %mul3A_435 = arith.constant 16 : i32
          %mul3A_436 = arith.muli %add3A_434, %mul3A_435 : i32
          %get3A_437 = arith.constant 1 : i32
          %get3A_438 = arith.index_cast %get3A_437 : i32 to index
          %get3A_439 = arith.index_cast %mul3A_436 : i32 to index
          %get3A_440 = tpu.vector_load %arg8[%get3A_438, %get3A_439] {strides = array<i32>} : memref<3x2000xi32, #tpu.memory_space<vmem>>, vector<16xi32>,
          %get3A_441 = arith.constant 1 : i32
          %get3A_442 = arith.index_cast %get3A_441 : i32 to index
          %get3A_443 = arith.index_cast %mul3A_436 : i32 to index
          %get3A_444 = tpu.vector_load %arg7[%get3A_442, %get3A_443] {strides = array<i32>} : memref<3x2000xi32, #tpu.memory_space<vmem>>, vector<16xi32>,
          %gather3A_445 = tpu.vector_load_idx %arg9[%get3A_440] : memref<20000xf32, #tpu.memory_space<vmem>>[vector<16xi32>], vector<16xf32>,
          %gather3A_446 = tpu.vector_load_idx %arg10[%get3A_444] : memref<20000xf32, #tpu.memory_space<vmem>>[vector<16xi32>], vector<16xf32>,
          %mul3A_447 = arith.mulf %gather3A_445, %gather3A_446 : vector<16xf32>
          %add3A_448 = arith.addf %add3A_424, %mul3A_447 : vector<16xf32>
          %add3A_449 = arith.addi %get3A_440, %broadcast_in_dim3A_51 : vector<16xi32>
          %gather3A_450 = tpu.vector_load_idx %arg9[%add3A_449] : memref<20000xf32, #tpu.memory_space<vmem>>[vector<16xi32>], vector<16xf32>,
          %add3A_451 = arith.addi %get3A_444, %broadcast_in_dim3A_51 : vector<16xi32>
          %gather3A_452 = tpu.vector_load_idx %arg10[%add3A_451] : memref<20000xf32, #tpu.memory_space<vmem>>[vector<16xi32>], vector<16xf32>,
          %mul3A_453 = arith.mulf %gather3A_450, %gather3A_452 : vector<16xf32>
          %add3A_454 = arith.addf %add3A_430, %mul3A_453 : vector<16xf32>
          %mul3A_455 = arith.constant 25 : i32
          %mul3A_456 = arith.muli %scan3A_117, %mul3A_455 : i32
          %add3A_457 = arith.constant 14 : i32
          %add3A_458 = arith.addi %mul3A_456, %add3A_457 : i32
          %mul3A_459 = arith.constant 16 : i32
          %mul3A_460 = arith.muli %add3A_458, %mul3A_459 : i32
          %get3A_461 = arith.constant 1 : i32
          %get3A_462 = arith.index_cast %get3A_461 : i32 to index
          %get3A_463 = arith.index_cast %mul3A_460 : i32 to index
          %get3A_464 = tpu.vector_load %arg8[%get3A_462, %get3A_463] {strides = array<i32>} : memref<3x2000xi32, #tpu.memory_space<vmem>>, vector<16xi32>,
          %get3A_465 = arith.constant 1 : i32
          %get3A_466 = arith.index_cast %get3A_465 : i32 to index
          %get3A_467 = arith.index_cast %mul3A_460 : i32 to index
          %get3A_468 = tpu.vector_load %arg7[%get3A_466, %get3A_467] {strides = array<i32>} : memref<3x2000xi32, #tpu.memory_space<vmem>>, vector<16xi32>,
          %gather3A_469 = tpu.vector_load_idx %arg9[%get3A_464] : memref<20000xf32, #tpu.memory_space<vmem>>[vector<16xi32>], vector<16xf32>,
          %gather3A_470 = tpu.vector_load_idx %arg10[%get3A_468] : memref<20000xf32, #tpu.memory_space<vmem>>[vector<16xi32>], vector<16xf32>,
          %mul3A_471 = arith.mulf %gather3A_469, %gather3A_470 : vector<16xf32>
          %add3A_472 = arith.addf %add3A_448, %mul3A_471 : vector<16xf32>
          %add3A_473 = arith.addi %get3A_464, %broadcast_in_dim3A_51 : vector<16xi32>
          %gather3A_474 = tpu.vector_load_idx %arg9[%add3A_473] : memref<20000xf32, #tpu.memory_space<vmem>>[vector<16xi32>], vector<16xf32>,
          %add3A_475 = arith.addi %get3A_468, %broadcast_in_dim3A_51 : vector<16xi32>
          %gather3A_476 = tpu.vector_load_idx %arg10[%add3A_475] : memref<20000xf32, #tpu.memory_space<vmem>>[vector<16xi32>], vector<16xf32>,
          %mul3A_477 = arith.mulf %gather3A_474, %gather3A_476 : vector<16xf32>
          %add3A_478 = arith.addf %add3A_454, %mul3A_477 : vector<16xf32>
          %mul3A_479 = arith.constant 25 : i32
          %mul3A_480 = arith.muli %scan3A_117, %mul3A_479 : i32
          %add3A_481 = arith.constant 15 : i32
          %add3A_482 = arith.addi %mul3A_480, %add3A_481 : i32
          %mul3A_483 = arith.constant 16 : i32
          %mul3A_484 = arith.muli %add3A_482, %mul3A_483 : i32
          %get3A_485 = arith.constant 1 : i32
          %get3A_486 = arith.index_cast %get3A_485 : i32 to index
          %get3A_487 = arith.index_cast %mul3A_484 : i32 to index
          %get3A_488 = tpu.vector_load %arg8[%get3A_486, %get3A_487] {strides = array<i32>} : memref<3x2000xi32, #tpu.memory_space<vmem>>, vector<16xi32>,
          %get3A_489 = arith.constant 1 : i32
          %get3A_490 = arith.index_cast %get3A_489 : i32 to index
          %get3A_491 = arith.index_cast %mul3A_484 : i32 to index
          %get3A_492 = tpu.vector_load %arg7[%get3A_490, %get3A_491] {strides = array<i32>} : memref<3x2000xi32, #tpu.memory_space<vmem>>, vector<16xi32>,
          %gather3A_493 = tpu.vector_load_idx %arg9[%get3A_488] : memref<20000xf32, #tpu.memory_space<vmem>>[vector<16xi32>], vector<16xf32>,
          %gather3A_494 = tpu.vector_load_idx %arg10[%get3A_492] : memref<20000xf32, #tpu.memory_space<vmem>>[vector<16xi32>], vector<16xf32>,
          %mul3A_495 = arith.mulf %gather3A_493, %gather3A_494 : vector<16xf32>
          %add3A_496 = arith.addf %add3A_472, %mul3A_495 : vector<16xf32>
          %add3A_497 = arith.addi %get3A_488, %broadcast_in_dim3A_51 : vector<16xi32>
          %gather3A_498 = tpu.vector_load_idx %arg9[%add3A_497] : memref<20000xf32, #tpu.memory_space<vmem>>[vector<16xi32>], vector<16xf32>,
          %add3A_499 = arith.addi %get3A_492, %broadcast_in_dim3A_51 : vector<16xi32>
          %gather3A_500 = tpu.vector_load_idx %arg10[%add3A_499] : memref<20000xf32, #tpu.memory_space<vmem>>[vector<16xi32>], vector<16xf32>,
          %mul3A_501 = arith.mulf %gather3A_498, %gather3A_500 : vector<16xf32>
          %add3A_502 = arith.addf %add3A_478, %mul3A_501 : vector<16xf32>
          %mul3A_503 = arith.constant 25 : i32
          %mul3A_504 = arith.muli %scan3A_117, %mul3A_503 : i32
          %add3A_505 = arith.constant 16 : i32
          %add3A_506 = arith.addi %mul3A_504, %add3A_505 : i32
          %mul3A_507 = arith.constant 16 : i32
          %mul3A_508 = arith.muli %add3A_506, %mul3A_507 : i32
          %get3A_509 = arith.constant 1 : i32
          %get3A_510 = arith.index_cast %get3A_509 : i32 to index
          %get3A_511 = arith.index_cast %mul3A_508 : i32 to index
          %get3A_512 = tpu.vector_load %arg8[%get3A_510, %get3A_511] {strides = array<i32>} : memref<3x2000xi32, #tpu.memory_space<vmem>>, vector<16xi32>,
          %get3A_513 = arith.constant 1 : i32
          %get3A_514 = arith.index_cast %get3A_513 : i32 to index
          %get3A_515 = arith.index_cast %mul3A_508 : i32 to index
          %get3A_516 = tpu.vector_load %arg7[%get3A_514, %get3A_515] {strides = array<i32>} : memref<3x2000xi32, #tpu.memory_space<vmem>>, vector<16xi32>,
          %gather3A_517 = tpu.vector_load_idx %arg9[%get3A_512] : memref<20000xf32, #tpu.memory_space<vmem>>[vector<16xi32>], vector<16xf32>,
          %gather3A_518 = tpu.vector_load_idx %arg10[%get3A_516] : memref<20000xf32, #tpu.memory_space<vmem>>[vector<16xi32>], vector<16xf32>,
          %mul3A_519 = arith.mulf %gather3A_517, %gather3A_518 : vector<16xf32>
          %add3A_520 = arith.addf %add3A_496, %mul3A_519 : vector<16xf32>
          %add3A_521 = arith.addi %get3A_512, %broadcast_in_dim3A_51 : vector<16xi32>
          %gather3A_522 = tpu.vector_load_idx %arg9[%add3A_521] : memref<20000xf32, #tpu.memory_space<vmem>>[vector<16xi32>], vector<16xf32>,
          %add3A_523 = arith.addi %get3A_516, %broadcast_in_dim3A_51 : vector<16xi32>
          %gather3A_524 = tpu.vector_load_idx %arg10[%add3A_523] : memref<20000xf32, #tpu.memory_space<vmem>>[vector<16xi32>], vector<16xf32>,
          %mul3A_525 = arith.mulf %gather3A_522, %gather3A_524 : vector<16xf32>
          %add3A_526 = arith.addf %add3A_502, %mul3A_525 : vector<16xf32>
          %mul3A_527 = arith.constant 25 : i32
          %mul3A_528 = arith.muli %scan3A_117, %mul3A_527 : i32
          %add3A_529 = arith.constant 17 : i32
          %add3A_530 = arith.addi %mul3A_528, %add3A_529 : i32
          %mul3A_531 = arith.constant 16 : i32
          %mul3A_532 = arith.muli %add3A_530, %mul3A_531 : i32
          %get3A_533 = arith.constant 1 : i32
          %get3A_534 = arith.index_cast %get3A_533 : i32 to index
          %get3A_535 = arith.index_cast %mul3A_532 : i32 to index
          %get3A_536 = tpu.vector_load %arg8[%get3A_534, %get3A_535] {strides = array<i32>} : memref<3x2000xi32, #tpu.memory_space<vmem>>, vector<16xi32>,
          %get3A_537 = arith.constant 1 : i32
          %get3A_538 = arith.index_cast %get3A_537 : i32 to index
          %get3A_539 = arith.index_cast %mul3A_532 : i32 to index
          %get3A_540 = tpu.vector_load %arg7[%get3A_538, %get3A_539] {strides = array<i32>} : memref<3x2000xi32, #tpu.memory_space<vmem>>, vector<16xi32>,
          %gather3A_541 = tpu.vector_load_idx %arg9[%get3A_536] : memref<20000xf32, #tpu.memory_space<vmem>>[vector<16xi32>], vector<16xf32>,
          %gather3A_542 = tpu.vector_load_idx %arg10[%get3A_540] : memref<20000xf32, #tpu.memory_space<vmem>>[vector<16xi32>], vector<16xf32>,
          %mul3A_543 = arith.mulf %gather3A_541, %gather3A_542 : vector<16xf32>
          %add3A_544 = arith.addf %add3A_520, %mul3A_543 : vector<16xf32>
          %add3A_545 = arith.addi %get3A_536, %broadcast_in_dim3A_51 : vector<16xi32>
          %gather3A_546 = tpu.vector_load_idx %arg9[%add3A_545] : memref<20000xf32, #tpu.memory_space<vmem>>[vector<16xi32>], vector<16xf32>,
          %add3A_547 = arith.addi %get3A_540, %broadcast_in_dim3A_51 : vector<16xi32>
          %gather3A_548 = tpu.vector_load_idx %arg10[%add3A_547] : memref<20000xf32, #tpu.memory_space<vmem>>[vector<16xi32>], vector<16xf32>,
          %mul3A_549 = arith.mulf %gather3A_546, %gather3A_548 : vector<16xf32>
          %add3A_550 = arith.addf %add3A_526, %mul3A_549 : vector<16xf32>
          %mul3A_551 = arith.constant 25 : i32
          %mul3A_552 = arith.muli %scan3A_117, %mul3A_551 : i32
          %add3A_553 = arith.constant 18 : i32
          %add3A_554 = arith.addi %mul3A_552, %add3A_553 : i32
          %mul3A_555 = arith.constant 16 : i32
          %mul3A_556 = arith.muli %add3A_554, %mul3A_555 : i32
          %get3A_557 = arith.constant 1 : i32
          %get3A_558 = arith.index_cast %get3A_557 : i32 to index
          %get3A_559 = arith.index_cast %mul3A_556 : i32 to index
          %get3A_560 = tpu.vector_load %arg8[%get3A_558, %get3A_559] {strides = array<i32>} : memref<3x2000xi32, #tpu.memory_space<vmem>>, vector<16xi32>,
          %get3A_561 = arith.constant 1 : i32
          %get3A_562 = arith.index_cast %get3A_561 : i32 to index
          %get3A_563 = arith.index_cast %mul3A_556 : i32 to index
          %get3A_564 = tpu.vector_load %arg7[%get3A_562, %get3A_563] {strides = array<i32>} : memref<3x2000xi32, #tpu.memory_space<vmem>>, vector<16xi32>,
          %gather3A_565 = tpu.vector_load_idx %arg9[%get3A_560] : memref<20000xf32, #tpu.memory_space<vmem>>[vector<16xi32>], vector<16xf32>,
          %gather3A_566 = tpu.vector_load_idx %arg10[%get3A_564] : memref<20000xf32, #tpu.memory_space<vmem>>[vector<16xi32>], vector<16xf32>,
          %mul3A_567 = arith.mulf %gather3A_565, %gather3A_566 : vector<16xf32>
          %add3A_568 = arith.addf %add3A_544, %mul3A_567 : vector<16xf32>
          %add3A_569 = arith.addi %get3A_560, %broadcast_in_dim3A_51 : vector<16xi32>
          %gather3A_570 = tpu.vector_load_idx %arg9[%add3A_569] : memref<20000xf32, #tpu.memory_space<vmem>>[vector<16xi32>], vector<16xf32>,
          %add3A_571 = arith.addi %get3A_564, %broadcast_in_dim3A_51 : vector<16xi32>
          %gather3A_572 = tpu.vector_load_idx %arg10[%add3A_571] : memref<20000xf32, #tpu.memory_space<vmem>>[vector<16xi32>], vector<16xf32>,
          %mul3A_573 = arith.mulf %gather3A_570, %gather3A_572 : vector<16xf32>
          %add3A_574 = arith.addf %add3A_550, %mul3A_573 : vector<16xf32>
          %mul3A_575 = arith.constant 25 : i32
          %mul3A_576 = arith.muli %scan3A_117, %mul3A_575 : i32
          %add3A_577 = arith.constant 19 : i32
          %add3A_578 = arith.addi %mul3A_576, %add3A_577 : i32
          %mul3A_579 = arith.constant 16 : i32
          %mul3A_580 = arith.muli %add3A_578, %mul3A_579 : i32
          %get3A_581 = arith.constant 1 : i32
          %get3A_582 = arith.index_cast %get3A_581 : i32 to index
          %get3A_583 = arith.index_cast %mul3A_580 : i32 to index
          %get3A_584 = tpu.vector_load %arg8[%get3A_582, %get3A_583] {strides = array<i32>} : memref<3x2000xi32, #tpu.memory_space<vmem>>, vector<16xi32>,
          %get3A_585 = arith.constant 1 : i32
          %get3A_586 = arith.index_cast %get3A_585 : i32 to index
          %get3A_587 = arith.index_cast %mul3A_580 : i32 to index
          %get3A_588 = tpu.vector_load %arg7[%get3A_586, %get3A_587] {strides = array<i32>} : memref<3x2000xi32, #tpu.memory_space<vmem>>, vector<16xi32>,
          %gather3A_589 = tpu.vector_load_idx %arg9[%get3A_584] : memref<20000xf32, #tpu.memory_space<vmem>>[vector<16xi32>], vector<16xf32>,
          %gather3A_590 = tpu.vector_load_idx %arg10[%get3A_588] : memref<20000xf32, #tpu.memory_space<vmem>>[vector<16xi32>], vector<16xf32>,
          %mul3A_591 = arith.mulf %gather3A_589, %gather3A_590 : vector<16xf32>
          %add3A_592 = arith.addf %add3A_568, %mul3A_591 : vector<16xf32>
          %add3A_593 = arith.addi %get3A_584, %broadcast_in_dim3A_51 : vector<16xi32>
          %gather3A_594 = tpu.vector_load_idx %arg9[%add3A_593] : memref<20000xf32, #tpu.memory_space<vmem>>[vector<16xi32>], vector<16xf32>,
          %add3A_595 = arith.addi %get3A_588, %broadcast_in_dim3A_51 : vector<16xi32>
          %gather3A_596 = tpu.vector_load_idx %arg10[%add3A_595] : memref<20000xf32, #tpu.memory_space<vmem>>[vector<16xi32>], vector<16xf32>,
          %mul3A_597 = arith.mulf %gather3A_594, %gather3A_596 : vector<16xf32>
          %add3A_598 = arith.addf %add3A_574, %mul3A_597 : vector<16xf32>
          %mul3A_599 = arith.constant 25 : i32
          %mul3A_600 = arith.muli %scan3A_117, %mul3A_599 : i32
          %add3A_601 = arith.constant 20 : i32
          %add3A_602 = arith.addi %mul3A_600, %add3A_601 : i32
          %mul3A_603 = arith.constant 16 : i32
          %mul3A_604 = arith.muli %add3A_602, %mul3A_603 : i32
          %get3A_605 = arith.constant 1 : i32
          %get3A_606 = arith.index_cast %get3A_605 : i32 to index
          %get3A_607 = arith.index_cast %mul3A_604 : i32 to index
          %get3A_608 = tpu.vector_load %arg8[%get3A_606, %get3A_607] {strides = array<i32>} : memref<3x2000xi32, #tpu.memory_space<vmem>>, vector<16xi32>,
          %get3A_609 = arith.constant 1 : i32
          %get3A_610 = arith.index_cast %get3A_609 : i32 to index
          %get3A_611 = arith.index_cast %mul3A_604 : i32 to index
          %get3A_612 = tpu.vector_load %arg7[%get3A_610, %get3A_611] {strides = array<i32>} : memref<3x2000xi32, #tpu.memory_space<vmem>>, vector<16xi32>,
          %gather3A_613 = tpu.vector_load_idx %arg9[%get3A_608] : memref<20000xf32, #tpu.memory_space<vmem>>[vector<16xi32>], vector<16xf32>,
          %gather3A_614 = tpu.vector_load_idx %arg10[%get3A_612] : memref<20000xf32, #tpu.memory_space<vmem>>[vector<16xi32>], vector<16xf32>,
          %mul3A_615 = arith.mulf %gather3A_613, %gather3A_614 : vector<16xf32>
          %add3A_616 = arith.addf %add3A_592, %mul3A_615 : vector<16xf32>
          %add3A_617 = arith.addi %get3A_608, %broadcast_in_dim3A_51 : vector<16xi32>
          %gather3A_618 = tpu.vector_load_idx %arg9[%add3A_617] : memref<20000xf32, #tpu.memory_space<vmem>>[vector<16xi32>], vector<16xf32>,
          %add3A_619 = arith.addi %get3A_612, %broadcast_in_dim3A_51 : vector<16xi32>
          %gather3A_620 = tpu.vector_load_idx %arg10[%add3A_619] : memref<20000xf32, #tpu.memory_space<vmem>>[vector<16xi32>], vector<16xf32>,
          %mul3A_621 = arith.mulf %gather3A_618, %gather3A_620 : vector<16xf32>
          %add3A_622 = arith.addf %add3A_598, %mul3A_621 : vector<16xf32>
          %mul3A_623 = arith.constant 25 : i32
          %mul3A_624 = arith.muli %scan3A_117, %mul3A_623 : i32
          %add3A_625 = arith.constant 21 : i32
          %add3A_626 = arith.addi %mul3A_624, %add3A_625 : i32
          %mul3A_627 = arith.constant 16 : i32
          %mul3A_628 = arith.muli %add3A_626, %mul3A_627 : i32
          %get3A_629 = arith.constant 1 : i32
          %get3A_630 = arith.index_cast %get3A_629 : i32 to index
          %get3A_631 = arith.index_cast %mul3A_628 : i32 to index
          %get3A_632 = tpu.vector_load %arg8[%get3A_630, %get3A_631] {strides = array<i32>} : memref<3x2000xi32, #tpu.memory_space<vmem>>, vector<16xi32>,
          %get3A_633 = arith.constant 1 : i32
          %get3A_634 = arith.index_cast %get3A_633 : i32 to index
          %get3A_635 = arith.index_cast %mul3A_628 : i32 to index
          %get3A_636 = tpu.vector_load %arg7[%get3A_634, %get3A_635] {strides = array<i32>} : memref<3x2000xi32, #tpu.memory_space<vmem>>, vector<16xi32>,
          %gather3A_637 = tpu.vector_load_idx %arg9[%get3A_632] : memref<20000xf32, #tpu.memory_space<vmem>>[vector<16xi32>], vector<16xf32>,
          %gather3A_638 = tpu.vector_load_idx %arg10[%get3A_636] : memref<20000xf32, #tpu.memory_space<vmem>>[vector<16xi32>], vector<16xf32>,
          %mul3A_639 = arith.mulf %gather3A_637, %gather3A_638 : vector<16xf32>
          %add3A_640 = arith.addf %add3A_616, %mul3A_639 : vector<16xf32>
          %add3A_641 = arith.addi %get3A_632, %broadcast_in_dim3A_51 : vector<16xi32>
          %gather3A_642 = tpu.vector_load_idx %arg9[%add3A_641] : memref<20000xf32, #tpu.memory_space<vmem>>[vector<16xi32>], vector<16xf32>,
          %add3A_643 = arith.addi %get3A_636, %broadcast_in_dim3A_51 : vector<16xi32>
          %gather3A_644 = tpu.vector_load_idx %arg10[%add3A_643] : memref<20000xf32, #tpu.memory_space<vmem>>[vector<16xi32>], vector<16xf32>,
          %mul3A_645 = arith.mulf %gather3A_642, %gather3A_644 : vector<16xf32>
          %add3A_646 = arith.addf %add3A_622, %mul3A_645 : vector<16xf32>
          %mul3A_647 = arith.constant 25 : i32
          %mul3A_648 = arith.muli %scan3A_117, %mul3A_647 : i32
          %add3A_649 = arith.constant 22 : i32
          %add3A_650 = arith.addi %mul3A_648, %add3A_649 : i32
          %mul3A_651 = arith.constant 16 : i32
          %mul3A_652 = arith.muli %add3A_650, %mul3A_651 : i32
          %get3A_653 = arith.constant 1 : i32
          %get3A_654 = arith.index_cast %get3A_653 : i32 to index
          %get3A_655 = arith.index_cast %mul3A_652 : i32 to index
          %get3A_656 = tpu.vector_load %arg8[%get3A_654, %get3A_655] {strides = array<i32>} : memref<3x2000xi32, #tpu.memory_space<vmem>>, vector<16xi32>,
          %get3A_657 = arith.constant 1 : i32
          %get3A_658 = arith.index_cast %get3A_657 : i32 to index
          %get3A_659 = arith.index_cast %mul3A_652 : i32 to index
          %get3A_660 = tpu.vector_load %arg7[%get3A_658, %get3A_659] {strides = array<i32>} : memref<3x2000xi32, #tpu.memory_space<vmem>>, vector<16xi32>,
          %gather3A_661 = tpu.vector_load_idx %arg9[%get3A_656] : memref<20000xf32, #tpu.memory_space<vmem>>[vector<16xi32>], vector<16xf32>,
          %gather3A_662 = tpu.vector_load_idx %arg10[%get3A_660] : memref<20000xf32, #tpu.memory_space<vmem>>[vector<16xi32>], vector<16xf32>,
          %mul3A_663 = arith.mulf %gather3A_661, %gather3A_662 : vector<16xf32>
          %add3A_664 = arith.addf %add3A_640, %mul3A_663 : vector<16xf32>
          %add3A_665 = arith.addi %get3A_656, %broadcast_in_dim3A_51 : vector<16xi32>
          %gather3A_666 = tpu.vector_load_idx %arg9[%add3A_665] : memref<20000xf32, #tpu.memory_space<vmem>>[vector<16xi32>], vector<16xf32>,
          %add3A_667 = arith.addi %get3A_660, %broadcast_in_dim3A_51 : vector<16xi32>
          %gather3A_668 = tpu.vector_load_idx %arg10[%add3A_667] : memref<20000xf32, #tpu.memory_space<vmem>>[vector<16xi32>], vector<16xf32>,
          %mul3A_669 = arith.mulf %gather3A_666, %gather3A_668 : vector<16xf32>
          %add3A_670 = arith.addf %add3A_646, %mul3A_669 : vector<16xf32>
          %mul3A_671 = arith.constant 25 : i32
          %mul3A_672 = arith.muli %scan3A_117, %mul3A_671 : i32
          %add3A_673 = arith.constant 23 : i32
          %add3A_674 = arith.addi %mul3A_672, %add3A_673 : i32
          %mul3A_675 = arith.constant 16 : i32
          %mul3A_676 = arith.muli %add3A_674, %mul3A_675 : i32
          %get3A_677 = arith.constant 1 : i32
          %get3A_678 = arith.index_cast %get3A_677 : i32 to index
          %get3A_679 = arith.index_cast %mul3A_676 : i32 to index
          %get3A_680 = tpu.vector_load %arg8[%get3A_678, %get3A_679] {strides = array<i32>} : memref<3x2000xi32, #tpu.memory_space<vmem>>, vector<16xi32>,
          %get3A_681 = arith.constant 1 : i32
          %get3A_682 = arith.index_cast %get3A_681 : i32 to index
          %get3A_683 = arith.index_cast %mul3A_676 : i32 to index
          %get3A_684 = tpu.vector_load %arg7[%get3A_682, %get3A_683] {strides = array<i32>} : memref<3x2000xi32, #tpu.memory_space<vmem>>, vector<16xi32>,
          %gather3A_685 = tpu.vector_load_idx %arg9[%get3A_680] : memref<20000xf32, #tpu.memory_space<vmem>>[vector<16xi32>], vector<16xf32>,
          %gather3A_686 = tpu.vector_load_idx %arg10[%get3A_684] : memref<20000xf32, #tpu.memory_space<vmem>>[vector<16xi32>], vector<16xf32>,
          %mul3A_687 = arith.mulf %gather3A_685, %gather3A_686 : vector<16xf32>
          %add3A_688 = arith.addf %add3A_664, %mul3A_687 : vector<16xf32>
          %add3A_689 = arith.addi %get3A_680, %broadcast_in_dim3A_51 : vector<16xi32>
          %gather3A_690 = tpu.vector_load_idx %arg9[%add3A_689] : memref<20000xf32, #tpu.memory_space<vmem>>[vector<16xi32>], vector<16xf32>,
          %add3A_691 = arith.addi %get3A_684, %broadcast_in_dim3A_51 : vector<16xi32>
          %gather3A_692 = tpu.vector_load_idx %arg10[%add3A_691] : memref<20000xf32, #tpu.memory_space<vmem>>[vector<16xi32>], vector<16xf32>,
          %mul3A_693 = arith.mulf %gather3A_690, %gather3A_692 : vector<16xf32>
          %add3A_694 = arith.addf %add3A_670, %mul3A_693 : vector<16xf32>
          %mul3A_695 = arith.constant 25 : i32
          %mul3A_696 = arith.muli %scan3A_117, %mul3A_695 : i32
          %add3A_697 = arith.constant 24 : i32
          %add3A_698 = arith.addi %mul3A_696, %add3A_697 : i32
          %mul3A_699 = arith.constant 16 : i32
          %mul3A_700 = arith.muli %add3A_698, %mul3A_699 : i32
          %get3A_701 = arith.constant 1 : i32
          %get3A_702 = arith.index_cast %get3A_701 : i32 to index
          %get3A_703 = arith.index_cast %mul3A_700 : i32 to index
          %get3A_704 = tpu.vector_load %arg8[%get3A_702, %get3A_703] {strides = array<i32>} : memref<3x2000xi32, #tpu.memory_space<vmem>>, vector<16xi32>,
          %get3A_705 = arith.constant 1 : i32
          %get3A_706 = arith.index_cast %get3A_705 : i32 to index
          %get3A_707 = arith.index_cast %mul3A_700 : i32 to index
          %get3A_708 = tpu.vector_load %arg7[%get3A_706, %get3A_707] {strides = array<i32>} : memref<3x2000xi32, #tpu.memory_space<vmem>>, vector<16xi32>,
          %gather3A_709 = tpu.vector_load_idx %arg9[%get3A_704] : memref<20000xf32, #tpu.memory_space<vmem>>[vector<16xi32>], vector<16xf32>,
          %gather3A_710 = tpu.vector_load_idx %arg10[%get3A_708] : memref<20000xf32, #tpu.memory_space<vmem>>[vector<16xi32>], vector<16xf32>,
          %mul3A_711 = arith.mulf %gather3A_709, %gather3A_710 : vector<16xf32>
          %add3A_712 = arith.addf %add3A_688, %mul3A_711 : vector<16xf32>
          %add3A_713 = arith.addi %get3A_704, %broadcast_in_dim3A_51 : vector<16xi32>
          %gather3A_714 = tpu.vector_load_idx %arg9[%add3A_713] : memref<20000xf32, #tpu.memory_space<vmem>>[vector<16xi32>], vector<16xf32>,
          %add3A_715 = arith.addi %get3A_708, %broadcast_in_dim3A_51 : vector<16xi32>
          %gather3A_716 = tpu.vector_load_idx %arg10[%add3A_715] : memref<20000xf32, #tpu.memory_space<vmem>>[vector<16xi32>], vector<16xf32>,
          %mul3A_717 = arith.mulf %gather3A_714, %gather3A_716 : vector<16xf32>
          %add3A_718 = arith.addf %add3A_694, %mul3A_717 : vector<16xf32>
          scf.yield %add3A_712, %add3A_718 : vector<16xf32>, vector<16xf32>
        }
        %scan3A_107 = arith.constant 5 : i32
        %get3A = arith.constant 0 : index
        %get3A_108 = tpu.vector_load %arg11[%get3A] {strides = array<i32>} : memref<32xf32, #tpu.memory_space<vmem>>, vector<16xf32>,
        %add3A_109 = arith.addf %get3A_108, %scan3A_106#0 : vector<16xf32>
        %swap3A_110 = arith.constant 0 : index
        %swap3A_111 = tpu.vector_load %arg11[%swap3A_110] {strides = array<i32>} : memref<32xf32, #tpu.memory_space<vmem>>, vector<16xf32>,
        tpu.vector_store %arg11[%swap3A_110], %add3A_109 {strides = array<i32>} : memref<32xf32, #tpu.memory_space<vmem>>, vector<16xf32>,
        %get3A_112 = arith.constant 16 : index
        %get3A_113 = tpu.vector_load %arg11[%get3A_112] {strides = array<i32>} : memref<32xf32, #tpu.memory_space<vmem>>, vector<16xf32>,
        %add3A_114 = arith.addf %get3A_113, %scan3A_106#1 : vector<16xf32>
        %swap3A_115 = arith.constant 16 : index
        %swap3A_116 = tpu.vector_load %arg11[%swap3A_115] {strides = array<i32>} : memref<32xf32, #tpu.memory_space<vmem>>, vector<16xf32>,
        tpu.vector_store %arg11[%swap3A_115], %add3A_114 {strides = array<i32>} : memref<32xf32, #tpu.memory_space<vmem>>, vector<16xf32>,
      } else {
      }
      %eq3A_68 = arith.constant 2 : i32
      %eq3A_69 = arith.cmpi eq, %rem3A_60, %eq3A_68 : i32
      %convert_element_type3A_70 = arith.extui %eq3A_69 : i1 to i32
      %cond3A_71 = arith.constant 0 : i32
      %cond3A_72 = arith.cmpi ne, %convert_element_type3A_70, %cond3A_71 : i32
      scf.if %cond3A_72 {
        %mul3A_74 = arith.constant 2000 : i32
        %mul3A_75 = arith.muli %scan3A_58, %mul3A_74 : i32
        %dma_wait3A = arith.constant 2 : i32
        %dma_wait3A_76 = arith.constant 0 : i32
        %dma_wait3A_77 = tpu.memref_slice %arg7[%dma_wait3A, %dma_wait3A_76] : memref<3x2000xi32, #tpu.memory_space<vmem>> -> memref<1x2000xi32, #tpu.memory_space<vmem>>
        %dma_wait3A_78 = tpu.memref_squeeze %dma_wait3A_77 : memref<1x2000xi32, #tpu.memory_space<vmem>> -> memref<2000xi32, #tpu.memory_space<vmem>>
        %dma_wait3A_79 = tpu.memref_slice %arg2[%mul3A_75] : memref<320000xi32, #tpu.memory_space<hbm>> -> memref<2000xi32, #tpu.memory_space<hbm>>
        %dma_wait3A_80 = arith.constant 0 : i32
        %dma_wait3A_81 = tpu.memref_slice %arg7[%dma_wait3A, %dma_wait3A_80] : memref<3x2000xi32, #tpu.memory_space<vmem>> -> memref<1x2000xi32, #tpu.memory_space<vmem>>
        %dma_wait3A_82 = tpu.memref_squeeze %dma_wait3A_81 : memref<1x2000xi32, #tpu.memory_space<vmem>> -> memref<2000xi32, #tpu.memory_space<vmem>>
        %dma_wait3A_83 = tpu.memref_slice %arg2[%mul3A_75] : memref<320000xi32, #tpu.memory_space<hbm>> -> memref<2000xi32, #tpu.memory_space<hbm>>
        tpu.wait_dma2 semaphore(%arg14 : memref<!tpu.dma_semaphore, #tpu.memory_space<semaphore_mem>>) src(%dma_wait3A_83 : memref<2000xi32, #tpu.memory_space<hbm>>) dst(%dma_wait3A_82 : memref<2000xi32, #tpu.memory_space<vmem>>)
        %dma_wait3A_84 = arith.constant 2 : i32
        %dma_wait3A_85 = arith.constant 0 : i32
        %dma_wait3A_86 = tpu.memref_slice %arg8[%dma_wait3A_84, %dma_wait3A_85] : memref<3x2000xi32, #tpu.memory_space<vmem>> -> memref<1x2000xi32, #tpu.memory_space<vmem>>
        %dma_wait3A_87 = tpu.memref_squeeze %dma_wait3A_86 : memref<1x2000xi32, #tpu.memory_space<vmem>> -> memref<2000xi32, #tpu.memory_space<vmem>>
        %dma_wait3A_88 = tpu.memref_slice %arg3[%mul3A_75] : memref<320000xi32, #tpu.memory_space<hbm>> -> memref<2000xi32, #tpu.memory_space<hbm>>
        %dma_wait3A_89 = arith.constant 0 : i32
        %dma_wait3A_90 = tpu.memref_slice %arg8[%dma_wait3A_84, %dma_wait3A_89] : memref<3x2000xi32, #tpu.memory_space<vmem>> -> memref<1x2000xi32, #tpu.memory_space<vmem>>
        %dma_wait3A_91 = tpu.memref_squeeze %dma_wait3A_90 : memref<1x2000xi32, #tpu.memory_space<vmem>> -> memref<2000xi32, #tpu.memory_space<vmem>>
        %dma_wait3A_92 = tpu.memref_slice %arg3[%mul3A_75] : memref<320000xi32, #tpu.memory_space<hbm>> -> memref<2000xi32, #tpu.memory_space<hbm>>
        tpu.wait_dma2 semaphore(%arg14 : memref<!tpu.dma_semaphore, #tpu.memory_space<semaphore_mem>>) src(%dma_wait3A_92 : memref<2000xi32, #tpu.memory_space<hbm>>) dst(%dma_wait3A_91 : memref<2000xi32, #tpu.memory_space<vmem>>)
        %add3A_93 = arith.constant 3 : i32
        %add3A_94 = arith.addi %scan3A_58, %add3A_93 : i32
        %sub3A = arith.constant 1 : i32
        %sub3A_95 = arith.subi %add3A_94, %sub3A : i32
        %lt3A = arith.constant 160 : i32
        %lt3A_96 = arith.cmpi slt, %sub3A_95, %lt3A : i32
        %convert_element_type3A_97 = arith.extui %lt3A_96 : i1 to i32
        %cond3A_98 = arith.constant 0 : i32
        %cond3A_99 = arith.cmpi ne, %convert_element_type3A_97, %cond3A_98 : i32
        scf.if %cond3A_99 {
          %add3A_117 = arith.constant 3 : i32
          %add3A_118 = arith.addi %scan3A_58, %add3A_117 : i32
          %sub3A_119 = arith.constant 1 : i32
          %sub3A_120 = arith.subi %add3A_118, %sub3A_119 : i32
          %mul3A_121 = arith.constant 2000 : i32
          %mul3A_122 = arith.muli %sub3A_120, %mul3A_121 : i32
          %dma_start3A_123 = arith.constant 1 : i32
          %dma_start3A_124 = arith.constant 0 : i32
          %dma_start3A_125 = tpu.memref_slice %arg7[%dma_start3A_123, %dma_start3A_124] : memref<3x2000xi32, #tpu.memory_space<vmem>> -> memref<1x2000xi32, #tpu.memory_space<vmem>>
          %dma_start3A_126 = tpu.memref_squeeze %dma_start3A_125 : memref<1x2000xi32, #tpu.memory_space<vmem>> -> memref<2000xi32, #tpu.memory_space<vmem>>
          %dma_start3A_127 = tpu.memref_slice %arg2[%mul3A_122] : memref<320000xi32, #tpu.memory_space<hbm>> -> memref<2000xi32, #tpu.memory_space<hbm>>
          %dma_start3A_128 = arith.constant 0 : i32
          %dma_start3A_129 = tpu.memref_slice %arg7[%dma_start3A_123, %dma_start3A_128] : memref<3x2000xi32, #tpu.memory_space<vmem>> -> memref<1x2000xi32, #tpu.memory_space<vmem>>
          %dma_start3A_130 = tpu.memref_squeeze %dma_start3A_129 : memref<1x2000xi32, #tpu.memory_space<vmem>> -> memref<2000xi32, #tpu.memory_space<vmem>>
          %dma_start3A_131 = tpu.memref_slice %arg2[%mul3A_122] : memref<320000xi32, #tpu.memory_space<hbm>> -> memref<2000xi32, #tpu.memory_space<hbm>>
          tpu.enqueue_dma source(%dma_start3A_131 : memref<2000xi32, #tpu.memory_space<hbm>>) target(%dma_start3A_130 : memref<2000xi32, #tpu.memory_space<vmem>>) target_semaphore(%arg13 : memref<!tpu.dma_semaphore, #tpu.memory_space<semaphore_mem>>)
          %dma_start3A_132 = arith.constant 1 : i32
          %dma_start3A_133 = arith.constant 0 : i32
          %dma_start3A_134 = tpu.memref_slice %arg8[%dma_start3A_132, %dma_start3A_133] : memref<3x2000xi32, #tpu.memory_space<vmem>> -> memref<1x2000xi32, #tpu.memory_space<vmem>>
          %dma_start3A_135 = tpu.memref_squeeze %dma_start3A_134 : memref<1x2000xi32, #tpu.memory_space<vmem>> -> memref<2000xi32, #tpu.memory_space<vmem>>
          %dma_start3A_136 = tpu.memref_slice %arg3[%mul3A_122] : memref<320000xi32, #tpu.memory_space<hbm>> -> memref<2000xi32, #tpu.memory_space<hbm>>
          %dma_start3A_137 = arith.constant 0 : i32
          %dma_start3A_138 = tpu.memref_slice %arg8[%dma_start3A_132, %dma_start3A_137] : memref<3x2000xi32, #tpu.memory_space<vmem>> -> memref<1x2000xi32, #tpu.memory_space<vmem>>
          %dma_start3A_139 = tpu.memref_squeeze %dma_start3A_138 : memref<1x2000xi32, #tpu.memory_space<vmem>> -> memref<2000xi32, #tpu.memory_space<vmem>>
          %dma_start3A_140 = tpu.memref_slice %arg3[%mul3A_122] : memref<320000xi32, #tpu.memory_space<hbm>> -> memref<2000xi32, #tpu.memory_space<hbm>>
          tpu.enqueue_dma source(%dma_start3A_140 : memref<2000xi32, #tpu.memory_space<hbm>>) target(%dma_start3A_139 : memref<2000xi32, #tpu.memory_space<vmem>>) target_semaphore(%arg13 : memref<!tpu.dma_semaphore, #tpu.memory_space<semaphore_mem>>)
        } else {
        }
        %broadcast_in_dim3A_100 = arith.constant 0.000000e+00 : f32
        %broadcast_in_dim3A_101 = vector.broadcast %broadcast_in_dim3A_100 : f32 to vector<16xf32>
        %scan3A_102 = arith.constant 0 : i32
        %scan3A_103 = arith.constant 5 : i32
        %scan3A_104 = arith.addi %scan3A_102, %scan3A_103 : i32
        %scan3A_105 = arith.constant 1 : i32
        %scan3A_106:2 = scf.for %scan3A_117 = %scan3A_102 to %scan3A_104 step %scan3A_105 iter_args(%scan3A_118 = %broadcast_in_dim3A_101, %scan3A_119 = %broadcast_in_dim3A_101) -> (vector<16xf32>, vector<16xf32>)  : i32 {
          %mul3A_120 = arith.constant 25 : i32
          %mul3A_121 = arith.muli %scan3A_117, %mul3A_120 : i32
          %add3A_122 = arith.constant 0 : i32
          %add3A_123 = arith.addi %mul3A_121, %add3A_122 : i32
          %mul3A_124 = arith.constant 16 : i32
          %mul3A_125 = arith.muli %add3A_123, %mul3A_124 : i32
          %get3A_126 = arith.constant 2 : i32
          %get3A_127 = arith.index_cast %get3A_126 : i32 to index
          %get3A_128 = arith.index_cast %mul3A_125 : i32 to index
          %get3A_129 = tpu.vector_load %arg8[%get3A_127, %get3A_128] {strides = array<i32>} : memref<3x2000xi32, #tpu.memory_space<vmem>>, vector<16xi32>,
          %get3A_130 = arith.constant 2 : i32
          %get3A_131 = arith.index_cast %get3A_130 : i32 to index
          %get3A_132 = arith.index_cast %mul3A_125 : i32 to index
          %get3A_133 = tpu.vector_load %arg7[%get3A_131, %get3A_132] {strides = array<i32>} : memref<3x2000xi32, #tpu.memory_space<vmem>>, vector<16xi32>,
          %gather3A = tpu.vector_load_idx %arg9[%get3A_129] : memref<20000xf32, #tpu.memory_space<vmem>>[vector<16xi32>], vector<16xf32>,
          %gather3A_134 = tpu.vector_load_idx %arg10[%get3A_133] : memref<20000xf32, #tpu.memory_space<vmem>>[vector<16xi32>], vector<16xf32>,
          %mul3A_135 = arith.mulf %gather3A, %gather3A_134 : vector<16xf32>
          %add3A_136 = arith.addf %scan3A_118, %mul3A_135 : vector<16xf32>
          %add3A_137 = arith.addi %get3A_129, %broadcast_in_dim3A_51 : vector<16xi32>
          %gather3A_138 = tpu.vector_load_idx %arg9[%add3A_137] : memref<20000xf32, #tpu.memory_space<vmem>>[vector<16xi32>], vector<16xf32>,
          %add3A_139 = arith.addi %get3A_133, %broadcast_in_dim3A_51 : vector<16xi32>
          %gather3A_140 = tpu.vector_load_idx %arg10[%add3A_139] : memref<20000xf32, #tpu.memory_space<vmem>>[vector<16xi32>], vector<16xf32>,
          %mul3A_141 = arith.mulf %gather3A_138, %gather3A_140 : vector<16xf32>
          %add3A_142 = arith.addf %scan3A_119, %mul3A_141 : vector<16xf32>
          %mul3A_143 = arith.constant 25 : i32
          %mul3A_144 = arith.muli %scan3A_117, %mul3A_143 : i32
          %add3A_145 = arith.constant 1 : i32
          %add3A_146 = arith.addi %mul3A_144, %add3A_145 : i32
          %mul3A_147 = arith.constant 16 : i32
          %mul3A_148 = arith.muli %add3A_146, %mul3A_147 : i32
          %get3A_149 = arith.constant 2 : i32
          %get3A_150 = arith.index_cast %get3A_149 : i32 to index
          %get3A_151 = arith.index_cast %mul3A_148 : i32 to index
          %get3A_152 = tpu.vector_load %arg8[%get3A_150, %get3A_151] {strides = array<i32>} : memref<3x2000xi32, #tpu.memory_space<vmem>>, vector<16xi32>,
          %get3A_153 = arith.constant 2 : i32
          %get3A_154 = arith.index_cast %get3A_153 : i32 to index
          %get3A_155 = arith.index_cast %mul3A_148 : i32 to index
          %get3A_156 = tpu.vector_load %arg7[%get3A_154, %get3A_155] {strides = array<i32>} : memref<3x2000xi32, #tpu.memory_space<vmem>>, vector<16xi32>,
          %gather3A_157 = tpu.vector_load_idx %arg9[%get3A_152] : memref<20000xf32, #tpu.memory_space<vmem>>[vector<16xi32>], vector<16xf32>,
          %gather3A_158 = tpu.vector_load_idx %arg10[%get3A_156] : memref<20000xf32, #tpu.memory_space<vmem>>[vector<16xi32>], vector<16xf32>,
          %mul3A_159 = arith.mulf %gather3A_157, %gather3A_158 : vector<16xf32>
          %add3A_160 = arith.addf %add3A_136, %mul3A_159 : vector<16xf32>
          %add3A_161 = arith.addi %get3A_152, %broadcast_in_dim3A_51 : vector<16xi32>
          %gather3A_162 = tpu.vector_load_idx %arg9[%add3A_161] : memref<20000xf32, #tpu.memory_space<vmem>>[vector<16xi32>], vector<16xf32>,
          %add3A_163 = arith.addi %get3A_156, %broadcast_in_dim3A_51 : vector<16xi32>
          %gather3A_164 = tpu.vector_load_idx %arg10[%add3A_163] : memref<20000xf32, #tpu.memory_space<vmem>>[vector<16xi32>], vector<16xf32>,
          %mul3A_165 = arith.mulf %gather3A_162, %gather3A_164 : vector<16xf32>
          %add3A_166 = arith.addf %add3A_142, %mul3A_165 : vector<16xf32>
          %mul3A_167 = arith.constant 25 : i32
          %mul3A_168 = arith.muli %scan3A_117, %mul3A_167 : i32
          %add3A_169 = arith.constant 2 : i32
          %add3A_170 = arith.addi %mul3A_168, %add3A_169 : i32
          %mul3A_171 = arith.constant 16 : i32
          %mul3A_172 = arith.muli %add3A_170, %mul3A_171 : i32
          %get3A_173 = arith.constant 2 : i32
          %get3A_174 = arith.index_cast %get3A_173 : i32 to index
          %get3A_175 = arith.index_cast %mul3A_172 : i32 to index
          %get3A_176 = tpu.vector_load %arg8[%get3A_174, %get3A_175] {strides = array<i32>} : memref<3x2000xi32, #tpu.memory_space<vmem>>, vector<16xi32>,
          %get3A_177 = arith.constant 2 : i32
          %get3A_178 = arith.index_cast %get3A_177 : i32 to index
          %get3A_179 = arith.index_cast %mul3A_172 : i32 to index
          %get3A_180 = tpu.vector_load %arg7[%get3A_178, %get3A_179] {strides = array<i32>} : memref<3x2000xi32, #tpu.memory_space<vmem>>, vector<16xi32>,
          %gather3A_181 = tpu.vector_load_idx %arg9[%get3A_176] : memref<20000xf32, #tpu.memory_space<vmem>>[vector<16xi32>], vector<16xf32>,
          %gather3A_182 = tpu.vector_load_idx %arg10[%get3A_180] : memref<20000xf32, #tpu.memory_space<vmem>>[vector<16xi32>], vector<16xf32>,
          %mul3A_183 = arith.mulf %gather3A_181, %gather3A_182 : vector<16xf32>
          %add3A_184 = arith.addf %add3A_160, %mul3A_183 : vector<16xf32>
          %add3A_185 = arith.addi %get3A_176, %broadcast_in_dim3A_51 : vector<16xi32>
          %gather3A_186 = tpu.vector_load_idx %arg9[%add3A_185] : memref<20000xf32, #tpu.memory_space<vmem>>[vector<16xi32>], vector<16xf32>,
          %add3A_187 = arith.addi %get3A_180, %broadcast_in_dim3A_51 : vector<16xi32>
          %gather3A_188 = tpu.vector_load_idx %arg10[%add3A_187] : memref<20000xf32, #tpu.memory_space<vmem>>[vector<16xi32>], vector<16xf32>,
          %mul3A_189 = arith.mulf %gather3A_186, %gather3A_188 : vector<16xf32>
          %add3A_190 = arith.addf %add3A_166, %mul3A_189 : vector<16xf32>
          %mul3A_191 = arith.constant 25 : i32
          %mul3A_192 = arith.muli %scan3A_117, %mul3A_191 : i32
          %add3A_193 = arith.constant 3 : i32
          %add3A_194 = arith.addi %mul3A_192, %add3A_193 : i32
          %mul3A_195 = arith.constant 16 : i32
          %mul3A_196 = arith.muli %add3A_194, %mul3A_195 : i32
          %get3A_197 = arith.constant 2 : i32
          %get3A_198 = arith.index_cast %get3A_197 : i32 to index
          %get3A_199 = arith.index_cast %mul3A_196 : i32 to index
          %get3A_200 = tpu.vector_load %arg8[%get3A_198, %get3A_199] {strides = array<i32>} : memref<3x2000xi32, #tpu.memory_space<vmem>>, vector<16xi32>,
          %get3A_201 = arith.constant 2 : i32
          %get3A_202 = arith.index_cast %get3A_201 : i32 to index
          %get3A_203 = arith.index_cast %mul3A_196 : i32 to index
          %get3A_204 = tpu.vector_load %arg7[%get3A_202, %get3A_203] {strides = array<i32>} : memref<3x2000xi32, #tpu.memory_space<vmem>>, vector<16xi32>,
          %gather3A_205 = tpu.vector_load_idx %arg9[%get3A_200] : memref<20000xf32, #tpu.memory_space<vmem>>[vector<16xi32>], vector<16xf32>,
          %gather3A_206 = tpu.vector_load_idx %arg10[%get3A_204] : memref<20000xf32, #tpu.memory_space<vmem>>[vector<16xi32>], vector<16xf32>,
          %mul3A_207 = arith.mulf %gather3A_205, %gather3A_206 : vector<16xf32>
          %add3A_208 = arith.addf %add3A_184, %mul3A_207 : vector<16xf32>
          %add3A_209 = arith.addi %get3A_200, %broadcast_in_dim3A_51 : vector<16xi32>
          %gather3A_210 = tpu.vector_load_idx %arg9[%add3A_209] : memref<20000xf32, #tpu.memory_space<vmem>>[vector<16xi32>], vector<16xf32>,
          %add3A_211 = arith.addi %get3A_204, %broadcast_in_dim3A_51 : vector<16xi32>
          %gather3A_212 = tpu.vector_load_idx %arg10[%add3A_211] : memref<20000xf32, #tpu.memory_space<vmem>>[vector<16xi32>], vector<16xf32>,
          %mul3A_213 = arith.mulf %gather3A_210, %gather3A_212 : vector<16xf32>
          %add3A_214 = arith.addf %add3A_190, %mul3A_213 : vector<16xf32>
          %mul3A_215 = arith.constant 25 : i32
          %mul3A_216 = arith.muli %scan3A_117, %mul3A_215 : i32
          %add3A_217 = arith.constant 4 : i32
          %add3A_218 = arith.addi %mul3A_216, %add3A_217 : i32
          %mul3A_219 = arith.constant 16 : i32
          %mul3A_220 = arith.muli %add3A_218, %mul3A_219 : i32
          %get3A_221 = arith.constant 2 : i32
          %get3A_222 = arith.index_cast %get3A_221 : i32 to index
          %get3A_223 = arith.index_cast %mul3A_220 : i32 to index
          %get3A_224 = tpu.vector_load %arg8[%get3A_222, %get3A_223] {strides = array<i32>} : memref<3x2000xi32, #tpu.memory_space<vmem>>, vector<16xi32>,
          %get3A_225 = arith.constant 2 : i32
          %get3A_226 = arith.index_cast %get3A_225 : i32 to index
          %get3A_227 = arith.index_cast %mul3A_220 : i32 to index
          %get3A_228 = tpu.vector_load %arg7[%get3A_226, %get3A_227] {strides = array<i32>} : memref<3x2000xi32, #tpu.memory_space<vmem>>, vector<16xi32>,
          %gather3A_229 = tpu.vector_load_idx %arg9[%get3A_224] : memref<20000xf32, #tpu.memory_space<vmem>>[vector<16xi32>], vector<16xf32>,
          %gather3A_230 = tpu.vector_load_idx %arg10[%get3A_228] : memref<20000xf32, #tpu.memory_space<vmem>>[vector<16xi32>], vector<16xf32>,
          %mul3A_231 = arith.mulf %gather3A_229, %gather3A_230 : vector<16xf32>
          %add3A_232 = arith.addf %add3A_208, %mul3A_231 : vector<16xf32>
          %add3A_233 = arith.addi %get3A_224, %broadcast_in_dim3A_51 : vector<16xi32>
          %gather3A_234 = tpu.vector_load_idx %arg9[%add3A_233] : memref<20000xf32, #tpu.memory_space<vmem>>[vector<16xi32>], vector<16xf32>,
          %add3A_235 = arith.addi %get3A_228, %broadcast_in_dim3A_51 : vector<16xi32>
          %gather3A_236 = tpu.vector_load_idx %arg10[%add3A_235] : memref<20000xf32, #tpu.memory_space<vmem>>[vector<16xi32>], vector<16xf32>,
          %mul3A_237 = arith.mulf %gather3A_234, %gather3A_236 : vector<16xf32>
          %add3A_238 = arith.addf %add3A_214, %mul3A_237 : vector<16xf32>
          %mul3A_239 = arith.constant 25 : i32
          %mul3A_240 = arith.muli %scan3A_117, %mul3A_239 : i32
          %add3A_241 = arith.constant 5 : i32
          %add3A_242 = arith.addi %mul3A_240, %add3A_241 : i32
          %mul3A_243 = arith.constant 16 : i32
          %mul3A_244 = arith.muli %add3A_242, %mul3A_243 : i32
          %get3A_245 = arith.constant 2 : i32
          %get3A_246 = arith.index_cast %get3A_245 : i32 to index
          %get3A_247 = arith.index_cast %mul3A_244 : i32 to index
          %get3A_248 = tpu.vector_load %arg8[%get3A_246, %get3A_247] {strides = array<i32>} : memref<3x2000xi32, #tpu.memory_space<vmem>>, vector<16xi32>,
          %get3A_249 = arith.constant 2 : i32
          %get3A_250 = arith.index_cast %get3A_249 : i32 to index
          %get3A_251 = arith.index_cast %mul3A_244 : i32 to index
          %get3A_252 = tpu.vector_load %arg7[%get3A_250, %get3A_251] {strides = array<i32>} : memref<3x2000xi32, #tpu.memory_space<vmem>>, vector<16xi32>,
          %gather3A_253 = tpu.vector_load_idx %arg9[%get3A_248] : memref<20000xf32, #tpu.memory_space<vmem>>[vector<16xi32>], vector<16xf32>,
          %gather3A_254 = tpu.vector_load_idx %arg10[%get3A_252] : memref<20000xf32, #tpu.memory_space<vmem>>[vector<16xi32>], vector<16xf32>,
          %mul3A_255 = arith.mulf %gather3A_253, %gather3A_254 : vector<16xf32>
          %add3A_256 = arith.addf %add3A_232, %mul3A_255 : vector<16xf32>
          %add3A_257 = arith.addi %get3A_248, %broadcast_in_dim3A_51 : vector<16xi32>
          %gather3A_258 = tpu.vector_load_idx %arg9[%add3A_257] : memref<20000xf32, #tpu.memory_space<vmem>>[vector<16xi32>], vector<16xf32>,
          %add3A_259 = arith.addi %get3A_252, %broadcast_in_dim3A_51 : vector<16xi32>
          %gather3A_260 = tpu.vector_load_idx %arg10[%add3A_259] : memref<20000xf32, #tpu.memory_space<vmem>>[vector<16xi32>], vector<16xf32>,
          %mul3A_261 = arith.mulf %gather3A_258, %gather3A_260 : vector<16xf32>
          %add3A_262 = arith.addf %add3A_238, %mul3A_261 : vector<16xf32>
          %mul3A_263 = arith.constant 25 : i32
          %mul3A_264 = arith.muli %scan3A_117, %mul3A_263 : i32
          %add3A_265 = arith.constant 6 : i32
          %add3A_266 = arith.addi %mul3A_264, %add3A_265 : i32
          %mul3A_267 = arith.constant 16 : i32
          %mul3A_268 = arith.muli %add3A_266, %mul3A_267 : i32
          %get3A_269 = arith.constant 2 : i32
          %get3A_270 = arith.index_cast %get3A_269 : i32 to index
          %get3A_271 = arith.index_cast %mul3A_268 : i32 to index
          %get3A_272 = tpu.vector_load %arg8[%get3A_270, %get3A_271] {strides = array<i32>} : memref<3x2000xi32, #tpu.memory_space<vmem>>, vector<16xi32>,
          %get3A_273 = arith.constant 2 : i32
          %get3A_274 = arith.index_cast %get3A_273 : i32 to index
          %get3A_275 = arith.index_cast %mul3A_268 : i32 to index
          %get3A_276 = tpu.vector_load %arg7[%get3A_274, %get3A_275] {strides = array<i32>} : memref<3x2000xi32, #tpu.memory_space<vmem>>, vector<16xi32>,
          %gather3A_277 = tpu.vector_load_idx %arg9[%get3A_272] : memref<20000xf32, #tpu.memory_space<vmem>>[vector<16xi32>], vector<16xf32>,
          %gather3A_278 = tpu.vector_load_idx %arg10[%get3A_276] : memref<20000xf32, #tpu.memory_space<vmem>>[vector<16xi32>], vector<16xf32>,
          %mul3A_279 = arith.mulf %gather3A_277, %gather3A_278 : vector<16xf32>
          %add3A_280 = arith.addf %add3A_256, %mul3A_279 : vector<16xf32>
          %add3A_281 = arith.addi %get3A_272, %broadcast_in_dim3A_51 : vector<16xi32>
          %gather3A_282 = tpu.vector_load_idx %arg9[%add3A_281] : memref<20000xf32, #tpu.memory_space<vmem>>[vector<16xi32>], vector<16xf32>,
          %add3A_283 = arith.addi %get3A_276, %broadcast_in_dim3A_51 : vector<16xi32>
          %gather3A_284 = tpu.vector_load_idx %arg10[%add3A_283] : memref<20000xf32, #tpu.memory_space<vmem>>[vector<16xi32>], vector<16xf32>,
          %mul3A_285 = arith.mulf %gather3A_282, %gather3A_284 : vector<16xf32>
          %add3A_286 = arith.addf %add3A_262, %mul3A_285 : vector<16xf32>
          %mul3A_287 = arith.constant 25 : i32
          %mul3A_288 = arith.muli %scan3A_117, %mul3A_287 : i32
          %add3A_289 = arith.constant 7 : i32
          %add3A_290 = arith.addi %mul3A_288, %add3A_289 : i32
          %mul3A_291 = arith.constant 16 : i32
          %mul3A_292 = arith.muli %add3A_290, %mul3A_291 : i32
          %get3A_293 = arith.constant 2 : i32
          %get3A_294 = arith.index_cast %get3A_293 : i32 to index
          %get3A_295 = arith.index_cast %mul3A_292 : i32 to index
          %get3A_296 = tpu.vector_load %arg8[%get3A_294, %get3A_295] {strides = array<i32>} : memref<3x2000xi32, #tpu.memory_space<vmem>>, vector<16xi32>,
          %get3A_297 = arith.constant 2 : i32
          %get3A_298 = arith.index_cast %get3A_297 : i32 to index
          %get3A_299 = arith.index_cast %mul3A_292 : i32 to index
          %get3A_300 = tpu.vector_load %arg7[%get3A_298, %get3A_299] {strides = array<i32>} : memref<3x2000xi32, #tpu.memory_space<vmem>>, vector<16xi32>,
          %gather3A_301 = tpu.vector_load_idx %arg9[%get3A_296] : memref<20000xf32, #tpu.memory_space<vmem>>[vector<16xi32>], vector<16xf32>,
          %gather3A_302 = tpu.vector_load_idx %arg10[%get3A_300] : memref<20000xf32, #tpu.memory_space<vmem>>[vector<16xi32>], vector<16xf32>,
          %mul3A_303 = arith.mulf %gather3A_301, %gather3A_302 : vector<16xf32>
          %add3A_304 = arith.addf %add3A_280, %mul3A_303 : vector<16xf32>
          %add3A_305 = arith.addi %get3A_296, %broadcast_in_dim3A_51 : vector<16xi32>
          %gather3A_306 = tpu.vector_load_idx %arg9[%add3A_305] : memref<20000xf32, #tpu.memory_space<vmem>>[vector<16xi32>], vector<16xf32>,
          %add3A_307 = arith.addi %get3A_300, %broadcast_in_dim3A_51 : vector<16xi32>
          %gather3A_308 = tpu.vector_load_idx %arg10[%add3A_307] : memref<20000xf32, #tpu.memory_space<vmem>>[vector<16xi32>], vector<16xf32>,
          %mul3A_309 = arith.mulf %gather3A_306, %gather3A_308 : vector<16xf32>
          %add3A_310 = arith.addf %add3A_286, %mul3A_309 : vector<16xf32>
          %mul3A_311 = arith.constant 25 : i32
          %mul3A_312 = arith.muli %scan3A_117, %mul3A_311 : i32
          %add3A_313 = arith.constant 8 : i32
          %add3A_314 = arith.addi %mul3A_312, %add3A_313 : i32
          %mul3A_315 = arith.constant 16 : i32
          %mul3A_316 = arith.muli %add3A_314, %mul3A_315 : i32
          %get3A_317 = arith.constant 2 : i32
          %get3A_318 = arith.index_cast %get3A_317 : i32 to index
          %get3A_319 = arith.index_cast %mul3A_316 : i32 to index
          %get3A_320 = tpu.vector_load %arg8[%get3A_318, %get3A_319] {strides = array<i32>} : memref<3x2000xi32, #tpu.memory_space<vmem>>, vector<16xi32>,
          %get3A_321 = arith.constant 2 : i32
          %get3A_322 = arith.index_cast %get3A_321 : i32 to index
          %get3A_323 = arith.index_cast %mul3A_316 : i32 to index
          %get3A_324 = tpu.vector_load %arg7[%get3A_322, %get3A_323] {strides = array<i32>} : memref<3x2000xi32, #tpu.memory_space<vmem>>, vector<16xi32>,
          %gather3A_325 = tpu.vector_load_idx %arg9[%get3A_320] : memref<20000xf32, #tpu.memory_space<vmem>>[vector<16xi32>], vector<16xf32>,
          %gather3A_326 = tpu.vector_load_idx %arg10[%get3A_324] : memref<20000xf32, #tpu.memory_space<vmem>>[vector<16xi32>], vector<16xf32>,
          %mul3A_327 = arith.mulf %gather3A_325, %gather3A_326 : vector<16xf32>
          %add3A_328 = arith.addf %add3A_304, %mul3A_327 : vector<16xf32>
          %add3A_329 = arith.addi %get3A_320, %broadcast_in_dim3A_51 : vector<16xi32>
          %gather3A_330 = tpu.vector_load_idx %arg9[%add3A_329] : memref<20000xf32, #tpu.memory_space<vmem>>[vector<16xi32>], vector<16xf32>,
          %add3A_331 = arith.addi %get3A_324, %broadcast_in_dim3A_51 : vector<16xi32>
          %gather3A_332 = tpu.vector_load_idx %arg10[%add3A_331] : memref<20000xf32, #tpu.memory_space<vmem>>[vector<16xi32>], vector<16xf32>,
          %mul3A_333 = arith.mulf %gather3A_330, %gather3A_332 : vector<16xf32>
          %add3A_334 = arith.addf %add3A_310, %mul3A_333 : vector<16xf32>
          %mul3A_335 = arith.constant 25 : i32
          %mul3A_336 = arith.muli %scan3A_117, %mul3A_335 : i32
          %add3A_337 = arith.constant 9 : i32
          %add3A_338 = arith.addi %mul3A_336, %add3A_337 : i32
          %mul3A_339 = arith.constant 16 : i32
          %mul3A_340 = arith.muli %add3A_338, %mul3A_339 : i32
          %get3A_341 = arith.constant 2 : i32
          %get3A_342 = arith.index_cast %get3A_341 : i32 to index
          %get3A_343 = arith.index_cast %mul3A_340 : i32 to index
          %get3A_344 = tpu.vector_load %arg8[%get3A_342, %get3A_343] {strides = array<i32>} : memref<3x2000xi32, #tpu.memory_space<vmem>>, vector<16xi32>,
          %get3A_345 = arith.constant 2 : i32
          %get3A_346 = arith.index_cast %get3A_345 : i32 to index
          %get3A_347 = arith.index_cast %mul3A_340 : i32 to index
          %get3A_348 = tpu.vector_load %arg7[%get3A_346, %get3A_347] {strides = array<i32>} : memref<3x2000xi32, #tpu.memory_space<vmem>>, vector<16xi32>,
          %gather3A_349 = tpu.vector_load_idx %arg9[%get3A_344] : memref<20000xf32, #tpu.memory_space<vmem>>[vector<16xi32>], vector<16xf32>,
          %gather3A_350 = tpu.vector_load_idx %arg10[%get3A_348] : memref<20000xf32, #tpu.memory_space<vmem>>[vector<16xi32>], vector<16xf32>,
          %mul3A_351 = arith.mulf %gather3A_349, %gather3A_350 : vector<16xf32>
          %add3A_352 = arith.addf %add3A_328, %mul3A_351 : vector<16xf32>
          %add3A_353 = arith.addi %get3A_344, %broadcast_in_dim3A_51 : vector<16xi32>
          %gather3A_354 = tpu.vector_load_idx %arg9[%add3A_353] : memref<20000xf32, #tpu.memory_space<vmem>>[vector<16xi32>], vector<16xf32>,
          %add3A_355 = arith.addi %get3A_348, %broadcast_in_dim3A_51 : vector<16xi32>
          %gather3A_356 = tpu.vector_load_idx %arg10[%add3A_355] : memref<20000xf32, #tpu.memory_space<vmem>>[vector<16xi32>], vector<16xf32>,
          %mul3A_357 = arith.mulf %gather3A_354, %gather3A_356 : vector<16xf32>
          %add3A_358 = arith.addf %add3A_334, %mul3A_357 : vector<16xf32>
          %mul3A_359 = arith.constant 25 : i32
          %mul3A_360 = arith.muli %scan3A_117, %mul3A_359 : i32
          %add3A_361 = arith.constant 10 : i32
          %add3A_362 = arith.addi %mul3A_360, %add3A_361 : i32
          %mul3A_363 = arith.constant 16 : i32
          %mul3A_364 = arith.muli %add3A_362, %mul3A_363 : i32
          %get3A_365 = arith.constant 2 : i32
          %get3A_366 = arith.index_cast %get3A_365 : i32 to index
          %get3A_367 = arith.index_cast %mul3A_364 : i32 to index
          %get3A_368 = tpu.vector_load %arg8[%get3A_366, %get3A_367] {strides = array<i32>} : memref<3x2000xi32, #tpu.memory_space<vmem>>, vector<16xi32>,
          %get3A_369 = arith.constant 2 : i32
          %get3A_370 = arith.index_cast %get3A_369 : i32 to index
          %get3A_371 = arith.index_cast %mul3A_364 : i32 to index
          %get3A_372 = tpu.vector_load %arg7[%get3A_370, %get3A_371] {strides = array<i32>} : memref<3x2000xi32, #tpu.memory_space<vmem>>, vector<16xi32>,
          %gather3A_373 = tpu.vector_load_idx %arg9[%get3A_368] : memref<20000xf32, #tpu.memory_space<vmem>>[vector<16xi32>], vector<16xf32>,
          %gather3A_374 = tpu.vector_load_idx %arg10[%get3A_372] : memref<20000xf32, #tpu.memory_space<vmem>>[vector<16xi32>], vector<16xf32>,
          %mul3A_375 = arith.mulf %gather3A_373, %gather3A_374 : vector<16xf32>
          %add3A_376 = arith.addf %add3A_352, %mul3A_375 : vector<16xf32>
          %add3A_377 = arith.addi %get3A_368, %broadcast_in_dim3A_51 : vector<16xi32>
          %gather3A_378 = tpu.vector_load_idx %arg9[%add3A_377] : memref<20000xf32, #tpu.memory_space<vmem>>[vector<16xi32>], vector<16xf32>,
          %add3A_379 = arith.addi %get3A_372, %broadcast_in_dim3A_51 : vector<16xi32>
          %gather3A_380 = tpu.vector_load_idx %arg10[%add3A_379] : memref<20000xf32, #tpu.memory_space<vmem>>[vector<16xi32>], vector<16xf32>,
          %mul3A_381 = arith.mulf %gather3A_378, %gather3A_380 : vector<16xf32>
          %add3A_382 = arith.addf %add3A_358, %mul3A_381 : vector<16xf32>
          %mul3A_383 = arith.constant 25 : i32
          %mul3A_384 = arith.muli %scan3A_117, %mul3A_383 : i32
          %add3A_385 = arith.constant 11 : i32
          %add3A_386 = arith.addi %mul3A_384, %add3A_385 : i32
          %mul3A_387 = arith.constant 16 : i32
          %mul3A_388 = arith.muli %add3A_386, %mul3A_387 : i32
          %get3A_389 = arith.constant 2 : i32
          %get3A_390 = arith.index_cast %get3A_389 : i32 to index
          %get3A_391 = arith.index_cast %mul3A_388 : i32 to index
          %get3A_392 = tpu.vector_load %arg8[%get3A_390, %get3A_391] {strides = array<i32>} : memref<3x2000xi32, #tpu.memory_space<vmem>>, vector<16xi32>,
          %get3A_393 = arith.constant 2 : i32
          %get3A_394 = arith.index_cast %get3A_393 : i32 to index
          %get3A_395 = arith.index_cast %mul3A_388 : i32 to index
          %get3A_396 = tpu.vector_load %arg7[%get3A_394, %get3A_395] {strides = array<i32>} : memref<3x2000xi32, #tpu.memory_space<vmem>>, vector<16xi32>,
          %gather3A_397 = tpu.vector_load_idx %arg9[%get3A_392] : memref<20000xf32, #tpu.memory_space<vmem>>[vector<16xi32>], vector<16xf32>,
          %gather3A_398 = tpu.vector_load_idx %arg10[%get3A_396] : memref<20000xf32, #tpu.memory_space<vmem>>[vector<16xi32>], vector<16xf32>,
          %mul3A_399 = arith.mulf %gather3A_397, %gather3A_398 : vector<16xf32>
          %add3A_400 = arith.addf %add3A_376, %mul3A_399 : vector<16xf32>
          %add3A_401 = arith.addi %get3A_392, %broadcast_in_dim3A_51 : vector<16xi32>
          %gather3A_402 = tpu.vector_load_idx %arg9[%add3A_401] : memref<20000xf32, #tpu.memory_space<vmem>>[vector<16xi32>], vector<16xf32>,
          %add3A_403 = arith.addi %get3A_396, %broadcast_in_dim3A_51 : vector<16xi32>
          %gather3A_404 = tpu.vector_load_idx %arg10[%add3A_403] : memref<20000xf32, #tpu.memory_space<vmem>>[vector<16xi32>], vector<16xf32>,
          %mul3A_405 = arith.mulf %gather3A_402, %gather3A_404 : vector<16xf32>
          %add3A_406 = arith.addf %add3A_382, %mul3A_405 : vector<16xf32>
          %mul3A_407 = arith.constant 25 : i32
          %mul3A_408 = arith.muli %scan3A_117, %mul3A_407 : i32
          %add3A_409 = arith.constant 12 : i32
          %add3A_410 = arith.addi %mul3A_408, %add3A_409 : i32
          %mul3A_411 = arith.constant 16 : i32
          %mul3A_412 = arith.muli %add3A_410, %mul3A_411 : i32
          %get3A_413 = arith.constant 2 : i32
          %get3A_414 = arith.index_cast %get3A_413 : i32 to index
          %get3A_415 = arith.index_cast %mul3A_412 : i32 to index
          %get3A_416 = tpu.vector_load %arg8[%get3A_414, %get3A_415] {strides = array<i32>} : memref<3x2000xi32, #tpu.memory_space<vmem>>, vector<16xi32>,
          %get3A_417 = arith.constant 2 : i32
          %get3A_418 = arith.index_cast %get3A_417 : i32 to index
          %get3A_419 = arith.index_cast %mul3A_412 : i32 to index
          %get3A_420 = tpu.vector_load %arg7[%get3A_418, %get3A_419] {strides = array<i32>} : memref<3x2000xi32, #tpu.memory_space<vmem>>, vector<16xi32>,
          %gather3A_421 = tpu.vector_load_idx %arg9[%get3A_416] : memref<20000xf32, #tpu.memory_space<vmem>>[vector<16xi32>], vector<16xf32>,
          %gather3A_422 = tpu.vector_load_idx %arg10[%get3A_420] : memref<20000xf32, #tpu.memory_space<vmem>>[vector<16xi32>], vector<16xf32>,
          %mul3A_423 = arith.mulf %gather3A_421, %gather3A_422 : vector<16xf32>
          %add3A_424 = arith.addf %add3A_400, %mul3A_423 : vector<16xf32>
          %add3A_425 = arith.addi %get3A_416, %broadcast_in_dim3A_51 : vector<16xi32>
          %gather3A_426 = tpu.vector_load_idx %arg9[%add3A_425] : memref<20000xf32, #tpu.memory_space<vmem>>[vector<16xi32>], vector<16xf32>,
          %add3A_427 = arith.addi %get3A_420, %broadcast_in_dim3A_51 : vector<16xi32>
          %gather3A_428 = tpu.vector_load_idx %arg10[%add3A_427] : memref<20000xf32, #tpu.memory_space<vmem>>[vector<16xi32>], vector<16xf32>,
          %mul3A_429 = arith.mulf %gather3A_426, %gather3A_428 : vector<16xf32>
          %add3A_430 = arith.addf %add3A_406, %mul3A_429 : vector<16xf32>
          %mul3A_431 = arith.constant 25 : i32
          %mul3A_432 = arith.muli %scan3A_117, %mul3A_431 : i32
          %add3A_433 = arith.constant 13 : i32
          %add3A_434 = arith.addi %mul3A_432, %add3A_433 : i32
          %mul3A_435 = arith.constant 16 : i32
          %mul3A_436 = arith.muli %add3A_434, %mul3A_435 : i32
          %get3A_437 = arith.constant 2 : i32
          %get3A_438 = arith.index_cast %get3A_437 : i32 to index
          %get3A_439 = arith.index_cast %mul3A_436 : i32 to index
          %get3A_440 = tpu.vector_load %arg8[%get3A_438, %get3A_439] {strides = array<i32>} : memref<3x2000xi32, #tpu.memory_space<vmem>>, vector<16xi32>,
          %get3A_441 = arith.constant 2 : i32
          %get3A_442 = arith.index_cast %get3A_441 : i32 to index
          %get3A_443 = arith.index_cast %mul3A_436 : i32 to index
          %get3A_444 = tpu.vector_load %arg7[%get3A_442, %get3A_443] {strides = array<i32>} : memref<3x2000xi32, #tpu.memory_space<vmem>>, vector<16xi32>,
          %gather3A_445 = tpu.vector_load_idx %arg9[%get3A_440] : memref<20000xf32, #tpu.memory_space<vmem>>[vector<16xi32>], vector<16xf32>,
          %gather3A_446 = tpu.vector_load_idx %arg10[%get3A_444] : memref<20000xf32, #tpu.memory_space<vmem>>[vector<16xi32>], vector<16xf32>,
          %mul3A_447 = arith.mulf %gather3A_445, %gather3A_446 : vector<16xf32>
          %add3A_448 = arith.addf %add3A_424, %mul3A_447 : vector<16xf32>
          %add3A_449 = arith.addi %get3A_440, %broadcast_in_dim3A_51 : vector<16xi32>
          %gather3A_450 = tpu.vector_load_idx %arg9[%add3A_449] : memref<20000xf32, #tpu.memory_space<vmem>>[vector<16xi32>], vector<16xf32>,
          %add3A_451 = arith.addi %get3A_444, %broadcast_in_dim3A_51 : vector<16xi32>
          %gather3A_452 = tpu.vector_load_idx %arg10[%add3A_451] : memref<20000xf32, #tpu.memory_space<vmem>>[vector<16xi32>], vector<16xf32>,
          %mul3A_453 = arith.mulf %gather3A_450, %gather3A_452 : vector<16xf32>
          %add3A_454 = arith.addf %add3A_430, %mul3A_453 : vector<16xf32>
          %mul3A_455 = arith.constant 25 : i32
          %mul3A_456 = arith.muli %scan3A_117, %mul3A_455 : i32
          %add3A_457 = arith.constant 14 : i32
          %add3A_458 = arith.addi %mul3A_456, %add3A_457 : i32
          %mul3A_459 = arith.constant 16 : i32
          %mul3A_460 = arith.muli %add3A_458, %mul3A_459 : i32
          %get3A_461 = arith.constant 2 : i32
          %get3A_462 = arith.index_cast %get3A_461 : i32 to index
          %get3A_463 = arith.index_cast %mul3A_460 : i32 to index
          %get3A_464 = tpu.vector_load %arg8[%get3A_462, %get3A_463] {strides = array<i32>} : memref<3x2000xi32, #tpu.memory_space<vmem>>, vector<16xi32>,
          %get3A_465 = arith.constant 2 : i32
          %get3A_466 = arith.index_cast %get3A_465 : i32 to index
          %get3A_467 = arith.index_cast %mul3A_460 : i32 to index
          %get3A_468 = tpu.vector_load %arg7[%get3A_466, %get3A_467] {strides = array<i32>} : memref<3x2000xi32, #tpu.memory_space<vmem>>, vector<16xi32>,
          %gather3A_469 = tpu.vector_load_idx %arg9[%get3A_464] : memref<20000xf32, #tpu.memory_space<vmem>>[vector<16xi32>], vector<16xf32>,
          %gather3A_470 = tpu.vector_load_idx %arg10[%get3A_468] : memref<20000xf32, #tpu.memory_space<vmem>>[vector<16xi32>], vector<16xf32>,
          %mul3A_471 = arith.mulf %gather3A_469, %gather3A_470 : vector<16xf32>
          %add3A_472 = arith.addf %add3A_448, %mul3A_471 : vector<16xf32>
          %add3A_473 = arith.addi %get3A_464, %broadcast_in_dim3A_51 : vector<16xi32>
          %gather3A_474 = tpu.vector_load_idx %arg9[%add3A_473] : memref<20000xf32, #tpu.memory_space<vmem>>[vector<16xi32>], vector<16xf32>,
          %add3A_475 = arith.addi %get3A_468, %broadcast_in_dim3A_51 : vector<16xi32>
          %gather3A_476 = tpu.vector_load_idx %arg10[%add3A_475] : memref<20000xf32, #tpu.memory_space<vmem>>[vector<16xi32>], vector<16xf32>,
          %mul3A_477 = arith.mulf %gather3A_474, %gather3A_476 : vector<16xf32>
          %add3A_478 = arith.addf %add3A_454, %mul3A_477 : vector<16xf32>
          %mul3A_479 = arith.constant 25 : i32
          %mul3A_480 = arith.muli %scan3A_117, %mul3A_479 : i32
          %add3A_481 = arith.constant 15 : i32
          %add3A_482 = arith.addi %mul3A_480, %add3A_481 : i32
          %mul3A_483 = arith.constant 16 : i32
          %mul3A_484 = arith.muli %add3A_482, %mul3A_483 : i32
          %get3A_485 = arith.constant 2 : i32
          %get3A_486 = arith.index_cast %get3A_485 : i32 to index
          %get3A_487 = arith.index_cast %mul3A_484 : i32 to index
          %get3A_488 = tpu.vector_load %arg8[%get3A_486, %get3A_487] {strides = array<i32>} : memref<3x2000xi32, #tpu.memory_space<vmem>>, vector<16xi32>,
          %get3A_489 = arith.constant 2 : i32
          %get3A_490 = arith.index_cast %get3A_489 : i32 to index
          %get3A_491 = arith.index_cast %mul3A_484 : i32 to index
          %get3A_492 = tpu.vector_load %arg7[%get3A_490, %get3A_491] {strides = array<i32>} : memref<3x2000xi32, #tpu.memory_space<vmem>>, vector<16xi32>,
          %gather3A_493 = tpu.vector_load_idx %arg9[%get3A_488] : memref<20000xf32, #tpu.memory_space<vmem>>[vector<16xi32>], vector<16xf32>,
          %gather3A_494 = tpu.vector_load_idx %arg10[%get3A_492] : memref<20000xf32, #tpu.memory_space<vmem>>[vector<16xi32>], vector<16xf32>,
          %mul3A_495 = arith.mulf %gather3A_493, %gather3A_494 : vector<16xf32>
          %add3A_496 = arith.addf %add3A_472, %mul3A_495 : vector<16xf32>
          %add3A_497 = arith.addi %get3A_488, %broadcast_in_dim3A_51 : vector<16xi32>
          %gather3A_498 = tpu.vector_load_idx %arg9[%add3A_497] : memref<20000xf32, #tpu.memory_space<vmem>>[vector<16xi32>], vector<16xf32>,
          %add3A_499 = arith.addi %get3A_492, %broadcast_in_dim3A_51 : vector<16xi32>
          %gather3A_500 = tpu.vector_load_idx %arg10[%add3A_499] : memref<20000xf32, #tpu.memory_space<vmem>>[vector<16xi32>], vector<16xf32>,
          %mul3A_501 = arith.mulf %gather3A_498, %gather3A_500 : vector<16xf32>
          %add3A_502 = arith.addf %add3A_478, %mul3A_501 : vector<16xf32>
          %mul3A_503 = arith.constant 25 : i32
          %mul3A_504 = arith.muli %scan3A_117, %mul3A_503 : i32
          %add3A_505 = arith.constant 16 : i32
          %add3A_506 = arith.addi %mul3A_504, %add3A_505 : i32
          %mul3A_507 = arith.constant 16 : i32
          %mul3A_508 = arith.muli %add3A_506, %mul3A_507 : i32
          %get3A_509 = arith.constant 2 : i32
          %get3A_510 = arith.index_cast %get3A_509 : i32 to index
          %get3A_511 = arith.index_cast %mul3A_508 : i32 to index
          %get3A_512 = tpu.vector_load %arg8[%get3A_510, %get3A_511] {strides = array<i32>} : memref<3x2000xi32, #tpu.memory_space<vmem>>, vector<16xi32>,
          %get3A_513 = arith.constant 2 : i32
          %get3A_514 = arith.index_cast %get3A_513 : i32 to index
          %get3A_515 = arith.index_cast %mul3A_508 : i32 to index
          %get3A_516 = tpu.vector_load %arg7[%get3A_514, %get3A_515] {strides = array<i32>} : memref<3x2000xi32, #tpu.memory_space<vmem>>, vector<16xi32>,
          %gather3A_517 = tpu.vector_load_idx %arg9[%get3A_512] : memref<20000xf32, #tpu.memory_space<vmem>>[vector<16xi32>], vector<16xf32>,
          %gather3A_518 = tpu.vector_load_idx %arg10[%get3A_516] : memref<20000xf32, #tpu.memory_space<vmem>>[vector<16xi32>], vector<16xf32>,
          %mul3A_519 = arith.mulf %gather3A_517, %gather3A_518 : vector<16xf32>
          %add3A_520 = arith.addf %add3A_496, %mul3A_519 : vector<16xf32>
          %add3A_521 = arith.addi %get3A_512, %broadcast_in_dim3A_51 : vector<16xi32>
          %gather3A_522 = tpu.vector_load_idx %arg9[%add3A_521] : memref<20000xf32, #tpu.memory_space<vmem>>[vector<16xi32>], vector<16xf32>,
          %add3A_523 = arith.addi %get3A_516, %broadcast_in_dim3A_51 : vector<16xi32>
          %gather3A_524 = tpu.vector_load_idx %arg10[%add3A_523] : memref<20000xf32, #tpu.memory_space<vmem>>[vector<16xi32>], vector<16xf32>,
          %mul3A_525 = arith.mulf %gather3A_522, %gather3A_524 : vector<16xf32>
          %add3A_526 = arith.addf %add3A_502, %mul3A_525 : vector<16xf32>
          %mul3A_527 = arith.constant 25 : i32
          %mul3A_528 = arith.muli %scan3A_117, %mul3A_527 : i32
          %add3A_529 = arith.constant 17 : i32
          %add3A_530 = arith.addi %mul3A_528, %add3A_529 : i32
          %mul3A_531 = arith.constant 16 : i32
          %mul3A_532 = arith.muli %add3A_530, %mul3A_531 : i32
          %get3A_533 = arith.constant 2 : i32
          %get3A_534 = arith.index_cast %get3A_533 : i32 to index
          %get3A_535 = arith.index_cast %mul3A_532 : i32 to index
          %get3A_536 = tpu.vector_load %arg8[%get3A_534, %get3A_535] {strides = array<i32>} : memref<3x2000xi32, #tpu.memory_space<vmem>>, vector<16xi32>,
          %get3A_537 = arith.constant 2 : i32
          %get3A_538 = arith.index_cast %get3A_537 : i32 to index
          %get3A_539 = arith.index_cast %mul3A_532 : i32 to index
          %get3A_540 = tpu.vector_load %arg7[%get3A_538, %get3A_539] {strides = array<i32>} : memref<3x2000xi32, #tpu.memory_space<vmem>>, vector<16xi32>,
          %gather3A_541 = tpu.vector_load_idx %arg9[%get3A_536] : memref<20000xf32, #tpu.memory_space<vmem>>[vector<16xi32>], vector<16xf32>,
          %gather3A_542 = tpu.vector_load_idx %arg10[%get3A_540] : memref<20000xf32, #tpu.memory_space<vmem>>[vector<16xi32>], vector<16xf32>,
          %mul3A_543 = arith.mulf %gather3A_541, %gather3A_542 : vector<16xf32>
          %add3A_544 = arith.addf %add3A_520, %mul3A_543 : vector<16xf32>
          %add3A_545 = arith.addi %get3A_536, %broadcast_in_dim3A_51 : vector<16xi32>
          %gather3A_546 = tpu.vector_load_idx %arg9[%add3A_545] : memref<20000xf32, #tpu.memory_space<vmem>>[vector<16xi32>], vector<16xf32>,
          %add3A_547 = arith.addi %get3A_540, %broadcast_in_dim3A_51 : vector<16xi32>
          %gather3A_548 = tpu.vector_load_idx %arg10[%add3A_547] : memref<20000xf32, #tpu.memory_space<vmem>>[vector<16xi32>], vector<16xf32>,
          %mul3A_549 = arith.mulf %gather3A_546, %gather3A_548 : vector<16xf32>
          %add3A_550 = arith.addf %add3A_526, %mul3A_549 : vector<16xf32>
          %mul3A_551 = arith.constant 25 : i32
          %mul3A_552 = arith.muli %scan3A_117, %mul3A_551 : i32
          %add3A_553 = arith.constant 18 : i32
          %add3A_554 = arith.addi %mul3A_552, %add3A_553 : i32
          %mul3A_555 = arith.constant 16 : i32
          %mul3A_556 = arith.muli %add3A_554, %mul3A_555 : i32
          %get3A_557 = arith.constant 2 : i32
          %get3A_558 = arith.index_cast %get3A_557 : i32 to index
          %get3A_559 = arith.index_cast %mul3A_556 : i32 to index
          %get3A_560 = tpu.vector_load %arg8[%get3A_558, %get3A_559] {strides = array<i32>} : memref<3x2000xi32, #tpu.memory_space<vmem>>, vector<16xi32>,
          %get3A_561 = arith.constant 2 : i32
          %get3A_562 = arith.index_cast %get3A_561 : i32 to index
          %get3A_563 = arith.index_cast %mul3A_556 : i32 to index
          %get3A_564 = tpu.vector_load %arg7[%get3A_562, %get3A_563] {strides = array<i32>} : memref<3x2000xi32, #tpu.memory_space<vmem>>, vector<16xi32>,
          %gather3A_565 = tpu.vector_load_idx %arg9[%get3A_560] : memref<20000xf32, #tpu.memory_space<vmem>>[vector<16xi32>], vector<16xf32>,
          %gather3A_566 = tpu.vector_load_idx %arg10[%get3A_564] : memref<20000xf32, #tpu.memory_space<vmem>>[vector<16xi32>], vector<16xf32>,
          %mul3A_567 = arith.mulf %gather3A_565, %gather3A_566 : vector<16xf32>
          %add3A_568 = arith.addf %add3A_544, %mul3A_567 : vector<16xf32>
          %add3A_569 = arith.addi %get3A_560, %broadcast_in_dim3A_51 : vector<16xi32>
          %gather3A_570 = tpu.vector_load_idx %arg9[%add3A_569] : memref<20000xf32, #tpu.memory_space<vmem>>[vector<16xi32>], vector<16xf32>,
          %add3A_571 = arith.addi %get3A_564, %broadcast_in_dim3A_51 : vector<16xi32>
          %gather3A_572 = tpu.vector_load_idx %arg10[%add3A_571] : memref<20000xf32, #tpu.memory_space<vmem>>[vector<16xi32>], vector<16xf32>,
          %mul3A_573 = arith.mulf %gather3A_570, %gather3A_572 : vector<16xf32>
          %add3A_574 = arith.addf %add3A_550, %mul3A_573 : vector<16xf32>
          %mul3A_575 = arith.constant 25 : i32
          %mul3A_576 = arith.muli %scan3A_117, %mul3A_575 : i32
          %add3A_577 = arith.constant 19 : i32
          %add3A_578 = arith.addi %mul3A_576, %add3A_577 : i32
          %mul3A_579 = arith.constant 16 : i32
          %mul3A_580 = arith.muli %add3A_578, %mul3A_579 : i32
          %get3A_581 = arith.constant 2 : i32
          %get3A_582 = arith.index_cast %get3A_581 : i32 to index
          %get3A_583 = arith.index_cast %mul3A_580 : i32 to index
          %get3A_584 = tpu.vector_load %arg8[%get3A_582, %get3A_583] {strides = array<i32>} : memref<3x2000xi32, #tpu.memory_space<vmem>>, vector<16xi32>,
          %get3A_585 = arith.constant 2 : i32
          %get3A_586 = arith.index_cast %get3A_585 : i32 to index
          %get3A_587 = arith.index_cast %mul3A_580 : i32 to index
          %get3A_588 = tpu.vector_load %arg7[%get3A_586, %get3A_587] {strides = array<i32>} : memref<3x2000xi32, #tpu.memory_space<vmem>>, vector<16xi32>,
          %gather3A_589 = tpu.vector_load_idx %arg9[%get3A_584] : memref<20000xf32, #tpu.memory_space<vmem>>[vector<16xi32>], vector<16xf32>,
          %gather3A_590 = tpu.vector_load_idx %arg10[%get3A_588] : memref<20000xf32, #tpu.memory_space<vmem>>[vector<16xi32>], vector<16xf32>,
          %mul3A_591 = arith.mulf %gather3A_589, %gather3A_590 : vector<16xf32>
          %add3A_592 = arith.addf %add3A_568, %mul3A_591 : vector<16xf32>
          %add3A_593 = arith.addi %get3A_584, %broadcast_in_dim3A_51 : vector<16xi32>
          %gather3A_594 = tpu.vector_load_idx %arg9[%add3A_593] : memref<20000xf32, #tpu.memory_space<vmem>>[vector<16xi32>], vector<16xf32>,
          %add3A_595 = arith.addi %get3A_588, %broadcast_in_dim3A_51 : vector<16xi32>
          %gather3A_596 = tpu.vector_load_idx %arg10[%add3A_595] : memref<20000xf32, #tpu.memory_space<vmem>>[vector<16xi32>], vector<16xf32>,
          %mul3A_597 = arith.mulf %gather3A_594, %gather3A_596 : vector<16xf32>
          %add3A_598 = arith.addf %add3A_574, %mul3A_597 : vector<16xf32>
          %mul3A_599 = arith.constant 25 : i32
          %mul3A_600 = arith.muli %scan3A_117, %mul3A_599 : i32
          %add3A_601 = arith.constant 20 : i32
          %add3A_602 = arith.addi %mul3A_600, %add3A_601 : i32
          %mul3A_603 = arith.constant 16 : i32
          %mul3A_604 = arith.muli %add3A_602, %mul3A_603 : i32
          %get3A_605 = arith.constant 2 : i32
          %get3A_606 = arith.index_cast %get3A_605 : i32 to index
          %get3A_607 = arith.index_cast %mul3A_604 : i32 to index
          %get3A_608 = tpu.vector_load %arg8[%get3A_606, %get3A_607] {strides = array<i32>} : memref<3x2000xi32, #tpu.memory_space<vmem>>, vector<16xi32>,
          %get3A_609 = arith.constant 2 : i32
          %get3A_610 = arith.index_cast %get3A_609 : i32 to index
          %get3A_611 = arith.index_cast %mul3A_604 : i32 to index
          %get3A_612 = tpu.vector_load %arg7[%get3A_610, %get3A_611] {strides = array<i32>} : memref<3x2000xi32, #tpu.memory_space<vmem>>, vector<16xi32>,
          %gather3A_613 = tpu.vector_load_idx %arg9[%get3A_608] : memref<20000xf32, #tpu.memory_space<vmem>>[vector<16xi32>], vector<16xf32>,
          %gather3A_614 = tpu.vector_load_idx %arg10[%get3A_612] : memref<20000xf32, #tpu.memory_space<vmem>>[vector<16xi32>], vector<16xf32>,
          %mul3A_615 = arith.mulf %gather3A_613, %gather3A_614 : vector<16xf32>
          %add3A_616 = arith.addf %add3A_592, %mul3A_615 : vector<16xf32>
          %add3A_617 = arith.addi %get3A_608, %broadcast_in_dim3A_51 : vector<16xi32>
          %gather3A_618 = tpu.vector_load_idx %arg9[%add3A_617] : memref<20000xf32, #tpu.memory_space<vmem>>[vector<16xi32>], vector<16xf32>,
          %add3A_619 = arith.addi %get3A_612, %broadcast_in_dim3A_51 : vector<16xi32>
          %gather3A_620 = tpu.vector_load_idx %arg10[%add3A_619] : memref<20000xf32, #tpu.memory_space<vmem>>[vector<16xi32>], vector<16xf32>,
          %mul3A_621 = arith.mulf %gather3A_618, %gather3A_620 : vector<16xf32>
          %add3A_622 = arith.addf %add3A_598, %mul3A_621 : vector<16xf32>
          %mul3A_623 = arith.constant 25 : i32
          %mul3A_624 = arith.muli %scan3A_117, %mul3A_623 : i32
          %add3A_625 = arith.constant 21 : i32
          %add3A_626 = arith.addi %mul3A_624, %add3A_625 : i32
          %mul3A_627 = arith.constant 16 : i32
          %mul3A_628 = arith.muli %add3A_626, %mul3A_627 : i32
          %get3A_629 = arith.constant 2 : i32
          %get3A_630 = arith.index_cast %get3A_629 : i32 to index
          %get3A_631 = arith.index_cast %mul3A_628 : i32 to index
          %get3A_632 = tpu.vector_load %arg8[%get3A_630, %get3A_631] {strides = array<i32>} : memref<3x2000xi32, #tpu.memory_space<vmem>>, vector<16xi32>,
          %get3A_633 = arith.constant 2 : i32
          %get3A_634 = arith.index_cast %get3A_633 : i32 to index
          %get3A_635 = arith.index_cast %mul3A_628 : i32 to index
          %get3A_636 = tpu.vector_load %arg7[%get3A_634, %get3A_635] {strides = array<i32>} : memref<3x2000xi32, #tpu.memory_space<vmem>>, vector<16xi32>,
          %gather3A_637 = tpu.vector_load_idx %arg9[%get3A_632] : memref<20000xf32, #tpu.memory_space<vmem>>[vector<16xi32>], vector<16xf32>,
          %gather3A_638 = tpu.vector_load_idx %arg10[%get3A_636] : memref<20000xf32, #tpu.memory_space<vmem>>[vector<16xi32>], vector<16xf32>,
          %mul3A_639 = arith.mulf %gather3A_637, %gather3A_638 : vector<16xf32>
          %add3A_640 = arith.addf %add3A_616, %mul3A_639 : vector<16xf32>
          %add3A_641 = arith.addi %get3A_632, %broadcast_in_dim3A_51 : vector<16xi32>
          %gather3A_642 = tpu.vector_load_idx %arg9[%add3A_641] : memref<20000xf32, #tpu.memory_space<vmem>>[vector<16xi32>], vector<16xf32>,
          %add3A_643 = arith.addi %get3A_636, %broadcast_in_dim3A_51 : vector<16xi32>
          %gather3A_644 = tpu.vector_load_idx %arg10[%add3A_643] : memref<20000xf32, #tpu.memory_space<vmem>>[vector<16xi32>], vector<16xf32>,
          %mul3A_645 = arith.mulf %gather3A_642, %gather3A_644 : vector<16xf32>
          %add3A_646 = arith.addf %add3A_622, %mul3A_645 : vector<16xf32>
          %mul3A_647 = arith.constant 25 : i32
          %mul3A_648 = arith.muli %scan3A_117, %mul3A_647 : i32
          %add3A_649 = arith.constant 22 : i32
          %add3A_650 = arith.addi %mul3A_648, %add3A_649 : i32
          %mul3A_651 = arith.constant 16 : i32
          %mul3A_652 = arith.muli %add3A_650, %mul3A_651 : i32
          %get3A_653 = arith.constant 2 : i32
          %get3A_654 = arith.index_cast %get3A_653 : i32 to index
          %get3A_655 = arith.index_cast %mul3A_652 : i32 to index
          %get3A_656 = tpu.vector_load %arg8[%get3A_654, %get3A_655] {strides = array<i32>} : memref<3x2000xi32, #tpu.memory_space<vmem>>, vector<16xi32>,
          %get3A_657 = arith.constant 2 : i32
          %get3A_658 = arith.index_cast %get3A_657 : i32 to index
          %get3A_659 = arith.index_cast %mul3A_652 : i32 to index
          %get3A_660 = tpu.vector_load %arg7[%get3A_658, %get3A_659] {strides = array<i32>} : memref<3x2000xi32, #tpu.memory_space<vmem>>, vector<16xi32>,
          %gather3A_661 = tpu.vector_load_idx %arg9[%get3A_656] : memref<20000xf32, #tpu.memory_space<vmem>>[vector<16xi32>], vector<16xf32>,
          %gather3A_662 = tpu.vector_load_idx %arg10[%get3A_660] : memref<20000xf32, #tpu.memory_space<vmem>>[vector<16xi32>], vector<16xf32>,
          %mul3A_663 = arith.mulf %gather3A_661, %gather3A_662 : vector<16xf32>
          %add3A_664 = arith.addf %add3A_640, %mul3A_663 : vector<16xf32>
          %add3A_665 = arith.addi %get3A_656, %broadcast_in_dim3A_51 : vector<16xi32>
          %gather3A_666 = tpu.vector_load_idx %arg9[%add3A_665] : memref<20000xf32, #tpu.memory_space<vmem>>[vector<16xi32>], vector<16xf32>,
          %add3A_667 = arith.addi %get3A_660, %broadcast_in_dim3A_51 : vector<16xi32>
          %gather3A_668 = tpu.vector_load_idx %arg10[%add3A_667] : memref<20000xf32, #tpu.memory_space<vmem>>[vector<16xi32>], vector<16xf32>,
          %mul3A_669 = arith.mulf %gather3A_666, %gather3A_668 : vector<16xf32>
          %add3A_670 = arith.addf %add3A_646, %mul3A_669 : vector<16xf32>
          %mul3A_671 = arith.constant 25 : i32
          %mul3A_672 = arith.muli %scan3A_117, %mul3A_671 : i32
          %add3A_673 = arith.constant 23 : i32
          %add3A_674 = arith.addi %mul3A_672, %add3A_673 : i32
          %mul3A_675 = arith.constant 16 : i32
          %mul3A_676 = arith.muli %add3A_674, %mul3A_675 : i32
          %get3A_677 = arith.constant 2 : i32
          %get3A_678 = arith.index_cast %get3A_677 : i32 to index
          %get3A_679 = arith.index_cast %mul3A_676 : i32 to index
          %get3A_680 = tpu.vector_load %arg8[%get3A_678, %get3A_679] {strides = array<i32>} : memref<3x2000xi32, #tpu.memory_space<vmem>>, vector<16xi32>,
          %get3A_681 = arith.constant 2 : i32
          %get3A_682 = arith.index_cast %get3A_681 : i32 to index
          %get3A_683 = arith.index_cast %mul3A_676 : i32 to index
          %get3A_684 = tpu.vector_load %arg7[%get3A_682, %get3A_683] {strides = array<i32>} : memref<3x2000xi32, #tpu.memory_space<vmem>>, vector<16xi32>,
          %gather3A_685 = tpu.vector_load_idx %arg9[%get3A_680] : memref<20000xf32, #tpu.memory_space<vmem>>[vector<16xi32>], vector<16xf32>,
          %gather3A_686 = tpu.vector_load_idx %arg10[%get3A_684] : memref<20000xf32, #tpu.memory_space<vmem>>[vector<16xi32>], vector<16xf32>,
          %mul3A_687 = arith.mulf %gather3A_685, %gather3A_686 : vector<16xf32>
          %add3A_688 = arith.addf %add3A_664, %mul3A_687 : vector<16xf32>
          %add3A_689 = arith.addi %get3A_680, %broadcast_in_dim3A_51 : vector<16xi32>
          %gather3A_690 = tpu.vector_load_idx %arg9[%add3A_689] : memref<20000xf32, #tpu.memory_space<vmem>>[vector<16xi32>], vector<16xf32>,
          %add3A_691 = arith.addi %get3A_684, %broadcast_in_dim3A_51 : vector<16xi32>
          %gather3A_692 = tpu.vector_load_idx %arg10[%add3A_691] : memref<20000xf32, #tpu.memory_space<vmem>>[vector<16xi32>], vector<16xf32>,
          %mul3A_693 = arith.mulf %gather3A_690, %gather3A_692 : vector<16xf32>
          %add3A_694 = arith.addf %add3A_670, %mul3A_693 : vector<16xf32>
          %mul3A_695 = arith.constant 25 : i32
          %mul3A_696 = arith.muli %scan3A_117, %mul3A_695 : i32
          %add3A_697 = arith.constant 24 : i32
          %add3A_698 = arith.addi %mul3A_696, %add3A_697 : i32
          %mul3A_699 = arith.constant 16 : i32
          %mul3A_700 = arith.muli %add3A_698, %mul3A_699 : i32
          %get3A_701 = arith.constant 2 : i32
          %get3A_702 = arith.index_cast %get3A_701 : i32 to index
          %get3A_703 = arith.index_cast %mul3A_700 : i32 to index
          %get3A_704 = tpu.vector_load %arg8[%get3A_702, %get3A_703] {strides = array<i32>} : memref<3x2000xi32, #tpu.memory_space<vmem>>, vector<16xi32>,
          %get3A_705 = arith.constant 2 : i32
          %get3A_706 = arith.index_cast %get3A_705 : i32 to index
          %get3A_707 = arith.index_cast %mul3A_700 : i32 to index
          %get3A_708 = tpu.vector_load %arg7[%get3A_706, %get3A_707] {strides = array<i32>} : memref<3x2000xi32, #tpu.memory_space<vmem>>, vector<16xi32>,
          %gather3A_709 = tpu.vector_load_idx %arg9[%get3A_704] : memref<20000xf32, #tpu.memory_space<vmem>>[vector<16xi32>], vector<16xf32>,
          %gather3A_710 = tpu.vector_load_idx %arg10[%get3A_708] : memref<20000xf32, #tpu.memory_space<vmem>>[vector<16xi32>], vector<16xf32>,
          %mul3A_711 = arith.mulf %gather3A_709, %gather3A_710 : vector<16xf32>
          %add3A_712 = arith.addf %add3A_688, %mul3A_711 : vector<16xf32>
          %add3A_713 = arith.addi %get3A_704, %broadcast_in_dim3A_51 : vector<16xi32>
          %gather3A_714 = tpu.vector_load_idx %arg9[%add3A_713] : memref<20000xf32, #tpu.memory_space<vmem>>[vector<16xi32>], vector<16xf32>,
          %add3A_715 = arith.addi %get3A_708, %broadcast_in_dim3A_51 : vector<16xi32>
          %gather3A_716 = tpu.vector_load_idx %arg10[%add3A_715] : memref<20000xf32, #tpu.memory_space<vmem>>[vector<16xi32>], vector<16xf32>,
          %mul3A_717 = arith.mulf %gather3A_714, %gather3A_716 : vector<16xf32>
          %add3A_718 = arith.addf %add3A_694, %mul3A_717 : vector<16xf32>
          scf.yield %add3A_712, %add3A_718 : vector<16xf32>, vector<16xf32>
        }
        %scan3A_107 = arith.constant 5 : i32
        %get3A = arith.constant 0 : index
        %get3A_108 = tpu.vector_load %arg11[%get3A] {strides = array<i32>} : memref<32xf32, #tpu.memory_space<vmem>>, vector<16xf32>,
        %add3A_109 = arith.addf %get3A_108, %scan3A_106#0 : vector<16xf32>
        %swap3A_110 = arith.constant 0 : index
        %swap3A_111 = tpu.vector_load %arg11[%swap3A_110] {strides = array<i32>} : memref<32xf32, #tpu.memory_space<vmem>>, vector<16xf32>,
        tpu.vector_store %arg11[%swap3A_110], %add3A_109 {strides = array<i32>} : memref<32xf32, #tpu.memory_space<vmem>>, vector<16xf32>,
        %get3A_112 = arith.constant 16 : index
        %get3A_113 = tpu.vector_load %arg11[%get3A_112] {strides = array<i32>} : memref<32xf32, #tpu.memory_space<vmem>>, vector<16xf32>,
        %add3A_114 = arith.addf %get3A_113, %scan3A_106#1 : vector<16xf32>
        %swap3A_115 = arith.constant 16 : index
        %swap3A_116 = tpu.vector_load %arg11[%swap3A_115] {strides = array<i32>} : memref<32xf32, #tpu.memory_space<vmem>>, vector<16xf32>,
        tpu.vector_store %arg11[%swap3A_115], %add3A_114 {strides = array<i32>} : memref<32xf32, #tpu.memory_space<vmem>>, vector<16xf32>,
      } else {
      }
      %scan3A_73 = arith.constant 0 : i32
      scf.yield %scan3A_73 : i32
    }
    %scan3A_57 = arith.constant 160 : i32
    "tpu.region"() ({
      %run_scoped3A = tpu.sem_alloc : memref<!tpu.dma_semaphore, #tpu.memory_space<semaphore_mem>>
      %dma_start3A_58 = arith.constant 0 : i32
      %dma_start3A_59 = tpu.memref_slice %arg6[%add3A, %dma_start3A_58] : memref<32x32xf32, #tpu.memory_space<hbm>> -> memref<1x32xf32, #tpu.memory_space<hbm>>
      %dma_start3A_60 = tpu.memref_squeeze %dma_start3A_59 : memref<1x32xf32, #tpu.memory_space<hbm>> -> memref<32xf32, #tpu.memory_space<hbm>>
      %dma_start3A_61 = arith.constant 0 : i32
      %dma_start3A_62 = tpu.memref_slice %arg6[%add3A, %dma_start3A_61] : memref<32x32xf32, #tpu.memory_space<hbm>> -> memref<1x32xf32, #tpu.memory_space<hbm>>
      %dma_start3A_63 = tpu.memref_squeeze %dma_start3A_62 : memref<1x32xf32, #tpu.memory_space<hbm>> -> memref<32xf32, #tpu.memory_space<hbm>>
      tpu.enqueue_dma source(%arg11 : memref<32xf32, #tpu.memory_space<vmem>>) target(%dma_start3A_63 : memref<32xf32, #tpu.memory_space<hbm>>) target_semaphore(%run_scoped3A : memref<!tpu.dma_semaphore, #tpu.memory_space<semaphore_mem>>)
      %dma_wait3A = arith.constant 0 : i32
      %dma_wait3A_64 = tpu.memref_slice %arg6[%add3A, %dma_wait3A] : memref<32x32xf32, #tpu.memory_space<hbm>> -> memref<1x32xf32, #tpu.memory_space<hbm>>
      %dma_wait3A_65 = tpu.memref_squeeze %dma_wait3A_64 : memref<1x32xf32, #tpu.memory_space<hbm>> -> memref<32xf32, #tpu.memory_space<hbm>>
      %dma_wait3A_66 = arith.constant 0 : i32
      %dma_wait3A_67 = tpu.memref_slice %arg6[%add3A, %dma_wait3A_66] : memref<32x32xf32, #tpu.memory_space<hbm>> -> memref<1x32xf32, #tpu.memory_space<hbm>>
      %dma_wait3A_68 = tpu.memref_squeeze %dma_wait3A_67 : memref<1x32xf32, #tpu.memory_space<hbm>> -> memref<32xf32, #tpu.memory_space<hbm>>
      tpu.wait_dma2 semaphore(%run_scoped3A : memref<!tpu.dma_semaphore, #tpu.memory_space<semaphore_mem>>) src(%arg11 : memref<32xf32, #tpu.memory_space<vmem>>) dst(%dma_wait3A_68 : memref<32xf32, #tpu.memory_space<hbm>>)
      tpu.yield
    }) : () -> ()
    return
  }
}

module attributes {stable_mosaic.version = 14 : i64} {
  func.func @_tc_body(%arg0: i32, %arg1: memref<2000x64xf32, #tpu.memory_space<vmem>>, %arg2: memref<2000x128xf32, #tpu.memory_space<vmem>>, %arg3: memref<1x64xf32, #tpu.memory_space<vmem>>, %arg4: memref<64x128xf32, #tpu.memory_space<vmem>>, %arg5: memref<2000x64xf32, #tpu.memory_space<vmem>>, %arg6: memref<2000x64xf32, #tpu.memory_space<vmem>>, %arg7: memref<1x1xf32, #tpu.memory_space<smem>>, %arg8: memref<1x1xf32, #tpu.memory_space<smem>>, %arg9: memref<64x64xf32, #tpu.memory_space<vmem>>, %arg10: memref<1x1xf32, #tpu.memory_space<smem>>) attributes {dimension_semantics = [#tpu.dimension_semantics<arbitrary>], iteration_bounds = array<i64: 5>, scalar_prefetch = 0 : i64, scratch_operands = 2 : i64, tpu.core_type = #tpu.core_type<tc>, window_params = [{transform_indices = @transform_0, window_bounds = array<i64: 2000, 64>}, {transform_indices = @transform_1, window_bounds = array<i64: 2000, 128>}, {pipeline_mode = #tpu.pipeline_mode<synchronous>, transform_indices = @transform_2, window_bounds = array<i64: 1, 64>}, {pipeline_mode = #tpu.pipeline_mode<synchronous>, transform_indices = @transform_3, window_bounds = array<i64: 64, 128>}, {transform_indices = @transform_4, window_bounds = array<i64: 2000, 64>}, {transform_indices = @transform_5, window_bounds = array<i64: 2000, 64>}, {transform_indices = @transform_6, window_bounds = array<i64: 1, 1>}, {transform_indices = @transform_7, window_bounds = array<i64: 1, 1>}]} {
    %get3A = arith.constant 0 : index
    %get3A_0 = arith.constant 0 : index
    %get3A_1 = vector.load %arg1[%get3A, %get3A_0] : memref<2000x64xf32, #tpu.memory_space<vmem>>, vector<2000x64xf32>
    %neg3A = arith.constant 0.000000e+00 : f32
    %neg3A_2 = vector.broadcast %neg3A : f32 to vector<2000x64xf32>
    %neg3A_3 = arith.subf %neg3A_2, %get3A_1 : vector<2000x64xf32>
    %exp3A = math.exp %neg3A_3 : vector<2000x64xf32>
    %add3A = arith.constant 1.000000e+00 : f32
    %add3A_4 = vector.broadcast %add3A : f32 to vector<2000x64xf32>
    %add3A_5 = arith.addf %add3A_4, %exp3A : vector<2000x64xf32>
    %div3A = arith.constant 1.000000e+00 : f32
    %div3A_6 = vector.broadcast %div3A : f32 to vector<2000x64xf32>
    %div3A_7 = arith.divf %div3A_6, %add3A_5 : vector<2000x64xf32>
    %get3A_8 = arith.constant 0 : index
    %get3A_9 = arith.constant 0 : index
    %get3A_10 = vector.load %arg3[%get3A_8, %get3A_9] : memref<1x64xf32, #tpu.memory_space<vmem>>, vector<1x64xf32>
    %mul3A = vector.broadcast %get3A_10 : vector<1x64xf32> to vector<2000x64xf32>
    %mul3A_11 = arith.mulf %div3A_7, %mul3A : vector<2000x64xf32>
    %swap3A = arith.constant 0 : index
    %swap3A_12 = arith.constant 0 : index
    %swap3A_13 = vector.load %arg5[%swap3A, %swap3A_12] : memref<2000x64xf32, #tpu.memory_space<vmem>>, vector<2000x64xf32>
    tpu.vector_store %arg5[%swap3A, %swap3A_12], %div3A_7 {strides = array<i32>} : memref<2000x64xf32, #tpu.memory_space<vmem>>, vector<2000x64xf32>,
    %swap3A_14 = arith.constant 0 : index
    %swap3A_15 = arith.constant 0 : index
    %swap3A_16 = vector.load %arg6[%swap3A_14, %swap3A_15] : memref<2000x64xf32, #tpu.memory_space<vmem>>, vector<2000x64xf32>
    tpu.vector_store %arg6[%swap3A_14, %swap3A_15], %mul3A_11 {strides = array<i32>} : memref<2000x64xf32, #tpu.memory_space<vmem>>, vector<2000x64xf32>,
    %dot_general3A = arith.constant dense<0.000000e+00> : vector<64x64xf32>
    %dot_general3A_17 = tpu.matmul %div3A_7, %mul3A_11, %dot_general3A {dimension_numbers = #tpu.dot_dimension_numbers<[0], [0], [1], [1], [0, 1, 1, 1], [], []>, transpose_lhs_hint = false} : vector<2000x64xf32>, vector<2000x64xf32>, vector<64x64xf32> -> vector<64x64xf32>
    %get3A_18 = arith.constant 0 : index
    %get3A_19 = arith.constant 0 : index
    %get3A_20 = vector.load %arg4[%get3A_18, %get3A_19] : memref<64x128xf32, #tpu.memory_space<vmem>>, vector<64x128xf32>
    %dot_general3A_21 = arith.constant dense<0.000000e+00> : vector<2000x128xf32>
    %dot_general3A_22 = tpu.matmul %mul3A_11, %get3A_20, %dot_general3A_21 {dimension_numbers = #tpu.dot_dimension_numbers<[1], [0], [0], [1], [0, 0, 1, 1], [], []>, transpose_lhs_hint = false} : vector<2000x64xf32>, vector<64x128xf32>, vector<2000x128xf32> -> vector<2000x128xf32>
    %get3A_23 = arith.constant 0 : index
    %get3A_24 = arith.constant 0 : index
    %get3A_25 = vector.load %arg2[%get3A_23, %get3A_24] : memref<2000x128xf32, #tpu.memory_space<vmem>>, vector<2000x128xf32>
    %sub3A = arith.subf %get3A_25, %dot_general3A_22 : vector<2000x128xf32>
    %mul3A_26 = arith.mulf %sub3A, %sub3A : vector<2000x128xf32>
    %reduce_sum3A = vector.shape_cast %mul3A_26 : vector<2000x128xf32> to vector<1x2000x128xf32>
    %reduce_sum3A_27 = arith.constant dense<0.000000e+00> : vector<1xf32>
    %reduce_sum3A_28 = vector.multi_reduction <add>, %reduce_sum3A, %reduce_sum3A_27 [1, 2] : vector<1x2000x128xf32> to vector<1xf32>
    %reduce_sum3A_29 = vector.shape_cast %reduce_sum3A_28 : vector<1xf32> to vector<1x1x1xf32>
    %reduce_sum3A_30 = vector.extract %reduce_sum3A_29[0, 0, 0] : f32 from vector<1x1x1xf32>
    %eq3A = arith.constant 0 : i32
    %eq3A_31 = arith.cmpi eq, %arg0, %eq3A : i32
    %convert_element_type3A = arith.extui %eq3A_31 : i1 to i32
    %cond3A = arith.constant 0 : i32
    %cond3A_32 = arith.cmpi ne, %convert_element_type3A, %cond3A : i32
    scf.if %cond3A_32 {
      %swap3A_42 = arith.constant 0 : index
      %swap3A_43 = arith.constant 0 : index
      %swap3A_44 = vector.load %arg9[%swap3A_42, %swap3A_43] : memref<64x64xf32, #tpu.memory_space<vmem>>, vector<64x64xf32>
      tpu.vector_store %arg9[%swap3A_42, %swap3A_43], %dot_general3A_17 {strides = array<i32>} : memref<64x64xf32, #tpu.memory_space<vmem>>, vector<64x64xf32>,
      %swap3A_45 = arith.constant 0 : index
      %swap3A_46 = arith.constant 0 : index
      %swap3A_47 = memref.load %arg10[%swap3A_45, %swap3A_46] : memref<1x1xf32, #tpu.memory_space<smem>>
      memref.store %reduce_sum3A_30, %arg10[%swap3A_45, %swap3A_46] : memref<1x1xf32, #tpu.memory_space<smem>>
    } else {
    }
    %gt3A = arith.constant 0 : i32
    %gt3A_33 = arith.cmpi sgt, %arg0, %gt3A : i32
    %convert_element_type3A_34 = arith.extui %gt3A_33 : i1 to i32
    %cond3A_35 = arith.constant 0 : i32
    %cond3A_36 = arith.cmpi ne, %convert_element_type3A_34, %cond3A_35 : i32
    scf.if %cond3A_36 {
      %get3A_42 = arith.constant 0 : index
      %get3A_43 = arith.constant 0 : index
      %get3A_44 = vector.load %arg9[%get3A_42, %get3A_43] : memref<64x64xf32, #tpu.memory_space<vmem>>, vector<64x64xf32>
      %add3A_45 = arith.addf %get3A_44, %dot_general3A_17 : vector<64x64xf32>
      %swap3A_46 = arith.constant 0 : index
      %swap3A_47 = arith.constant 0 : index
      %swap3A_48 = vector.load %arg9[%swap3A_46, %swap3A_47] : memref<64x64xf32, #tpu.memory_space<vmem>>, vector<64x64xf32>
      tpu.vector_store %arg9[%swap3A_46, %swap3A_47], %add3A_45 {strides = array<i32>} : memref<64x64xf32, #tpu.memory_space<vmem>>, vector<64x64xf32>,
      %get3A_49 = arith.constant 0 : index
      %get3A_50 = arith.constant 0 : index
      %get3A_51 = memref.load %arg10[%get3A_49, %get3A_50] : memref<1x1xf32, #tpu.memory_space<smem>>
      %add3A_52 = arith.addf %get3A_51, %reduce_sum3A_30 : f32
      %swap3A_53 = arith.constant 0 : index
      %swap3A_54 = arith.constant 0 : index
      %swap3A_55 = memref.load %arg10[%swap3A_53, %swap3A_54] : memref<1x1xf32, #tpu.memory_space<smem>>
      memref.store %add3A_52, %arg10[%swap3A_53, %swap3A_54] : memref<1x1xf32, #tpu.memory_space<smem>>
    } else {
    }
    %eq3A_37 = arith.constant 4 : i32
    %eq3A_38 = arith.cmpi eq, %arg0, %eq3A_37 : i32
    %convert_element_type3A_39 = arith.extui %eq3A_38 : i1 to i32
    %cond3A_40 = arith.constant 0 : i32
    %cond3A_41 = arith.cmpi ne, %convert_element_type3A_39, %cond3A_40 : i32
    scf.if %cond3A_41 {
      %get3A_42 = arith.constant 0 : index
      %get3A_43 = arith.constant 0 : index
      %get3A_44 = vector.load %arg9[%get3A_42, %get3A_43] : memref<64x64xf32, #tpu.memory_space<vmem>>, vector<64x64xf32>
      %transpose3A = tpu.transpose %get3A_44, [1, 0] : vector<64x64xf32> -> vector<64x64xf32>
      %mul3A_45 = arith.mulf %get3A_44, %transpose3A : vector<64x64xf32>
      %reduce_sum3A_46 = vector.shape_cast %mul3A_45 : vector<64x64xf32> to vector<1x64x64xf32>
      %reduce_sum3A_47 = arith.constant dense<0.000000e+00> : vector<1xf32>
      %reduce_sum3A_48 = vector.multi_reduction <add>, %reduce_sum3A_46, %reduce_sum3A_47 [1, 2] : vector<1x64x64xf32> to vector<1xf32>
      %reduce_sum3A_49 = vector.shape_cast %reduce_sum3A_48 : vector<1xf32> to vector<1x1x1xf32>
      %reduce_sum3A_50 = vector.extract %reduce_sum3A_49[0, 0, 0] : f32 from vector<1x1x1xf32>
      %swap3A_51 = arith.constant 0 : index
      %swap3A_52 = arith.constant 0 : index
      %swap3A_53 = memref.load %arg7[%swap3A_51, %swap3A_52] : memref<1x1xf32, #tpu.memory_space<smem>>
      memref.store %reduce_sum3A_50, %arg7[%swap3A_51, %swap3A_52] : memref<1x1xf32, #tpu.memory_space<smem>>
      %get3A_54 = arith.constant 0 : index
      %get3A_55 = arith.constant 0 : index
      %get3A_56 = memref.load %arg10[%get3A_54, %get3A_55] : memref<1x1xf32, #tpu.memory_space<smem>>
      %swap3A_57 = arith.constant 0 : index
      %swap3A_58 = arith.constant 0 : index
      %swap3A_59 = memref.load %arg8[%swap3A_57, %swap3A_58] : memref<1x1xf32, #tpu.memory_space<smem>>
      memref.store %get3A_56, %arg8[%swap3A_57, %swap3A_58] : memref<1x1xf32, #tpu.memory_space<smem>>
    } else {
    }
    return
  }
  func.func @transform_0(%arg0: i32) -> (i32, i32) {
    %c0_i32 = arith.constant 0 : i32
    %c0_i32_0 = arith.constant 0 : i32
    return %arg0, %c0_i32 : i32, i32
  }
  func.func @transform_1(%arg0: i32) -> (i32, i32) {
    %c0_i32 = arith.constant 0 : i32
    %c0_i32_0 = arith.constant 0 : i32
    return %arg0, %c0_i32 : i32, i32
  }
  func.func @transform_2(%arg0: i32) -> (i32, i32) {
    %c0_i32 = arith.constant 0 : i32
    %c0_i32_0 = arith.constant 0 : i32
    %c0_i32_1 = arith.constant 0 : i32
    return %c0_i32, %c0_i32_0 : i32, i32
  }
  func.func @transform_3(%arg0: i32) -> (i32, i32) {
    %c0_i32 = arith.constant 0 : i32
    %c0_i32_0 = arith.constant 0 : i32
    %c0_i32_1 = arith.constant 0 : i32
    return %c0_i32, %c0_i32_0 : i32, i32
  }
  func.func @transform_4(%arg0: i32) -> (i32, i32) {
    %c0_i32 = arith.constant 0 : i32
    %c0_i32_0 = arith.constant 0 : i32
    return %arg0, %c0_i32 : i32, i32
  }
  func.func @transform_5(%arg0: i32) -> (i32, i32) {
    %c0_i32 = arith.constant 0 : i32
    %c0_i32_0 = arith.constant 0 : i32
    return %arg0, %c0_i32 : i32, i32
  }
  func.func @transform_6(%arg0: i32) -> (i32, i32) {
    %c0_i32 = arith.constant 0 : i32
    %c0_i32_0 = arith.constant 0 : i32
    %c0_i32_1 = arith.constant 0 : i32
    return %c0_i32, %c0_i32_0 : i32, i32
  }
  func.func @transform_7(%arg0: i32) -> (i32, i32) {
    %c0_i32 = arith.constant 0 : i32
    %c0_i32_0 = arith.constant 0 : i32
    %c0_i32_1 = arith.constant 0 : i32
    return %c0_i32, %c0_i32_0 : i32, i32
  }
}

</mosaic_0001>

<sc_bundles>
// kernel: kernel.4.cloned.1.call-start
scs
__scs_entry_jumppad:
0x0: {  	(pc) =	sbr.rel $0x88, $3  }
0x1: {  	(tag) =	ssettag $0x0;
	lr =	simm.s32 $0x1  }
0x2: {  	[smem:$0x3F9C] =	sst lr;
	_ =	strace $0xD0000000  }
0x3: {  	_ = 	snop  }
0x4: {  	_ = 	snop  }
0x5: {  	_ = 	snop  }
0x6: {  	_ = 	snop  }
0x7: {  	_ = 	snop  }
__scs_overlays_trampoline_lowered:
0x8: {  	[smem:$0x3FAB] =	sst s0  }
0x9: {  	[smem:$0x3FAC] =	sst s1  }
0xa: {  	[smem:$0x3FAD] =	sst s2  }
0xb: {  	[smem:$0x3FAE] =	sst s3  }
0xc: {  	[smem:$0x3FAF] =	sst s4  }
0xd: {  	[smem:$0x3FB0] =	sst s5  }
0xe: {  	[smem:$0x3FB1] =	sst s6  }
0xf: {  	[smem:$0x3FB2] =	sst s7  }
0x10: {  	[smem:$0x3FB3] =	sst s8  }
0x11: {  	[smem:$0x3FB4] =	sst s9;
	s0 =	simm.s32 @!p0 $0x0  }
0x12: {  	s1 =	sld [smem:$0x3F9A];
	s0 =	simm.s32 @p0 $0x1  }
0x13: {  	[smem:$0x3FB5] =	sst s0;
	s0 =	simm.s32 @!p1 $0x0  }
0x14: {  	s2 =	sld [smem:$0x3F99];
	s0 =	simm.s32 @p1 $0x1  }
0x15: {  	[smem:$0x3FB6] =	sst s0;
	s0 =	simm.s32 @!p2 $0x0  }
0x16: {  	s3 =	sld [smem:$0x3FDB];
	s0 =	simm.s32 @p2 $0x1  }
0x17: {  	s4 =	simm.s32 $0x1BF5;
	[smem:$0x3FB8] =	sst s0  }
0x18: {  	s0 =	sld [smem:$0x3F9B];
	_ =	swait.ge [sflag:s4], $0x0  }
0x19: {  	s7 =	sld [smem:$0x3F9C]  }
0x1a: {  	s8 =	sadd.s32 $0xFFFFE003, lr  }
0x1b: {  	s9 =	sadd.s32 $0xFFFFFEF7, lr;
	s5 =	simm.s32 $0xFFFFFFFF;
	p2 =	slt.u32 s8, $0xFFFFF086  }
0x1c: {  	p1 =	slt.u32 s9, $0xF7A;
	s5 =	simm.s32 @!p2 $0x0  }
0x1d: {  	s5 =	simm.s32 @p1 $0x1;
	p0 =	seq.s32 s7, s2  }
0x1e: {  	s7 =	smul.u32 @!p0 $0xF7A, s2;
	p2 =	seq.s32 @!p0 s5, $0x0  }
0x1f: {  	s9 =	smul.u32 $0xF7A, s1;
	s8 =	simm.s32 @!p0 $0x1BF5;
	p2 =	por !p2, p0  }
0x20: {  	[sflag:s8] =	ssyncset.s32 @!p0 $0xFFFFF086;
	s6 =	sadd.s32 @!p0 s3, s7;
	s7 =	simm.s32 @!p0 $0x108  }
0x21: {  	s3 =	sadd.s32 s3, s9;
	s6 =	sadd.s32 @!p0 $0x88, s6;
	s7 =	simm.s32 @p2 $0x1082  }
0x22: {  	[simem:s7], [sflag:s8] =	dma.local @!p0 [hbm:s6], $0xF7A  }
0x23: {  	s9 =	sor.u32 $0xD0000000, s2;
	s6 =	simm.s32 $0x108;
	_ =	swait.ge @!p0 [sflag:s8], $0x0  }
0x24: {  	s3 =	sadd.s32 $0x88, s3;
	s6 =	simm.s32 @!p1 $0x1082;
	[sflag:s4] =	ssyncset.s32 $0xFFFFF086  }
0x25: {  	[simem:s6], [sflag:s4] =	dma.local [hbm:s3], $0xF7A  }
0x26: {  	[smem:$0x3F9C] =	sst s1;
	(tag) =	ssettag s2;
	_ =	strace s9  }
0x27: {  	s1 =	sld [smem:$0x3FAC]  }
0x28: {  	s2 =	sld [smem:$0x3FAD]  }
0x29: {  	s4 =	sld [smem:$0x3FAF]  }
0x2a: {  	p0 =	seq.s32 s5, $0x0;
	s5 =	sld [smem:$0x3FB0]  }
0x2b: {  	s6 =	sld [smem:$0x3FB1]  }
0x2c: {  	s7 =	sld [smem:$0x3FB2]  }
0x2d: {  	s3 =	simm.s32 $0x108;
	s8 =	sld [smem:$0x3FB3]  }
0x2e: {  	s3 =	simm.s32 @!p0 $0x1082;
	s9 =	sld [smem:$0x3FB4]  }
0x2f: {  	lr =	sadd.s32 s0, s3;
	s0 =	sld [smem:$0x3FAB]  }
0x30: {  	s3 =	sld [smem:$0x3FAE]  }
0x31: {  	[smem:$0x3FB7] =	sst s10  }
0x32: {  	s10 =	sld [smem:$0x3FB5];
	_ =	sdelay $0x3  }
0x33: {  	p0 =	seq.s32 s10, $0x1;
	s10 =	sld [smem:$0x3FB7];
	_ =	sdelay $0x3  }
0x34: {  	[smem:$0x3FB7] =	sst s10  }
0x35: {  	s10 =	sld [smem:$0x3FB6];
	_ =	sdelay $0x3  }
0x36: {  	p1 =	seq.s32 s10, $0x1;
	s10 =	sld [smem:$0x3FB7];
	_ =	sdelay $0x3  }
0x37: {  	[smem:$0x3FB7] =	sst s10  }
0x38: {  	s10 =	sld [smem:$0x3FB8]  }
0x39: {  	_ = 	snop;
	(pc) =	sbr.ind lr, $3  }
0x3a: {  	_ = 	snop  }
0x3b: {  	_ = 	snop  }
0x3c: {  	p2 =	seq.s32 s10, $0x1;
	s10 =	sld [smem:$0x3FB7]  }
0x3d: {  	_ =	shalt  }
0x3e: {  	_ =	shalt  }
0x3f: {  	_ =	shalt  }
0x40: {  	_ =	shalt  }
0x41: {  	_ =	shalt  }
0x42: {  	_ =	shalt  }
0x43: {  	_ =	shalt  }
0x44: {  	_ =	shalt  }
0x45: {  	_ =	shalt  }
0x46: {  	_ =	shalt  }
0x47: {  	_ =	shalt  }
0x48: {  	_ =	shalt  }
0x49: {  	_ =	shalt  }
0x4a: {  	_ =	shalt  }
0x4b: {  	_ =	shalt  }
0x4c: {  	_ =	shalt  }
0x4d: {  	_ =	shalt  }
0x4e: {  	_ =	shalt  }
0x4f: {  	_ =	shalt  }
0x50: {  	_ =	shalt  }
0x51: {  	_ =	shalt  }
0x52: {  	_ =	shalt  }
0x53: {  	_ =	shalt  }
0x54: {  	_ =	shalt  }
0x55: {  	_ =	shalt  }
0x56: {  	_ =	shalt  }
0x57: {  	_ =	shalt  }
0x58: {  	_ =	shalt  }
0x59: {  	_ =	shalt  }
0x5a: {  	_ =	shalt  }
0x5b: {  	_ =	shalt  }
0x5c: {  	_ =	shalt  }
0x5d: {  	_ =	shalt  }
0x5e: {  	_ =	shalt  }
0x5f: {  	_ =	shalt  }
0x60: {  	_ =	shalt  }
0x61: {  	_ =	shalt  }
0x62: {  	_ =	shalt  }
0x63: {  	_ =	shalt  }
0x64: {  	_ =	shalt  }
0x65: {  	_ =	shalt  }
0x66: {  	_ =	shalt  }
0x67: {  	_ =	shalt  }
0x68: {  	_ =	shalt  }
0x69: {  	_ =	shalt  }
0x6a: {  	_ =	shalt  }
0x6b: {  	_ =	shalt  }
0x6c: {  	_ =	shalt  }
0x6d: {  	_ =	shalt  }
0x6e: {  	_ =	shalt  }
0x6f: {  	_ =	shalt  }
0x70: {  	_ =	shalt  }
0x71: {  	_ =	shalt  }
0x72: {  	_ =	shalt  }
0x73: {  	_ =	shalt  }
0x74: {  	_ =	shalt  }
0x75: {  	_ =	shalt  }
0x76: {  	_ =	shalt  }
0x77: {  	_ =	shalt  }
0x78: {  	_ =	shalt  }
0x79: {  	_ =	shalt  }
0x7a: {  	_ =	shalt  }
0x7b: {  	_ =	shalt  }
0x7c: {  	_ =	shalt  }
0x7d: {  	_ =	shalt  }
0x7e: {  	_ =	shalt  }
0x7f: {  	_ =	shalt  }
0x80: {  	_ =	shalt  }
0x81: {  	_ =	shalt  }
0x82: {  	_ =	shalt  }
0x83: {  	_ =	shalt  }
0x84: {  	_ =	shalt  }
0x85: {  	_ =	shalt  }
0x86: {  	_ =	shalt  }
0x87: {  	_ =	shalt  }
.Lfunc_end0:
.L_simem_size_0:
called_computation_lowered:
.L_overlay_start_0:
0x88: {  	s2 =	sld [smem:$0x3FD9]  }
0x89: {  	s3 =	sld [smem:$0x3FFE];
	_ =	sdelay $0x1  }
0x8a: {  	s1 =	srdreg.scid  }
0x8b: {  	s0 =	sand.u32 $0x1, s1  }
0x8c: {  	s16 =	sshll.u32 s0, $0xA;
	s2 =	sadd.s32 s3, s2  }
0x8d: {  	s2 =	sadd.s32 s2, s16  }
0x8e: {  	[smem:$0x3FC3] =	sst s2  }
0x8f: {  	_ = 	snop  }
0x90: {  	(tm) =	ssettm $0x1  }
0x91: {  	s17 =	sld [smem:$0x3FFB];
	_ =	sdelay $0x3  }
0x92: {  	_ =	strace s17  }
0x93: {  	s2 =	sld [smem:$0x3FFC];
	_ =	sdelay $0x3  }
0x94: {  	_ =	strace s2  }
0x95: {  	s2 =	sld [smem:$0x3FFD];
	_ =	sdelay $0x3  }
0x96: {  	_ =	strace s2  }
0x97: {  	_ =	strace $0x8FFFFFFF  }
0x98: {  	s18 =	sld [smem:$0x3FDB];
	_ =	sdelay $0x1  }
0x99: {  	s19 =	simm.s32 $_scs_section_size  }
0x9a: {  	s4 =	simm.s32 $_size__tile_overlayer_lowered;
	s5 =	simm.s32 $_tile_overlayer_lowered  }
0x9b: {  	s22 =	simm.s32 $0x1BFF;
	s21 =	sshll.u32 s5, $0x1;
	s2 =	sadd.s32 s19, s18  }
0x9c: {  	s6 =	simm.s32 $0x0;
	s20 =	sshll.u32 s4, $0x1;
	s4 =	sadd.s32 s21, s2  }
0x9d: {  	[timem:s6], [sflag:s22] =	dma.local [hbm:s4], s20  }
0x9e: {  	_ =	swait.ge [sflag:s22], s20  }
0x9f: {  	s3 =	ssub.s32 $0x0, s20;
	[sflag:s22] =	ssyncset.done $0x0  }
0xa0: {  	[sflag:s22] =	ssyncadd.s32 s3;
	_ =	sdelay $0x1  }
0xa1: {  	s23 =	simm.s32 $0x1B8B  }
0xa2: {  	_ =	swait.ge [sflag:s23], $0x1  }
0xa3: {  	[sflag:s23] =	ssyncset.done $0x0  }
0xa4: {  	s25 =	simm.s32 $0x1B8E;
	s24 =	sld [smem:$0x3FFE];
	[sflag:s23] =	ssyncadd.s32 $0xFFFFFFFF  }
0xa5: {  	s26 =	simm.s32 $execute0_lowered;
	[smem:$0x3FD2] =	sst s25  }
0xa6: {  	s4 =	sshll.u32 s26, $0x1;
	_ =	strace $0x80000046;
	[dreg:$0x1] =	wrdreg $0xFFFFFFFF  }
0xa7: {  	s28 =	simm.s32 $_size_execute0_lowered;
	s2 =	sadd.s32 s2, s4;
	[dreg:$0x0] =	wrdreg $0x0  }
0xa8: {  	s4 =	sshll.u32 s28, $0x1;
	[dreg:$0x2] =	wrdreg s2  }
0xa9: {  	[dreg:$0x3] =	wrdreg s4  }
0xaa: {  	[dreg:$0x4] =	wrdreg $0xC0  }
0xab: {  	_ =	task [dreg:s6], $0x5FFFF  }
0xac: {  	[dreg:$0x1] =	wrdreg $0xFFFFFFFF  }
0xad: {  	[dreg:$0x0] =	wrdreg $0x60  }
0xae: {  	[dreg:$0x2] =	wrdreg s24  }
0xaf: {  	[dreg:$0x3] =	wrdreg $0x9  }
0xb0: {  	_ =	task.clear_ibuf [dreg:s6], $0x4FFFF;
	_ =	strace $0x90000046  }
0xb1: {  	s29 =	simm.s32 $0x9;
	_ =	strace $0x80000048  }
0xb2: {  	_ =	swait.ge [sflag:s29], $0x1  }
0xb3: {  	[sflag:s29] =	ssyncadd.s32 $0xFFFFFFFF  }
0xb4: {  	_ =	strace $0x90000048  }
0xb5: {  	_ =	sfence  }
0xb6: {  	s30 =	sld [smem:$0x0];
	_ =	sdelay $0x2  }
0xb7: {  	s31 =	sshll.u32 s1, $0xD;
	s1 =	sshrl.u32 s1, $0x2  }
0xb8: {  	s3 =	sand.u32 $0x4000, s31;
	s1 =	sadd.s32 s1, s30  }
0xb9: {  	s0 =	sor.u32 s3, s0;
	s1 =	sshll.u32 s1, $0x11  }
0xba: {  	s0 =	sor.u32 s1, s0  }
0xbb: {  	s0 =	sadd.s32 $0x8F2B, s0  }
0xbc: {  	[sflag:s0] =	ssyncadd.remote.s32 $0x1  }
0xbd: {  	_ =	sfence.sel $0xFFFF  }
0xbe: {  	[dreg:$0x0] =	wrdreg $0xFFFFFFFF;
	(pc) =	sbr.abs _section_cstart, $3  }
0xbf: {  	[dreg:$0x1] =	wrdreg $0xFFFFFFFF  }
0xc0: {  	_ =	task.clear_ibuf [dreg:s6], $0x2FFFF;
	_ =	strace $0x9FFFFFFF  }
0xc1: {  	(tm) =	ssettm $0x7FFFFFFF  }
tec
execute0_lowered:
.L_overlay_start_1:
0x0: {  	(tag) =	ssettag $0x1  }
0x1: {  	s8 =	rddreg [dreg:$0x0]  }
0x2: {  	s0 =	rddreg [dreg:$0x1]  }
0x3: {  	s3 =	srdreg.scid;
	s1 =	stileid.u32  }
0x4: {  	s2 =	simm.s32 $0x0;
	s11 =	simm.s32 $0x2EE0;
	s12 =	simm.s32 $0x4  }
0x5: {  	s13 =	simm.s32 $0x7D00;
	s14 =	simm.s32 $0x1770;
	s15 =	simm.s32 $0x7D0  }
0x6: {  	s16 =	simm.s32 $0x1F40;
	s17 =	simm.s32 $0x3;
	s18 =	simm.s32 $0xCB20  }
0x7: {  	s19 =	simm.s32 $0x2;
	s5 =	sand.u32 $0x1, s3;
	s30 =	sshll.u32 s1, $0x1  }
0x8: {  	s20 =	simm.s32 $0x1;
	s21 =	simm.s32 $0x0;
	s6 =	sor.u32 s5, s30  }
0x9: {  	[smem:$0x7FF] =	sst s2;
	s3 =	sadd.s32 $0x31400, s8;
	s7 =	smul.u32 $0x9C4, s6  }
.Ltmp0:
0xa: {  	s4 =	sadd.s32 $0x27600, s8;
	s5 =	ssub.s32 $0x2, s5;
	(pc) =	sbr.rel .LBB2_1-.Ltmp0, $4  }
0xb: {  	_ =	strace $0x80000047;
	s6 =	sshll.u32 s6, $0x2;
	s31 =	sshrl.u32 s5, $0x1  }
0xc: {  	s9 =	sadd.s32 s6, s8;
	s10 =	ssub.s32 s5, s31;
	s7 =	sadd.s32 s7, s8  }
0xd: {  	s9 =	sadd.s32 $0x3B200, s9;
	s10 =	smax.u32 s10, $0x1;
	s5 =	sadd.s32 $0x13C00, s7  }
0xe: {  	s6 =	sadd.s32 $0x200, s7;
	s7 =	sadd.s32 $0x314FA, s8;
	s8 =	sadd.s32 $0x276FA, s8  }
.LBB2_14:
0xf: {  	s21 =	sadd.s32 $0x1, s21  }
0x10: {  	p0 =	sne.s32 s21, s10  }
.Ltmp1:
0x11: {  	_ = 	snop;
	(pc) =	sbr.rel @!p0 .LBB2_15-.Ltmp1, $4  }
0x12: {  	[hbm4b:s9+s2] =	stream.linear.scatter [tilespmem:s18], [sflag:$0x4], $0x20, $0x38;
	[tilespmem:$0xCB40] =	vst v63  }
0x13: {  	_ =	swait.ge [sflag:s12], $0x20  }
0x14: {  	[sflag:s12] =	ssyncset.done $0x0  }
0x15: {  	[sflag:s12] =	ssyncadd.s32 $0xFFFFFFE0  }
.LBB2_1:
0x16: {  	[tilespmem:s11], [sflag:$0x4] =	stream.linear.gather [hbm4b:s5+s2], $0x4E20, $0x38;
	[tilespmem:$0xCB40] =	vst v63  }
0x17: {  	_ =	swait.ge [sflag:s12], $0x4E20  }
0x18: {  	[sflag:s12] =	ssyncset.done $0x0  }
0x19: {  	[sflag:s12] =	ssyncadd.s32 $0xFFFFB1E0  }
0x1a: {  	[tilespmem:s13], [sflag:$0x4] =	stream.linear.gather [hbm4b:s6+s2], $0x4E20, $0x38;
	[tilespmem:$0xCB40] =	vst v63  }
0x1b: {  	_ =	swait.ge [sflag:s12], $0x4E20  }
0x1c: {  	[sflag:s12] =	ssyncset.done $0x0  }
0x1d: {  	v0 =	vimm.f32 $0.0e+00;
	[sflag:s12] =	ssyncadd.s32 $0xFFFFB1E0  }
0x1e: {  	[tilespmem:$0xCB20] =	vst v0  }
0x1f: {  	[tilespmem:$0xCB30] =	vst v0  }
0x20: {  	[tilespmem:s2], [sflag:$0x1] =	stream.linear.gather [hbm4b:s3+s2], $0x7D0, $0x38;
	[tilespmem:$0xCB40] =	vst v63  }
0x21: {  	_ = 	snop  }
0x22: {  	[tilespmem:s14], [sflag:$0x1] =	stream.linear.gather [hbm4b:s4+s2], $0x7D0, $0x38;
	[tilespmem:$0xCB40] =	vst v63  }
.Ltmp2:
0x23: {  	_ = 	snop;
	(pc) =	sbr.rel .LBB2_2-.Ltmp2, $4  }
0x24: {  	_ = 	snop  }
0x25: {  	[tilespmem:s15], [sflag:$0x2] =	stream.linear.gather [hbm4b:s7+s2], $0x7D0, $0x38;
	[tilespmem:$0xCB40] =	vst v63  }
0x26: {  	s22 =	simm.s32 $0x0  }
0x27: {  	[tilespmem:s16], [sflag:$0x2] =	stream.linear.gather [hbm4b:s8+s2], $0x7D0, $0x38;
	[tilespmem:$0xCB40] =	vst v63  }
.LBB2_13:
0x28: {  	v2 =	vld [tilespmem:$0xCB20]  }
0x29: {  	v3 =	vld [tilespmem:$0xCB30]  }
0x2a: {  	s22 =	sadd.s32 $0x1, s22  }
0x2b: {  	p0 =	sne.s32 s22, $0xA0  }
.Ltmp3:
0x2c: {  	_ = 	snop;
	(pc) =	sbr.rel @!p0 .LBB2_14-.Ltmp3, $4  }
0x2d: {  	v0 =	vadd.f32 v2, v0  }
0x2e: {  	v1 =	vadd.f32 v3, v1  }
0x2f: {  	[tilespmem:$0xCB20] =	vst v0  }
0x30: {  	[tilespmem:$0xCB30] =	vst v1  }
.LBB2_2:
0x31: {  	s23 =	smul.u32 $0xAB, s22;
	_ =	sdelay $0x1  }
0x32: {  	s23 =	sshrl.u32 s23, $0x9  }
0x33: {  	s23 =	sand.u32 $0x7F, s23  }
0x34: {  	s23 =	smul.u32 $0x3, s23;
	_ =	sdelay $0x1  }
0x35: {  	s23 =	ssub.s32 s22, s23  }
0x36: {  	s23 =	sand.u32 $0xFF, s23  }
0x37: {  	p1 =	seq.s32 s23, $0x2  }
.Ltmp4:
0x38: {  	_ = 	snop;
	(pc) =	sbr.rel @p1 .LBB2_10-.Ltmp4, $2  }
0x39: {  	_ =	sdelay $0x2  }
0x3a: {  	p0 =	sgt.u32 s22, $0x9D  }
0x3b: {  	p1 =	seq.s32 s23, $0x1  }
.Ltmp5:
0x3c: {  	_ = 	snop;
	(pc) =	sbr.rel @!p1 .LBB2_4-.Ltmp5, $2  }
0x3d: {  	_ =	sdelay $0x2  }
0x3e: {  	s23 =	smul.u32 @!p0 $0x7D0, s22  }
0x3f: {  	_ =	swait.ge [sflag:s19], $0x7D0  }
0x40: {  	[sflag:s19] =	ssyncset.done $0x0  }
0x41: {  	[sflag:s19] =	ssyncadd.s32 $0xFFFFF830  }
0x42: {  	s23 =	sshrl.u32 @!p0 s23, $0x3;
	_ =	swait.ge [sflag:s19], $0x7D0  }
0x43: {  	s23 =	sadd.s32 @!p0 $0x1F4, s23;
	[sflag:s19] =	ssyncset.done $0x0  }
0x44: {  	s25 =	simm.s32 @!p0 $0x0;
	s24 =	sadd.s32 @!p0 s3, s23;
	[sflag:s19] =	ssyncadd.s32 $0xFFFFF830  }
0x45: {  	[tilespmem:s25], [sflag:$0x1] =	stream.linear.gather @!p0 [hbm4b:s24+s25], $0x7D0, $0x38;
	[tilespmem:$0xCB40] =	vst v63  }
0x46: {  	s31 =	simm.s32 $0x0;
	s23 =	sadd.s32 @!p0 s4, s23;
	s24 =	simm.s32 @!p0 $0x1770  }
0x47: {  	[tilespmem:s24], [sflag:$0x1] =	stream.linear.gather @!p0 [hbm4b:s23+s25], $0x7D0, $0x38;
	[tilespmem:$0xCB40] =	vst v63  }
0x48: {  	v0 =	vld [tilespmem:s31+$0x950];
	_ =	sdelay $0x4  }
0x49: {  	v8 =	vld [tilespmem:s31+$0x20B0];
	_ =	sdelay $0x2  }
0x4a: {  	[tilespmem:$0x1FB60] =	vst v0;
	v0 =	vld.idx.msk [tilespmem:v0+s13+$0x0], $0xffff;
	_ =	sdelay $0x1  }
0x4b: {  	v7 =	vld [tilespmem:s31+$0x940];
	_ =	sdelay $0x2  }
0x4c: {  	[tilespmem:$0x1FB70] =	vst v0;
	v0 =	vld.idx.msk [tilespmem:v8+s11+$0x0], $0xffff;
	_ =	sdelay $0x1  }
0x4d: {  	v12 =	vld [tilespmem:s31+$0x20A0];
	_ =	sdelay $0x2  }
0x4e: {  	[tilespmem:$0x1FB90] =	vst v0;
	v0 =	vld.idx.msk [tilespmem:v7+s13+$0x0], $0xffff;
	_ =	sdelay $0x1  }
0x4f: {  	v11 =	vld [tilespmem:s31+$0x930];
	_ =	sdelay $0x2  }
0x50: {  	[tilespmem:$0x1FBB0] =	vst v0;
	v0 =	vld.idx.msk [tilespmem:v12+s11+$0x0], $0xffff;
	_ =	sdelay $0x1  }
0x51: {  	v16 =	vld [tilespmem:s31+$0x2090];
	_ =	sdelay $0x2  }
0x52: {  	[tilespmem:$0x1FBD0] =	vst v0;
	v0 =	vld.idx.msk [tilespmem:v11+s13+$0x0], $0xffff;
	_ =	sdelay $0x1  }
0x53: {  	v13 =	vld [tilespmem:s31+$0x920];
	_ =	sdelay $0x2  }
0x54: {  	[tilespmem:$0x1FBF0] =	vst v0;
	v0 =	vld.idx.msk [tilespmem:v16+s11+$0x0], $0xffff;
	_ =	sdelay $0x1  }
0x55: {  	v19 =	vld [tilespmem:s31+$0x2080];
	_ =	sdelay $0x2  }
0x56: {  	[tilespmem:$0x1FC10] =	vst v0;
	v0 =	vld.idx.msk [tilespmem:v13+s13+$0x0], $0xffff;
	_ =	sdelay $0x1  }
0x57: {  	v17 =	vld [tilespmem:s31+$0x910];
	_ =	sdelay $0x2  }
0x58: {  	[tilespmem:$0x1FC30] =	vst v0;
	v0 =	vld.idx.msk [tilespmem:v19+s11+$0x0], $0xffff;
	_ =	sdelay $0x1  }
0x59: {  	v21 =	vld [tilespmem:s31+$0x2070]  }
0x5a: {  	v6 =	vld [tilespmem:s31+$0x20C0]  }
0x5b: {  	v20 =	vld [tilespmem:s31+$0x900]  }
0x5c: {  	[tilespmem:$0x1FC50] =	vst v0;
	v0 =	vld.idx.msk [tilespmem:v17+s13+$0x0], $0xffff  }
0x5d: {  	v24 =	vld [tilespmem:s31+$0x2060]  }
0x5e: {  	v22 =	vld [tilespmem:s31+$0x8F0]  }
0x5f: {  	v26 =	vld [tilespmem:s31+$0x2050]  }
0x60: {  	v25 =	vld [tilespmem:s31+$0x8E0]  }
0x61: {  	[tilespmem:$0x1FC70] =	vst v0;
	v0 =	vld.idx.msk [tilespmem:v21+s11+$0x0], $0xffff  }
0x62: {  	v30 =	vld [tilespmem:s31+$0x2040]  }
0x63: {  	v29 =	vld [tilespmem:s31+$0x8D0]  }
0x64: {  	v34 =	vld [tilespmem:s31+$0x2030]  }
0x65: {  	v35 =	vld [tilespmem:s31+$0x8C0]  }
0x66: {  	[tilespmem:$0x1FC90] =	vst v0;
	v0 =	vld.idx.msk [tilespmem:v20+s13+$0x0], $0xffff  }
0x67: {  	v38 =	vld [tilespmem:s31+$0x2020]  }
0x68: {  	v37 =	vld [tilespmem:s31+$0x8B0]  }
0x69: {  	v42 =	vld [tilespmem:s31+$0x2010]  }
0x6a: {  	v41 =	vld [tilespmem:s31+$0x8A0]  }
0x6b: {  	[tilespmem:$0x1FCB0] =	vst v0;
	v0 =	vld.idx.msk [tilespmem:v24+s11+$0x0], $0xffff  }
0x6c: {  	v46 =	vld [tilespmem:s31+$0x2000]  }
0x6d: {  	v45 =	vld [tilespmem:s31+$0x890]  }
0x6e: {  	v50 =	vld [tilespmem:s31+$0x1FF0]  }
0x6f: {  	v49 =	vld [tilespmem:s31+$0x880]  }
0x70: {  	[tilespmem:$0x1FCD0] =	vst v0;
	v0 =	vld.idx.msk [tilespmem:v22+s13+$0x0], $0xffff  }
0x71: {  	v54 =	vld [tilespmem:s31+$0x1FE0]  }
0x72: {  	v53 =	vld [tilespmem:s31+$0x870]  }
0x73: {  	v58 =	vld [tilespmem:s31+$0x1FD0]  }
0x74: {  	v57 =	vld [tilespmem:s31+$0x860]  }
0x75: {  	[tilespmem:$0x1FCF0] =	vst v0;
	v0 =	vld.idx.msk [tilespmem:v26+s11+$0x0], $0xffff  }
0x76: {  	v62 =	vld [tilespmem:s31+$0x1FC0]  }
0x77: {  	v61 =	vld [tilespmem:s31+$0x850]  }
0x78: {  	v10 =	vld [tilespmem:s31+$0x1FB0]  }
0x79: {  	v9 =	vld [tilespmem:s31+$0x840]  }
0x7a: {  	[tilespmem:$0x1FD00] =	vst v0;
	v0 =	vld.idx.msk [tilespmem:v25+s13+$0x0], $0xffff  }
0x7b: {  	v2 =	vld [tilespmem:s31+$0x1FA0]  }
0x7c: {  	v1 =	vld [tilespmem:s31+$0x830]  }
0x7d: {  	v23 =	vld [tilespmem:s31+$0x1F90]  }
0x7e: {  	v3 =	vld [tilespmem:s31+$0x820]  }
0x7f: {  	[tilespmem:$0x1FD20] =	vst v0;
	v0 =	vld.idx.msk [tilespmem:v30+s11+$0x0], $0xffff  }
0x80: {  	v5 =	vld [tilespmem:s31+$0x1F80]  }
0x81: {  	v4 =	vld [tilespmem:s31+$0x810]  }
0x82: {  	v28 =	vld [tilespmem:s31+$0x1F70]  }
0x83: {  	v27 =	vld [tilespmem:s31+$0x800]  }
0x84: {  	[tilespmem:$0x1FD30] =	vst v0;
	v0 =	vld.idx.msk [tilespmem:v29+s13+$0x0], $0xffff  }
0x85: {  	v32 =	vld [tilespmem:s31+$0x1F60]  }
0x86: {  	v31 =	vld [tilespmem:s31+$0x7F0]  }
0x87: {  	v36 =	vld [tilespmem:s31+$0x1F50]  }
0x88: {  	v14 =	vld [tilespmem:s31+$0x7E0]  }
0x89: {  	[tilespmem:$0x1FD40] =	vst v0;
	v0 =	vld.idx.msk [tilespmem:v34+s11+$0x0], $0xffff  }
0x8a: {  	v18 =	vld [tilespmem:s31+$0x1F40]  }
0x8b: {  	v15 =	vld [tilespmem:s31+$0x7D0]  }
0x8c: {  	[tilespmem:$0x1FB40] =	vst v6;
	v6 =	vld.idx.msk [tilespmem:v6+s11+$0x0], $0xffff  }
0x8d: {  	v52 =	vld.idx.msk [tilespmem:v41+s13+$0x0], $0xffff  }
0x8e: {  	[tilespmem:$0x1FD50] =	vst v0;
	v0 =	vld.idx.msk [tilespmem:v35+s13+$0x0], $0xffff  }
0x8f: {  	v55 =	vld.idx.msk [tilespmem:v46+s11+$0x0], $0xffff  }
0x90: {  	v56 =	vld.idx.msk [tilespmem:v45+s13+$0x0], $0xffff  }
0x91: {  	[tilespmem:$0x1FB80] =	vst v8;
	v59 =	vld.idx.msk [tilespmem:v50+s11+$0x0], $0xffff  }
0x92: {  	[tilespmem:$0x1FBA0] =	vst v7;
	v60 =	vld.idx.msk [tilespmem:v49+s13+$0x0], $0xffff  }
0x93: {  	[tilespmem:$0x1FD60] =	vst v0;
	v0 =	vld.idx.msk [tilespmem:v38+s11+$0x0], $0xffff  }
0x94: {  	[tilespmem:$0x1FBC0] =	vst v12;
	v63 =	vld.idx.msk [tilespmem:v54+s11+$0x0], $0xffff  }
0x95: {  	[tilespmem:$0x1FBE0] =	vst v11;
	v39 =	vld.idx.msk [tilespmem:v5+s11+$0x0], $0xffff  }
0x96: {  	[tilespmem:$0x1FB50] =	vst v6;
	v6 =	vld.idx.msk [tilespmem:v9+s13+$0x0], $0xffff  }
0x97: {  	[tilespmem:$0x1FC00] =	vst v16;
	v8 =	vld.idx.msk [tilespmem:v1+s13+$0x0], $0xffff  }
0x98: {  	[tilespmem:$0x1FD70] =	vst v0;
	v0 =	vld.idx.msk [tilespmem:v37+s13+$0x0], $0xffff  }
0x99: {  	[tilespmem:$0x1FC20] =	vst v13;
	v7 =	vld.idx.msk [tilespmem:v2+s11+$0x0], $0xffff  }
0x9a: {  	[tilespmem:$0x1FC40] =	vst v19;
	v12 =	vld.idx.msk [tilespmem:v58+s11+$0x0], $0xffff  }
0x9b: {  	[tilespmem:$0x1FC60] =	vst v17;
	v11 =	vld.idx.msk [tilespmem:v23+s11+$0x0], $0xffff  }
0x9c: {  	[tilespmem:$0x1FC80] =	vst v21;
	v19 =	vld.idx.msk [tilespmem:v62+s11+$0x0], $0xffff  }
0x9d: {  	[tilespmem:$0x1FD80] =	vst v0;
	v0 =	vld.idx.msk [tilespmem:v42+s11+$0x0], $0xffff  }
0x9e: {  	[tilespmem:$0x1FCA0] =	vst v20;
	v17 =	vld.idx.msk [tilespmem:v57+s13+$0x0], $0xffff  }
0x9f: {  	[tilespmem:$0x1FCC0] =	vst v24;
	v21 =	vld.idx.msk [tilespmem:v61+s13+$0x0], $0xffff  }
0xa0: {  	[tilespmem:$0x1FCE0] =	vst v22;
	v24 =	vld.idx.msk [tilespmem:v10+s11+$0x0], $0xffff  }
0xa1: {  	[tilespmem:$0x1FD10] =	vst v25;
	v51 =	vmov v34;
	v34 =	vmov v35;
	v35 =	vld.idx.msk [tilespmem:v3+s13+$0x0], $0xffff  }
0xa2: {  	s23 =	simm.s32 $0x640;
	v48 =	vmovc v26;
	v47 =	vmovc v30;
	v33 =	vmov v29;
	v16 =	vimm.f32 $0.0e+00;
	v13 =	vimm.f32 $0.0e+00;
	[tilespmem:$0x1FD90] =	vst v0;
	v0 =	vld.idx.msk [tilespmem:v53+s13+$0x0], $0xffff  }
.LBB2_8:
0xa3: {  	v20 =	vld.idx.msk [tilespmem:v4+s13+$0x0], $0xffff  }
0xa4: {  	v40 =	vld.idx.msk [tilespmem:v28+s11+$0x0], $0xffff  }
0xa5: {  	v22 =	vld.idx.msk [tilespmem:v27+s13+$0x0], $0xffff  }
0xa6: {  	v25 =	vld.idx.msk [tilespmem:v32+s11+$0x0], $0xffff  }
0xa7: {  	v5 =	vadd.s32 $0x2710, v5;
	v44 =	vld.idx.msk [tilespmem:v31+s13+$0x0], $0xffff  }
0xa8: {  	v43 =	vadd.s32 $0x2710, v18;
	v29 =	vld.idx.msk [tilespmem:v36+s11+$0x0], $0xffff  }
0xa9: {  	v26 =	vadd.s32 $0x2710, v15;
	v30 =	vld.idx.msk [tilespmem:v14+s13+$0x0], $0xffff  }
0xaa: {  	v36 =	vadd.s32 $0x2710, v36;
	v18 =	vld.idx.msk [tilespmem:v18+s11+$0x0], $0xffff  }
0xab: {  	v14 =	vadd.s32 $0x2710, v14;
	v15 =	vld.idx.msk [tilespmem:v15+s13+$0x0], $0xffff  }
0xac: {  	v32 =	vadd.s32 $0x2710, v32;
	v5 =	vld.idx.msk [tilespmem:v5+s11+$0x0], $0xffff  }
0xad: {  	v31 =	vadd.s32 $0x2710, v31;
	v43 =	vld.idx.msk [tilespmem:v43+s11+$0x0], $0xffff  }
0xae: {  	v28 =	vadd.s32 $0x2710, v28;
	v26 =	vld.idx.msk [tilespmem:v26+s13+$0x0], $0xffff  }
0xaf: {  	v27 =	vadd.s32 $0x2710, v27;
	v36 =	vld.idx.msk [tilespmem:v36+s11+$0x0], $0xffff  }
0xb0: {  	v4 =	vadd.s32 $0x2710, v4;
	v14 =	vld.idx.msk [tilespmem:v14+s13+$0x0], $0xffff  }
0xb1: {  	v3 =	vadd.s32 $0x2710, v3;
	v32 =	vld.idx.msk [tilespmem:v32+s11+$0x0], $0xffff  }
0xb2: {  	v23 =	vadd.s32 $0x2710, v23;
	v31 =	vld.idx.msk [tilespmem:v31+s13+$0x0], $0xffff;
	v15 =	vmul.f32 v15, v18  }
0xb3: {  	v2 =	vadd.s32 $0x2710, v2;
	v1 =	vadd.s32 $0x2710, v1;
	v28 =	vld.idx.msk [tilespmem:v28+s11+$0x0], $0xffff;
	v18 =	vmul.f32 v26, v43  }
0xb4: {  	v10 =	vadd.s32 $0x2710, v10;
	v15 =	vadd.f32 v15, v16;
	v26 =	vld.idx.msk [tilespmem:v27+s13+$0x0], $0xffff;
	v27 =	vmul.f32 v30, v29  }
0xb5: {  	v9 =	vadd.s32 $0x2710, v9;
	v4 =	vld.idx.msk [tilespmem:v4+s13+$0x0], $0xffff;
	v14 =	vmul.f32 v14, v36;
	v13 =	vadd.f32 v18, v13  }
0xb6: {  	v3 =	vld.idx.msk [tilespmem:v3+s13+$0x0], $0xffff;
	v22 =	vmul.f32 v22, v40;
	v16 =	vmul.f32 v44, v25;
	v15 =	vadd.f32 v27, v15  }
0xb7: {  	v18 =	vld.idx.msk [tilespmem:v23+s11+$0x0], $0xffff;
	v23 =	vadd.s32 $0x2710, v62;
	v13 =	vadd.f32 v14, v13;
	v14 =	vmul.f32 v31, v32  }
0xb8: {  	v2 =	vld.idx.msk [tilespmem:v2+s11+$0x0], $0xffff;
	v27 =	vadd.s32 $0x2710, v58;
	v15 =	vadd.f32 v16, v15;
	v16 =	vmul.f32 v20, v39  }
0xb9: {  	v1 =	vld.idx.msk [tilespmem:v1+s13+$0x0], $0xffff;
	v20 =	vadd.s32 $0x2710, v57;
	v13 =	vadd.f32 v14, v13;
	v14 =	vmul.f32 v26, v28  }
0xba: {  	v7 =	vmul.f32 v8, v7;
	v10 =	vld.idx.msk [tilespmem:v10+s11+$0x0], $0xffff;
	v25 =	vadd.s32 $0x2710, v61;
	v4 =	vmul.f32 v4, v5  }
0xbb: {  	v5 =	vld.idx.msk [tilespmem:v9+s13+$0x0], $0xffff;
	v26 =	vadd.s32 $0x2710, v54;
	v15 =	vadd.f32 v22, v15;
	v13 =	vadd.f32 v14, v13  }
0xbc: {  	v9 =	vmul.f32 v35, v11;
	v22 =	vadd.s32 $0x2710, v50;
	v11 =	vld.idx.msk [tilespmem:v23+s11+$0x0], $0xffff;
	v14 =	vadd.s32 $0x2710, v53  }
0xbd: {  	v3 =	vmul.f32 v3, v18;
	v8 =	vld.idx.msk [tilespmem:v27+s11+$0x0], $0xffff;
	v15 =	vadd.f32 v16, v15;
	v4 =	vadd.f32 v4, v13  }
0xbe: {  	v1 =	vmul.f32 v1, v2;
	v16 =	vadd.s32 $0x2710, v49;
	v2 =	vld.idx.msk [tilespmem:v20+s13+$0x0], $0xffff  }
0xbf: {  	v20 =	vadd.s32 $0x2710, v42;
	v13 =	vld.idx.msk [tilespmem:v25+s13+$0x0], $0xffff;
	v9 =	vadd.f32 v9, v15;
	v3 =	vadd.f32 v3, v4  }
0xc0: {  	v18 =	vadd.s32 $0x2710, v46;
	v15 =	vadd.s32 $0x2710, v45;
	v4 =	vmul.f32 v6, v24;
	v6 =	vld.idx.msk [tilespmem:v26+s11+$0x0], $0xffff  }
0xc1: {  	v7 =	vadd.f32 v7, v9;
	v1 =	vadd.f32 v1, v3;
	v3 =	vmul.f32 v5, v10;
	v5 =	vld.idx.msk [tilespmem:v14+s13+$0x0], $0xffff  }
0xc2: {  	v9 =	vmul.f32 v21, v19;
	v19 =	vadd.s32 $0x2710, v38;
	v10 =	vld.idx.msk [tilespmem:v22+s11+$0x0], $0xffff  }
0xc3: {  	v14 =	vadd.s32 $0x2710, v41;
	v4 =	vadd.f32 v4, v7;
	v7 =	vld.idx.msk [tilespmem:v16+s13+$0x0], $0xffff;
	v2 =	vmul.f32 v2, v8  }
0xc4: {  	v8 =	vld.idx.msk [tilespmem:v20+s11+$0x0], $0xffff;
	v1 =	vadd.f32 v3, v1;
	v3 =	vmul.f32 v13, v11;
	v13 =	vadd.s32 $0x2710, v37  }
0xc5: {  	v11 =	vmul.f32 v17, v12;
	v12 =	vld.idx.msk [tilespmem:v18+s11+$0x0], $0xffff;
	v4 =	vadd.f32 v9, v4  }
0xc6: {  	v16 =	vadd.s32 $0x2710, v51;
	v1 =	vadd.f32 v3, v1;
	v3 =	vld.idx.msk [tilespmem:v15+s13+$0x0], $0xffff  }
0xc7: {  	v0 =	vmul.f32 v0, v63;
	v4 =	vadd.f32 v11, v4;
	v11 =	vld.idx.msk [tilespmem:v19+s11+$0x0], $0xffff  }
0xc8: {  	v1 =	vadd.f32 v2, v1;
	v2 =	vmul.f32 v5, v6;
	v5 =	vld.idx.msk [tilespmem:v14+s13+$0x0], $0xffff  }
0xc9: {  	v9 =	vadd.s32 $0x2710, v34;
	v0 =	vadd.f32 v0, v4;
	v4 =	vld.idx.msk [tilespmem:v13+s13+$0x0], $0xffff  }
0xca: {  	v15 =	vadd.s32 $0x2710, v47;
	v13 =	vld [tilespmem:$0x1FD10]  }
0xcb: {  	v6 =	vmul.f32 v60, v59;
	v1 =	vadd.f32 v2, v1;
	v2 =	vmul.f32 v7, v10;
	v10 =	vld.idx.msk [tilespmem:v16+s11+$0x0], $0xffff  }
0xcc: {  	v16 =	vld [tilespmem:$0x1FCC0]  }
0xcd: {  	v0 =	vadd.f32 v6, v0;
	v6 =	vld [tilespmem:$0x1FD90]  }
0xce: {  	v14 =	vadd.s32 $0x2710, v33;
	v1 =	vadd.f32 v2, v1;
	v2 =	vmul.f32 v3, v12;
	v3 =	vld.idx.msk [tilespmem:v9+s13+$0x0], $0xffff  }
0xcf: {  	v9 =	vld.idx.msk [tilespmem:v15+s11+$0x0], $0xffff  }
0xd0: {  	v7 =	vmul.f32 v56, v55;
	v12 =	vld [tilespmem:$0x1FCE0]  }
0xd1: {  	v15 =	vld [tilespmem:$0x1FC80]  }
0xd2: {  	v0 =	vadd.f32 v7, v0;
	v7 =	vld [tilespmem:$0x1FD70]  }
0xd3: {  	v1 =	vadd.f32 v2, v1;
	v2 =	vmul.f32 v5, v8;
	v5 =	vld.idx.msk [tilespmem:v14+s13+$0x0], $0xffff  }
0xd4: {  	v17 =	vadd.s32 $0x2710, v48;
	v8 =	vld [tilespmem:$0x1FD80]  }
0xd5: {  	v14 =	vld [tilespmem:$0x1FCA0];
	v6 =	vmul.f32 v52, v6  }
0xd6: {  	v13 =	vadd.s32 $0x2710, v13;
	v1 =	vadd.f32 v2, v1;
	v2 =	vmul.f32 v4, v11;
	v11 =	vld [tilespmem:$0x1FD60]  }
0xd7: {  	v0 =	vadd.f32 v6, v0;
	v6 =	vld [tilespmem:$0x1FD50]  }
0xd8: {  	v1 =	vadd.f32 v2, v1;
	v2 =	vmul.f32 v3, v10;
	v10 =	vld [tilespmem:$0x1FD40]  }
0xd9: {  	v7 =	vmul.f32 v8, v7;
	v8 =	vld.idx.msk [tilespmem:v17+s11+$0x0], $0xffff  }
0xda: {  	v16 =	vadd.s32 $0x2710, v16;
	v17 =	vld [tilespmem:$0x1FC40]  }
0xdb: {  	v4 =	vld.idx.msk [tilespmem:v13+s13+$0x0], $0xffff  }
0xdc: {  	v12 =	vadd.s32 $0x2710, v12;
	v13 =	vld [tilespmem:$0x1FC60]  }
0xdd: {  	v1 =	vadd.f32 v2, v1;
	v2 =	vmul.f32 v5, v9;
	v9 =	vld [tilespmem:$0x1FD20]  }
0xde: {  	v14 =	vadd.s32 $0x2710, v14;
	v0 =	vadd.f32 v7, v0;
	v7 =	vld [tilespmem:$0x1FD30]  }
0xdf: {  	v6 =	vmul.f32 v11, v6;
	v11 =	vld.idx.msk [tilespmem:v16+s11+$0x0], $0xffff  }
0xe0: {  	v16 =	vld [tilespmem:$0x1FC00]  }
0xe1: {  	v3 =	vld.idx.msk [tilespmem:v12+s13+$0x0], $0xffff  }
0xe2: {  	v15 =	vadd.s32 $0x2710, v15;
	v12 =	vld [tilespmem:$0x1FC20]  }
0xe3: {  	v5 =	vld.idx.msk [tilespmem:v14+s13+$0x0], $0xffff  }
0xe4: {  	v0 =	vadd.f32 v6, v0;
	v6 =	vld [tilespmem:$0x1FD00]  }
0xe5: {  	v14 =	vld [tilespmem:$0x1FBE0]  }
0xe6: {  	v1 =	vadd.f32 v2, v1;
	v17 =	vadd.s32 $0x2710, v17;
	v2 =	vmul.f32 v4, v8;
	v8 =	vld [tilespmem:$0x1FCF0]  }
0xe7: {  	v7 =	vmul.f32 v10, v7;
	v10 =	vld.idx.msk [tilespmem:v15+s11+$0x0], $0xffff  }
0xe8: {  	v13 =	vadd.s32 $0x2710, v13;
	v15 =	vld [tilespmem:$0x1FBC0]  }
0xe9: {  	v1 =	vadd.f32 v2, v1;
	v2 =	vmul.f32 v3, v11;
	v11 =	vld [tilespmem:$0x1FCB0]  }
0xea: {  	v0 =	vadd.f32 v7, v0;
	v7 =	vld [tilespmem:$0x1FCD0]  }
0xeb: {  	v6 =	vmul.f32 v9, v6;
	v9 =	vld.idx.msk [tilespmem:v17+s11+$0x0], $0xffff  }
0xec: {  	v12 =	vadd.s32 $0x2710, v12;
	v17 =	vld [tilespmem:$0x1FB80]  }
0xed: {  	v4 =	vld.idx.msk [tilespmem:v13+s13+$0x0], $0xffff  }
0xee: {  	v16 =	vadd.s32 $0x2710, v16;
	v13 =	vld [tilespmem:$0x1FBA0]  }
0xef: {  	v0 =	vadd.f32 v6, v0;
	v6 =	vld [tilespmem:$0x1FC90]  }
0xf0: {  	v1 =	vadd.f32 v2, v1;
	v2 =	vmul.f32 v5, v10;
	v10 =	vld [tilespmem:$0x1FC70]  }
0xf1: {  	v14 =	vadd.s32 $0x2710, v14;
	v3 =	vld.idx.msk [tilespmem:v12+s13+$0x0], $0xffff  }
0xf2: {  	v12 =	vld [tilespmem:$0x1FB60]  }
0xf3: {  	v15 =	vadd.s32 $0x2710, v15;
	v7 =	vmul.f32 v8, v7;
	v8 =	vld.idx.msk [tilespmem:v16+s11+$0x0], $0xffff  }
0xf4: {  	v16 =	vld [tilespmem:$0x1FB40]  }
0xf5: {  	v0 =	vadd.f32 v7, v0;
	v7 =	vld [tilespmem:$0x1FC50]  }
0xf6: {  	v13 =	vadd.s32 $0x2710, v13;
	v5 =	vld.idx.msk [tilespmem:v14+s13+$0x0], $0xffff  }
0xf7: {  	v1 =	vadd.f32 v2, v1;
	v2 =	vmul.f32 v4, v9;
	v9 =	vld [tilespmem:$0x1FC30];
	v6 =	vmul.f32 v11, v6  }
0xf8: {  	v17 =	vadd.s32 $0x2710, v17;
	v11 =	vld.idx.msk [tilespmem:v15+s11+$0x0], $0xffff  }
0xf9: {  	v1 =	vadd.f32 v2, v1;
	v0 =	vadd.f32 v6, v0;
	v6 =	vld [tilespmem:$0x1FC10]  }
0xfa: {  	v12 =	vadd.s32 $0x2710, v12;
	v2 =	vmul.f32 v3, v8;
	v8 =	vld [tilespmem:$0x1FBF0];
	v7 =	vmul.f32 v10, v7  }
0xfb: {  	v4 =	vld.idx.msk [tilespmem:v13+s13+$0x0], $0xffff  }
0xfc: {  	v0 =	vadd.f32 v7, v0;
	v7 =	vld [tilespmem:$0x1FBD0]  }
0xfd: {  	v10 =	vld.idx.msk [tilespmem:v17+s11+$0x0], $0xffff  }
0xfe: {  	v1 =	vadd.f32 v2, v1;
	v2 =	vmul.f32 v5, v11;
	v5 =	vld [tilespmem:$0x1FB90]  }
0xff: {  	s24 =	sshra.s32 s23, $0x2;
	v3 =	vld.idx.msk [tilespmem:v12+s13+$0x0], $0xffff;
	v6 =	vmul.f32 v9, v6  }
0x100: {  	v12 =	vld [tilespmem:s24+$0x20C0]  }
0x101: {  	v0 =	vadd.f32 v6, v0;
	v6 =	vld [tilespmem:$0x1FBB0];
	v7 =	vmul.f32 v8, v7  }
0x102: {  	v1 =	vadd.f32 v2, v1;
	v2 =	vmul.f32 v4, v10;
	v4 =	vld [tilespmem:$0x1FB50]  }
0x103: {  	v0 =	vadd.f32 v7, v0;
	v7 =	vld [tilespmem:$0x1FB70]  }
0x104: {  	v16 =	vadd.s32 $0x2710, v16;
	_ =	sdelay $0x1  }
0x105: {  	v5 =	vmul.f32 v6, v5  }
0x106: {  	v8 =	vld [tilespmem:s24+$0x950]  }
0x107: {  	v0 =	vadd.f32 v5, v0;
	v4 =	vmul.f32 v7, v4  }
0x108: {  	v9 =	vld.idx.msk [tilespmem:v16+s11+$0x0], $0xffff  }
0x109: {  	v16 =	vadd.f32 v4, v0;
	v0 =	vld.idx.msk [tilespmem:v12+s11+$0x0], $0xffff;
	_ =	sdelay $0x1  }
0x10a: {  	v11 =	vld [tilespmem:s24+$0x20B0];
	_ =	sdelay $0x2  }
0x10b: {  	[tilespmem:$0x1FB50] =	vst v0;
	v0 =	vld.idx.msk [tilespmem:v8+s13+$0x0], $0xffff;
	_ =	sdelay $0x1  }
0x10c: {  	v6 =	vld [tilespmem:s24+$0x940];
	_ =	sdelay $0x2  }
0x10d: {  	[tilespmem:$0x1FB70] =	vst v0;
	v0 =	vld.idx.msk [tilespmem:v11+s11+$0x0], $0xffff;
	_ =	sdelay $0x1  }
0x10e: {  	v17 =	vld [tilespmem:s24+$0x20A0];
	_ =	sdelay $0x2  }
0x10f: {  	[tilespmem:$0x1FB90] =	vst v0;
	v0 =	vld.idx.msk [tilespmem:v6+s13+$0x0], $0xffff;
	_ =	sdelay $0x1  }
0x110: {  	v7 =	vld [tilespmem:s24+$0x930];
	_ =	sdelay $0x2  }
0x111: {  	[tilespmem:$0x1FBB0] =	vst v0;
	v0 =	vld.idx.msk [tilespmem:v17+s11+$0x0], $0xffff;
	_ =	sdelay $0x1  }
0x112: {  	v20 =	vld [tilespmem:s24+$0x2090];
	_ =	sdelay $0x2  }
0x113: {  	[tilespmem:$0x1FBD0] =	vst v0;
	v0 =	vld.idx.msk [tilespmem:v7+s13+$0x0], $0xffff;
	_ =	sdelay $0x1  }
0x114: {  	v19 =	vld [tilespmem:s24+$0x920];
	_ =	sdelay $0x2  }
0x115: {  	[tilespmem:$0x1FBF0] =	vst v0;
	v0 =	vld.idx.msk [tilespmem:v20+s11+$0x0], $0xffff;
	_ =	sdelay $0x1  }
0x116: {  	v22 =	vld [tilespmem:s24+$0x2080];
	_ =	sdelay $0x2  }
0x117: {  	[tilespmem:$0x1FC10] =	vst v0;
	v0 =	vld.idx.msk [tilespmem:v19+s13+$0x0], $0xffff;
	_ =	sdelay $0x1  }
0x118: {  	v21 =	vld [tilespmem:s24+$0x910];
	_ =	sdelay $0x2  }
0x119: {  	[tilespmem:$0x1FC30] =	vst v0;
	v0 =	vld.idx.msk [tilespmem:v22+s11+$0x0], $0xffff;
	_ =	sdelay $0x1  }
0x11a: {  	v25 =	vld [tilespmem:s24+$0x2070];
	_ =	sdelay $0x2  }
0x11b: {  	[tilespmem:$0x1FC50] =	vst v0;
	v0 =	vld.idx.msk [tilespmem:v21+s13+$0x0], $0xffff  }
0x11c: {  	v40 =	vld [tilespmem:s24+$0x8C0]  }
0x11d: {  	v24 =	vld [tilespmem:s24+$0x900]  }
0x11e: {  	v61 =	vld [tilespmem:s24+$0x850]  }
0x11f: {  	v29 =	vld [tilespmem:s24+$0x2060]  }
0x120: {  	[tilespmem:$0x1FC70] =	vst v0;
	v0 =	vld.idx.msk [tilespmem:v25+s11+$0x0], $0xffff  }
0x121: {  	v35 =	vld [tilespmem:s24+$0x2050]  }
0x122: {  	v30 =	vld [tilespmem:s24+$0x8E0]  }
0x123: {  	v36 =	vld [tilespmem:s24+$0x1F50]  }
0x124: {  	v58 =	vld [tilespmem:s24+$0x1FD0]  }
0x125: {  	[tilespmem:$0x1FC90] =	vst v0;
	v0 =	vld.idx.msk [tilespmem:v24+s13+$0x0], $0xffff  }
0x126: {  	v62 =	vld [tilespmem:s24+$0x1FC0]  }
0x127: {  	v26 =	vld [tilespmem:s24+$0x8F0]  }
0x128: {  	v39 =	vld [tilespmem:s24+$0x8D0]  }
0x129: {  	v57 =	vld [tilespmem:s24+$0x860]  }
0x12a: {  	[tilespmem:$0x1FCB0] =	vst v0;
	v0 =	vld.idx.msk [tilespmem:v29+s11+$0x0], $0xffff  }
0x12b: {  	v32 =	vld [tilespmem:s24+$0x1F60]  }
0x12c: {  	v31 =	vld [tilespmem:s24+$0x7F0]  }
0x12d: {  	v50 =	vld [tilespmem:s24+$0x1FF0]  }
0x12e: {  	v54 =	vld [tilespmem:s24+$0x1FE0]  }
0x12f: {  	[tilespmem:$0x1FCD0] =	vst v0;
	v0 =	vld.idx.msk [tilespmem:v26+s13+$0x0], $0xffff  }
0x130: {  	v28 =	vld [tilespmem:s24+$0x1F70]  }
0x131: {  	v46 =	vld [tilespmem:s24+$0x2000]  }
0x132: {  	v23 =	vld [tilespmem:s24+$0x1F90]  }
0x133: {  	v27 =	vld [tilespmem:s24+$0x800]  }
0x134: {  	[tilespmem:$0x1FCF0] =	vst v0;
	v0 =	vld.idx.msk [tilespmem:v35+s11+$0x0], $0xffff  }
0x135: {  	v49 =	vld [tilespmem:s24+$0x880]  }
0x136: {  	v33 =	vld [tilespmem:s24+$0x2040]  }
0x137: {  	v53 =	vld [tilespmem:s24+$0x870]  }
0x138: {  	v42 =	vld [tilespmem:s24+$0x2010]  }
0x139: {  	[tilespmem:$0x1FD00] =	vst v0;
	v0 =	vld.idx.msk [tilespmem:v30+s13+$0x0], $0xffff  }
0x13a: {  	v45 =	vld [tilespmem:s24+$0x890]  }
0x13b: {  	v38 =	vld [tilespmem:s24+$0x2020]  }
0x13c: {  	v41 =	vld [tilespmem:s24+$0x8A0]  }
0x13d: {  	v63 =	vld.idx.msk [tilespmem:v54+s11+$0x0], $0xffff  }
0x13e: {  	[tilespmem:$0x1FD20] =	vst v0;
	v0 =	vld.idx.msk [tilespmem:v33+s11+$0x0], $0xffff  }
0x13f: {  	v34 =	vld [tilespmem:s24+$0x2030]  }
0x140: {  	v37 =	vld [tilespmem:s24+$0x8B0]  }
0x141: {  	v18 =	vld [tilespmem:s24+$0x1F40]  }
0x142: {  	v59 =	vld.idx.msk [tilespmem:v50+s11+$0x0], $0xffff  }
0x143: {  	[tilespmem:$0x1FD30] =	vst v0;
	v0 =	vld.idx.msk [tilespmem:v39+s13+$0x0], $0xffff  }
0x144: {  	v60 =	vld.idx.msk [tilespmem:v49+s13+$0x0], $0xffff  }
0x145: {  	v55 =	vld.idx.msk [tilespmem:v46+s11+$0x0], $0xffff  }
0x146: {  	v56 =	vld.idx.msk [tilespmem:v45+s13+$0x0], $0xffff  }
0x147: {  	v52 =	vld.idx.msk [tilespmem:v41+s13+$0x0], $0xffff  }
0x148: {  	[tilespmem:$0x1FD40] =	vst v0;
	v0 =	vld.idx.msk [tilespmem:v34+s11+$0x0], $0xffff  }
0x149: {  	v14 =	vld [tilespmem:s24+$0x7E0]  }
0x14a: {  	v15 =	vld [tilespmem:s24+$0x7D0];
	v1 =	vadd.f32 v2, v1;
	v2 =	vmul.f32 v3, v9  }
0x14b: {  	v10 =	vld [tilespmem:s24+$0x1FB0]  }
0x14c: {  	v13 =	vadd.f32 v2, v1;
	v1 =	vld [tilespmem:s24+$0x830]  }
0x14d: {  	[tilespmem:$0x1FD50] =	vst v0;
	v0 =	vld.idx.msk [tilespmem:v40+s13+$0x0], $0xffff  }
0x14e: {  	v9 =	vld [tilespmem:s24+$0x840]  }
0x14f: {  	[tilespmem:$0x1FD10] =	vst v30;
	v3 =	vld [tilespmem:s24+$0x820]  }
0x150: {  	[tilespmem:$0x1FCC0] =	vst v29;
	v2 =	vld [tilespmem:s24+$0x1FA0]  }
0x151: {  	[tilespmem:$0x1FC80] =	vst v25;
	v5 =	vld [tilespmem:s24+$0x1F80]  }
0x152: {  	[tilespmem:$0x1FD60] =	vst v0;
	v0 =	vld.idx.msk [tilespmem:v38+s11+$0x0], $0xffff  }
0x153: {  	[tilespmem:$0x1FCE0] =	vst v26;
	v4 =	vld [tilespmem:s24+$0x810]  }
0x154: {  	[tilespmem:$0x1FB40] =	vst v12;
	v12 =	vld.idx.msk [tilespmem:v58+s11+$0x0], $0xffff  }
0x155: {  	[tilespmem:$0x1FB60] =	vst v8;
	v8 =	vld.idx.msk [tilespmem:v1+s13+$0x0], $0xffff  }
0x156: {  	[tilespmem:$0x1FB80] =	vst v11;
	v11 =	vld.idx.msk [tilespmem:v23+s11+$0x0], $0xffff  }
0x157: {  	[tilespmem:$0x1FD70] =	vst v0;
	v0 =	vld.idx.msk [tilespmem:v37+s13+$0x0], $0xffff  }
0x158: {  	[tilespmem:$0x1FBA0] =	vst v6;
	v6 =	vld.idx.msk [tilespmem:v9+s13+$0x0], $0xffff  }
0x159: {  	[tilespmem:$0x1FBC0] =	vst v17;
	v17 =	vld.idx.msk [tilespmem:v57+s13+$0x0], $0xffff  }
0x15a: {  	[tilespmem:$0x1FBE0] =	vst v7;
	v7 =	vld.idx.msk [tilespmem:v2+s11+$0x0], $0xffff  }
0x15b: {  	[tilespmem:$0x1FC20] =	vst v19;
	v19 =	vld.idx.msk [tilespmem:v62+s11+$0x0], $0xffff  }
0x15c: {  	p0 =	seq.s32 s23, $0x1900;
	[tilespmem:$0x1FD80] =	vst v0;
	v0 =	vld.idx.msk [tilespmem:v42+s11+$0x0], $0xffff  }
.Ltmp6:
0x15d: {  	[tilespmem:$0x1FC60] =	vst v21;
	v21 =	vld.idx.msk [tilespmem:v61+s13+$0x0], $0xffff;
	(pc) =	sbr.rel @!p0 .LBB2_8-.Ltmp6, $4  }
0x15e: {  	[tilespmem:$0x1FCA0] =	vst v24;
	v24 =	vld.idx.msk [tilespmem:v10+s11+$0x0], $0xffff  }
0x15f: {  	v48 =	vmov v35;
	[tilespmem:$0x1FC40] =	vst v22;
	v35 =	vld.idx.msk [tilespmem:v3+s13+$0x0], $0xffff  }
0x160: {  	v47 =	vmov v33;
	[tilespmem:$0x1FC00] =	vst v20;
	v33 =	vmov v39;
	v39 =	vld.idx.msk [tilespmem:v5+s11+$0x0], $0xffff  }
0x161: {  	s23 =	sadd.s32 $0x640, s23;
	v51 =	vmov v34;
	v34 =	vmov v40;
	[tilespmem:$0x1FD90] =	vst v0;
	v0 =	vld.idx.msk [tilespmem:v53+s13+$0x0], $0xffff  }
0x162: {  	_ =	sdelay $0x3  }
0x163: {  	v20 =	vadd.s32 $0x2710, v18;
	v18 =	vld.idx.msk [tilespmem:v18+s11+$0x0], $0xffff  }
0x164: {  	v25 =	vld.idx.msk [tilespmem:v36+s11+$0x0], $0xffff  }
0x165: {  	v22 =	vadd.s32 $0x2710, v15;
	v15 =	vld.idx.msk [tilespmem:v15+s13+$0x0], $0xffff  }
0x166: {  	v29 =	vld.idx.msk [tilespmem:v14+s13+$0x0], $0xffff  }
0x167: {  	v30 =	vld.idx.msk [tilespmem:v32+s11+$0x0], $0xffff  }
0x168: {  	v26 =	vadd.s32 $0x2710, v36;
	v36 =	vld.idx.msk [tilespmem:v31+s13+$0x0], $0xffff  }
0x169: {  	v40 =	vld.idx.msk [tilespmem:v28+s11+$0x0], $0xffff  }
0x16a: {  	v43 =	vld.idx.msk [tilespmem:v27+s13+$0x0], $0xffff  }
0x16b: {  	v44 =	vld.idx.msk [tilespmem:v4+s13+$0x0], $0xffff  }
0x16c: {  	v60 =	vmul.f32 v60, v59;
	v59 =	vld [tilespmem:$0x1FBF0]  }
0x16d: {  	v14 =	vadd.s32 $0x2710, v14;
	v6 =	vmul.f32 v6, v24;
	v24 =	vld [tilespmem:$0x1FCE0]  }
0x16e: {  	v32 =	vadd.s32 $0x2710, v32;
	v0 =	vmul.f32 v0, v63;
	v63 =	vadd.s32 $0x2710, v33;
	v33 =	vld [tilespmem:$0x1FC60]  }
0x16f: {  	v31 =	vadd.s32 $0x2710, v31;
	v20 =	vld.idx.msk [tilespmem:v20+s11+$0x0], $0xffff  }
0x170: {  	v5 =	vadd.s32 $0x2710, v5;
	v22 =	vld.idx.msk [tilespmem:v22+s13+$0x0], $0xffff  }
0x171: {  	v4 =	vadd.s32 $0x2710, v4;
	v26 =	vld.idx.msk [tilespmem:v26+s11+$0x0], $0xffff  }
0x172: {  	v3 =	vadd.s32 $0x2710, v3;
	v14 =	vld.idx.msk [tilespmem:v14+s13+$0x0], $0xffff  }
0x173: {  	v2 =	vadd.s32 $0x2710, v2;
	v32 =	vld.idx.msk [tilespmem:v32+s11+$0x0], $0xffff  }
0x174: {  	v1 =	vadd.s32 $0x2710, v1;
	v31 =	vld.idx.msk [tilespmem:v31+s13+$0x0], $0xffff  }
0x175: {  	v9 =	vadd.s32 $0x2710, v9;
	v5 =	vld.idx.msk [tilespmem:v5+s11+$0x0], $0xffff  }
0x176: {  	v4 =	vld.idx.msk [tilespmem:v4+s13+$0x0], $0xffff  }
0x177: {  	v3 =	vld.idx.msk [tilespmem:v3+s13+$0x0], $0xffff  }
0x178: {  	v28 =	vadd.s32 $0x2710, v28;
	v10 =	vadd.s32 $0x2710, v10;
	v2 =	vld.idx.msk [tilespmem:v2+s11+$0x0], $0xffff  }
0x179: {  	v27 =	vadd.s32 $0x2710, v27;
	v23 =	vadd.s32 $0x2710, v23;
	v15 =	vmul.f32 v15, v18;
	v1 =	vld.idx.msk [tilespmem:v1+s13+$0x0], $0xffff  }
0x17a: {  	v25 =	vmul.f32 v29, v25;
	v29 =	vmul.f32 v36, v30;
	v36 =	vadd.s32 $0x2710, v62;
	v9 =	vld.idx.msk [tilespmem:v9+s13+$0x0], $0xffff  }
0x17b: {  	v62 =	vadd.s32 $0x2710, v58;
	v58 =	vadd.s32 $0x2710, v34;
	v34 =	vld [tilespmem:$0x1FD30];
	v15 =	vadd.f32 v15, v16  }
0x17c: {  	v18 =	vmul.f32 v56, v55;
	v56 =	vld [tilespmem:$0x1FC10]  }
0x17d: {  	v15 =	vadd.f32 v25, v15;
	v25 =	vld.idx.msk [tilespmem:v10+s11+$0x0], $0xffff  }
0x17e: {  	v20 =	vmul.f32 v22, v20;
	v22 =	vld.idx.msk [tilespmem:v28+s11+$0x0], $0xffff  }
0x17f: {  	v28 =	vld.idx.msk [tilespmem:v27+s13+$0x0], $0xffff  }
0x180: {  	v30 =	vmul.f32 v31, v32;
	v31 =	vld.idx.msk [tilespmem:v23+s11+$0x0], $0xffff  }
0x181: {  	v32 =	vmul.f32 v43, v40;
	v1 =	vmul.f32 v1, v2;
	v2 =	vld.idx.msk [tilespmem:v62+s11+$0x0], $0xffff  }
0x182: {  	v43 =	vadd.s32 $0x2710, v61;
	v61 =	vmul.f32 v44, v39;
	v44 =	vmul.f32 v21, v19;
	v21 =	vld [tilespmem:$0x1FD90]  }
0x183: {  	v19 =	vadd.s32 $0x2710, v48;
	v48 =	vld [tilespmem:$0x1FC90]  }
0x184: {  	v14 =	vmul.f32 v14, v26;
	v26 =	vadd.s32 $0x2710, v57;
	v15 =	vadd.f32 v29, v15;
	v29 =	vld.idx.msk [tilespmem:v36+s11+$0x0], $0xffff  }
0x185: {  	v36 =	vadd.s32 $0x2710, v49;
	v49 =	vadd.s32 $0x2710, v41;
	v41 =	vld [tilespmem:$0x1FBC0]  }
0x186: {  	v13 =	vadd.f32 v20, v13;
	v20 =	vld [tilespmem:$0x1FD10]  }
0x187: {  	v15 =	vadd.f32 v32, v15;
	v32 =	vadd.s32 $0x2710, v50;
	v50 =	vadd.s32 $0x2710, v38;
	v38 =	vld [tilespmem:$0x1FC20]  }
0x188: {  	v11 =	vmul.f32 v35, v11;
	v35 =	vld.idx.msk [tilespmem:v43+s13+$0x0], $0xffff  }
0x189: {  	v10 =	vld.idx.msk [tilespmem:v26+s13+$0x0], $0xffff  }
0x18a: {  	v40 =	vmul.f32 v28, v22;
	v22 =	vld [tilespmem:$0x1FCC0]  }
0x18b: {  	v27 =	vadd.f32 v61, v15;
	v26 =	vld [tilespmem:$0x1FD80]  }
0x18c: {  	v61 =	vadd.s32 $0x2710, v47;
	v47 =	vld [tilespmem:$0x1FBA0]  }
0x18d: {  	v3 =	vmul.f32 v3, v31;
	v31 =	vadd.f32 v11, v27;
	v27 =	vld [tilespmem:$0x1FC80]  }
0x18e: {  	v28 =	vadd.s32 $0x2710, v54;
	v11 =	vld.idx.msk [tilespmem:v32+s11+$0x0], $0xffff  }
0x18f: {  	v13 =	vadd.f32 v14, v13;
	v43 =	vadd.s32 $0x2710, v45;
	v45 =	vadd.s32 $0x2710, v42;
	v62 =	vld.idx.msk [tilespmem:v50+s11+$0x0], $0xffff  }
0x190: {  	v7 =	vmul.f32 v8, v7;
	v32 =	vld [tilespmem:$0x1FC40]  }
0x191: {  	v13 =	vadd.f32 v30, v13;
	v50 =	vld [tilespmem:$0x1FB40]  }
0x192: {  	v7 =	vadd.f32 v7, v31;
	v31 =	vld [tilespmem:$0x1FD60]  }
0x193: {  	v4 =	vmul.f32 v4, v5;
	v13 =	vadd.f32 v40, v13;
	v40 =	vld.idx.msk [tilespmem:v28+s11+$0x0], $0xffff  }
0x194: {  	v57 =	vld.idx.msk [tilespmem:v45+s11+$0x0], $0xffff  }
0x195: {  	v4 =	vadd.f32 v4, v13;
	v13 =	vld.idx.msk [tilespmem:v49+s13+$0x0], $0xffff  }
0x196: {  	v23 =	vld.idx.msk [tilespmem:v61+s11+$0x0], $0xffff  }
0x197: {  	v30 =	vadd.s32 $0x2710, v53;
	v28 =	vld.idx.msk [tilespmem:v19+s11+$0x0], $0xffff  }
0x198: {  	v53 =	vadd.s32 $0x2710, v37;
	v45 =	vld [tilespmem:$0x1FCF0]  }
0x199: {  	v49 =	vld [tilespmem:$0x1FCB0]  }
0x19a: {  	v2 =	vmul.f32 v10, v2;
	v10 =	vmul.f32 v52, v21;
	v52 =	vld [tilespmem:$0x1FB60]  }
0x19b: {  	v61 =	vld [tilespmem:$0x1FBB0]  }
0x19c: {  	v39 =	vadd.s32 $0x2710, v46;
	v46 =	vld.idx.msk [tilespmem:v30+s13+$0x0], $0xffff  }
0x19d: {  	v8 =	vld.idx.msk [tilespmem:v53+s13+$0x0], $0xffff  }
0x19e: {  	v6 =	vadd.f32 v6, v7;
	v7 =	vld.idx.msk [tilespmem:v58+s13+$0x0], $0xffff  }
0x19f: {  	v30 =	vld [tilespmem:$0x1FD50]  }
0x1a0: {  	v53 =	vld [tilespmem:$0x1FC50]  }
0x1a1: {  	v58 =	vld [tilespmem:$0x1FBD0]  }
0x1a2: {  	v3 =	vadd.f32 v3, v4;
	v4 =	vld.idx.msk [tilespmem:v36+s13+$0x0], $0xffff  }
0x1a3: {  	v36 =	vld [tilespmem:$0x1FC00]  }
0x1a4: {  	v6 =	vadd.f32 v44, v6;
	v44 =	vld [tilespmem:$0x1FCD0]  }
0x1a5: {  	v1 =	vadd.f32 v1, v3;
	v3 =	vmul.f32 v9, v25;
	v9 =	vld.idx.msk [tilespmem:v43+s13+$0x0], $0xffff  }
0x1a6: {  	v12 =	vmul.f32 v17, v12;
	v25 =	vld [tilespmem:$0x1FD70]  }
0x1a7: {  	v43 =	vld [tilespmem:$0x1FBE0]  }
0x1a8: {  	v6 =	vadd.f32 v12, v6;
	v1 =	vadd.f32 v3, v1;
	v3 =	vmul.f32 v35, v29;
	v29 =	vld [tilespmem:$0x1FCA0]  }
0x1a9: {  	v35 =	vld [tilespmem:$0x1FD40]  }
0x1aa: {  	v0 =	vadd.f32 v0, v6;
	v1 =	vadd.f32 v3, v1;
	v3 =	vld.idx.msk [tilespmem:v39+s11+$0x0], $0xffff  }
0x1ab: {  	v54 =	vadd.s32 $0x2710, v51;
	v6 =	vadd.s32 $0x2710, v24;
	v39 =	vld [tilespmem:$0x1FD00]  }
0x1ac: {  	v0 =	vadd.f32 v60, v0;
	v60 =	vld [tilespmem:$0x1FB90];
	v1 =	vadd.f32 v2, v1;
	v2 =	vmul.f32 v46, v40  }
0x1ad: {  	v40 =	vld [tilespmem:$0x1FD20]  }
0x1ae: {  	v46 =	vld [tilespmem:$0x1FB80];
	v1 =	vadd.f32 v2, v1;
	v2 =	vmul.f32 v4, v11  }
0x1af: {  	v0 =	vadd.f32 v18, v0;
	v11 =	vld.idx.msk [tilespmem:v63+s13+$0x0], $0xffff  }
0x1b0: {  	v6 =	vld.idx.msk [tilespmem:v6+s13+$0x0], $0xffff;
	v1 =	vadd.f32 v2, v1;
	v2 =	vmul.f32 v9, v3;
	v9 =	vadd.s32 $0x2710, v20  }
0x1b1: {  	v0 =	vadd.f32 v10, v0;
	v10 =	vadd.s32 $0x2710, v27;
	v3 =	vld.idx.msk [tilespmem:v54+s11+$0x0], $0xffff  }
0x1b2: {  	v14 =	vadd.s32 $0x2710, v22;
	v63 =	vld [tilespmem:$0x1FB70];
	v1 =	vadd.f32 v2, v1;
	v2 =	vmul.f32 v13, v57  }
0x1b3: {  	v54 =	vld [tilespmem:$0x1FC70];
	v13 =	vmul.f32 v26, v25  }
0x1b4: {  	v57 =	vld [tilespmem:$0x1FC30];
	v1 =	vadd.f32 v2, v1;
	v2 =	vmul.f32 v8, v62;
	v8 =	vadd.s32 $0x2710, v29  }
0x1b5: {  	v12 =	vmul.f32 v31, v30;
	v0 =	vadd.f32 v13, v0;
	v13 =	vadd.s32 $0x2710, v32;
	v9 =	vld.idx.msk [tilespmem:v9+s13+$0x0], $0xffff  }
0x1b6: {  	v37 =	vld.idx.msk [tilespmem:v10+s11+$0x0], $0xffff;
	v1 =	vadd.f32 v2, v1;
	v2 =	vmul.f32 v7, v3;
	v7 =	vadd.s32 $0x2710, v33  }
0x1b7: {  	v10 =	vadd.s32 $0x2710, v38;
	v3 =	vld.idx.msk [tilespmem:v14+s11+$0x0], $0xffff;
	v14 =	vmul.f32 v35, v34;
	v0 =	vadd.f32 v12, v0  }
0x1b8: {  	v62 =	vld [tilespmem:$0x1FB50];
	v12 =	vadd.s32 $0x2710, v36;
	v1 =	vadd.f32 v2, v1;
	v2 =	vmul.f32 v11, v23  }
0x1b9: {  	v11 =	vmul.f32 v40, v39;
	v0 =	vadd.f32 v14, v0;
	v14 =	vadd.s32 $0x2710, v41;
	v8 =	vld.idx.msk [tilespmem:v8+s13+$0x0], $0xffff  }
0x1ba: {  	v42 =	vld.idx.msk [tilespmem:v13+s11+$0x0], $0xffff;
	v1 =	vadd.f32 v2, v1;
	v2 =	vmul.f32 v9, v28;
	v9 =	vadd.s32 $0x2710, v43  }
0x1bb: {  	v13 =	vmul.f32 v45, v44;
	v0 =	vadd.f32 v11, v0;
	v11 =	vadd.s32 $0x2710, v46;
	v7 =	vld.idx.msk [tilespmem:v7+s13+$0x0], $0xffff  }
0x1bc: {  	v10 =	vld.idx.msk [tilespmem:v10+s13+$0x0], $0xffff;
	v1 =	vadd.f32 v2, v1;
	v2 =	vmul.f32 v6, v3;
	v6 =	vadd.s32 $0x2710, v47  }
0x1bd: {  	v3 =	vld.idx.msk [tilespmem:v12+s11+$0x0], $0xffff;
	v12 =	vmul.f32 v49, v48;
	v0 =	vadd.f32 v13, v0;
	v13 =	vadd.s32 $0x2710, v50  }
0x1be: {  	v51 =	vld.idx.msk [tilespmem:v14+s11+$0x0], $0xffff;
	v1 =	vadd.f32 v2, v1;
	v2 =	vmul.f32 v8, v37;
	v8 =	vadd.s32 $0x2710, v52  }
0x1bf: {  	v14 =	vmul.f32 v54, v53;
	v9 =	vld.idx.msk [tilespmem:v9+s13+$0x0], $0xffff  }
0x1c0: {  	v0 =	vadd.f32 v12, v0;
	v55 =	vld.idx.msk [tilespmem:v11+s11+$0x0], $0xffff;
	v1 =	vadd.f32 v2, v1;
	v2 =	vmul.f32 v7, v42  }
0x1c1: {  	v7 =	vmul.f32 v57, v56;
	v6 =	vld.idx.msk [tilespmem:v6+s13+$0x0], $0xffff  }
0x1c2: {  	v0 =	vadd.f32 v14, v0;
	v1 =	vadd.f32 v2, v1;
	v2 =	vmul.f32 v10, v3;
	v3 =	vld.idx.msk [tilespmem:v13+s11+$0x0], $0xffff  }
0x1c3: {  	v10 =	vmul.f32 v59, v58;
	v8 =	vld.idx.msk [tilespmem:v8+s13+$0x0], $0xffff  }
0x1c4: {  	v0 =	vadd.f32 v7, v0;
	v1 =	vadd.f32 v2, v1;
	v2 =	vmul.f32 v9, v51  }
0x1c5: {  	v5 =	vmul.f32 v61, v60  }
.Ltmp7:
0x1c6: {  	v0 =	vadd.f32 v10, v0;
	v1 =	vadd.f32 v2, v1;
	v2 =	vmul.f32 v6, v55;
	(pc) =	sbr.rel .LBB2_13-.Ltmp7, $3  }
0x1c7: {  	v4 =	vmul.f32 v63, v62  }
0x1c8: {  	v0 =	vadd.f32 v5, v0;
	v1 =	vadd.f32 v2, v1;
	v2 =	vmul.f32 v8, v3;
	_ =	sdelay $0x1  }
0x1c9: {  	v0 =	vadd.f32 v4, v0;
	v1 =	vadd.f32 v2, v1  }
.LBB2_10:
0x1ca: {  	_ =	swait.ge [sflag:s17], $0x7D0  }
0x1cb: {  	s23 =	smul.u32 @!p0 $0x7D0, s22;
	[sflag:s17] =	ssyncset.done $0x0  }
0x1cc: {  	[sflag:s17] =	ssyncadd.s32 $0xFFFFF830  }
0x1cd: {  	s23 =	sshrl.u32 @!p0 s23, $0x3;
	_ =	swait.ge [sflag:s17], $0x7D0  }
0x1ce: {  	s25 =	simm.s32 @!p0 $0x0;
	s23 =	sadd.s32 @!p0 $0x1F4, s23;
	[sflag:s17] =	ssyncset.done $0x0  }
0x1cf: {  	s26 =	simm.s32 @!p0 $0x7D0;
	s24 =	sadd.s32 @!p0 s3, s23;
	[sflag:s17] =	ssyncadd.s32 $0xFFFFF830  }
0x1d0: {  	[tilespmem:s26], [sflag:$0x2] =	stream.linear.gather @!p0 [hbm4b:s24+s25], $0x7D0, $0x38;
	[tilespmem:$0xCB40] =	vst v63  }
0x1d1: {  	s31 =	simm.s32 $0x0;
	s23 =	sadd.s32 @!p0 s4, s23;
	s24 =	simm.s32 @!p0 $0x1F40  }
0x1d2: {  	[tilespmem:s24], [sflag:$0x2] =	stream.linear.gather @!p0 [hbm4b:s23+s25], $0x7D0, $0x38;
	[tilespmem:$0xCB40] =	vst v63  }
0x1d3: {  	v0 =	vld [tilespmem:s31+$0x1120];
	_ =	sdelay $0x4  }
0x1d4: {  	v8 =	vld [tilespmem:s31+$0x2880];
	_ =	sdelay $0x2  }
0x1d5: {  	[tilespmem:$0x1F900] =	vst v0;
	v0 =	vld.idx.msk [tilespmem:v0+s13+$0x0], $0xffff;
	_ =	sdelay $0x1  }
0x1d6: {  	v7 =	vld [tilespmem:s31+$0x1110];
	_ =	sdelay $0x2  }
0x1d7: {  	[tilespmem:$0x1F910] =	vst v0;
	v0 =	vld.idx.msk [tilespmem:v8+s11+$0x0], $0xffff;
	_ =	sdelay $0x1  }
0x1d8: {  	v12 =	vld [tilespmem:s31+$0x2870];
	_ =	sdelay $0x2  }
0x1d9: {  	[tilespmem:$0x1F930] =	vst v0;
	v0 =	vld.idx.msk [tilespmem:v7+s13+$0x0], $0xffff;
	_ =	sdelay $0x1  }
0x1da: {  	v11 =	vld [tilespmem:s31+$0x1100];
	_ =	sdelay $0x2  }
0x1db: {  	[tilespmem:$0x1F950] =	vst v0;
	v0 =	vld.idx.msk [tilespmem:v12+s11+$0x0], $0xffff;
	_ =	sdelay $0x1  }
0x1dc: {  	v16 =	vld [tilespmem:s31+$0x2860];
	_ =	sdelay $0x2  }
0x1dd: {  	[tilespmem:$0x1F970] =	vst v0;
	v0 =	vld.idx.msk [tilespmem:v11+s13+$0x0], $0xffff;
	_ =	sdelay $0x1  }
0x1de: {  	v13 =	vld [tilespmem:s31+$0x10F0];
	_ =	sdelay $0x2  }
0x1df: {  	[tilespmem:$0x1F990] =	vst v0;
	v0 =	vld.idx.msk [tilespmem:v16+s11+$0x0], $0xffff;
	_ =	sdelay $0x1  }
0x1e0: {  	v19 =	vld [tilespmem:s31+$0x2850];
	_ =	sdelay $0x2  }
0x1e1: {  	[tilespmem:$0x1F9B0] =	vst v0;
	v0 =	vld.idx.msk [tilespmem:v13+s13+$0x0], $0xffff;
	_ =	sdelay $0x1  }
0x1e2: {  	v17 =	vld [tilespmem:s31+$0x10E0];
	_ =	sdelay $0x2  }
0x1e3: {  	[tilespmem:$0x1F9D0] =	vst v0;
	v0 =	vld.idx.msk [tilespmem:v19+s11+$0x0], $0xffff;
	_ =	sdelay $0x1  }
0x1e4: {  	v21 =	vld [tilespmem:s31+$0x2840]  }
0x1e5: {  	v6 =	vld [tilespmem:s31+$0x2890]  }
0x1e6: {  	v20 =	vld [tilespmem:s31+$0x10D0]  }
0x1e7: {  	[tilespmem:$0x1F9F0] =	vst v0;
	v0 =	vld.idx.msk [tilespmem:v17+s13+$0x0], $0xffff  }
0x1e8: {  	v24 =	vld [tilespmem:s31+$0x2830]  }
0x1e9: {  	v22 =	vld [tilespmem:s31+$0x10C0]  }
0x1ea: {  	v26 =	vld [tilespmem:s31+$0x2820]  }
0x1eb: {  	v25 =	vld [tilespmem:s31+$0x10B0]  }
0x1ec: {  	[tilespmem:$0x1FA10] =	vst v0;
	v0 =	vld.idx.msk [tilespmem:v21+s11+$0x0], $0xffff  }
0x1ed: {  	v30 =	vld [tilespmem:s31+$0x2810]  }
0x1ee: {  	v29 =	vld [tilespmem:s31+$0x10A0]  }
0x1ef: {  	v34 =	vld [tilespmem:s31+$0x2800]  }
0x1f0: {  	v35 =	vld [tilespmem:s31+$0x1090]  }
0x1f1: {  	[tilespmem:$0x1FA30] =	vst v0;
	v0 =	vld.idx.msk [tilespmem:v20+s13+$0x0], $0xffff  }
0x1f2: {  	v38 =	vld [tilespmem:s31+$0x27F0]  }
0x1f3: {  	v37 =	vld [tilespmem:s31+$0x1080]  }
0x1f4: {  	v42 =	vld [tilespmem:s31+$0x27E0]  }
0x1f5: {  	v41 =	vld [tilespmem:s31+$0x1070]  }
0x1f6: {  	[tilespmem:$0x1FA50] =	vst v0;
	v0 =	vld.idx.msk [tilespmem:v24+s11+$0x0], $0xffff  }
0x1f7: {  	v46 =	vld [tilespmem:s31+$0x27D0]  }
0x1f8: {  	v45 =	vld [tilespmem:s31+$0x1060]  }
0x1f9: {  	v50 =	vld [tilespmem:s31+$0x27C0]  }
0x1fa: {  	v49 =	vld [tilespmem:s31+$0x1050]  }
0x1fb: {  	[tilespmem:$0x1FA70] =	vst v0;
	v0 =	vld.idx.msk [tilespmem:v22+s13+$0x0], $0xffff  }
0x1fc: {  	v54 =	vld [tilespmem:s31+$0x27B0]  }
0x1fd: {  	v53 =	vld [tilespmem:s31+$0x1040]  }
0x1fe: {  	v58 =	vld [tilespmem:s31+$0x27A0]  }
0x1ff: {  	v57 =	vld [tilespmem:s31+$0x1030]  }
0x200: {  	[tilespmem:$0x1FA90] =	vst v0;
	v0 =	vld.idx.msk [tilespmem:v26+s11+$0x0], $0xffff  }
0x201: {  	v62 =	vld [tilespmem:s31+$0x2790]  }
0x202: {  	v61 =	vld [tilespmem:s31+$0x1020]  }
0x203: {  	v10 =	vld [tilespmem:s31+$0x2780]  }
0x204: {  	v9 =	vld [tilespmem:s31+$0x1010]  }
0x205: {  	[tilespmem:$0x1FAA0] =	vst v0;
	v0 =	vld.idx.msk [tilespmem:v25+s13+$0x0], $0xffff  }
0x206: {  	v2 =	vld [tilespmem:s31+$0x2770]  }
0x207: {  	v1 =	vld [tilespmem:s31+$0x1000]  }
0x208: {  	v23 =	vld [tilespmem:s31+$0x2760]  }
0x209: {  	v3 =	vld [tilespmem:s31+$0xFF0]  }
0x20a: {  	[tilespmem:$0x1FAC0] =	vst v0;
	v0 =	vld.idx.msk [tilespmem:v30+s11+$0x0], $0xffff  }
0x20b: {  	v5 =	vld [tilespmem:s31+$0x2750]  }
0x20c: {  	v4 =	vld [tilespmem:s31+$0xFE0]  }
0x20d: {  	v28 =	vld [tilespmem:s31+$0x2740]  }
0x20e: {  	v27 =	vld [tilespmem:s31+$0xFD0]  }
0x20f: {  	[tilespmem:$0x1FAD0] =	vst v0;
	v0 =	vld.idx.msk [tilespmem:v29+s13+$0x0], $0xffff  }
0x210: {  	v32 =	vld [tilespmem:s31+$0x2730]  }
0x211: {  	v31 =	vld [tilespmem:s31+$0xFC0]  }
0x212: {  	v36 =	vld [tilespmem:s31+$0x2720]  }
0x213: {  	v14 =	vld [tilespmem:s31+$0xFB0]  }
0x214: {  	[tilespmem:$0x1FAE0] =	vst v0;
	v0 =	vld.idx.msk [tilespmem:v34+s11+$0x0], $0xffff  }
0x215: {  	v18 =	vld [tilespmem:s31+$0x2710]  }
0x216: {  	v15 =	vld [tilespmem:s31+$0xFA0]  }
0x217: {  	[tilespmem:$0x1F8E0] =	vst v6;
	v6 =	vld.idx.msk [tilespmem:v6+s11+$0x0], $0xffff  }
0x218: {  	v52 =	vld.idx.msk [tilespmem:v41+s13+$0x0], $0xffff  }
0x219: {  	[tilespmem:$0x1FAF0] =	vst v0;
	v0 =	vld.idx.msk [tilespmem:v35+s13+$0x0], $0xffff  }
0x21a: {  	v55 =	vld.idx.msk [tilespmem:v46+s11+$0x0], $0xffff  }
0x21b: {  	v56 =	vld.idx.msk [tilespmem:v45+s13+$0x0], $0xffff  }
0x21c: {  	[tilespmem:$0x1F920] =	vst v8;
	v59 =	vld.idx.msk [tilespmem:v50+s11+$0x0], $0xffff  }
0x21d: {  	[tilespmem:$0x1F940] =	vst v7;
	v60 =	vld.idx.msk [tilespmem:v49+s13+$0x0], $0xffff  }
0x21e: {  	[tilespmem:$0x1FB00] =	vst v0;
	v0 =	vld.idx.msk [tilespmem:v38+s11+$0x0], $0xffff  }
0x21f: {  	[tilespmem:$0x1F960] =	vst v12;
	v63 =	vld.idx.msk [tilespmem:v54+s11+$0x0], $0xffff  }
0x220: {  	[tilespmem:$0x1F980] =	vst v11;
	v39 =	vld.idx.msk [tilespmem:v5+s11+$0x0], $0xffff  }
0x221: {  	[tilespmem:$0x1F8F0] =	vst v6;
	v6 =	vld.idx.msk [tilespmem:v9+s13+$0x0], $0xffff  }
0x222: {  	[tilespmem:$0x1F9A0] =	vst v16;
	v8 =	vld.idx.msk [tilespmem:v1+s13+$0x0], $0xffff  }
0x223: {  	[tilespmem:$0x1FB10] =	vst v0;
	v0 =	vld.idx.msk [tilespmem:v37+s13+$0x0], $0xffff  }
0x224: {  	[tilespmem:$0x1F9C0] =	vst v13;
	v7 =	vld.idx.msk [tilespmem:v2+s11+$0x0], $0xffff  }
0x225: {  	[tilespmem:$0x1F9E0] =	vst v19;
	v12 =	vld.idx.msk [tilespmem:v58+s11+$0x0], $0xffff  }
0x226: {  	[tilespmem:$0x1FA00] =	vst v17;
	v11 =	vld.idx.msk [tilespmem:v23+s11+$0x0], $0xffff  }
0x227: {  	[tilespmem:$0x1FA20] =	vst v21;
	v19 =	vld.idx.msk [tilespmem:v62+s11+$0x0], $0xffff  }
0x228: {  	[tilespmem:$0x1FB20] =	vst v0;
	v0 =	vld.idx.msk [tilespmem:v42+s11+$0x0], $0xffff  }
0x229: {  	[tilespmem:$0x1FA40] =	vst v20;
	v17 =	vld.idx.msk [tilespmem:v57+s13+$0x0], $0xffff  }
0x22a: {  	[tilespmem:$0x1FA60] =	vst v24;
	v21 =	vld.idx.msk [tilespmem:v61+s13+$0x0], $0xffff  }
0x22b: {  	[tilespmem:$0x1FA80] =	vst v22;
	v24 =	vld.idx.msk [tilespmem:v10+s11+$0x0], $0xffff  }
0x22c: {  	[tilespmem:$0x1FAB0] =	vst v25;
	v51 =	vmov v34;
	v34 =	vmov v35;
	v35 =	vld.idx.msk [tilespmem:v3+s13+$0x0], $0xffff  }
0x22d: {  	s23 =	simm.s32 $0x640;
	v48 =	vmovc v26;
	v47 =	vmovc v30;
	v33 =	vmov v29;
	v16 =	vimm.f32 $0.0e+00;
	v13 =	vimm.f32 $0.0e+00;
	[tilespmem:$0x1FB30] =	vst v0;
	v0 =	vld.idx.msk [tilespmem:v53+s13+$0x0], $0xffff  }
.LBB2_11:
0x22e: {  	v20 =	vld.idx.msk [tilespmem:v4+s13+$0x0], $0xffff  }
0x22f: {  	v40 =	vld.idx.msk [tilespmem:v28+s11+$0x0], $0xffff  }
0x230: {  	v22 =	vld.idx.msk [tilespmem:v27+s13+$0x0], $0xffff  }
0x231: {  	v25 =	vld.idx.msk [tilespmem:v32+s11+$0x0], $0xffff  }
0x232: {  	v5 =	vadd.s32 $0x2710, v5;
	v44 =	vld.idx.msk [tilespmem:v31+s13+$0x0], $0xffff  }
0x233: {  	v43 =	vadd.s32 $0x2710, v18;
	v29 =	vld.idx.msk [tilespmem:v36+s11+$0x0], $0xffff  }
0x234: {  	v26 =	vadd.s32 $0x2710, v15;
	v30 =	vld.idx.msk [tilespmem:v14+s13+$0x0], $0xffff  }
0x235: {  	v36 =	vadd.s32 $0x2710, v36;
	v18 =	vld.idx.msk [tilespmem:v18+s11+$0x0], $0xffff  }
0x236: {  	v14 =	vadd.s32 $0x2710, v14;
	v15 =	vld.idx.msk [tilespmem:v15+s13+$0x0], $0xffff  }
0x237: {  	v32 =	vadd.s32 $0x2710, v32;
	v5 =	vld.idx.msk [tilespmem:v5+s11+$0x0], $0xffff  }
0x238: {  	v31 =	vadd.s32 $0x2710, v31;
	v43 =	vld.idx.msk [tilespmem:v43+s11+$0x0], $0xffff  }
0x239: {  	v28 =	vadd.s32 $0x2710, v28;
	v26 =	vld.idx.msk [tilespmem:v26+s13+$0x0], $0xffff  }
0x23a: {  	v27 =	vadd.s32 $0x2710, v27;
	v36 =	vld.idx.msk [tilespmem:v36+s11+$0x0], $0xffff  }
0x23b: {  	v4 =	vadd.s32 $0x2710, v4;
	v14 =	vld.idx.msk [tilespmem:v14+s13+$0x0], $0xffff  }
0x23c: {  	v3 =	vadd.s32 $0x2710, v3;
	v32 =	vld.idx.msk [tilespmem:v32+s11+$0x0], $0xffff  }
0x23d: {  	v23 =	vadd.s32 $0x2710, v23;
	v31 =	vld.idx.msk [tilespmem:v31+s13+$0x0], $0xffff;
	v15 =	vmul.f32 v15, v18  }
0x23e: {  	v2 =	vadd.s32 $0x2710, v2;
	v1 =	vadd.s32 $0x2710, v1;
	v28 =	vld.idx.msk [tilespmem:v28+s11+$0x0], $0xffff;
	v18 =	vmul.f32 v26, v43  }
0x23f: {  	v10 =	vadd.s32 $0x2710, v10;
	v15 =	vadd.f32 v15, v16;
	v26 =	vld.idx.msk [tilespmem:v27+s13+$0x0], $0xffff;
	v27 =	vmul.f32 v30, v29  }
0x240: {  	v9 =	vadd.s32 $0x2710, v9;
	v4 =	vld.idx.msk [tilespmem:v4+s13+$0x0], $0xffff;
	v14 =	vmul.f32 v14, v36;
	v13 =	vadd.f32 v18, v13  }
0x241: {  	v3 =	vld.idx.msk [tilespmem:v3+s13+$0x0], $0xffff;
	v22 =	vmul.f32 v22, v40;
	v16 =	vmul.f32 v44, v25;
	v15 =	vadd.f32 v27, v15  }
0x242: {  	v18 =	vld.idx.msk [tilespmem:v23+s11+$0x0], $0xffff;
	v23 =	vadd.s32 $0x2710, v62;
	v13 =	vadd.f32 v14, v13;
	v14 =	vmul.f32 v31, v32  }
0x243: {  	v2 =	vld.idx.msk [tilespmem:v2+s11+$0x0], $0xffff;
	v27 =	vadd.s32 $0x2710, v58;
	v15 =	vadd.f32 v16, v15;
	v16 =	vmul.f32 v20, v39  }
0x244: {  	v1 =	vld.idx.msk [tilespmem:v1+s13+$0x0], $0xffff;
	v20 =	vadd.s32 $0x2710, v57;
	v13 =	vadd.f32 v14, v13;
	v14 =	vmul.f32 v26, v28  }
0x245: {  	v7 =	vmul.f32 v8, v7;
	v10 =	vld.idx.msk [tilespmem:v10+s11+$0x0], $0xffff;
	v25 =	vadd.s32 $0x2710, v61;
	v4 =	vmul.f32 v4, v5  }
0x246: {  	v5 =	vld.idx.msk [tilespmem:v9+s13+$0x0], $0xffff;
	v26 =	vadd.s32 $0x2710, v54;
	v15 =	vadd.f32 v22, v15;
	v13 =	vadd.f32 v14, v13  }
0x247: {  	v9 =	vmul.f32 v35, v11;
	v22 =	vadd.s32 $0x2710, v50;
	v11 =	vld.idx.msk [tilespmem:v23+s11+$0x0], $0xffff;
	v14 =	vadd.s32 $0x2710, v53  }
0x248: {  	v3 =	vmul.f32 v3, v18;
	v8 =	vld.idx.msk [tilespmem:v27+s11+$0x0], $0xffff;
	v15 =	vadd.f32 v16, v15;
	v4 =	vadd.f32 v4, v13  }
0x249: {  	v1 =	vmul.f32 v1, v2;
	v16 =	vadd.s32 $0x2710, v49;
	v2 =	vld.idx.msk [tilespmem:v20+s13+$0x0], $0xffff  }
0x24a: {  	v20 =	vadd.s32 $0x2710, v42;
	v13 =	vld.idx.msk [tilespmem:v25+s13+$0x0], $0xffff;
	v9 =	vadd.f32 v9, v15;
	v3 =	vadd.f32 v3, v4  }
0x24b: {  	v18 =	vadd.s32 $0x2710, v46;
	v15 =	vadd.s32 $0x2710, v45;
	v4 =	vmul.f32 v6, v24;
	v6 =	vld.idx.msk [tilespmem:v26+s11+$0x0], $0xffff  }
0x24c: {  	v7 =	vadd.f32 v7, v9;
	v1 =	vadd.f32 v1, v3;
	v3 =	vmul.f32 v5, v10;
	v5 =	vld.idx.msk [tilespmem:v14+s13+$0x0], $0xffff  }
0x24d: {  	v9 =	vmul.f32 v21, v19;
	v19 =	vadd.s32 $0x2710, v38;
	v10 =	vld.idx.msk [tilespmem:v22+s11+$0x0], $0xffff  }
0x24e: {  	v14 =	vadd.s32 $0x2710, v41;
	v4 =	vadd.f32 v4, v7;
	v7 =	vld.idx.msk [tilespmem:v16+s13+$0x0], $0xffff;
	v2 =	vmul.f32 v2, v8  }
0x24f: {  	v8 =	vld.idx.msk [tilespmem:v20+s11+$0x0], $0xffff;
	v1 =	vadd.f32 v3, v1;
	v3 =	vmul.f32 v13, v11;
	v13 =	vadd.s32 $0x2710, v37  }
0x250: {  	v11 =	vmul.f32 v17, v12;
	v12 =	vld.idx.msk [tilespmem:v18+s11+$0x0], $0xffff;
	v4 =	vadd.f32 v9, v4  }
0x251: {  	v16 =	vadd.s32 $0x2710, v51;
	v1 =	vadd.f32 v3, v1;
	v3 =	vld.idx.msk [tilespmem:v15+s13+$0x0], $0xffff  }
0x252: {  	v0 =	vmul.f32 v0, v63;
	v4 =	vadd.f32 v11, v4;
	v11 =	vld.idx.msk [tilespmem:v19+s11+$0x0], $0xffff  }
0x253: {  	v1 =	vadd.f32 v2, v1;
	v2 =	vmul.f32 v5, v6;
	v5 =	vld.idx.msk [tilespmem:v14+s13+$0x0], $0xffff  }
0x254: {  	v9 =	vadd.s32 $0x2710, v34;
	v0 =	vadd.f32 v0, v4;
	v4 =	vld.idx.msk [tilespmem:v13+s13+$0x0], $0xffff  }
0x255: {  	v15 =	vadd.s32 $0x2710, v47;
	v13 =	vld [tilespmem:$0x1FAB0]  }
0x256: {  	v6 =	vmul.f32 v60, v59;
	v1 =	vadd.f32 v2, v1;
	v2 =	vmul.f32 v7, v10;
	v10 =	vld.idx.msk [tilespmem:v16+s11+$0x0], $0xffff  }
0x257: {  	v16 =	vld [tilespmem:$0x1FA60]  }
0x258: {  	v0 =	vadd.f32 v6, v0;
	v6 =	vld [tilespmem:$0x1FB30]  }
0x259: {  	v14 =	vadd.s32 $0x2710, v33;
	v1 =	vadd.f32 v2, v1;
	v2 =	vmul.f32 v3, v12;
	v3 =	vld.idx.msk [tilespmem:v9+s13+$0x0], $0xffff  }
0x25a: {  	v9 =	vld.idx.msk [tilespmem:v15+s11+$0x0], $0xffff  }
0x25b: {  	v7 =	vmul.f32 v56, v55;
	v12 =	vld [tilespmem:$0x1FA80]  }
0x25c: {  	v15 =	vld [tilespmem:$0x1FA20]  }
0x25d: {  	v0 =	vadd.f32 v7, v0;
	v7 =	vld [tilespmem:$0x1FB10]  }
0x25e: {  	v1 =	vadd.f32 v2, v1;
	v2 =	vmul.f32 v5, v8;
	v5 =	vld.idx.msk [tilespmem:v14+s13+$0x0], $0xffff  }
0x25f: {  	v17 =	vadd.s32 $0x2710, v48;
	v8 =	vld [tilespmem:$0x1FB20]  }
0x260: {  	v14 =	vld [tilespmem:$0x1FA40];
	v6 =	vmul.f32 v52, v6  }
0x261: {  	v13 =	vadd.s32 $0x2710, v13;
	v1 =	vadd.f32 v2, v1;
	v2 =	vmul.f32 v4, v11;
	v11 =	vld [tilespmem:$0x1FB00]  }
0x262: {  	v0 =	vadd.f32 v6, v0;
	v6 =	vld [tilespmem:$0x1FAF0]  }
0x263: {  	v1 =	vadd.f32 v2, v1;
	v2 =	vmul.f32 v3, v10;
	v10 =	vld [tilespmem:$0x1FAE0]  }
0x264: {  	v7 =	vmul.f32 v8, v7;
	v8 =	vld.idx.msk [tilespmem:v17+s11+$0x0], $0xffff  }
0x265: {  	v16 =	vadd.s32 $0x2710, v16;
	v17 =	vld [tilespmem:$0x1F9E0]  }
0x266: {  	v4 =	vld.idx.msk [tilespmem:v13+s13+$0x0], $0xffff  }
0x267: {  	v12 =	vadd.s32 $0x2710, v12;
	v13 =	vld [tilespmem:$0x1FA00]  }
0x268: {  	v1 =	vadd.f32 v2, v1;
	v2 =	vmul.f32 v5, v9;
	v9 =	vld [tilespmem:$0x1FAC0]  }
0x269: {  	v14 =	vadd.s32 $0x2710, v14;
	v0 =	vadd.f32 v7, v0;
	v7 =	vld [tilespmem:$0x1FAD0]  }
0x26a: {  	v6 =	vmul.f32 v11, v6;
	v11 =	vld.idx.msk [tilespmem:v16+s11+$0x0], $0xffff  }
0x26b: {  	v16 =	vld [tilespmem:$0x1F9A0]  }
0x26c: {  	v3 =	vld.idx.msk [tilespmem:v12+s13+$0x0], $0xffff  }
0x26d: {  	v15 =	vadd.s32 $0x2710, v15;
	v12 =	vld [tilespmem:$0x1F9C0]  }
0x26e: {  	v5 =	vld.idx.msk [tilespmem:v14+s13+$0x0], $0xffff  }
0x26f: {  	v0 =	vadd.f32 v6, v0;
	v6 =	vld [tilespmem:$0x1FAA0]  }
0x270: {  	v14 =	vld [tilespmem:$0x1F980]  }
0x271: {  	v1 =	vadd.f32 v2, v1;
	v17 =	vadd.s32 $0x2710, v17;
	v2 =	vmul.f32 v4, v8;
	v8 =	vld [tilespmem:$0x1FA90]  }
0x272: {  	v7 =	vmul.f32 v10, v7;
	v10 =	vld.idx.msk [tilespmem:v15+s11+$0x0], $0xffff  }
0x273: {  	v13 =	vadd.s32 $0x2710, v13;
	v15 =	vld [tilespmem:$0x1F960]  }
0x274: {  	v1 =	vadd.f32 v2, v1;
	v2 =	vmul.f32 v3, v11;
	v11 =	vld [tilespmem:$0x1FA50]  }
0x275: {  	v0 =	vadd.f32 v7, v0;
	v7 =	vld [tilespmem:$0x1FA70]  }
0x276: {  	v6 =	vmul.f32 v9, v6;
	v9 =	vld.idx.msk [tilespmem:v17+s11+$0x0], $0xffff  }
0x277: {  	v12 =	vadd.s32 $0x2710, v12;
	v17 =	vld [tilespmem:$0x1F920]  }
0x278: {  	v4 =	vld.idx.msk [tilespmem:v13+s13+$0x0], $0xffff  }
0x279: {  	v16 =	vadd.s32 $0x2710, v16;
	v13 =	vld [tilespmem:$0x1F940]  }
0x27a: {  	v0 =	vadd.f32 v6, v0;
	v6 =	vld [tilespmem:$0x1FA30]  }
0x27b: {  	v1 =	vadd.f32 v2, v1;
	v2 =	vmul.f32 v5, v10;
	v10 =	vld [tilespmem:$0x1FA10]  }
0x27c: {  	v14 =	vadd.s32 $0x2710, v14;
	v3 =	vld.idx.msk [tilespmem:v12+s13+$0x0], $0xffff  }
0x27d: {  	v12 =	vld [tilespmem:$0x1F900]  }
0x27e: {  	v15 =	vadd.s32 $0x2710, v15;
	v7 =	vmul.f32 v8, v7;
	v8 =	vld.idx.msk [tilespmem:v16+s11+$0x0], $0xffff  }
0x27f: {  	v16 =	vld [tilespmem:$0x1F8E0]  }
0x280: {  	v0 =	vadd.f32 v7, v0;
	v7 =	vld [tilespmem:$0x1F9F0]  }
0x281: {  	v13 =	vadd.s32 $0x2710, v13;
	v5 =	vld.idx.msk [tilespmem:v14+s13+$0x0], $0xffff  }
0x282: {  	v1 =	vadd.f32 v2, v1;
	v2 =	vmul.f32 v4, v9;
	v9 =	vld [tilespmem:$0x1F9D0];
	v6 =	vmul.f32 v11, v6  }
0x283: {  	v17 =	vadd.s32 $0x2710, v17;
	v11 =	vld.idx.msk [tilespmem:v15+s11+$0x0], $0xffff  }
0x284: {  	v1 =	vadd.f32 v2, v1;
	v0 =	vadd.f32 v6, v0;
	v6 =	vld [tilespmem:$0x1F9B0]  }
0x285: {  	v12 =	vadd.s32 $0x2710, v12;
	v2 =	vmul.f32 v3, v8;
	v8 =	vld [tilespmem:$0x1F990];
	v7 =	vmul.f32 v10, v7  }
0x286: {  	v4 =	vld.idx.msk [tilespmem:v13+s13+$0x0], $0xffff  }
0x287: {  	v0 =	vadd.f32 v7, v0;
	v7 =	vld [tilespmem:$0x1F970]  }
0x288: {  	v10 =	vld.idx.msk [tilespmem:v17+s11+$0x0], $0xffff  }
0x289: {  	v1 =	vadd.f32 v2, v1;
	v2 =	vmul.f32 v5, v11;
	v5 =	vld [tilespmem:$0x1F930]  }
0x28a: {  	s24 =	sshra.s32 s23, $0x2;
	v3 =	vld.idx.msk [tilespmem:v12+s13+$0x0], $0xffff;
	v6 =	vmul.f32 v9, v6  }
0x28b: {  	v12 =	vld [tilespmem:s24+$0x2890]  }
0x28c: {  	v0 =	vadd.f32 v6, v0;
	v6 =	vld [tilespmem:$0x1F950];
	v7 =	vmul.f32 v8, v7  }
0x28d: {  	v1 =	vadd.f32 v2, v1;
	v2 =	vmul.f32 v4, v10;
	v4 =	vld [tilespmem:$0x1F8F0]  }
0x28e: {  	v0 =	vadd.f32 v7, v0;
	v7 =	vld [tilespmem:$0x1F910]  }
0x28f: {  	v16 =	vadd.s32 $0x2710, v16;
	_ =	sdelay $0x1  }
0x290: {  	v5 =	vmul.f32 v6, v5  }
0x291: {  	v8 =	vld [tilespmem:s24+$0x1120]  }
0x292: {  	v0 =	vadd.f32 v5, v0;
	v4 =	vmul.f32 v7, v4  }
0x293: {  	v9 =	vld.idx.msk [tilespmem:v16+s11+$0x0], $0xffff  }
0x294: {  	v16 =	vadd.f32 v4, v0;
	v0 =	vld.idx.msk [tilespmem:v12+s11+$0x0], $0xffff;
	_ =	sdelay $0x1  }
0x295: {  	v11 =	vld [tilespmem:s24+$0x2880];
	_ =	sdelay $0x2  }
0x296: {  	[tilespmem:$0x1F8F0] =	vst v0;
	v0 =	vld.idx.msk [tilespmem:v8+s13+$0x0], $0xffff;
	_ =	sdelay $0x1  }
0x297: {  	v6 =	vld [tilespmem:s24+$0x1110];
	_ =	sdelay $0x2  }
0x298: {  	[tilespmem:$0x1F910] =	vst v0;
	v0 =	vld.idx.msk [tilespmem:v11+s11+$0x0], $0xffff;
	_ =	sdelay $0x1  }
0x299: {  	v17 =	vld [tilespmem:s24+$0x2870];
	_ =	sdelay $0x2  }
0x29a: {  	[tilespmem:$0x1F930] =	vst v0;
	v0 =	vld.idx.msk [tilespmem:v6+s13+$0x0], $0xffff;
	_ =	sdelay $0x1  }
0x29b: {  	v7 =	vld [tilespmem:s24+$0x1100];
	_ =	sdelay $0x2  }
0x29c: {  	[tilespmem:$0x1F950] =	vst v0;
	v0 =	vld.idx.msk [tilespmem:v17+s11+$0x0], $0xffff;
	_ =	sdelay $0x1  }
0x29d: {  	v20 =	vld [tilespmem:s24+$0x2860];
	_ =	sdelay $0x2  }
0x29e: {  	[tilespmem:$0x1F970] =	vst v0;
	v0 =	vld.idx.msk [tilespmem:v7+s13+$0x0], $0xffff;
	_ =	sdelay $0x1  }
0x29f: {  	v19 =	vld [tilespmem:s24+$0x10F0];
	_ =	sdelay $0x2  }
0x2a0: {  	[tilespmem:$0x1F990] =	vst v0;
	v0 =	vld.idx.msk [tilespmem:v20+s11+$0x0], $0xffff;
	_ =	sdelay $0x1  }
0x2a1: {  	v22 =	vld [tilespmem:s24+$0x2850];
	_ =	sdelay $0x2  }
0x2a2: {  	[tilespmem:$0x1F9B0] =	vst v0;
	v0 =	vld.idx.msk [tilespmem:v19+s13+$0x0], $0xffff;
	_ =	sdelay $0x1  }
0x2a3: {  	v21 =	vld [tilespmem:s24+$0x10E0];
	_ =	sdelay $0x2  }
0x2a4: {  	[tilespmem:$0x1F9D0] =	vst v0;
	v0 =	vld.idx.msk [tilespmem:v22+s11+$0x0], $0xffff;
	_ =	sdelay $0x1  }
0x2a5: {  	v25 =	vld [tilespmem:s24+$0x2840];
	_ =	sdelay $0x2  }
0x2a6: {  	[tilespmem:$0x1F9F0] =	vst v0;
	v0 =	vld.idx.msk [tilespmem:v21+s13+$0x0], $0xffff  }
0x2a7: {  	v40 =	vld [tilespmem:s24+$0x1090]  }
0x2a8: {  	v24 =	vld [tilespmem:s24+$0x10D0]  }
0x2a9: {  	v61 =	vld [tilespmem:s24+$0x1020]  }
0x2aa: {  	v29 =	vld [tilespmem:s24+$0x2830]  }
0x2ab: {  	[tilespmem:$0x1FA10] =	vst v0;
	v0 =	vld.idx.msk [tilespmem:v25+s11+$0x0], $0xffff  }
0x2ac: {  	v35 =	vld [tilespmem:s24+$0x2820]  }
0x2ad: {  	v30 =	vld [tilespmem:s24+$0x10B0]  }
0x2ae: {  	v36 =	vld [tilespmem:s24+$0x2720]  }
0x2af: {  	v58 =	vld [tilespmem:s24+$0x27A0]  }
0x2b0: {  	[tilespmem:$0x1FA30] =	vst v0;
	v0 =	vld.idx.msk [tilespmem:v24+s13+$0x0], $0xffff  }
0x2b1: {  	v62 =	vld [tilespmem:s24+$0x2790]  }
0x2b2: {  	v26 =	vld [tilespmem:s24+$0x10C0]  }
0x2b3: {  	v39 =	vld [tilespmem:s24+$0x10A0]  }
0x2b4: {  	v57 =	vld [tilespmem:s24+$0x1030]  }
0x2b5: {  	[tilespmem:$0x1FA50] =	vst v0;
	v0 =	vld.idx.msk [tilespmem:v29+s11+$0x0], $0xffff  }
0x2b6: {  	v32 =	vld [tilespmem:s24+$0x2730]  }
0x2b7: {  	v31 =	vld [tilespmem:s24+$0xFC0]  }
0x2b8: {  	v50 =	vld [tilespmem:s24+$0x27C0]  }
0x2b9: {  	v54 =	vld [tilespmem:s24+$0x27B0]  }
0x2ba: {  	[tilespmem:$0x1FA70] =	vst v0;
	v0 =	vld.idx.msk [tilespmem:v26+s13+$0x0], $0xffff  }
0x2bb: {  	v28 =	vld [tilespmem:s24+$0x2740]  }
0x2bc: {  	v46 =	vld [tilespmem:s24+$0x27D0]  }
0x2bd: {  	v23 =	vld [tilespmem:s24+$0x2760]  }
0x2be: {  	v27 =	vld [tilespmem:s24+$0xFD0]  }
0x2bf: {  	[tilespmem:$0x1FA90] =	vst v0;
	v0 =	vld.idx.msk [tilespmem:v35+s11+$0x0], $0xffff  }
0x2c0: {  	v49 =	vld [tilespmem:s24+$0x1050]  }
0x2c1: {  	v33 =	vld [tilespmem:s24+$0x2810]  }
0x2c2: {  	v53 =	vld [tilespmem:s24+$0x1040]  }
0x2c3: {  	v42 =	vld [tilespmem:s24+$0x27E0]  }
0x2c4: {  	[tilespmem:$0x1FAA0] =	vst v0;
	v0 =	vld.idx.msk [tilespmem:v30+s13+$0x0], $0xffff  }
0x2c5: {  	v45 =	vld [tilespmem:s24+$0x1060]  }
0x2c6: {  	v38 =	vld [tilespmem:s24+$0x27F0]  }
0x2c7: {  	v41 =	vld [tilespmem:s24+$0x1070]  }
0x2c8: {  	v63 =	vld.idx.msk [tilespmem:v54+s11+$0x0], $0xffff  }
0x2c9: {  	[tilespmem:$0x1FAC0] =	vst v0;
	v0 =	vld.idx.msk [tilespmem:v33+s11+$0x0], $0xffff  }
0x2ca: {  	v34 =	vld [tilespmem:s24+$0x2800]  }
0x2cb: {  	v37 =	vld [tilespmem:s24+$0x1080]  }
0x2cc: {  	v18 =	vld [tilespmem:s24+$0x2710]  }
0x2cd: {  	v59 =	vld.idx.msk [tilespmem:v50+s11+$0x0], $0xffff  }
0x2ce: {  	[tilespmem:$0x1FAD0] =	vst v0;
	v0 =	vld.idx.msk [tilespmem:v39+s13+$0x0], $0xffff  }
0x2cf: {  	v60 =	vld.idx.msk [tilespmem:v49+s13+$0x0], $0xffff  }
0x2d0: {  	v55 =	vld.idx.msk [tilespmem:v46+s11+$0x0], $0xffff  }
0x2d1: {  	v56 =	vld.idx.msk [tilespmem:v45+s13+$0x0], $0xffff  }
0x2d2: {  	v52 =	vld.idx.msk [tilespmem:v41+s13+$0x0], $0xffff  }
0x2d3: {  	[tilespmem:$0x1FAE0] =	vst v0;
	v0 =	vld.idx.msk [tilespmem:v34+s11+$0x0], $0xffff  }
0x2d4: {  	v14 =	vld [tilespmem:s24+$0xFB0]  }
0x2d5: {  	v15 =	vld [tilespmem:s24+$0xFA0];
	v1 =	vadd.f32 v2, v1;
	v2 =	vmul.f32 v3, v9  }
0x2d6: {  	v10 =	vld [tilespmem:s24+$0x2780]  }
0x2d7: {  	v13 =	vadd.f32 v2, v1;
	v1 =	vld [tilespmem:s24+$0x1000]  }
0x2d8: {  	[tilespmem:$0x1FAF0] =	vst v0;
	v0 =	vld.idx.msk [tilespmem:v40+s13+$0x0], $0xffff  }
0x2d9: {  	v9 =	vld [tilespmem:s24+$0x1010]  }
0x2da: {  	[tilespmem:$0x1FAB0] =	vst v30;
	v3 =	vld [tilespmem:s24+$0xFF0]  }
0x2db: {  	[tilespmem:$0x1FA60] =	vst v29;
	v2 =	vld [tilespmem:s24+$0x2770]  }
0x2dc: {  	[tilespmem:$0x1FA20] =	vst v25;
	v5 =	vld [tilespmem:s24+$0x2750]  }
0x2dd: {  	[tilespmem:$0x1FB00] =	vst v0;
	v0 =	vld.idx.msk [tilespmem:v38+s11+$0x0], $0xffff  }
0x2de: {  	[tilespmem:$0x1FA80] =	vst v26;
	v4 =	vld [tilespmem:s24+$0xFE0]  }
0x2df: {  	[tilespmem:$0x1F8E0] =	vst v12;
	v12 =	vld.idx.msk [tilespmem:v58+s11+$0x0], $0xffff  }
0x2e0: {  	[tilespmem:$0x1F900] =	vst v8;
	v8 =	vld.idx.msk [tilespmem:v1+s13+$0x0], $0xffff  }
0x2e1: {  	[tilespmem:$0x1F920] =	vst v11;
	v11 =	vld.idx.msk [tilespmem:v23+s11+$0x0], $0xffff  }
0x2e2: {  	[tilespmem:$0x1FB10] =	vst v0;
	v0 =	vld.idx.msk [tilespmem:v37+s13+$0x0], $0xffff  }
0x2e3: {  	[tilespmem:$0x1F940] =	vst v6;
	v6 =	vld.idx.msk [tilespmem:v9+s13+$0x0], $0xffff  }
0x2e4: {  	[tilespmem:$0x1F960] =	vst v17;
	v17 =	vld.idx.msk [tilespmem:v57+s13+$0x0], $0xffff  }
0x2e5: {  	[tilespmem:$0x1F980] =	vst v7;
	v7 =	vld.idx.msk [tilespmem:v2+s11+$0x0], $0xffff  }
0x2e6: {  	[tilespmem:$0x1F9C0] =	vst v19;
	v19 =	vld.idx.msk [tilespmem:v62+s11+$0x0], $0xffff  }
0x2e7: {  	p0 =	seq.s32 s23, $0x1900;
	[tilespmem:$0x1FB20] =	vst v0;
	v0 =	vld.idx.msk [tilespmem:v42+s11+$0x0], $0xffff  }
.Ltmp8:
0x2e8: {  	[tilespmem:$0x1FA00] =	vst v21;
	v21 =	vld.idx.msk [tilespmem:v61+s13+$0x0], $0xffff;
	(pc) =	sbr.rel @!p0 .LBB2_11-.Ltmp8, $4  }
0x2e9: {  	[tilespmem:$0x1FA40] =	vst v24;
	v24 =	vld.idx.msk [tilespmem:v10+s11+$0x0], $0xffff  }
0x2ea: {  	v48 =	vmov v35;
	[tilespmem:$0x1F9E0] =	vst v22;
	v35 =	vld.idx.msk [tilespmem:v3+s13+$0x0], $0xffff  }
0x2eb: {  	v47 =	vmov v33;
	[tilespmem:$0x1F9A0] =	vst v20;
	v33 =	vmov v39;
	v39 =	vld.idx.msk [tilespmem:v5+s11+$0x0], $0xffff  }
0x2ec: {  	s23 =	sadd.s32 $0x640, s23;
	v51 =	vmov v34;
	v34 =	vmov v40;
	[tilespmem:$0x1FB30] =	vst v0;
	v0 =	vld.idx.msk [tilespmem:v53+s13+$0x0], $0xffff  }
0x2ed: {  	_ =	sdelay $0x3  }
0x2ee: {  	v20 =	vadd.s32 $0x2710, v18;
	v18 =	vld.idx.msk [tilespmem:v18+s11+$0x0], $0xffff  }
0x2ef: {  	v25 =	vld.idx.msk [tilespmem:v36+s11+$0x0], $0xffff  }
0x2f0: {  	v22 =	vadd.s32 $0x2710, v15;
	v15 =	vld.idx.msk [tilespmem:v15+s13+$0x0], $0xffff  }
0x2f1: {  	v29 =	vld.idx.msk [tilespmem:v14+s13+$0x0], $0xffff  }
0x2f2: {  	v30 =	vld.idx.msk [tilespmem:v32+s11+$0x0], $0xffff  }
0x2f3: {  	v26 =	vadd.s32 $0x2710, v36;
	v36 =	vld.idx.msk [tilespmem:v31+s13+$0x0], $0xffff  }
0x2f4: {  	v40 =	vld.idx.msk [tilespmem:v28+s11+$0x0], $0xffff  }
0x2f5: {  	v43 =	vld.idx.msk [tilespmem:v27+s13+$0x0], $0xffff  }
0x2f6: {  	v44 =	vld.idx.msk [tilespmem:v4+s13+$0x0], $0xffff  }
0x2f7: {  	v60 =	vmul.f32 v60, v59;
	v59 =	vld [tilespmem:$0x1F990]  }
0x2f8: {  	v14 =	vadd.s32 $0x2710, v14;
	v6 =	vmul.f32 v6, v24;
	v24 =	vld [tilespmem:$0x1FA80]  }
0x2f9: {  	v32 =	vadd.s32 $0x2710, v32;
	v0 =	vmul.f32 v0, v63;
	v63 =	vadd.s32 $0x2710, v33;
	v33 =	vld [tilespmem:$0x1FA00]  }
0x2fa: {  	v31 =	vadd.s32 $0x2710, v31;
	v20 =	vld.idx.msk [tilespmem:v20+s11+$0x0], $0xffff  }
0x2fb: {  	v5 =	vadd.s32 $0x2710, v5;
	v22 =	vld.idx.msk [tilespmem:v22+s13+$0x0], $0xffff  }
0x2fc: {  	v4 =	vadd.s32 $0x2710, v4;
	v26 =	vld.idx.msk [tilespmem:v26+s11+$0x0], $0xffff  }
0x2fd: {  	v3 =	vadd.s32 $0x2710, v3;
	v14 =	vld.idx.msk [tilespmem:v14+s13+$0x0], $0xffff  }
0x2fe: {  	v2 =	vadd.s32 $0x2710, v2;
	v32 =	vld.idx.msk [tilespmem:v32+s11+$0x0], $0xffff  }
0x2ff: {  	v1 =	vadd.s32 $0x2710, v1;
	v31 =	vld.idx.msk [tilespmem:v31+s13+$0x0], $0xffff  }
0x300: {  	v9 =	vadd.s32 $0x2710, v9;
	v5 =	vld.idx.msk [tilespmem:v5+s11+$0x0], $0xffff  }
0x301: {  	v4 =	vld.idx.msk [tilespmem:v4+s13+$0x0], $0xffff  }
0x302: {  	v3 =	vld.idx.msk [tilespmem:v3+s13+$0x0], $0xffff  }
0x303: {  	v28 =	vadd.s32 $0x2710, v28;
	v10 =	vadd.s32 $0x2710, v10;
	v2 =	vld.idx.msk [tilespmem:v2+s11+$0x0], $0xffff  }
0x304: {  	v27 =	vadd.s32 $0x2710, v27;
	v23 =	vadd.s32 $0x2710, v23;
	v15 =	vmul.f32 v15, v18;
	v1 =	vld.idx.msk [tilespmem:v1+s13+$0x0], $0xffff  }
0x305: {  	v25 =	vmul.f32 v29, v25;
	v29 =	vmul.f32 v36, v30;
	v36 =	vadd.s32 $0x2710, v62;
	v9 =	vld.idx.msk [tilespmem:v9+s13+$0x0], $0xffff  }
0x306: {  	v62 =	vadd.s32 $0x2710, v58;
	v58 =	vadd.s32 $0x2710, v34;
	v34 =	vld [tilespmem:$0x1FAD0];
	v15 =	vadd.f32 v15, v16  }
0x307: {  	v18 =	vmul.f32 v56, v55;
	v56 =	vld [tilespmem:$0x1F9B0]  }
0x308: {  	v15 =	vadd.f32 v25, v15;
	v25 =	vld.idx.msk [tilespmem:v10+s11+$0x0], $0xffff  }
0x309: {  	v20 =	vmul.f32 v22, v20;
	v22 =	vld.idx.msk [tilespmem:v28+s11+$0x0], $0xffff  }
0x30a: {  	v28 =	vld.idx.msk [tilespmem:v27+s13+$0x0], $0xffff  }
0x30b: {  	v30 =	vmul.f32 v31, v32;
	v31 =	vld.idx.msk [tilespmem:v23+s11+$0x0], $0xffff  }
0x30c: {  	v32 =	vmul.f32 v43, v40;
	v1 =	vmul.f32 v1, v2;
	v2 =	vld.idx.msk [tilespmem:v62+s11+$0x0], $0xffff  }
0x30d: {  	v43 =	vadd.s32 $0x2710, v61;
	v61 =	vmul.f32 v44, v39;
	v44 =	vmul.f32 v21, v19;
	v21 =	vld [tilespmem:$0x1FB30]  }
0x30e: {  	v19 =	vadd.s32 $0x2710, v48;
	v48 =	vld [tilespmem:$0x1FA30]  }
0x30f: {  	v14 =	vmul.f32 v14, v26;
	v26 =	vadd.s32 $0x2710, v57;
	v15 =	vadd.f32 v29, v15;
	v29 =	vld.idx.msk [tilespmem:v36+s11+$0x0], $0xffff  }
0x310: {  	v36 =	vadd.s32 $0x2710, v49;
	v49 =	vadd.s32 $0x2710, v41;
	v41 =	vld [tilespmem:$0x1F960]  }
0x311: {  	v13 =	vadd.f32 v20, v13;
	v20 =	vld [tilespmem:$0x1FAB0]  }
0x312: {  	v15 =	vadd.f32 v32, v15;
	v32 =	vadd.s32 $0x2710, v50;
	v50 =	vadd.s32 $0x2710, v38;
	v38 =	vld [tilespmem:$0x1F9C0]  }
0x313: {  	v11 =	vmul.f32 v35, v11;
	v35 =	vld.idx.msk [tilespmem:v43+s13+$0x0], $0xffff  }
0x314: {  	v10 =	vld.idx.msk [tilespmem:v26+s13+$0x0], $0xffff  }
0x315: {  	v40 =	vmul.f32 v28, v22;
	v22 =	vld [tilespmem:$0x1FA60]  }
0x316: {  	v27 =	vadd.f32 v61, v15;
	v26 =	vld [tilespmem:$0x1FB20]  }
0x317: {  	v61 =	vadd.s32 $0x2710, v47;
	v47 =	vld [tilespmem:$0x1F940]  }
0x318: {  	v3 =	vmul.f32 v3, v31;
	v31 =	vadd.f32 v11, v27;
	v27 =	vld [tilespmem:$0x1FA20]  }
0x319: {  	v28 =	vadd.s32 $0x2710, v54;
	v11 =	vld.idx.msk [tilespmem:v32+s11+$0x0], $0xffff  }
0x31a: {  	v13 =	vadd.f32 v14, v13;
	v43 =	vadd.s32 $0x2710, v45;
	v45 =	vadd.s32 $0x2710, v42;
	v62 =	vld.idx.msk [tilespmem:v50+s11+$0x0], $0xffff  }
0x31b: {  	v7 =	vmul.f32 v8, v7;
	v32 =	vld [tilespmem:$0x1F9E0]  }
0x31c: {  	v13 =	vadd.f32 v30, v13;
	v50 =	vld [tilespmem:$0x1F8E0]  }
0x31d: {  	v7 =	vadd.f32 v7, v31;
	v31 =	vld [tilespmem:$0x1FB00]  }
0x31e: {  	v4 =	vmul.f32 v4, v5;
	v13 =	vadd.f32 v40, v13;
	v40 =	vld.idx.msk [tilespmem:v28+s11+$0x0], $0xffff  }
0x31f: {  	v57 =	vld.idx.msk [tilespmem:v45+s11+$0x0], $0xffff  }
0x320: {  	v4 =	vadd.f32 v4, v13;
	v13 =	vld.idx.msk [tilespmem:v49+s13+$0x0], $0xffff  }
0x321: {  	v23 =	vld.idx.msk [tilespmem:v61+s11+$0x0], $0xffff  }
0x322: {  	v30 =	vadd.s32 $0x2710, v53;
	v28 =	vld.idx.msk [tilespmem:v19+s11+$0x0], $0xffff  }
0x323: {  	v53 =	vadd.s32 $0x2710, v37;
	v45 =	vld [tilespmem:$0x1FA90]  }
0x324: {  	v49 =	vld [tilespmem:$0x1FA50]  }
0x325: {  	v2 =	vmul.f32 v10, v2;
	v10 =	vmul.f32 v52, v21;
	v52 =	vld [tilespmem:$0x1F900]  }
0x326: {  	v61 =	vld [tilespmem:$0x1F950]  }
0x327: {  	v39 =	vadd.s32 $0x2710, v46;
	v46 =	vld.idx.msk [tilespmem:v30+s13+$0x0], $0xffff  }
0x328: {  	v8 =	vld.idx.msk [tilespmem:v53+s13+$0x0], $0xffff  }
0x329: {  	v6 =	vadd.f32 v6, v7;
	v7 =	vld.idx.msk [tilespmem:v58+s13+$0x0], $0xffff  }
0x32a: {  	v30 =	vld [tilespmem:$0x1FAF0]  }
0x32b: {  	v53 =	vld [tilespmem:$0x1F9F0]  }
0x32c: {  	v58 =	vld [tilespmem:$0x1F970]  }
0x32d: {  	v3 =	vadd.f32 v3, v4;
	v4 =	vld.idx.msk [tilespmem:v36+s13+$0x0], $0xffff  }
0x32e: {  	v36 =	vld [tilespmem:$0x1F9A0]  }
0x32f: {  	v6 =	vadd.f32 v44, v6;
	v44 =	vld [tilespmem:$0x1FA70]  }
0x330: {  	v1 =	vadd.f32 v1, v3;
	v3 =	vmul.f32 v9, v25;
	v9 =	vld.idx.msk [tilespmem:v43+s13+$0x0], $0xffff  }
0x331: {  	v12 =	vmul.f32 v17, v12;
	v25 =	vld [tilespmem:$0x1FB10]  }
0x332: {  	v43 =	vld [tilespmem:$0x1F980]  }
0x333: {  	v6 =	vadd.f32 v12, v6;
	v1 =	vadd.f32 v3, v1;
	v3 =	vmul.f32 v35, v29;
	v29 =	vld [tilespmem:$0x1FA40]  }
0x334: {  	v35 =	vld [tilespmem:$0x1FAE0]  }
0x335: {  	v0 =	vadd.f32 v0, v6;
	v1 =	vadd.f32 v3, v1;
	v3 =	vld.idx.msk [tilespmem:v39+s11+$0x0], $0xffff  }
0x336: {  	v54 =	vadd.s32 $0x2710, v51;
	v6 =	vadd.s32 $0x2710, v24;
	v39 =	vld [tilespmem:$0x1FAA0]  }
0x337: {  	v0 =	vadd.f32 v60, v0;
	v60 =	vld [tilespmem:$0x1F930];
	v1 =	vadd.f32 v2, v1;
	v2 =	vmul.f32 v46, v40  }
0x338: {  	v40 =	vld [tilespmem:$0x1FAC0]  }
0x339: {  	v46 =	vld [tilespmem:$0x1F920];
	v1 =	vadd.f32 v2, v1;
	v2 =	vmul.f32 v4, v11  }
0x33a: {  	v0 =	vadd.f32 v18, v0;
	v11 =	vld.idx.msk [tilespmem:v63+s13+$0x0], $0xffff  }
0x33b: {  	v6 =	vld.idx.msk [tilespmem:v6+s13+$0x0], $0xffff;
	v1 =	vadd.f32 v2, v1;
	v2 =	vmul.f32 v9, v3;
	v9 =	vadd.s32 $0x2710, v20  }
0x33c: {  	v0 =	vadd.f32 v10, v0;
	v10 =	vadd.s32 $0x2710, v27;
	v3 =	vld.idx.msk [tilespmem:v54+s11+$0x0], $0xffff  }
0x33d: {  	v14 =	vadd.s32 $0x2710, v22;
	v63 =	vld [tilespmem:$0x1F910];
	v1 =	vadd.f32 v2, v1;
	v2 =	vmul.f32 v13, v57  }
0x33e: {  	v54 =	vld [tilespmem:$0x1FA10];
	v13 =	vmul.f32 v26, v25  }
0x33f: {  	v57 =	vld [tilespmem:$0x1F9D0];
	v1 =	vadd.f32 v2, v1;
	v2 =	vmul.f32 v8, v62;
	v8 =	vadd.s32 $0x2710, v29  }
0x340: {  	v12 =	vmul.f32 v31, v30;
	v0 =	vadd.f32 v13, v0;
	v13 =	vadd.s32 $0x2710, v32;
	v9 =	vld.idx.msk [tilespmem:v9+s13+$0x0], $0xffff  }
0x341: {  	v37 =	vld.idx.msk [tilespmem:v10+s11+$0x0], $0xffff;
	v1 =	vadd.f32 v2, v1;
	v2 =	vmul.f32 v7, v3;
	v7 =	vadd.s32 $0x2710, v33  }
0x342: {  	v10 =	vadd.s32 $0x2710, v38;
	v3 =	vld.idx.msk [tilespmem:v14+s11+$0x0], $0xffff;
	v14 =	vmul.f32 v35, v34;
	v0 =	vadd.f32 v12, v0  }
0x343: {  	v62 =	vld [tilespmem:$0x1F8F0];
	v12 =	vadd.s32 $0x2710, v36;
	v1 =	vadd.f32 v2, v1;
	v2 =	vmul.f32 v11, v23  }
0x344: {  	v11 =	vmul.f32 v40, v39;
	v0 =	vadd.f32 v14, v0;
	v14 =	vadd.s32 $0x2710, v41;
	v8 =	vld.idx.msk [tilespmem:v8+s13+$0x0], $0xffff  }
0x345: {  	v42 =	vld.idx.msk [tilespmem:v13+s11+$0x0], $0xffff;
	v1 =	vadd.f32 v2, v1;
	v2 =	vmul.f32 v9, v28;
	v9 =	vadd.s32 $0x2710, v43  }
0x346: {  	v13 =	vmul.f32 v45, v44;
	v0 =	vadd.f32 v11, v0;
	v11 =	vadd.s32 $0x2710, v46;
	v7 =	vld.idx.msk [tilespmem:v7+s13+$0x0], $0xffff  }
0x347: {  	v10 =	vld.idx.msk [tilespmem:v10+s13+$0x0], $0xffff;
	v1 =	vadd.f32 v2, v1;
	v2 =	vmul.f32 v6, v3;
	v6 =	vadd.s32 $0x2710, v47  }
0x348: {  	v3 =	vld.idx.msk [tilespmem:v12+s11+$0x0], $0xffff;
	v12 =	vmul.f32 v49, v48;
	v0 =	vadd.f32 v13, v0;
	v13 =	vadd.s32 $0x2710, v50  }
0x349: {  	v51 =	vld.idx.msk [tilespmem:v14+s11+$0x0], $0xffff;
	v1 =	vadd.f32 v2, v1;
	v2 =	vmul.f32 v8, v37;
	v8 =	vadd.s32 $0x2710, v52  }
0x34a: {  	v14 =	vmul.f32 v54, v53;
	v9 =	vld.idx.msk [tilespmem:v9+s13+$0x0], $0xffff  }
0x34b: {  	v0 =	vadd.f32 v12, v0;
	v55 =	vld.idx.msk [tilespmem:v11+s11+$0x0], $0xffff;
	v1 =	vadd.f32 v2, v1;
	v2 =	vmul.f32 v7, v42  }
0x34c: {  	v7 =	vmul.f32 v57, v56;
	v6 =	vld.idx.msk [tilespmem:v6+s13+$0x0], $0xffff  }
0x34d: {  	v0 =	vadd.f32 v14, v0;
	v1 =	vadd.f32 v2, v1;
	v2 =	vmul.f32 v10, v3;
	v3 =	vld.idx.msk [tilespmem:v13+s11+$0x0], $0xffff  }
0x34e: {  	v10 =	vmul.f32 v59, v58;
	v8 =	vld.idx.msk [tilespmem:v8+s13+$0x0], $0xffff  }
0x34f: {  	v0 =	vadd.f32 v7, v0;
	v1 =	vadd.f32 v2, v1;
	v2 =	vmul.f32 v9, v51  }
0x350: {  	v5 =	vmul.f32 v61, v60  }
.Ltmp9:
0x351: {  	v0 =	vadd.f32 v10, v0;
	v1 =	vadd.f32 v2, v1;
	v2 =	vmul.f32 v6, v55;
	(pc) =	sbr.rel .LBB2_13-.Ltmp9, $3  }
0x352: {  	v4 =	vmul.f32 v63, v62  }
0x353: {  	v0 =	vadd.f32 v5, v0;
	v1 =	vadd.f32 v2, v1;
	v2 =	vmul.f32 v8, v3;
	_ =	sdelay $0x1  }
0x354: {  	v0 =	vadd.f32 v4, v0;
	v1 =	vadd.f32 v2, v1  }
.LBB2_4:
0x355: {  	_ =	swait.ge [sflag:s20], $0x7D0  }
0x356: {  	[sflag:s20] =	ssyncset.done $0x0  }
0x357: {  	[sflag:s20] =	ssyncadd.s32 $0xFFFFF830  }
0x358: {  	s23 =	sshrl.u32 @!p0 s23, $0x3;
	_ =	swait.ge [sflag:s20], $0x7D0  }
0x359: {  	s25 =	simm.s32 @!p0 $0x0;
	s23 =	sadd.s32 @!p0 $0x1F4, s23;
	[sflag:s20] =	ssyncset.done $0x0  }
0x35a: {  	s26 =	simm.s32 @!p0 $0xFA0;
	s24 =	sadd.s32 @!p0 s3, s23;
	[sflag:s20] =	ssyncadd.s32 $0xFFFFF830  }
0x35b: {  	[tilespmem:s26], [sflag:$0x3] =	stream.linear.gather @!p0 [hbm4b:s24+s25], $0x7D0, $0x38;
	[tilespmem:$0xCB40] =	vst v63  }
0x35c: {  	s31 =	simm.s32 $0x0;
	s23 =	sadd.s32 @!p0 s4, s23;
	s24 =	simm.s32 @!p0 $0x2710  }
0x35d: {  	[tilespmem:s24], [sflag:$0x3] =	stream.linear.gather @!p0 [hbm4b:s23+s25], $0x7D0, $0x38;
	[tilespmem:$0xCB40] =	vst v63  }
0x35e: {  	v0 =	vld [tilespmem:s31+$0x180];
	_ =	sdelay $0x4  }
0x35f: {  	v8 =	vld [tilespmem:s31+$0x18E0];
	_ =	sdelay $0x2  }
0x360: {  	[tilespmem:$0x1FDC0] =	vst v0;
	v0 =	vld.idx.msk [tilespmem:v0+s13+$0x0], $0xffff;
	_ =	sdelay $0x1  }
0x361: {  	v7 =	vld [tilespmem:s31+$0x170];
	_ =	sdelay $0x2  }
0x362: {  	[tilespmem:$0x1FDD0] =	vst v0;
	v0 =	vld.idx.msk [tilespmem:v8+s11+$0x0], $0xffff;
	_ =	sdelay $0x1  }
0x363: {  	v12 =	vld [tilespmem:s31+$0x18D0];
	_ =	sdelay $0x2  }
0x364: {  	[tilespmem:$0x1FDF0] =	vst v0;
	v0 =	vld.idx.msk [tilespmem:v7+s13+$0x0], $0xffff;
	_ =	sdelay $0x1  }
0x365: {  	v11 =	vld [tilespmem:s31+$0x160];
	_ =	sdelay $0x2  }
0x366: {  	[tilespmem:$0x1FE10] =	vst v0;
	v0 =	vld.idx.msk [tilespmem:v12+s11+$0x0], $0xffff;
	_ =	sdelay $0x1  }
0x367: {  	v16 =	vld [tilespmem:s31+$0x18C0];
	_ =	sdelay $0x2  }
0x368: {  	[tilespmem:$0x1FE30] =	vst v0;
	v0 =	vld.idx.msk [tilespmem:v11+s13+$0x0], $0xffff;
	_ =	sdelay $0x1  }
0x369: {  	v13 =	vld [tilespmem:s31+$0x150];
	_ =	sdelay $0x2  }
0x36a: {  	[tilespmem:$0x1FE50] =	vst v0;
	v0 =	vld.idx.msk [tilespmem:v16+s11+$0x0], $0xffff;
	_ =	sdelay $0x1  }
0x36b: {  	v19 =	vld [tilespmem:s31+$0x18B0];
	_ =	sdelay $0x2  }
0x36c: {  	[tilespmem:$0x1FE70] =	vst v0;
	v0 =	vld.idx.msk [tilespmem:v13+s13+$0x0], $0xffff;
	_ =	sdelay $0x1  }
0x36d: {  	v17 =	vld [tilespmem:s31+$0x140];
	_ =	sdelay $0x2  }
0x36e: {  	[tilespmem:$0x1FE90] =	vst v0;
	v0 =	vld.idx.msk [tilespmem:v19+s11+$0x0], $0xffff;
	_ =	sdelay $0x1  }
0x36f: {  	v21 =	vld [tilespmem:s31+$0x18A0]  }
0x370: {  	v6 =	vld [tilespmem:s31+$0x18F0]  }
0x371: {  	v20 =	vld [tilespmem:s31+$0x130]  }
0x372: {  	[tilespmem:$0x1FEB0] =	vst v0;
	v0 =	vld.idx.msk [tilespmem:v17+s13+$0x0], $0xffff  }
0x373: {  	v24 =	vld [tilespmem:s31+$0x1890]  }
0x374: {  	v22 =	vld [tilespmem:s31+$0x120]  }
0x375: {  	v26 =	vld [tilespmem:s31+$0x1880]  }
0x376: {  	v25 =	vld [tilespmem:s31+$0x110]  }
0x377: {  	[tilespmem:$0x1FED0] =	vst v0;
	v0 =	vld.idx.msk [tilespmem:v21+s11+$0x0], $0xffff  }
0x378: {  	v30 =	vld [tilespmem:s31+$0x1870]  }
0x379: {  	v29 =	vld [tilespmem:s31+$0x100]  }
0x37a: {  	v34 =	vld [tilespmem:s31+$0x1860]  }
0x37b: {  	v35 =	vld [tilespmem:s31+$0xF0]  }
0x37c: {  	[tilespmem:$0x1FEF0] =	vst v0;
	v0 =	vld.idx.msk [tilespmem:v20+s13+$0x0], $0xffff  }
0x37d: {  	v38 =	vld [tilespmem:s31+$0x1850]  }
0x37e: {  	v37 =	vld [tilespmem:s31+$0xE0]  }
0x37f: {  	v42 =	vld [tilespmem:s31+$0x1840]  }
0x380: {  	v41 =	vld [tilespmem:s31+$0xD0]  }
0x381: {  	[tilespmem:$0x1FF10] =	vst v0;
	v0 =	vld.idx.msk [tilespmem:v24+s11+$0x0], $0xffff  }
0x382: {  	v46 =	vld [tilespmem:s31+$0x1830]  }
0x383: {  	v45 =	vld [tilespmem:s31+$0xC0]  }
0x384: {  	v50 =	vld [tilespmem:s31+$0x1820]  }
0x385: {  	v49 =	vld [tilespmem:s31+$0xB0]  }
0x386: {  	[tilespmem:$0x1FF30] =	vst v0;
	v0 =	vld.idx.msk [tilespmem:v22+s13+$0x0], $0xffff  }
0x387: {  	v54 =	vld [tilespmem:s31+$0x1810]  }
0x388: {  	v53 =	vld [tilespmem:s31+$0xA0]  }
0x389: {  	v58 =	vld [tilespmem:s31+$0x1800]  }
0x38a: {  	v57 =	vld [tilespmem:s31+$0x90]  }
0x38b: {  	[tilespmem:$0x1FF50] =	vst v0;
	v0 =	vld.idx.msk [tilespmem:v26+s11+$0x0], $0xffff  }
0x38c: {  	v62 =	vld [tilespmem:s31+$0x17F0]  }
0x38d: {  	v61 =	vld [tilespmem:s31+$0x80]  }
0x38e: {  	v10 =	vld [tilespmem:s31+$0x17E0]  }
0x38f: {  	v9 =	vld [tilespmem:s31+$0x70]  }
0x390: {  	[tilespmem:$0x1FF60] =	vst v0;
	v0 =	vld.idx.msk [tilespmem:v25+s13+$0x0], $0xffff  }
0x391: {  	v2 =	vld [tilespmem:s31+$0x17D0]  }
0x392: {  	v1 =	vld [tilespmem:s31+$0x60]  }
0x393: {  	v23 =	vld [tilespmem:s31+$0x17C0]  }
0x394: {  	v3 =	vld [tilespmem:s31+$0x50]  }
0x395: {  	[tilespmem:$0x1FF80] =	vst v0;
	v0 =	vld.idx.msk [tilespmem:v30+s11+$0x0], $0xffff  }
0x396: {  	v5 =	vld [tilespmem:s31+$0x17B0]  }
0x397: {  	v4 =	vld [tilespmem:s31+$0x40]  }
0x398: {  	v28 =	vld [tilespmem:s31+$0x17A0]  }
0x399: {  	v27 =	vld [tilespmem:s31+$0x30]  }
0x39a: {  	[tilespmem:$0x1FF90] =	vst v0;
	v0 =	vld.idx.msk [tilespmem:v29+s13+$0x0], $0xffff  }
0x39b: {  	v32 =	vld [tilespmem:s31+$0x1790]  }
0x39c: {  	v31 =	vld [tilespmem:s31+$0x20]  }
0x39d: {  	v36 =	vld [tilespmem:s31+$0x1780]  }
0x39e: {  	v14 =	vld [tilespmem:s31+$0x10]  }
0x39f: {  	[tilespmem:$0x1FFA0] =	vst v0;
	v0 =	vld.idx.msk [tilespmem:v34+s11+$0x0], $0xffff  }
0x3a0: {  	v18 =	vld [tilespmem:s31+$0x1770]  }
0x3a1: {  	v15 =	vld [tilespmem:s31+$0x0]  }
0x3a2: {  	[tilespmem:$0x1FDA0] =	vst v6;
	v6 =	vld.idx.msk [tilespmem:v6+s11+$0x0], $0xffff  }
0x3a3: {  	v52 =	vld.idx.msk [tilespmem:v41+s13+$0x0], $0xffff  }
0x3a4: {  	[tilespmem:$0x1FFB0] =	vst v0;
	v0 =	vld.idx.msk [tilespmem:v35+s13+$0x0], $0xffff  }
0x3a5: {  	v55 =	vld.idx.msk [tilespmem:v46+s11+$0x0], $0xffff  }
0x3a6: {  	v56 =	vld.idx.msk [tilespmem:v45+s13+$0x0], $0xffff  }
0x3a7: {  	[tilespmem:$0x1FDE0] =	vst v8;
	v59 =	vld.idx.msk [tilespmem:v50+s11+$0x0], $0xffff  }
0x3a8: {  	[tilespmem:$0x1FE00] =	vst v7;
	v60 =	vld.idx.msk [tilespmem:v49+s13+$0x0], $0xffff  }
0x3a9: {  	[tilespmem:$0x1FFC0] =	vst v0;
	v0 =	vld.idx.msk [tilespmem:v38+s11+$0x0], $0xffff  }
0x3aa: {  	[tilespmem:$0x1FE20] =	vst v12;
	v63 =	vld.idx.msk [tilespmem:v54+s11+$0x0], $0xffff  }
0x3ab: {  	[tilespmem:$0x1FE40] =	vst v11;
	v39 =	vld.idx.msk [tilespmem:v5+s11+$0x0], $0xffff  }
0x3ac: {  	[tilespmem:$0x1FDB0] =	vst v6;
	v6 =	vld.idx.msk [tilespmem:v9+s13+$0x0], $0xffff  }
0x3ad: {  	[tilespmem:$0x1FE60] =	vst v16;
	v8 =	vld.idx.msk [tilespmem:v1+s13+$0x0], $0xffff  }
0x3ae: {  	[tilespmem:$0x1FFD0] =	vst v0;
	v0 =	vld.idx.msk [tilespmem:v37+s13+$0x0], $0xffff  }
0x3af: {  	[tilespmem:$0x1FE80] =	vst v13;
	v7 =	vld.idx.msk [tilespmem:v2+s11+$0x0], $0xffff  }
0x3b0: {  	[tilespmem:$0x1FEA0] =	vst v19;
	v12 =	vld.idx.msk [tilespmem:v58+s11+$0x0], $0xffff  }
0x3b1: {  	[tilespmem:$0x1FEC0] =	vst v17;
	v11 =	vld.idx.msk [tilespmem:v23+s11+$0x0], $0xffff  }
0x3b2: {  	[tilespmem:$0x1FEE0] =	vst v21;
	v19 =	vld.idx.msk [tilespmem:v62+s11+$0x0], $0xffff  }
0x3b3: {  	[tilespmem:$0x1FFE0] =	vst v0;
	v0 =	vld.idx.msk [tilespmem:v42+s11+$0x0], $0xffff  }
0x3b4: {  	[tilespmem:$0x1FF00] =	vst v20;
	v17 =	vld.idx.msk [tilespmem:v57+s13+$0x0], $0xffff  }
0x3b5: {  	[tilespmem:$0x1FF20] =	vst v24;
	v21 =	vld.idx.msk [tilespmem:v61+s13+$0x0], $0xffff  }
0x3b6: {  	[tilespmem:$0x1FF40] =	vst v22;
	v24 =	vld.idx.msk [tilespmem:v10+s11+$0x0], $0xffff  }
0x3b7: {  	[tilespmem:$0x1FF70] =	vst v25;
	v51 =	vmov v34;
	v34 =	vmov v35;
	v35 =	vld.idx.msk [tilespmem:v3+s13+$0x0], $0xffff  }
0x3b8: {  	s23 =	simm.s32 $0x640;
	v48 =	vmovc v26;
	v47 =	vmovc v30;
	v33 =	vmov v29;
	v16 =	vimm.f32 $0.0e+00;
	v13 =	vimm.f32 $0.0e+00;
	[tilespmem:$0x1FFF0] =	vst v0;
	v0 =	vld.idx.msk [tilespmem:v53+s13+$0x0], $0xffff  }
.LBB2_5:
0x3b9: {  	v20 =	vld.idx.msk [tilespmem:v4+s13+$0x0], $0xffff  }
0x3ba: {  	v40 =	vld.idx.msk [tilespmem:v28+s11+$0x0], $0xffff  }
0x3bb: {  	v22 =	vld.idx.msk [tilespmem:v27+s13+$0x0], $0xffff  }
0x3bc: {  	v25 =	vld.idx.msk [tilespmem:v32+s11+$0x0], $0xffff  }
0x3bd: {  	v5 =	vadd.s32 $0x2710, v5;
	v44 =	vld.idx.msk [tilespmem:v31+s13+$0x0], $0xffff  }
0x3be: {  	v43 =	vadd.s32 $0x2710, v18;
	v29 =	vld.idx.msk [tilespmem:v36+s11+$0x0], $0xffff  }
0x3bf: {  	v26 =	vadd.s32 $0x2710, v15;
	v30 =	vld.idx.msk [tilespmem:v14+s13+$0x0], $0xffff  }
0x3c0: {  	v36 =	vadd.s32 $0x2710, v36;
	v18 =	vld.idx.msk [tilespmem:v18+s11+$0x0], $0xffff  }
0x3c1: {  	v14 =	vadd.s32 $0x2710, v14;
	v15 =	vld.idx.msk [tilespmem:v15+s13+$0x0], $0xffff  }
0x3c2: {  	v32 =	vadd.s32 $0x2710, v32;
	v5 =	vld.idx.msk [tilespmem:v5+s11+$0x0], $0xffff  }
0x3c3: {  	v31 =	vadd.s32 $0x2710, v31;
	v43 =	vld.idx.msk [tilespmem:v43+s11+$0x0], $0xffff  }
0x3c4: {  	v28 =	vadd.s32 $0x2710, v28;
	v26 =	vld.idx.msk [tilespmem:v26+s13+$0x0], $0xffff  }
0x3c5: {  	v27 =	vadd.s32 $0x2710, v27;
	v36 =	vld.idx.msk [tilespmem:v36+s11+$0x0], $0xffff  }
0x3c6: {  	v4 =	vadd.s32 $0x2710, v4;
	v14 =	vld.idx.msk [tilespmem:v14+s13+$0x0], $0xffff  }
0x3c7: {  	v3 =	vadd.s32 $0x2710, v3;
	v32 =	vld.idx.msk [tilespmem:v32+s11+$0x0], $0xffff  }
0x3c8: {  	v23 =	vadd.s32 $0x2710, v23;
	v31 =	vld.idx.msk [tilespmem:v31+s13+$0x0], $0xffff;
	v15 =	vmul.f32 v15, v18  }
0x3c9: {  	v2 =	vadd.s32 $0x2710, v2;
	v1 =	vadd.s32 $0x2710, v1;
	v28 =	vld.idx.msk [tilespmem:v28+s11+$0x0], $0xffff;
	v18 =	vmul.f32 v26, v43  }
0x3ca: {  	v10 =	vadd.s32 $0x2710, v10;
	v15 =	vadd.f32 v15, v16;
	v26 =	vld.idx.msk [tilespmem:v27+s13+$0x0], $0xffff;
	v27 =	vmul.f32 v30, v29  }
0x3cb: {  	v9 =	vadd.s32 $0x2710, v9;
	v4 =	vld.idx.msk [tilespmem:v4+s13+$0x0], $0xffff;
	v14 =	vmul.f32 v14, v36;
	v13 =	vadd.f32 v18, v13  }
0x3cc: {  	v3 =	vld.idx.msk [tilespmem:v3+s13+$0x0], $0xffff;
	v22 =	vmul.f32 v22, v40;
	v16 =	vmul.f32 v44, v25;
	v15 =	vadd.f32 v27, v15  }
0x3cd: {  	v18 =	vld.idx.msk [tilespmem:v23+s11+$0x0], $0xffff;
	v23 =	vadd.s32 $0x2710, v62;
	v13 =	vadd.f32 v14, v13;
	v14 =	vmul.f32 v31, v32  }
0x3ce: {  	v2 =	vld.idx.msk [tilespmem:v2+s11+$0x0], $0xffff;
	v27 =	vadd.s32 $0x2710, v58;
	v15 =	vadd.f32 v16, v15;
	v16 =	vmul.f32 v20, v39  }
0x3cf: {  	v1 =	vld.idx.msk [tilespmem:v1+s13+$0x0], $0xffff;
	v20 =	vadd.s32 $0x2710, v57;
	v13 =	vadd.f32 v14, v13;
	v14 =	vmul.f32 v26, v28  }
0x3d0: {  	v7 =	vmul.f32 v8, v7;
	v10 =	vld.idx.msk [tilespmem:v10+s11+$0x0], $0xffff;
	v25 =	vadd.s32 $0x2710, v61;
	v4 =	vmul.f32 v4, v5  }
0x3d1: {  	v5 =	vld.idx.msk [tilespmem:v9+s13+$0x0], $0xffff;
	v26 =	vadd.s32 $0x2710, v54;
	v15 =	vadd.f32 v22, v15;
	v13 =	vadd.f32 v14, v13  }
0x3d2: {  	v9 =	vmul.f32 v35, v11;
	v22 =	vadd.s32 $0x2710, v50;
	v11 =	vld.idx.msk [tilespmem:v23+s11+$0x0], $0xffff;
	v14 =	vadd.s32 $0x2710, v53  }
0x3d3: {  	v3 =	vmul.f32 v3, v18;
	v8 =	vld.idx.msk [tilespmem:v27+s11+$0x0], $0xffff;
	v15 =	vadd.f32 v16, v15;
	v4 =	vadd.f32 v4, v13  }
0x3d4: {  	v1 =	vmul.f32 v1, v2;
	v16 =	vadd.s32 $0x2710, v49;
	v2 =	vld.idx.msk [tilespmem:v20+s13+$0x0], $0xffff  }
0x3d5: {  	v20 =	vadd.s32 $0x2710, v42;
	v13 =	vld.idx.msk [tilespmem:v25+s13+$0x0], $0xffff;
	v9 =	vadd.f32 v9, v15;
	v3 =	vadd.f32 v3, v4  }
0x3d6: {  	v18 =	vadd.s32 $0x2710, v46;
	v15 =	vadd.s32 $0x2710, v45;
	v4 =	vmul.f32 v6, v24;
	v6 =	vld.idx.msk [tilespmem:v26+s11+$0x0], $0xffff  }
0x3d7: {  	v7 =	vadd.f32 v7, v9;
	v1 =	vadd.f32 v1, v3;
	v3 =	vmul.f32 v5, v10;
	v5 =	vld.idx.msk [tilespmem:v14+s13+$0x0], $0xffff  }
0x3d8: {  	v9 =	vmul.f32 v21, v19;
	v19 =	vadd.s32 $0x2710, v38;
	v10 =	vld.idx.msk [tilespmem:v22+s11+$0x0], $0xffff  }
0x3d9: {  	v14 =	vadd.s32 $0x2710, v41;
	v4 =	vadd.f32 v4, v7;
	v7 =	vld.idx.msk [tilespmem:v16+s13+$0x0], $0xffff;
	v2 =	vmul.f32 v2, v8  }
0x3da: {  	v8 =	vld.idx.msk [tilespmem:v20+s11+$0x0], $0xffff;
	v1 =	vadd.f32 v3, v1;
	v3 =	vmul.f32 v13, v11;
	v13 =	vadd.s32 $0x2710, v37  }
0x3db: {  	v11 =	vmul.f32 v17, v12;
	v12 =	vld.idx.msk [tilespmem:v18+s11+$0x0], $0xffff;
	v4 =	vadd.f32 v9, v4  }
0x3dc: {  	v16 =	vadd.s32 $0x2710, v51;
	v1 =	vadd.f32 v3, v1;
	v3 =	vld.idx.msk [tilespmem:v15+s13+$0x0], $0xffff  }
0x3dd: {  	v0 =	vmul.f32 v0, v63;
	v4 =	vadd.f32 v11, v4;
	v11 =	vld.idx.msk [tilespmem:v19+s11+$0x0], $0xffff  }
0x3de: {  	v1 =	vadd.f32 v2, v1;
	v2 =	vmul.f32 v5, v6;
	v5 =	vld.idx.msk [tilespmem:v14+s13+$0x0], $0xffff  }
0x3df: {  	v9 =	vadd.s32 $0x2710, v34;
	v0 =	vadd.f32 v0, v4;
	v4 =	vld.idx.msk [tilespmem:v13+s13+$0x0], $0xffff  }
0x3e0: {  	v15 =	vadd.s32 $0x2710, v47;
	v13 =	vld [tilespmem:$0x1FF70]  }
0x3e1: {  	v6 =	vmul.f32 v60, v59;
	v1 =	vadd.f32 v2, v1;
	v2 =	vmul.f32 v7, v10;
	v10 =	vld.idx.msk [tilespmem:v16+s11+$0x0], $0xffff  }
0x3e2: {  	v16 =	vld [tilespmem:$0x1FF20]  }
0x3e3: {  	v0 =	vadd.f32 v6, v0;
	v6 =	vld [tilespmem:$0x1FFF0]  }
0x3e4: {  	v14 =	vadd.s32 $0x2710, v33;
	v1 =	vadd.f32 v2, v1;
	v2 =	vmul.f32 v3, v12;
	v3 =	vld.idx.msk [tilespmem:v9+s13+$0x0], $0xffff  }
0x3e5: {  	v9 =	vld.idx.msk [tilespmem:v15+s11+$0x0], $0xffff  }
0x3e6: {  	v7 =	vmul.f32 v56, v55;
	v12 =	vld [tilespmem:$0x1FF40]  }
0x3e7: {  	v15 =	vld [tilespmem:$0x1FEE0]  }
0x3e8: {  	v0 =	vadd.f32 v7, v0;
	v7 =	vld [tilespmem:$0x1FFD0]  }
0x3e9: {  	v1 =	vadd.f32 v2, v1;
	v2 =	vmul.f32 v5, v8;
	v5 =	vld.idx.msk [tilespmem:v14+s13+$0x0], $0xffff  }
0x3ea: {  	v17 =	vadd.s32 $0x2710, v48;
	v8 =	vld [tilespmem:$0x1FFE0]  }
0x3eb: {  	v14 =	vld [tilespmem:$0x1FF00];
	v6 =	vmul.f32 v52, v6  }
0x3ec: {  	v13 =	vadd.s32 $0x2710, v13;
	v1 =	vadd.f32 v2, v1;
	v2 =	vmul.f32 v4, v11;
	v11 =	vld [tilespmem:$0x1FFC0]  }
0x3ed: {  	v0 =	vadd.f32 v6, v0;
	v6 =	vld [tilespmem:$0x1FFB0]  }
0x3ee: {  	v1 =	vadd.f32 v2, v1;
	v2 =	vmul.f32 v3, v10;
	v10 =	vld [tilespmem:$0x1FFA0]  }
0x3ef: {  	v7 =	vmul.f32 v8, v7;
	v8 =	vld.idx.msk [tilespmem:v17+s11+$0x0], $0xffff  }
0x3f0: {  	v16 =	vadd.s32 $0x2710, v16;
	v17 =	vld [tilespmem:$0x1FEA0]  }
0x3f1: {  	v4 =	vld.idx.msk [tilespmem:v13+s13+$0x0], $0xffff  }
0x3f2: {  	v12 =	vadd.s32 $0x2710, v12;
	v13 =	vld [tilespmem:$0x1FEC0]  }
0x3f3: {  	v1 =	vadd.f32 v2, v1;
	v2 =	vmul.f32 v5, v9;
	v9 =	vld [tilespmem:$0x1FF80]  }
0x3f4: {  	v14 =	vadd.s32 $0x2710, v14;
	v0 =	vadd.f32 v7, v0;
	v7 =	vld [tilespmem:$0x1FF90]  }
0x3f5: {  	v6 =	vmul.f32 v11, v6;
	v11 =	vld.idx.msk [tilespmem:v16+s11+$0x0], $0xffff  }
0x3f6: {  	v16 =	vld [tilespmem:$0x1FE60]  }
0x3f7: {  	v3 =	vld.idx.msk [tilespmem:v12+s13+$0x0], $0xffff  }
0x3f8: {  	v15 =	vadd.s32 $0x2710, v15;
	v12 =	vld [tilespmem:$0x1FE80]  }
0x3f9: {  	v5 =	vld.idx.msk [tilespmem:v14+s13+$0x0], $0xffff  }
0x3fa: {  	v0 =	vadd.f32 v6, v0;
	v6 =	vld [tilespmem:$0x1FF60]  }
0x3fb: {  	v14 =	vld [tilespmem:$0x1FE40]  }
0x3fc: {  	v1 =	vadd.f32 v2, v1;
	v17 =	vadd.s32 $0x2710, v17;
	v2 =	vmul.f32 v4, v8;
	v8 =	vld [tilespmem:$0x1FF50]  }
0x3fd: {  	v7 =	vmul.f32 v10, v7;
	v10 =	vld.idx.msk [tilespmem:v15+s11+$0x0], $0xffff  }
0x3fe: {  	v13 =	vadd.s32 $0x2710, v13;
	v15 =	vld [tilespmem:$0x1FE20]  }
0x3ff: {  	v1 =	vadd.f32 v2, v1;
	v2 =	vmul.f32 v3, v11;
	v11 =	vld [tilespmem:$0x1FF10]  }
0x400: {  	v0 =	vadd.f32 v7, v0;
	v7 =	vld [tilespmem:$0x1FF30]  }
0x401: {  	v6 =	vmul.f32 v9, v6;
	v9 =	vld.idx.msk [tilespmem:v17+s11+$0x0], $0xffff  }
0x402: {  	v12 =	vadd.s32 $0x2710, v12;
	v17 =	vld [tilespmem:$0x1FDE0]  }
0x403: {  	v4 =	vld.idx.msk [tilespmem:v13+s13+$0x0], $0xffff  }
0x404: {  	v16 =	vadd.s32 $0x2710, v16;
	v13 =	vld [tilespmem:$0x1FE00]  }
0x405: {  	v0 =	vadd.f32 v6, v0;
	v6 =	vld [tilespmem:$0x1FEF0]  }
0x406: {  	v1 =	vadd.f32 v2, v1;
	v2 =	vmul.f32 v5, v10;
	v10 =	vld [tilespmem:$0x1FED0]  }
0x407: {  	v14 =	vadd.s32 $0x2710, v14;
	v3 =	vld.idx.msk [tilespmem:v12+s13+$0x0], $0xffff  }
0x408: {  	v12 =	vld [tilespmem:$0x1FDC0]  }
0x409: {  	v15 =	vadd.s32 $0x2710, v15;
	v7 =	vmul.f32 v8, v7;
	v8 =	vld.idx.msk [tilespmem:v16+s11+$0x0], $0xffff  }
0x40a: {  	v16 =	vld [tilespmem:$0x1FDA0]  }
0x40b: {  	v0 =	vadd.f32 v7, v0;
	v7 =	vld [tilespmem:$0x1FEB0]  }
0x40c: {  	v13 =	vadd.s32 $0x2710, v13;
	v5 =	vld.idx.msk [tilespmem:v14+s13+$0x0], $0xffff  }
0x40d: {  	v1 =	vadd.f32 v2, v1;
	v2 =	vmul.f32 v4, v9;
	v9 =	vld [tilespmem:$0x1FE90];
	v6 =	vmul.f32 v11, v6  }
0x40e: {  	v17 =	vadd.s32 $0x2710, v17;
	v11 =	vld.idx.msk [tilespmem:v15+s11+$0x0], $0xffff  }
0x40f: {  	v1 =	vadd.f32 v2, v1;
	v0 =	vadd.f32 v6, v0;
	v6 =	vld [tilespmem:$0x1FE70]  }
0x410: {  	v12 =	vadd.s32 $0x2710, v12;
	v2 =	vmul.f32 v3, v8;
	v8 =	vld [tilespmem:$0x1FE50];
	v7 =	vmul.f32 v10, v7  }
0x411: {  	v4 =	vld.idx.msk [tilespmem:v13+s13+$0x0], $0xffff  }
0x412: {  	v0 =	vadd.f32 v7, v0;
	v7 =	vld [tilespmem:$0x1FE30]  }
0x413: {  	v10 =	vld.idx.msk [tilespmem:v17+s11+$0x0], $0xffff  }
0x414: {  	v1 =	vadd.f32 v2, v1;
	v2 =	vmul.f32 v5, v11;
	v5 =	vld [tilespmem:$0x1FDF0]  }
0x415: {  	s24 =	sshra.s32 s23, $0x2;
	v3 =	vld.idx.msk [tilespmem:v12+s13+$0x0], $0xffff;
	v6 =	vmul.f32 v9, v6  }
0x416: {  	v12 =	vld [tilespmem:s24+$0x18F0]  }
0x417: {  	v0 =	vadd.f32 v6, v0;
	v6 =	vld [tilespmem:$0x1FE10];
	v7 =	vmul.f32 v8, v7  }
0x418: {  	v1 =	vadd.f32 v2, v1;
	v2 =	vmul.f32 v4, v10;
	v4 =	vld [tilespmem:$0x1FDB0]  }
0x419: {  	v0 =	vadd.f32 v7, v0;
	v7 =	vld [tilespmem:$0x1FDD0]  }
0x41a: {  	v16 =	vadd.s32 $0x2710, v16;
	_ =	sdelay $0x1  }
0x41b: {  	v5 =	vmul.f32 v6, v5  }
0x41c: {  	v8 =	vld [tilespmem:s24+$0x180]  }
0x41d: {  	v0 =	vadd.f32 v5, v0;
	v4 =	vmul.f32 v7, v4  }
0x41e: {  	v9 =	vld.idx.msk [tilespmem:v16+s11+$0x0], $0xffff  }
0x41f: {  	v16 =	vadd.f32 v4, v0;
	v0 =	vld.idx.msk [tilespmem:v12+s11+$0x0], $0xffff;
	_ =	sdelay $0x1  }
0x420: {  	v11 =	vld [tilespmem:s24+$0x18E0];
	_ =	sdelay $0x2  }
0x421: {  	[tilespmem:$0x1FDB0] =	vst v0;
	v0 =	vld.idx.msk [tilespmem:v8+s13+$0x0], $0xffff;
	_ =	sdelay $0x1  }
0x422: {  	v6 =	vld [tilespmem:s24+$0x170];
	_ =	sdelay $0x2  }
0x423: {  	[tilespmem:$0x1FDD0] =	vst v0;
	v0 =	vld.idx.msk [tilespmem:v11+s11+$0x0], $0xffff;
	_ =	sdelay $0x1  }
0x424: {  	v17 =	vld [tilespmem:s24+$0x18D0];
	_ =	sdelay $0x2  }
0x425: {  	[tilespmem:$0x1FDF0] =	vst v0;
	v0 =	vld.idx.msk [tilespmem:v6+s13+$0x0], $0xffff;
	_ =	sdelay $0x1  }
0x426: {  	v7 =	vld [tilespmem:s24+$0x160];
	_ =	sdelay $0x2  }
0x427: {  	[tilespmem:$0x1FE10] =	vst v0;
	v0 =	vld.idx.msk [tilespmem:v17+s11+$0x0], $0xffff;
	_ =	sdelay $0x1  }
0x428: {  	v20 =	vld [tilespmem:s24+$0x18C0];
	_ =	sdelay $0x2  }
0x429: {  	[tilespmem:$0x1FE30] =	vst v0;
	v0 =	vld.idx.msk [tilespmem:v7+s13+$0x0], $0xffff;
	_ =	sdelay $0x1  }
0x42a: {  	v19 =	vld [tilespmem:s24+$0x150];
	_ =	sdelay $0x2  }
0x42b: {  	[tilespmem:$0x1FE50] =	vst v0;
	v0 =	vld.idx.msk [tilespmem:v20+s11+$0x0], $0xffff;
	_ =	sdelay $0x1  }
0x42c: {  	v22 =	vld [tilespmem:s24+$0x18B0];
	_ =	sdelay $0x2  }
0x42d: {  	[tilespmem:$0x1FE70] =	vst v0;
	v0 =	vld.idx.msk [tilespmem:v19+s13+$0x0], $0xffff;
	_ =	sdelay $0x1  }
0x42e: {  	v21 =	vld [tilespmem:s24+$0x140];
	_ =	sdelay $0x2  }
0x42f: {  	[tilespmem:$0x1FE90] =	vst v0;
	v0 =	vld.idx.msk [tilespmem:v22+s11+$0x0], $0xffff;
	_ =	sdelay $0x1  }
0x430: {  	v25 =	vld [tilespmem:s24+$0x18A0];
	_ =	sdelay $0x2  }
0x431: {  	[tilespmem:$0x1FEB0] =	vst v0;
	v0 =	vld.idx.msk [tilespmem:v21+s13+$0x0], $0xffff  }
0x432: {  	v40 =	vld [tilespmem:s24+$0xF0]  }
0x433: {  	v24 =	vld [tilespmem:s24+$0x130]  }
0x434: {  	v61 =	vld [tilespmem:s24+$0x80]  }
0x435: {  	v29 =	vld [tilespmem:s24+$0x1890]  }
0x436: {  	[tilespmem:$0x1FED0] =	vst v0;
	v0 =	vld.idx.msk [tilespmem:v25+s11+$0x0], $0xffff  }
0x437: {  	v35 =	vld [tilespmem:s24+$0x1880]  }
0x438: {  	v30 =	vld [tilespmem:s24+$0x110]  }
0x439: {  	v36 =	vld [tilespmem:s24+$0x1780]  }
0x43a: {  	v58 =	vld [tilespmem:s24+$0x1800]  }
0x43b: {  	[tilespmem:$0x1FEF0] =	vst v0;
	v0 =	vld.idx.msk [tilespmem:v24+s13+$0x0], $0xffff  }
0x43c: {  	v62 =	vld [tilespmem:s24+$0x17F0]  }
0x43d: {  	v26 =	vld [tilespmem:s24+$0x120]  }
0x43e: {  	v39 =	vld [tilespmem:s24+$0x100]  }
0x43f: {  	v57 =	vld [tilespmem:s24+$0x90]  }
0x440: {  	[tilespmem:$0x1FF10] =	vst v0;
	v0 =	vld.idx.msk [tilespmem:v29+s11+$0x0], $0xffff  }
0x441: {  	v32 =	vld [tilespmem:s24+$0x1790]  }
0x442: {  	v31 =	vld [tilespmem:s24+$0x20]  }
0x443: {  	v50 =	vld [tilespmem:s24+$0x1820]  }
0x444: {  	v54 =	vld [tilespmem:s24+$0x1810]  }
0x445: {  	[tilespmem:$0x1FF30] =	vst v0;
	v0 =	vld.idx.msk [tilespmem:v26+s13+$0x0], $0xffff  }
0x446: {  	v28 =	vld [tilespmem:s24+$0x17A0]  }
0x447: {  	v46 =	vld [tilespmem:s24+$0x1830]  }
0x448: {  	v23 =	vld [tilespmem:s24+$0x17C0]  }
0x449: {  	v27 =	vld [tilespmem:s24+$0x30]  }
0x44a: {  	[tilespmem:$0x1FF50] =	vst v0;
	v0 =	vld.idx.msk [tilespmem:v35+s11+$0x0], $0xffff  }
0x44b: {  	v49 =	vld [tilespmem:s24+$0xB0]  }
0x44c: {  	v33 =	vld [tilespmem:s24+$0x1870]  }
0x44d: {  	v53 =	vld [tilespmem:s24+$0xA0]  }
0x44e: {  	v42 =	vld [tilespmem:s24+$0x1840]  }
0x44f: {  	[tilespmem:$0x1FF60] =	vst v0;
	v0 =	vld.idx.msk [tilespmem:v30+s13+$0x0], $0xffff  }
0x450: {  	v45 =	vld [tilespmem:s24+$0xC0]  }
0x451: {  	v38 =	vld [tilespmem:s24+$0x1850]  }
0x452: {  	v41 =	vld [tilespmem:s24+$0xD0]  }
0x453: {  	v63 =	vld.idx.msk [tilespmem:v54+s11+$0x0], $0xffff  }
0x454: {  	[tilespmem:$0x1FF80] =	vst v0;
	v0 =	vld.idx.msk [tilespmem:v33+s11+$0x0], $0xffff  }
0x455: {  	v34 =	vld [tilespmem:s24+$0x1860]  }
0x456: {  	v37 =	vld [tilespmem:s24+$0xE0]  }
0x457: {  	v18 =	vld [tilespmem:s24+$0x1770]  }
0x458: {  	v59 =	vld.idx.msk [tilespmem:v50+s11+$0x0], $0xffff  }
0x459: {  	[tilespmem:$0x1FF90] =	vst v0;
	v0 =	vld.idx.msk [tilespmem:v39+s13+$0x0], $0xffff  }
0x45a: {  	v60 =	vld.idx.msk [tilespmem:v49+s13+$0x0], $0xffff  }
0x45b: {  	v55 =	vld.idx.msk [tilespmem:v46+s11+$0x0], $0xffff  }
0x45c: {  	v56 =	vld.idx.msk [tilespmem:v45+s13+$0x0], $0xffff  }
0x45d: {  	v52 =	vld.idx.msk [tilespmem:v41+s13+$0x0], $0xffff  }
0x45e: {  	[tilespmem:$0x1FFA0] =	vst v0;
	v0 =	vld.idx.msk [tilespmem:v34+s11+$0x0], $0xffff  }
0x45f: {  	v14 =	vld [tilespmem:s24+$0x10]  }
0x460: {  	v15 =	vld [tilespmem:s24+$0x0];
	v1 =	vadd.f32 v2, v1;
	v2 =	vmul.f32 v3, v9  }
0x461: {  	v10 =	vld [tilespmem:s24+$0x17E0]  }
0x462: {  	v13 =	vadd.f32 v2, v1;
	v1 =	vld [tilespmem:s24+$0x60]  }
0x463: {  	[tilespmem:$0x1FFB0] =	vst v0;
	v0 =	vld.idx.msk [tilespmem:v40+s13+$0x0], $0xffff  }
0x464: {  	v9 =	vld [tilespmem:s24+$0x70]  }
0x465: {  	[tilespmem:$0x1FF70] =	vst v30;
	v3 =	vld [tilespmem:s24+$0x50]  }
0x466: {  	[tilespmem:$0x1FF20] =	vst v29;
	v2 =	vld [tilespmem:s24+$0x17D0]  }
0x467: {  	[tilespmem:$0x1FEE0] =	vst v25;
	v5 =	vld [tilespmem:s24+$0x17B0]  }
0x468: {  	[tilespmem:$0x1FFC0] =	vst v0;
	v0 =	vld.idx.msk [tilespmem:v38+s11+$0x0], $0xffff  }
0x469: {  	[tilespmem:$0x1FF40] =	vst v26;
	v4 =	vld [tilespmem:s24+$0x40]  }
0x46a: {  	[tilespmem:$0x1FDA0] =	vst v12;
	v12 =	vld.idx.msk [tilespmem:v58+s11+$0x0], $0xffff  }
0x46b: {  	[tilespmem:$0x1FDC0] =	vst v8;
	v8 =	vld.idx.msk [tilespmem:v1+s13+$0x0], $0xffff  }
0x46c: {  	[tilespmem:$0x1FDE0] =	vst v11;
	v11 =	vld.idx.msk [tilespmem:v23+s11+$0x0], $0xffff  }
0x46d: {  	[tilespmem:$0x1FFD0] =	vst v0;
	v0 =	vld.idx.msk [tilespmem:v37+s13+$0x0], $0xffff  }
0x46e: {  	[tilespmem:$0x1FE00] =	vst v6;
	v6 =	vld.idx.msk [tilespmem:v9+s13+$0x0], $0xffff  }
0x46f: {  	[tilespmem:$0x1FE20] =	vst v17;
	v17 =	vld.idx.msk [tilespmem:v57+s13+$0x0], $0xffff  }
0x470: {  	[tilespmem:$0x1FE40] =	vst v7;
	v7 =	vld.idx.msk [tilespmem:v2+s11+$0x0], $0xffff  }
0x471: {  	[tilespmem:$0x1FE80] =	vst v19;
	v19 =	vld.idx.msk [tilespmem:v62+s11+$0x0], $0xffff  }
0x472: {  	p0 =	seq.s32 s23, $0x1900;
	[tilespmem:$0x1FFE0] =	vst v0;
	v0 =	vld.idx.msk [tilespmem:v42+s11+$0x0], $0xffff  }
.Ltmp10:
0x473: {  	[tilespmem:$0x1FEC0] =	vst v21;
	v21 =	vld.idx.msk [tilespmem:v61+s13+$0x0], $0xffff;
	(pc) =	sbr.rel @!p0 .LBB2_5-.Ltmp10, $4  }
0x474: {  	[tilespmem:$0x1FF00] =	vst v24;
	v24 =	vld.idx.msk [tilespmem:v10+s11+$0x0], $0xffff  }
0x475: {  	v48 =	vmov v35;
	[tilespmem:$0x1FEA0] =	vst v22;
	v35 =	vld.idx.msk [tilespmem:v3+s13+$0x0], $0xffff  }
0x476: {  	v47 =	vmov v33;
	[tilespmem:$0x1FE60] =	vst v20;
	v33 =	vmov v39;
	v39 =	vld.idx.msk [tilespmem:v5+s11+$0x0], $0xffff  }
0x477: {  	s23 =	sadd.s32 $0x640, s23;
	v51 =	vmov v34;
	v34 =	vmov v40;
	[tilespmem:$0x1FFF0] =	vst v0;
	v0 =	vld.idx.msk [tilespmem:v53+s13+$0x0], $0xffff  }
0x478: {  	_ =	sdelay $0x3  }
0x479: {  	v20 =	vadd.s32 $0x2710, v18;
	v18 =	vld.idx.msk [tilespmem:v18+s11+$0x0], $0xffff  }
0x47a: {  	v25 =	vld.idx.msk [tilespmem:v36+s11+$0x0], $0xffff  }
0x47b: {  	v22 =	vadd.s32 $0x2710, v15;
	v15 =	vld.idx.msk [tilespmem:v15+s13+$0x0], $0xffff  }
0x47c: {  	v29 =	vld.idx.msk [tilespmem:v14+s13+$0x0], $0xffff  }
0x47d: {  	v30 =	vld.idx.msk [tilespmem:v32+s11+$0x0], $0xffff  }
0x47e: {  	v26 =	vadd.s32 $0x2710, v36;
	v36 =	vld.idx.msk [tilespmem:v31+s13+$0x0], $0xffff  }
0x47f: {  	v40 =	vld.idx.msk [tilespmem:v28+s11+$0x0], $0xffff  }
0x480: {  	v43 =	vld.idx.msk [tilespmem:v27+s13+$0x0], $0xffff  }
0x481: {  	v44 =	vld.idx.msk [tilespmem:v4+s13+$0x0], $0xffff  }
0x482: {  	v60 =	vmul.f32 v60, v59;
	v59 =	vld [tilespmem:$0x1FE50]  }
0x483: {  	v14 =	vadd.s32 $0x2710, v14;
	v6 =	vmul.f32 v6, v24;
	v24 =	vld [tilespmem:$0x1FF40]  }
0x484: {  	v32 =	vadd.s32 $0x2710, v32;
	v0 =	vmul.f32 v0, v63;
	v63 =	vadd.s32 $0x2710, v33;
	v33 =	vld [tilespmem:$0x1FEC0]  }
0x485: {  	v31 =	vadd.s32 $0x2710, v31;
	v20 =	vld.idx.msk [tilespmem:v20+s11+$0x0], $0xffff  }
0x486: {  	v5 =	vadd.s32 $0x2710, v5;
	v22 =	vld.idx.msk [tilespmem:v22+s13+$0x0], $0xffff  }
0x487: {  	v4 =	vadd.s32 $0x2710, v4;
	v26 =	vld.idx.msk [tilespmem:v26+s11+$0x0], $0xffff  }
0x488: {  	v3 =	vadd.s32 $0x2710, v3;
	v14 =	vld.idx.msk [tilespmem:v14+s13+$0x0], $0xffff  }
0x489: {  	v2 =	vadd.s32 $0x2710, v2;
	v32 =	vld.idx.msk [tilespmem:v32+s11+$0x0], $0xffff  }
0x48a: {  	v1 =	vadd.s32 $0x2710, v1;
	v31 =	vld.idx.msk [tilespmem:v31+s13+$0x0], $0xffff  }
0x48b: {  	v9 =	vadd.s32 $0x2710, v9;
	v5 =	vld.idx.msk [tilespmem:v5+s11+$0x0], $0xffff  }
0x48c: {  	v4 =	vld.idx.msk [tilespmem:v4+s13+$0x0], $0xffff  }
0x48d: {  	v3 =	vld.idx.msk [tilespmem:v3+s13+$0x0], $0xffff  }
0x48e: {  	v28 =	vadd.s32 $0x2710, v28;
	v10 =	vadd.s32 $0x2710, v10;
	v2 =	vld.idx.msk [tilespmem:v2+s11+$0x0], $0xffff  }
0x48f: {  	v27 =	vadd.s32 $0x2710, v27;
	v23 =	vadd.s32 $0x2710, v23;
	v15 =	vmul.f32 v15, v18;
	v1 =	vld.idx.msk [tilespmem:v1+s13+$0x0], $0xffff  }
0x490: {  	v25 =	vmul.f32 v29, v25;
	v29 =	vmul.f32 v36, v30;
	v36 =	vadd.s32 $0x2710, v62;
	v9 =	vld.idx.msk [tilespmem:v9+s13+$0x0], $0xffff  }
0x491: {  	v62 =	vadd.s32 $0x2710, v58;
	v58 =	vadd.s32 $0x2710, v34;
	v34 =	vld [tilespmem:$0x1FF90];
	v15 =	vadd.f32 v15, v16  }
0x492: {  	v18 =	vmul.f32 v56, v55;
	v56 =	vld [tilespmem:$0x1FE70]  }
0x493: {  	v15 =	vadd.f32 v25, v15;
	v25 =	vld.idx.msk [tilespmem:v10+s11+$0x0], $0xffff  }
0x494: {  	v20 =	vmul.f32 v22, v20;
	v22 =	vld.idx.msk [tilespmem:v28+s11+$0x0], $0xffff  }
0x495: {  	v28 =	vld.idx.msk [tilespmem:v27+s13+$0x0], $0xffff  }
0x496: {  	v30 =	vmul.f32 v31, v32;
	v31 =	vld.idx.msk [tilespmem:v23+s11+$0x0], $0xffff  }
0x497: {  	v32 =	vmul.f32 v43, v40;
	v1 =	vmul.f32 v1, v2;
	v2 =	vld.idx.msk [tilespmem:v62+s11+$0x0], $0xffff  }
0x498: {  	v43 =	vadd.s32 $0x2710, v61;
	v61 =	vmul.f32 v44, v39;
	v44 =	vmul.f32 v21, v19;
	v21 =	vld [tilespmem:$0x1FFF0]  }
0x499: {  	v19 =	vadd.s32 $0x2710, v48;
	v48 =	vld [tilespmem:$0x1FEF0]  }
0x49a: {  	v14 =	vmul.f32 v14, v26;
	v26 =	vadd.s32 $0x2710, v57;
	v15 =	vadd.f32 v29, v15;
	v29 =	vld.idx.msk [tilespmem:v36+s11+$0x0], $0xffff  }
0x49b: {  	v36 =	vadd.s32 $0x2710, v49;
	v49 =	vadd.s32 $0x2710, v41;
	v41 =	vld [tilespmem:$0x1FE20]  }
0x49c: {  	v13 =	vadd.f32 v20, v13;
	v20 =	vld [tilespmem:$0x1FF70]  }
0x49d: {  	v15 =	vadd.f32 v32, v15;
	v32 =	vadd.s32 $0x2710, v50;
	v50 =	vadd.s32 $0x2710, v38;
	v38 =	vld [tilespmem:$0x1FE80]  }
0x49e: {  	v11 =	vmul.f32 v35, v11;
	v35 =	vld.idx.msk [tilespmem:v43+s13+$0x0], $0xffff  }
0x49f: {  	v10 =	vld.idx.msk [tilespmem:v26+s13+$0x0], $0xffff  }
0x4a0: {  	v40 =	vmul.f32 v28, v22;
	v22 =	vld [tilespmem:$0x1FF20]  }
0x4a1: {  	v27 =	vadd.f32 v61, v15;
	v26 =	vld [tilespmem:$0x1FFE0]  }
0x4a2: {  	v61 =	vadd.s32 $0x2710, v47;
	v47 =	vld [tilespmem:$0x1FE00]  }
0x4a3: {  	v3 =	vmul.f32 v3, v31;
	v31 =	vadd.f32 v11, v27;
	v27 =	vld [tilespmem:$0x1FEE0]  }
0x4a4: {  	v28 =	vadd.s32 $0x2710, v54;
	v11 =	vld.idx.msk [tilespmem:v32+s11+$0x0], $0xffff  }
0x4a5: {  	v13 =	vadd.f32 v14, v13;
	v43 =	vadd.s32 $0x2710, v45;
	v45 =	vadd.s32 $0x2710, v42;
	v62 =	vld.idx.msk [tilespmem:v50+s11+$0x0], $0xffff  }
0x4a6: {  	v7 =	vmul.f32 v8, v7;
	v32 =	vld [tilespmem:$0x1FEA0]  }
0x4a7: {  	v13 =	vadd.f32 v30, v13;
	v50 =	vld [tilespmem:$0x1FDA0]  }
0x4a8: {  	v7 =	vadd.f32 v7, v31;
	v31 =	vld [tilespmem:$0x1FFC0]  }
0x4a9: {  	v4 =	vmul.f32 v4, v5;
	v13 =	vadd.f32 v40, v13;
	v40 =	vld.idx.msk [tilespmem:v28+s11+$0x0], $0xffff  }
0x4aa: {  	v57 =	vld.idx.msk [tilespmem:v45+s11+$0x0], $0xffff  }
0x4ab: {  	v4 =	vadd.f32 v4, v13;
	v13 =	vld.idx.msk [tilespmem:v49+s13+$0x0], $0xffff  }
0x4ac: {  	v23 =	vld.idx.msk [tilespmem:v61+s11+$0x0], $0xffff  }
0x4ad: {  	v30 =	vadd.s32 $0x2710, v53;
	v28 =	vld.idx.msk [tilespmem:v19+s11+$0x0], $0xffff  }
0x4ae: {  	v53 =	vadd.s32 $0x2710, v37;
	v45 =	vld [tilespmem:$0x1FF50]  }
0x4af: {  	v49 =	vld [tilespmem:$0x1FF10]  }
0x4b0: {  	v2 =	vmul.f32 v10, v2;
	v10 =	vmul.f32 v52, v21;
	v52 =	vld [tilespmem:$0x1FDC0]  }
0x4b1: {  	v61 =	vld [tilespmem:$0x1FE10]  }
0x4b2: {  	v39 =	vadd.s32 $0x2710, v46;
	v46 =	vld.idx.msk [tilespmem:v30+s13+$0x0], $0xffff  }
0x4b3: {  	v8 =	vld.idx.msk [tilespmem:v53+s13+$0x0], $0xffff  }
0x4b4: {  	v6 =	vadd.f32 v6, v7;
	v7 =	vld.idx.msk [tilespmem:v58+s13+$0x0], $0xffff  }
0x4b5: {  	v30 =	vld [tilespmem:$0x1FFB0]  }
0x4b6: {  	v53 =	vld [tilespmem:$0x1FEB0]  }
0x4b7: {  	v58 =	vld [tilespmem:$0x1FE30]  }
0x4b8: {  	v3 =	vadd.f32 v3, v4;
	v4 =	vld.idx.msk [tilespmem:v36+s13+$0x0], $0xffff  }
0x4b9: {  	v36 =	vld [tilespmem:$0x1FE60]  }
0x4ba: {  	v6 =	vadd.f32 v44, v6;
	v44 =	vld [tilespmem:$0x1FF30]  }
0x4bb: {  	v1 =	vadd.f32 v1, v3;
	v3 =	vmul.f32 v9, v25;
	v9 =	vld.idx.msk [tilespmem:v43+s13+$0x0], $0xffff  }
0x4bc: {  	v12 =	vmul.f32 v17, v12;
	v25 =	vld [tilespmem:$0x1FFD0]  }
0x4bd: {  	v43 =	vld [tilespmem:$0x1FE40]  }
0x4be: {  	v6 =	vadd.f32 v12, v6;
	v1 =	vadd.f32 v3, v1;
	v3 =	vmul.f32 v35, v29;
	v29 =	vld [tilespmem:$0x1FF00]  }
0x4bf: {  	v35 =	vld [tilespmem:$0x1FFA0]  }
0x4c0: {  	v0 =	vadd.f32 v0, v6;
	v1 =	vadd.f32 v3, v1;
	v3 =	vld.idx.msk [tilespmem:v39+s11+$0x0], $0xffff  }
0x4c1: {  	v54 =	vadd.s32 $0x2710, v51;
	v6 =	vadd.s32 $0x2710, v24;
	v39 =	vld [tilespmem:$0x1FF60]  }
0x4c2: {  	v0 =	vadd.f32 v60, v0;
	v60 =	vld [tilespmem:$0x1FDF0];
	v1 =	vadd.f32 v2, v1;
	v2 =	vmul.f32 v46, v40  }
0x4c3: {  	v40 =	vld [tilespmem:$0x1FF80]  }
0x4c4: {  	v46 =	vld [tilespmem:$0x1FDE0];
	v1 =	vadd.f32 v2, v1;
	v2 =	vmul.f32 v4, v11  }
0x4c5: {  	v0 =	vadd.f32 v18, v0;
	v11 =	vld.idx.msk [tilespmem:v63+s13+$0x0], $0xffff  }
0x4c6: {  	v6 =	vld.idx.msk [tilespmem:v6+s13+$0x0], $0xffff;
	v1 =	vadd.f32 v2, v1;
	v2 =	vmul.f32 v9, v3;
	v9 =	vadd.s32 $0x2710, v20  }
0x4c7: {  	v0 =	vadd.f32 v10, v0;
	v10 =	vadd.s32 $0x2710, v27;
	v3 =	vld.idx.msk [tilespmem:v54+s11+$0x0], $0xffff  }
0x4c8: {  	v14 =	vadd.s32 $0x2710, v22;
	v63 =	vld [tilespmem:$0x1FDD0];
	v1 =	vadd.f32 v2, v1;
	v2 =	vmul.f32 v13, v57  }
0x4c9: {  	v54 =	vld [tilespmem:$0x1FED0];
	v13 =	vmul.f32 v26, v25  }
0x4ca: {  	v57 =	vld [tilespmem:$0x1FE90];
	v1 =	vadd.f32 v2, v1;
	v2 =	vmul.f32 v8, v62;
	v8 =	vadd.s32 $0x2710, v29  }
0x4cb: {  	v12 =	vmul.f32 v31, v30;
	v0 =	vadd.f32 v13, v0;
	v13 =	vadd.s32 $0x2710, v32;
	v9 =	vld.idx.msk [tilespmem:v9+s13+$0x0], $0xffff  }
0x4cc: {  	v37 =	vld.idx.msk [tilespmem:v10+s11+$0x0], $0xffff;
	v1 =	vadd.f32 v2, v1;
	v2 =	vmul.f32 v7, v3;
	v7 =	vadd.s32 $0x2710, v33  }
0x4cd: {  	v10 =	vadd.s32 $0x2710, v38;
	v3 =	vld.idx.msk [tilespmem:v14+s11+$0x0], $0xffff;
	v14 =	vmul.f32 v35, v34;
	v0 =	vadd.f32 v12, v0  }
0x4ce: {  	v62 =	vld [tilespmem:$0x1FDB0];
	v12 =	vadd.s32 $0x2710, v36;
	v1 =	vadd.f32 v2, v1;
	v2 =	vmul.f32 v11, v23  }
0x4cf: {  	v11 =	vmul.f32 v40, v39;
	v0 =	vadd.f32 v14, v0;
	v14 =	vadd.s32 $0x2710, v41;
	v8 =	vld.idx.msk [tilespmem:v8+s13+$0x0], $0xffff  }
0x4d0: {  	v42 =	vld.idx.msk [tilespmem:v13+s11+$0x0], $0xffff;
	v1 =	vadd.f32 v2, v1;
	v2 =	vmul.f32 v9, v28;
	v9 =	vadd.s32 $0x2710, v43  }
0x4d1: {  	v13 =	vmul.f32 v45, v44;
	v0 =	vadd.f32 v11, v0;
	v11 =	vadd.s32 $0x2710, v46;
	v7 =	vld.idx.msk [tilespmem:v7+s13+$0x0], $0xffff  }
0x4d2: {  	v10 =	vld.idx.msk [tilespmem:v10+s13+$0x0], $0xffff;
	v1 =	vadd.f32 v2, v1;
	v2 =	vmul.f32 v6, v3;
	v6 =	vadd.s32 $0x2710, v47  }
0x4d3: {  	v3 =	vld.idx.msk [tilespmem:v12+s11+$0x0], $0xffff;
	v12 =	vmul.f32 v49, v48;
	v0 =	vadd.f32 v13, v0;
	v13 =	vadd.s32 $0x2710, v50  }
0x4d4: {  	v51 =	vld.idx.msk [tilespmem:v14+s11+$0x0], $0xffff;
	v1 =	vadd.f32 v2, v1;
	v2 =	vmul.f32 v8, v37;
	v8 =	vadd.s32 $0x2710, v52  }
0x4d5: {  	v14 =	vmul.f32 v54, v53;
	v9 =	vld.idx.msk [tilespmem:v9+s13+$0x0], $0xffff  }
0x4d6: {  	v0 =	vadd.f32 v12, v0;
	v55 =	vld.idx.msk [tilespmem:v11+s11+$0x0], $0xffff;
	v1 =	vadd.f32 v2, v1;
	v2 =	vmul.f32 v7, v42  }
0x4d7: {  	v7 =	vmul.f32 v57, v56;
	v6 =	vld.idx.msk [tilespmem:v6+s13+$0x0], $0xffff  }
0x4d8: {  	v0 =	vadd.f32 v14, v0;
	v1 =	vadd.f32 v2, v1;
	v2 =	vmul.f32 v10, v3;
	v3 =	vld.idx.msk [tilespmem:v13+s11+$0x0], $0xffff  }
0x4d9: {  	v10 =	vmul.f32 v59, v58;
	v8 =	vld.idx.msk [tilespmem:v8+s13+$0x0], $0xffff  }
0x4da: {  	v0 =	vadd.f32 v7, v0;
	v1 =	vadd.f32 v2, v1;
	v2 =	vmul.f32 v9, v51  }
0x4db: {  	v5 =	vmul.f32 v61, v60  }
.Ltmp11:
0x4dc: {  	v0 =	vadd.f32 v10, v0;
	v1 =	vadd.f32 v2, v1;
	v2 =	vmul.f32 v6, v55;
	(pc) =	sbr.rel .LBB2_13-.Ltmp11, $3  }
0x4dd: {  	v4 =	vmul.f32 v63, v62  }
0x4de: {  	v0 =	vadd.f32 v5, v0;
	v1 =	vadd.f32 v2, v1;
	v2 =	vmul.f32 v8, v3;
	_ =	sdelay $0x1  }
0x4df: {  	v0 =	vadd.f32 v4, v0;
	v1 =	vadd.f32 v2, v1  }
.LBB2_15:
0x4e0: {  	_ =	sfence.sel $0x180000  }
0x4e1: {  	[bflag:$0x0] =	sbarrier.arrive $0xFFFF  }
0x4e2: {  	p0 =	sne.s32 s1, $0x0;
	_ =	strace $0x90000047  }
0x4e3: {  	s0 =	sadd.s32 @!p0 $0x100000, s0;
	[bflag:$0x2] =	sbarrier.arrive $0xFFFF  }
0x4e4: {  	[sflag:s0] =	ssyncadd.tile.s32 @!p0 $0x1;
	_ =	shalt  }
.Lfunc_end2:
_tile_overlayer_lowered:
.L_overlay_start_2:
0x4e5: {  	(tag) =	ssettag $0x2  }
0x4e6: {  	s0 =	rddreg [dreg:$0x0];
	s2 =	stileid.u32  }
0x4e7: {  	s1 =	rddreg [dreg:$0x1];
	p0 =	sne.s32 s2, $0x0  }
0x4e8: {  	s3 =	rddreg [dreg:$0x2];
	[bflag:$0x3] =	sbarrier.arrive $0xFFFF;
	s2 =	simm.s32 @!p0 $0x1C04  }
0x4e9: {  	[timem:s3], [sflag:s2] =	dma.local @!p0 [hbm:s0], s1  }
0x4ea: {  	s0 =	simm.s32 @!p0 $0x4  }
0x4eb: {  	_ =	swait.ge @!p0 [sflag:s0], s1  }
0x4ec: {  	s1 =	ssub.s32 @!p0 $0x0, s1;
	[sflag:s0] =	ssyncset.done @!p0 $0x0  }
0x4ed: {  	[sflag:s0] =	ssyncadd.s32 @!p0 s1  }
0x4ee: {  	[bflag:$0x3] =	sbarrier.arrive $0xFFFF  }
0x4ef: {  	_ =	shalt  }

</sc_bundles>
